<compile_context>
chip_gen: v7x
topology: tpu7x:2x2x1
jax: 0.10.2.dev20260603
libtpu: 0.0.44.dev20260713+nightly
codegen_flags: <defaults>
</compile_context>

<pallas_src>
import functools

import jax
import jax.numpy as jnp
from jax import lax
from jax.experimental import pallas as pl
from jax.experimental.pallas import tpu as pltpu
from jax.experimental.pallas import tpu_sc as plsc

N = 10000
E = 320000
F = 128
H1, D1 = 8, 8
C = 40

NC = 2
NS = 16
NW = NC * NS
CH = 128
RPT = 80
NROWS = NW * RPT
EPAD = NROWS * CH
PADROWS = (NROWS * CH - E) // CH
NPT = N // NS

W1P = 72
W2P = 48


def _iota16():
    return lax.iota(jnp.int32, 16)


def _prep1_body(x_ref, w1_ref, a1_ref, tsrc_ref, tdst_ref):
    h = jnp.dot(x_ref[...], w1_ref[...], preferred_element_type=jnp.float32)
    bn = h.shape[0]
    af = a1_ref[...]
    a_s = (h * af[0][None, :]).reshape(bn, H1, D1).sum(-1)
    a_d = (h * af[1][None, :]).reshape(bn, H1, D1).sum(-1)
    z8 = jnp.zeros_like(a_s)
    tsrc_ref[...] = jnp.concatenate([h, a_s], axis=1)
    tdst_ref[...] = jnp.concatenate([z8, a_d], axis=1)


def _prep1(x, W1, a1):
    bn = 2000
    return pl.pallas_call(
        _prep1_body,
        grid=(N // bn,),
        in_specs=[
            pl.BlockSpec((bn, F), lambda i: (i, 0)),
            pl.BlockSpec((F, H1 * D1), lambda i: (0, 0)),
            pl.BlockSpec((2, H1 * D1), lambda i: (0, 0)),
        ],
        out_specs=[
            pl.BlockSpec((bn, W1P), lambda i: (i, 0)),
            pl.BlockSpec((bn, 16), lambda i: (i, 0)),
        ],
        out_shape=[
            jax.ShapeDtypeStruct((N, W1P), jnp.float32),
            jax.ShapeDtypeStruct((N, 16), jnp.float32),
        ],
    )(x, W1, a1)


def _edge1_body(src_hbm, dst_hbm, tsrc_hbm, tdst_hbm, outm_hbm, oute_hbm,
                sidxa, didxa, S0, S1, Dd0, Dd1, O0, O1, E0, E1, X0, X1, Z1,
                accm, acce, g0a, g0b, g1a, g1b, ss0, ss1):
    c = lax.axis_index("c")
    s = lax.axis_index("s")
    w = s * NC + c
    Ss, Dds, Os = (S0, S1), (Dd0, Dd1), (O0, O1)
    Es, Xs = (E0, E1), (X0, X1)
    gsa, gsb, sss = (g0a, g1a), (g0b, g1b), (ss0, ss1)
    MW = H1 * D1
    EPT = N * H1 // NS

    def _zrow(r, _):
        for k in range(MW // 16):
            O0[r, pl.ds(16 * k, 16)] = jnp.zeros((16,), jnp.float32)
        return 0
    lax.fori_loop(0, CH, _zrow, 0)

    def _zrow2(r, _):
        Z1[pl.ds(16 * r, 16)] = jnp.zeros((16,), jnp.float32)
        return 0
    lax.fori_loop(0, EPT // 16 + 1, _zrow2, 0)
    for j in range(4):
        pltpu.sync_copy(O0, accm.at[pl.ds(s * NPT + CH * j, CH), :])
    pltpu.sync_copy(O0.at[pl.ds(0, NPT - 4 * CH), :],
                    accm.at[pl.ds(s * NPT + 4 * CH, NPT - 4 * CH), :])
    pltpu.sync_copy(Z1.at[pl.ds(0, EPT)], acce.at[pl.ds(s * EPT, EPT)])
    plsc.subcore_barrier()

    e0 = w * RPT * CH
    pltpu.sync_copy(src_hbm.at[pl.ds(e0, RPT * CH)], sidxa)
    pltpu.sync_copy(dst_hbm.at[pl.ds(e0, RPT * CH)], didxa)

    it16 = _iota16()
    cnt = jnp.where(w == NW - 1, RPT - PADROWS, RPT)

    def _gather(k, b):
        sid = sidxa.at[pl.ds(k * CH, CH)]
        did = didxa.at[pl.ds(k * CH, CH)]
        pltpu.async_copy(tsrc_hbm.at[sid], Ss[b], gsa[b])
        pltpu.async_copy(tdst_hbm.at[did], Dds[b], gsb[b])

    def _scats(k, b):
        did = didxa.at[pl.ds(k * CH, CH)]
        ops = [(Os[b], accm.at[did])]
        for hh in range(H1):
            ops.append((Es[b].at[pl.ds(hh * CH, CH)], acce.at[Xs[b].at[hh]]))
        return ops

    for b in range(2):
        _gather(b, b)

    def _pair(p, _):
        for b in range(2):
            k = 2 * p + b
            S, Dd, O, EE2, XI = Ss[b], Dds[b], Os[b], Es[b], Xs[b]

            @pl.when(p > 0)
            def _():
                for (sr, dr) in _scats(k - 2, b):
                    pltpu.make_async_copy(sr, dr, sss[b]).wait()

            sid = sidxa.at[pl.ds(k * CH, CH)]
            did = didxa.at[pl.ds(k * CH, CH)]
            pltpu.make_async_copy(tsrc_hbm.at[sid], S, gsa[b]).wait()
            pltpu.make_async_copy(tdst_hbm.at[did], Dd, gsb[b]).wait()

            def _grp(g, _):
                e16 = it16 + 16 * g
                d16 = didxa[pl.ds(k * CH + 16 * g, 16)]
                for hh in range(H1):
                    av = plsc.load_gather(S, [e16, jnp.full((16,), MW + hh, jnp.int32)])
                    dv = plsc.load_gather(Dd, [e16, jnp.full((16,), 8 + hh, jnp.int32)])
                    t = av + dv
                    EE2[pl.ds(hh * CH + 16 * g, 16)] = jnp.exp(jnp.maximum(t, 0.2 * t))
                    XI[hh, pl.ds(16 * g, 16)] = d16 * H1 + hh
                return 0
            lax.fori_loop(0, CH // 16, _grp, 0)

            def _edge(e, _):
                for k2 in range(4):
                    hseg = S[e, pl.ds(16 * k2, 16)]
                    eb = plsc.load_gather(
                        EE2, [(2 * k2 + it16 // D1) * CH + e])
                    O[e, pl.ds(16 * k2, 16)] = hseg * eb
                return 0
            lax.fori_loop(0, CH, _edge, 0)

            for (sr, dr) in _scats(k, b):
                pltpu.async_copy(sr, dr, sss[b], add=True)

            @pl.when(k + 2 < cnt)
            def _():
                _gather(k + 2, b)
        return 0
    lax.fori_loop(0, cnt // 2, _pair, 0)

    def _drain(k, b):
        for (sr, dr) in _scats(k, b):
            pltpu.make_async_copy(sr, dr, sss[b]).wait()
    _drain(0, 0)
    _drain(1, 1)

    plsc.subcore_barrier()
    base = c * N + s * NPT
    pltpu.sync_copy(accm.at[pl.ds(s * NPT, NPT), :], outm_hbm.at[pl.ds(base, NPT), :])
    pltpu.sync_copy(acce.at[pl.ds(s * EPT, EPT)],
                    oute_hbm.at[pl.ds(c * N * H1 + s * EPT, EPT)])


def _edge1(src_r, dst_r, tsrc, tdst):
    mesh = plsc.VectorSubcoreMesh(core_axis_name="c", subcore_axis_name="s")
    kfn = pl.kernel(
        _edge1_body,
        out_type=[
            jax.ShapeDtypeStruct((NC * N, H1 * D1), jnp.float32),
            jax.ShapeDtypeStruct((NC * N * H1,), jnp.float32),
        ],
        mesh=mesh,
        compiler_params=pltpu.CompilerParams(
            use_tc_tiling_on_sc=False, needs_layout_passes=False),
        scratch_types=[
            pltpu.VMEM((RPT * CH,), jnp.int32),
            pltpu.VMEM((RPT * CH,), jnp.int32),
            pltpu.VMEM((CH, W1P), jnp.float32),
            pltpu.VMEM((CH, W1P), jnp.float32),
            pltpu.VMEM((CH, 16), jnp.float32),
            pltpu.VMEM((CH, 16), jnp.float32),
            pltpu.VMEM((CH, H1 * D1), jnp.float32),
            pltpu.VMEM((CH, H1 * D1), jnp.float32),
            pltpu.VMEM((H1 * CH,), jnp.float32),
            pltpu.VMEM((H1 * CH,), jnp.float32),
            pltpu.VMEM((H1, CH), jnp.int32),
            pltpu.VMEM((H1, CH), jnp.int32),
            pltpu.VMEM((N * H1 // NS + 16,), jnp.float32),
            pltpu.VMEM_SHARED((N, H1 * D1), jnp.float32),
            pltpu.VMEM_SHARED((N * H1,), jnp.float32),
            pltpu.SemaphoreType.DMA,
            pltpu.SemaphoreType.DMA,
            pltpu.SemaphoreType.DMA,
            pltpu.SemaphoreType.DMA,
            pltpu.SemaphoreType.DMA,
            pltpu.SemaphoreType.DMA,
        ],
    )
    return kfn(src_r, dst_r, tsrc, tdst)


def _mid_body(pm_ref, pe_ref, w2_ref, a2_ref, t2_ref, as2_ref, ad2_ref):
    a = pm_ref[0] + pm_ref[1]
    bn = a.shape[0]
    msg = a.reshape(bn, H1, D1)
    den = pe_ref[0] + pe_ref[1]
    h1o = msg / (den[:, :, None] + 1e-16)
    h1o = h1o.reshape(bn, H1 * D1)
    h1o = jnp.where(h1o > 0, h1o, jnp.exp(jnp.minimum(h1o, 0.0)) - 1.0)
    h2 = jnp.dot(h1o, w2_ref[...], preferred_element_type=jnp.float32)
    af = a2_ref[...]
    as2 = (h2 * af[0][None, :]).sum(-1)
    ad2 = (h2 * af[1][None, :]).sum(-1)
    t2_ref[...] = jnp.concatenate([h2, jnp.zeros((bn, W2P - C), jnp.float32)], axis=1)
    as2_ref[...] = as2[:, None]
    ad2_ref[...] = ad2[:, None]


def _mid(p1m, p1e, W2, a2):
    bn = 2000
    return pl.pallas_call(
        _mid_body,
        grid=(N // bn,),
        in_specs=[
            pl.BlockSpec((2, bn, H1 * D1), lambda i: (0, i, 0)),
            pl.BlockSpec((2, bn, H1), lambda i: (0, i, 0)),
            pl.BlockSpec((H1 * D1, C), lambda i: (0, 0)),
            pl.BlockSpec((2, C), lambda i: (0, 0)),
        ],
        out_specs=[
            pl.BlockSpec((bn, W2P), lambda i: (i, 0)),
            pl.BlockSpec((bn, 1), lambda i: (i, 0)),
            pl.BlockSpec((bn, 1), lambda i: (i, 0)),
        ],
        out_shape=[
            jax.ShapeDtypeStruct((N, W2P), jnp.float32),
            jax.ShapeDtypeStruct((N, 1), jnp.float32),
            jax.ShapeDtypeStruct((N, 1), jnp.float32),
        ],
    )(p1m, p1e, W2, a2)


def _edge2_body(src_hbm, dst_hbm, t2_hbm, as2_hbm, ad2_hbm, out_hbm,
                sidxa, didxa, S0, S1, O0, O1, EE, asv, adv, acc,
                g0, g1, ss0, ss1):
    c = lax.axis_index("c")
    s = lax.axis_index("s")
    w = s * NC + c
    Ss, Os, gs, sss = (S0, S1), (O0, O1), (g0, g1), (ss0, ss1)

    def _zrow(r, _):
        for k in range(W2P // 16):
            O0[r, pl.ds(16 * k, 16)] = jnp.zeros((16,), jnp.float32)
        return 0
    lax.fori_loop(0, CH, _zrow, 0)
    for j in range(4):
        pltpu.sync_copy(O0, acc.at[pl.ds(s * NPT + CH * j, CH), :])
    pltpu.sync_copy(O0.at[pl.ds(0, NPT - 4 * CH), :],
                    acc.at[pl.ds(s * NPT + 4 * CH, NPT - 4 * CH), :])

    pltpu.sync_copy(as2_hbm, asv)
    pltpu.sync_copy(ad2_hbm, adv)
    plsc.subcore_barrier()

    e0 = w * RPT * CH
    pltpu.sync_copy(src_hbm.at[pl.ds(e0, RPT * CH)], sidxa)
    pltpu.sync_copy(dst_hbm.at[pl.ds(e0, RPT * CH)], didxa)

    it16 = _iota16()
    oh8 = (it16 == 8).astype(jnp.float32)
    cnt = jnp.where(w == NW - 1, RPT - PADROWS, RPT)

    def _gather(k, b):
        sid = sidxa.at[pl.ds(k * CH, CH)]
        pltpu.async_copy(t2_hbm.at[sid], Ss[b], gs[b])

    def _pair(p, _):
        for b in range(2):
            k = 2 * p + b
            S, O = Ss[b], Os[b]
            sid = sidxa.at[pl.ds(k * CH, CH)]
            did = didxa.at[pl.ds(k * CH, CH)]
            _gather(k, b)

            def _grp(g, _):
                s16 = sidxa[pl.ds(k * CH + 16 * g, 16)]
                d16 = didxa[pl.ds(k * CH + 16 * g, 16)]
                av = plsc.load_gather(asv, [s16])
                dv = plsc.load_gather(adv, [d16])
                t = av + dv
                EE[pl.ds(16 * g, 16)] = jnp.exp(jnp.maximum(t, 0.2 * t))
                return 0
            lax.fori_loop(0, CH // 16, _grp, 0)
            pltpu.make_async_copy(t2_hbm.at[sid], S, gs[b]).wait()

            def _edge(e, _):
                eb = plsc.load_gather(EE, [jnp.full((16,), e, jnp.int32)])
                O[e, pl.ds(0, 16)] = S[e, pl.ds(0, 16)] * eb
                O[e, pl.ds(16, 16)] = S[e, pl.ds(16, 16)] * eb
                O[e, pl.ds(32, 16)] = (S[e, pl.ds(32, 16)] + oh8) * eb
                return 0
            lax.fori_loop(0, CH, _edge, 0)

            pltpu.sync_copy(O, acc.at[did], add=True)
        return 0
    lax.fori_loop(0, cnt // 2, _pair, 0)

    plsc.subcore_barrier()
    base = c * N + s * NPT
    pltpu.sync_copy(acc.at[pl.ds(s * NPT, NPT), :], out_hbm.at[pl.ds(base, NPT), :])


def _edge2(src_r, dst_r, t2, as2, ad2):
    mesh = plsc.VectorSubcoreMesh(core_axis_name="c", subcore_axis_name="s")
    kfn = pl.kernel(
        _edge2_body,
        out_type=jax.ShapeDtypeStruct((NC * N, W2P), jnp.float32),
        mesh=mesh,
        compiler_params=pltpu.CompilerParams(
            use_tc_tiling_on_sc=False, needs_layout_passes=False),
        scratch_types=[
            pltpu.VMEM((RPT * CH,), jnp.int32),
            pltpu.VMEM((RPT * CH,), jnp.int32),
            pltpu.VMEM((CH, W2P), jnp.float32),
            pltpu.VMEM((CH, W2P), jnp.float32),
            pltpu.VMEM((CH, W2P), jnp.float32),
            pltpu.VMEM((CH, W2P), jnp.float32),
            pltpu.VMEM((CH,), jnp.float32),
            pltpu.VMEM((N,), jnp.float32),
            pltpu.VMEM((N,), jnp.float32),
            pltpu.VMEM_SHARED((N, W2P), jnp.float32),
            pltpu.SemaphoreType.DMA,
            pltpu.SemaphoreType.DMA,
            pltpu.SemaphoreType.DMA,
            pltpu.SemaphoreType.DMA,
        ],
    )
    return kfn(src_r, dst_r, t2, as2, ad2)


def _fin_body(p_ref, out_ref):
    a = p_ref[0] + p_ref[1]
    msg = a[:, 0:C]
    den = a[:, C:C + 1]
    h2 = msg / (den + 1e-16)
    m = jnp.max(h2, axis=1, keepdims=True)
    t = h2 - m
    out_ref[...] = t - jnp.log(jnp.sum(jnp.exp(t), axis=1, keepdims=True))


def _fin(p2):
    bn = 2000
    return pl.pallas_call(
        _fin_body,
        grid=(N // bn,),
        in_specs=[pl.BlockSpec((2, bn, W2P), lambda i: (0, i, 0))],
        out_specs=pl.BlockSpec((bn, C), lambda i: (i, 0)),
        out_shape=jax.ShapeDtypeStruct((N, C), jnp.float32),
    )(p2)


@jax.jit
def kernel(x, edge_index, W1, a1_src, a1_dst, W2, a2_src, a2_dst):
    pad = EPAD - E
    src_r = jnp.concatenate([edge_index[0], jnp.zeros((pad,), jnp.int32)])
    dst_r = jnp.concatenate([edge_index[1], jnp.zeros((pad,), jnp.int32)])

    a1 = jnp.stack([a1_src.reshape(-1), a1_dst.reshape(-1)], axis=0)
    tsrc, tdst = _prep1(x, W1, a1)
    m1, e1 = _edge1(src_r, dst_r, tsrc, tdst)
    p1m = m1.reshape(NC, N, H1 * D1)
    p1e = e1.reshape(NC, N, H1)

    a2 = jnp.concatenate([a2_src, a2_dst], axis=0)
    t2, as2, ad2 = _mid(p1m, p1e, W2, a2)
    p2 = _edge2(src_r, dst_r, t2, as2.reshape(N), ad2.reshape(N)).reshape(NC, N, W2P)

    return _fin(p2)

# --- scband reference (transcript-rebuilt; emitter-appended) ---
"""Pipeline reference for scband-net-5729486373069 (READ-ONLY COPY).

The authoritative reference and input builder live on the scoring server;
editing this copy changes nothing except your own understanding.
"""

import jax, jax.numpy as jnp
import numpy as np


def gat_layer(x, edge_index, W, a_src, a_dst, heads, out_dim):
    N = x.shape[0]
    src = edge_index[0]
    dst = edge_index[1]
    h = (x @ W).reshape(N, heads, out_dim)
    alpha_src = jnp.sum(h * a_src[None, :, :], axis=-1)  # [N, H]
    alpha_dst = jnp.sum(h * a_dst[None, :, :], axis=-1)  # [N, H]
    e = alpha_src[src] + alpha_dst[dst]                  # [E, H]
    e = jax.nn.leaky_relu(e, negative_slope=0.2)
    emax = jax.ops.segment_max(e, dst, num_segments=N)
    emax = jnp.where(jnp.isfinite(emax), emax, 0.0)
    ee = jnp.exp(e - emax[dst])
    denom = jax.ops.segment_sum(ee, dst, num_segments=N)
    alpha = ee / (denom[dst] + 1e-16)                    # [E, H]
    msg = h[src] * alpha[:, :, None]                     # [E, H, D]
    out = jax.ops.segment_sum(msg, dst, num_segments=N)  # [N, H, D]
    return out


def setup_inputs(seed: int = 0):
    key = jax.random.key(seed)
    ks = jax.random.split(key, 8)
    N, E, F, H, D, C = 10000, 320000, 128, 8, 8, 40
    x = jax.random.normal(ks[0], (N, F), dtype=jnp.float32)
    edge_index = jax.random.randint(ks[1], (2, E), 0, N, dtype=jnp.int32)
    W1 = jax.random.normal(ks[2], (F, H * D), dtype=jnp.float32) * 0.1
    a1_src = jax.random.normal(ks[3], (H, D), dtype=jnp.float32) * 0.1
    a1_dst = jax.random.normal(ks[4], (H, D), dtype=jnp.float32) * 0.1
    W2 = jax.random.normal(ks[5], (H * D, C), dtype=jnp.float32) * 0.1
    a2_src = jax.random.normal(ks[6], (1, C), dtype=jnp.float32) * 0.1
    a2_dst = jax.random.normal(ks[7], (1, C), dtype=jnp.float32) * 0.1
    return {"x": x, "edge_index": edge_index, "W1": W1, "a1_src": a1_src, "a1_dst": a1_dst, "W2": W2, "a2_src": a2_src, "a2_dst": a2_dst}


def reference(x, edge_index, W1, a1_src, a1_dst, W2, a2_src, a2_dst):
    # dropout layers are identity in eval mode (training=False)
    N = x.shape[0]
    h1 = gat_layer(x, edge_index, W1, a1_src, a1_dst, heads=8, out_dim=8)
    h1 = jax.nn.elu(h1.reshape(N, -1))                    # concat heads -> [N, 64]
    h2 = gat_layer(h1, edge_index, W2, a2_src, a2_dst, heads=1, out_dim=40)
    h2 = h2.reshape(N, 40)
    return jax.nn.log_softmax(h2, axis=1)

if __name__ == "__main__":
    import jax
    _d = setup_inputs()
    print(jax.jit(kernel)(*tuple(_d.values())))

</pallas_src>

<mosaic_0001>
#map = affine_map<(d0, d1) -> (0)>
#map1 = affine_map<(d0, d1) -> (0, 0)>
module attributes {stable_mosaic.version = 14 : i64} {
  func.func @_edge1_body(%arg0: i32, %arg1: i32, %arg2: memref<327680xi32, #tpu.memory_space<hbm>>, %arg3: memref<327680xi32, #tpu.memory_space<hbm>>, %arg4: memref<10000x72xf32, #tpu.memory_space<hbm>>, %arg5: memref<10000x16xf32, #tpu.memory_space<hbm>>, %arg6: memref<20000x64xf32, #tpu.memory_space<hbm>>, %arg7: memref<160000xf32, #tpu.memory_space<hbm>>, %arg8: memref<10240xi32, #tpu.memory_space<vmem>>, %arg9: memref<10240xi32, #tpu.memory_space<vmem>>, %arg10: memref<128x72xf32, #tpu.memory_space<vmem>>, %arg11: memref<128x72xf32, #tpu.memory_space<vmem>>, %arg12: memref<128x16xf32, #tpu.memory_space<vmem>>, %arg13: memref<128x16xf32, #tpu.memory_space<vmem>>, %arg14: memref<128x64xf32, #tpu.memory_space<vmem>>, %arg15: memref<128x64xf32, #tpu.memory_space<vmem>>, %arg16: memref<1024xf32, #tpu.memory_space<vmem>>, %arg17: memref<1024xf32, #tpu.memory_space<vmem>>, %arg18: memref<8x128xi32, #tpu.memory_space<vmem>>, %arg19: memref<8x128xi32, #tpu.memory_space<vmem>>, %arg20: memref<5016xf32, #tpu.memory_space<vmem>>, %arg21: memref<10000x64xf32, #tpu.memory_space<vmem_shared>>, %arg22: memref<80000xf32, #tpu.memory_space<vmem_shared>>, %arg23: memref<!tpu.dma_semaphore, #tpu.memory_space<semaphore_mem>>, %arg24: memref<!tpu.dma_semaphore, #tpu.memory_space<semaphore_mem>>, %arg25: memref<!tpu.dma_semaphore, #tpu.memory_space<semaphore_mem>>, %arg26: memref<!tpu.dma_semaphore, #tpu.memory_space<semaphore_mem>>, %arg27: memref<!tpu.dma_semaphore, #tpu.memory_space<semaphore_mem>>, %arg28: memref<!tpu.dma_semaphore, #tpu.memory_space<semaphore_mem>>) attributes {dimension_semantics = [#tpu.dimension_semantics<core_parallel>, #tpu.dimension_semantics<subcore_parallel>], iteration_bounds = array<i64: 2, 16>, scalar_prefetch = 0 : i64, scratch_operands = 21 : i64, tpu.core_type = #tpu.core_type<sc_vector_subcore>, window_params = [{transform_indices = #map}, {transform_indices = #map}, {transform_indices = #map1}, {transform_indices = #map1}, {transform_indices = #map1}, {transform_indices = #map}]} {
    %mul3A = arith.constant 2 : i32
    %mul3A_0 = arith.muli %arg1, %mul3A : i32
    %add3A = arith.addi %mul3A_0, %arg0 : i32
    %scan3A = arith.constant 0 : i32
    %scan3A_1 = arith.constant 0 : i32
    %scan3A_2 = arith.constant 128 : i32
    %scan3A_3 = arith.addi %scan3A_1, %scan3A_2 : i32
    %scan3A_4 = arith.constant 1 : i32
    %scan3A_5 = scf.for %scan3A_244 = %scan3A_1 to %scan3A_3 step %scan3A_4 iter_args(%scan3A_245 = %scan3A) -> (i32)  : i32 {
      %broadcast_in_dim3A = arith.constant 0.000000e+00 : f32
      %broadcast_in_dim3A_246 = vector.broadcast %broadcast_in_dim3A : f32 to vector<16xf32>
      %swap3A = arith.index_cast %scan3A_244 : i32 to index
      %swap3A_247 = arith.constant 0 : index
      %swap3A_248 = tpu.vector_load %arg14[%swap3A, %swap3A_247] {strides = array<i32>} : memref<128x64xf32, #tpu.memory_space<vmem>>, vector<16xf32>,
      tpu.vector_store %arg14[%swap3A, %swap3A_247], %broadcast_in_dim3A_246 {strides = array<i32>} : memref<128x64xf32, #tpu.memory_space<vmem>>, vector<16xf32>,
      %broadcast_in_dim3A_249 = arith.constant 0.000000e+00 : f32
      %broadcast_in_dim3A_250 = vector.broadcast %broadcast_in_dim3A_249 : f32 to vector<16xf32>
      %swap3A_251 = arith.index_cast %scan3A_244 : i32 to index
      %swap3A_252 = arith.constant 16 : index
      %swap3A_253 = tpu.vector_load %arg14[%swap3A_251, %swap3A_252] {strides = array<i32>} : memref<128x64xf32, #tpu.memory_space<vmem>>, vector<16xf32>,
      tpu.vector_store %arg14[%swap3A_251, %swap3A_252], %broadcast_in_dim3A_250 {strides = array<i32>} : memref<128x64xf32, #tpu.memory_space<vmem>>, vector<16xf32>,
      %broadcast_in_dim3A_254 = arith.constant 0.000000e+00 : f32
      %broadcast_in_dim3A_255 = vector.broadcast %broadcast_in_dim3A_254 : f32 to vector<16xf32>
      %swap3A_256 = arith.index_cast %scan3A_244 : i32 to index
      %swap3A_257 = arith.constant 32 : index
      %swap3A_258 = tpu.vector_load %arg14[%swap3A_256, %swap3A_257] {strides = array<i32>} : memref<128x64xf32, #tpu.memory_space<vmem>>, vector<16xf32>,
      tpu.vector_store %arg14[%swap3A_256, %swap3A_257], %broadcast_in_dim3A_255 {strides = array<i32>} : memref<128x64xf32, #tpu.memory_space<vmem>>, vector<16xf32>,
      %broadcast_in_dim3A_259 = arith.constant 0.000000e+00 : f32
      %broadcast_in_dim3A_260 = vector.broadcast %broadcast_in_dim3A_259 : f32 to vector<16xf32>
      %swap3A_261 = arith.index_cast %scan3A_244 : i32 to index
      %swap3A_262 = arith.constant 48 : index
      %swap3A_263 = tpu.vector_load %arg14[%swap3A_261, %swap3A_262] {strides = array<i32>} : memref<128x64xf32, #tpu.memory_space<vmem>>, vector<16xf32>,
      tpu.vector_store %arg14[%swap3A_261, %swap3A_262], %broadcast_in_dim3A_260 {strides = array<i32>} : memref<128x64xf32, #tpu.memory_space<vmem>>, vector<16xf32>,
      %scan3A_264 = arith.constant 0 : i32
      scf.yield %scan3A_264 : i32
    }
    %scan3A_6 = arith.constant 128 : i32
    %scan3A_7 = arith.constant 0 : i32
    %scan3A_8 = arith.constant 0 : i32
    %scan3A_9 = arith.constant 313 : i32
    %scan3A_10 = arith.addi %scan3A_8, %scan3A_9 : i32
    %scan3A_11 = arith.constant 1 : i32
    %scan3A_12 = scf.for %scan3A_244 = %scan3A_8 to %scan3A_10 step %scan3A_11 iter_args(%scan3A_245 = %scan3A_7) -> (i32)  : i32 {
      %broadcast_in_dim3A = arith.constant 0.000000e+00 : f32
      %broadcast_in_dim3A_246 = vector.broadcast %broadcast_in_dim3A : f32 to vector<16xf32>
      %mul3A_247 = arith.constant 16 : i32
      %mul3A_248 = arith.muli %mul3A_247, %scan3A_244 : i32
      %swap3A = arith.index_cast %mul3A_248 : i32 to index
      %swap3A_249 = tpu.vector_load %arg20[%swap3A] {strides = array<i32>} : memref<5016xf32, #tpu.memory_space<vmem>>, vector<16xf32>,
      tpu.vector_store %arg20[%swap3A], %broadcast_in_dim3A_246 {strides = array<i32>} : memref<5016xf32, #tpu.memory_space<vmem>>, vector<16xf32>,
      %scan3A_250 = arith.constant 0 : i32
      scf.yield %scan3A_250 : i32
    }
    %scan3A_13 = arith.constant 313 : i32
    %mul3A_14 = arith.constant 625 : i32
    %mul3A_15 = arith.muli %arg1, %mul3A_14 : i32
    %add3A_16 = arith.constant 0 : i32
    %add3A_17 = arith.addi %mul3A_15, %add3A_16 : i32
    "tpu.region"() ({
      %run_scoped3A = tpu.sem_alloc : memref<!tpu.dma_semaphore, #tpu.memory_space<semaphore_mem>>
      %dma_start3A_244 = arith.constant 0 : i32
      %dma_start3A_245 = tpu.memref_slice %arg21[%add3A_17, %dma_start3A_244] : memref<10000x64xf32, #tpu.memory_space<vmem_shared>> -> memref<128x64xf32, #tpu.memory_space<vmem_shared>>
      %dma_start3A_246 = arith.constant 0 : i32
      %dma_start3A_247 = tpu.memref_slice %arg21[%add3A_17, %dma_start3A_246] : memref<10000x64xf32, #tpu.memory_space<vmem_shared>> -> memref<128x64xf32, #tpu.memory_space<vmem_shared>>
      tpu.enqueue_dma source(%arg14 : memref<128x64xf32, #tpu.memory_space<vmem>>) target(%dma_start3A_247 : memref<128x64xf32, #tpu.memory_space<vmem_shared>>) target_semaphore(%run_scoped3A : memref<!tpu.dma_semaphore, #tpu.memory_space<semaphore_mem>>)
      %dma_wait3A_248 = arith.constant 0 : i32
      %dma_wait3A_249 = tpu.memref_slice %arg21[%add3A_17, %dma_wait3A_248] : memref<10000x64xf32, #tpu.memory_space<vmem_shared>> -> memref<128x64xf32, #tpu.memory_space<vmem_shared>>
      %dma_wait3A_250 = arith.constant 0 : i32
      %dma_wait3A_251 = tpu.memref_slice %arg21[%add3A_17, %dma_wait3A_250] : memref<10000x64xf32, #tpu.memory_space<vmem_shared>> -> memref<128x64xf32, #tpu.memory_space<vmem_shared>>
      tpu.wait_dma2 semaphore(%run_scoped3A : memref<!tpu.dma_semaphore, #tpu.memory_space<semaphore_mem>>) src(%arg14 : memref<128x64xf32, #tpu.memory_space<vmem>>) dst(%dma_wait3A_251 : memref<128x64xf32, #tpu.memory_space<vmem_shared>>)
      tpu.yield
    }) : () -> ()
    %mul3A_18 = arith.constant 625 : i32
    %mul3A_19 = arith.muli %arg1, %mul3A_18 : i32
    %add3A_20 = arith.constant 128 : i32
    %add3A_21 = arith.addi %mul3A_19, %add3A_20 : i32
    "tpu.region"() ({
      %run_scoped3A = tpu.sem_alloc : memref<!tpu.dma_semaphore, #tpu.memory_space<semaphore_mem>>
      %dma_start3A_244 = arith.constant 0 : i32
      %dma_start3A_245 = tpu.memref_slice %arg21[%add3A_21, %dma_start3A_244] : memref<10000x64xf32, #tpu.memory_space<vmem_shared>> -> memref<128x64xf32, #tpu.memory_space<vmem_shared>>
      %dma_start3A_246 = arith.constant 0 : i32
      %dma_start3A_247 = tpu.memref_slice %arg21[%add3A_21, %dma_start3A_246] : memref<10000x64xf32, #tpu.memory_space<vmem_shared>> -> memref<128x64xf32, #tpu.memory_space<vmem_shared>>
      tpu.enqueue_dma source(%arg14 : memref<128x64xf32, #tpu.memory_space<vmem>>) target(%dma_start3A_247 : memref<128x64xf32, #tpu.memory_space<vmem_shared>>) target_semaphore(%run_scoped3A : memref<!tpu.dma_semaphore, #tpu.memory_space<semaphore_mem>>)
      %dma_wait3A_248 = arith.constant 0 : i32
      %dma_wait3A_249 = tpu.memref_slice %arg21[%add3A_21, %dma_wait3A_248] : memref<10000x64xf32, #tpu.memory_space<vmem_shared>> -> memref<128x64xf32, #tpu.memory_space<vmem_shared>>
      %dma_wait3A_250 = arith.constant 0 : i32
      %dma_wait3A_251 = tpu.memref_slice %arg21[%add3A_21, %dma_wait3A_250] : memref<10000x64xf32, #tpu.memory_space<vmem_shared>> -> memref<128x64xf32, #tpu.memory_space<vmem_shared>>
      tpu.wait_dma2 semaphore(%run_scoped3A : memref<!tpu.dma_semaphore, #tpu.memory_space<semaphore_mem>>) src(%arg14 : memref<128x64xf32, #tpu.memory_space<vmem>>) dst(%dma_wait3A_251 : memref<128x64xf32, #tpu.memory_space<vmem_shared>>)
      tpu.yield
    }) : () -> ()
    %mul3A_22 = arith.constant 625 : i32
    %mul3A_23 = arith.muli %arg1, %mul3A_22 : i32
    %add3A_24 = arith.constant 256 : i32
    %add3A_25 = arith.addi %mul3A_23, %add3A_24 : i32
    "tpu.region"() ({
      %run_scoped3A = tpu.sem_alloc : memref<!tpu.dma_semaphore, #tpu.memory_space<semaphore_mem>>
      %dma_start3A_244 = arith.constant 0 : i32
      %dma_start3A_245 = tpu.memref_slice %arg21[%add3A_25, %dma_start3A_244] : memref<10000x64xf32, #tpu.memory_space<vmem_shared>> -> memref<128x64xf32, #tpu.memory_space<vmem_shared>>
      %dma_start3A_246 = arith.constant 0 : i32
      %dma_start3A_247 = tpu.memref_slice %arg21[%add3A_25, %dma_start3A_246] : memref<10000x64xf32, #tpu.memory_space<vmem_shared>> -> memref<128x64xf32, #tpu.memory_space<vmem_shared>>
      tpu.enqueue_dma source(%arg14 : memref<128x64xf32, #tpu.memory_space<vmem>>) target(%dma_start3A_247 : memref<128x64xf32, #tpu.memory_space<vmem_shared>>) target_semaphore(%run_scoped3A : memref<!tpu.dma_semaphore, #tpu.memory_space<semaphore_mem>>)
      %dma_wait3A_248 = arith.constant 0 : i32
      %dma_wait3A_249 = tpu.memref_slice %arg21[%add3A_25, %dma_wait3A_248] : memref<10000x64xf32, #tpu.memory_space<vmem_shared>> -> memref<128x64xf32, #tpu.memory_space<vmem_shared>>
      %dma_wait3A_250 = arith.constant 0 : i32
      %dma_wait3A_251 = tpu.memref_slice %arg21[%add3A_25, %dma_wait3A_250] : memref<10000x64xf32, #tpu.memory_space<vmem_shared>> -> memref<128x64xf32, #tpu.memory_space<vmem_shared>>
      tpu.wait_dma2 semaphore(%run_scoped3A : memref<!tpu.dma_semaphore, #tpu.memory_space<semaphore_mem>>) src(%arg14 : memref<128x64xf32, #tpu.memory_space<vmem>>) dst(%dma_wait3A_251 : memref<128x64xf32, #tpu.memory_space<vmem_shared>>)
      tpu.yield
    }) : () -> ()
    %mul3A_26 = arith.constant 625 : i32
    %mul3A_27 = arith.muli %arg1, %mul3A_26 : i32
    %add3A_28 = arith.constant 384 : i32
    %add3A_29 = arith.addi %mul3A_27, %add3A_28 : i32
    "tpu.region"() ({
      %run_scoped3A = tpu.sem_alloc : memref<!tpu.dma_semaphore, #tpu.memory_space<semaphore_mem>>
      %dma_start3A_244 = arith.constant 0 : i32
      %dma_start3A_245 = tpu.memref_slice %arg21[%add3A_29, %dma_start3A_244] : memref<10000x64xf32, #tpu.memory_space<vmem_shared>> -> memref<128x64xf32, #tpu.memory_space<vmem_shared>>
      %dma_start3A_246 = arith.constant 0 : i32
      %dma_start3A_247 = tpu.memref_slice %arg21[%add3A_29, %dma_start3A_246] : memref<10000x64xf32, #tpu.memory_space<vmem_shared>> -> memref<128x64xf32, #tpu.memory_space<vmem_shared>>
      tpu.enqueue_dma source(%arg14 : memref<128x64xf32, #tpu.memory_space<vmem>>) target(%dma_start3A_247 : memref<128x64xf32, #tpu.memory_space<vmem_shared>>) target_semaphore(%run_scoped3A : memref<!tpu.dma_semaphore, #tpu.memory_space<semaphore_mem>>)
      %dma_wait3A_248 = arith.constant 0 : i32
      %dma_wait3A_249 = tpu.memref_slice %arg21[%add3A_29, %dma_wait3A_248] : memref<10000x64xf32, #tpu.memory_space<vmem_shared>> -> memref<128x64xf32, #tpu.memory_space<vmem_shared>>
      %dma_wait3A_250 = arith.constant 0 : i32
      %dma_wait3A_251 = tpu.memref_slice %arg21[%add3A_29, %dma_wait3A_250] : memref<10000x64xf32, #tpu.memory_space<vmem_shared>> -> memref<128x64xf32, #tpu.memory_space<vmem_shared>>
      tpu.wait_dma2 semaphore(%run_scoped3A : memref<!tpu.dma_semaphore, #tpu.memory_space<semaphore_mem>>) src(%arg14 : memref<128x64xf32, #tpu.memory_space<vmem>>) dst(%dma_wait3A_251 : memref<128x64xf32, #tpu.memory_space<vmem_shared>>)
      tpu.yield
    }) : () -> ()
    %mul3A_30 = arith.constant 625 : i32
    %mul3A_31 = arith.muli %arg1, %mul3A_30 : i32
    %add3A_32 = arith.constant 512 : i32
    %add3A_33 = arith.addi %mul3A_31, %add3A_32 : i32
    "tpu.region"() ({
      %run_scoped3A = tpu.sem_alloc : memref<!tpu.dma_semaphore, #tpu.memory_space<semaphore_mem>>
      %dma_start3A_244 = arith.constant 0 : i32
      %dma_start3A_245 = arith.constant 0 : i32
      %dma_start3A_246 = tpu.memref_slice %arg14[%dma_start3A_244, %dma_start3A_245] : memref<128x64xf32, #tpu.memory_space<vmem>> -> memref<113x64xf32, #tpu.memory_space<vmem>>
      %dma_start3A_247 = arith.constant 0 : i32
      %dma_start3A_248 = tpu.memref_slice %arg21[%add3A_33, %dma_start3A_247] : memref<10000x64xf32, #tpu.memory_space<vmem_shared>> -> memref<113x64xf32, #tpu.memory_space<vmem_shared>>
      %dma_start3A_249 = arith.constant 0 : i32
      %dma_start3A_250 = tpu.memref_slice %arg21[%add3A_33, %dma_start3A_249] : memref<10000x64xf32, #tpu.memory_space<vmem_shared>> -> memref<113x64xf32, #tpu.memory_space<vmem_shared>>
      %dma_start3A_251 = arith.constant 0 : i32
      %dma_start3A_252 = arith.constant 0 : i32
      %dma_start3A_253 = tpu.memref_slice %arg14[%dma_start3A_251, %dma_start3A_252] : memref<128x64xf32, #tpu.memory_space<vmem>> -> memref<113x64xf32, #tpu.memory_space<vmem>>
      tpu.enqueue_dma source(%dma_start3A_253 : memref<113x64xf32, #tpu.memory_space<vmem>>) target(%dma_start3A_250 : memref<113x64xf32, #tpu.memory_space<vmem_shared>>) target_semaphore(%run_scoped3A : memref<!tpu.dma_semaphore, #tpu.memory_space<semaphore_mem>>)
      %dma_wait3A_254 = arith.constant 0 : i32
      %dma_wait3A_255 = arith.constant 0 : i32
      %dma_wait3A_256 = tpu.memref_slice %arg14[%dma_wait3A_254, %dma_wait3A_255] : memref<128x64xf32, #tpu.memory_space<vmem>> -> memref<113x64xf32, #tpu.memory_space<vmem>>
      %dma_wait3A_257 = arith.constant 0 : i32
      %dma_wait3A_258 = tpu.memref_slice %arg21[%add3A_33, %dma_wait3A_257] : memref<10000x64xf32, #tpu.memory_space<vmem_shared>> -> memref<113x64xf32, #tpu.memory_space<vmem_shared>>
      %dma_wait3A_259 = arith.constant 0 : i32
      %dma_wait3A_260 = tpu.memref_slice %arg21[%add3A_33, %dma_wait3A_259] : memref<10000x64xf32, #tpu.memory_space<vmem_shared>> -> memref<113x64xf32, #tpu.memory_space<vmem_shared>>
      %dma_wait3A_261 = arith.constant 0 : i32
      %dma_wait3A_262 = arith.constant 0 : i32
      %dma_wait3A_263 = tpu.memref_slice %arg14[%dma_wait3A_261, %dma_wait3A_262] : memref<128x64xf32, #tpu.memory_space<vmem>> -> memref<113x64xf32, #tpu.memory_space<vmem>>
      tpu.wait_dma2 semaphore(%run_scoped3A : memref<!tpu.dma_semaphore, #tpu.memory_space<semaphore_mem>>) src(%dma_wait3A_263 : memref<113x64xf32, #tpu.memory_space<vmem>>) dst(%dma_wait3A_260 : memref<113x64xf32, #tpu.memory_space<vmem_shared>>)
      tpu.yield
    }) : () -> ()
    %mul3A_34 = arith.constant 5000 : i32
    %mul3A_35 = arith.muli %arg1, %mul3A_34 : i32
    "tpu.region"() ({
      %run_scoped3A = tpu.sem_alloc : memref<!tpu.dma_semaphore, #tpu.memory_space<semaphore_mem>>
      %dma_start3A_244 = arith.constant 0 : i32
      %dma_start3A_245 = tpu.memref_slice %arg20[%dma_start3A_244] : memref<5016xf32, #tpu.memory_space<vmem>> -> memref<5000xf32, #tpu.memory_space<vmem>>
      %dma_start3A_246 = tpu.memref_slice %arg22[%mul3A_35] : memref<80000xf32, #tpu.memory_space<vmem_shared>> -> memref<5000xf32, #tpu.memory_space<vmem_shared>>
      %dma_start3A_247 = tpu.memref_slice %arg22[%mul3A_35] : memref<80000xf32, #tpu.memory_space<vmem_shared>> -> memref<5000xf32, #tpu.memory_space<vmem_shared>>
      %dma_start3A_248 = arith.constant 0 : i32
      %dma_start3A_249 = tpu.memref_slice %arg20[%dma_start3A_248] : memref<5016xf32, #tpu.memory_space<vmem>> -> memref<5000xf32, #tpu.memory_space<vmem>>
      tpu.enqueue_dma source(%dma_start3A_249 : memref<5000xf32, #tpu.memory_space<vmem>>) target(%dma_start3A_247 : memref<5000xf32, #tpu.memory_space<vmem_shared>>) target_semaphore(%run_scoped3A : memref<!tpu.dma_semaphore, #tpu.memory_space<semaphore_mem>>)
      %dma_wait3A_250 = arith.constant 0 : i32
      %dma_wait3A_251 = tpu.memref_slice %arg20[%dma_wait3A_250] : memref<5016xf32, #tpu.memory_space<vmem>> -> memref<5000xf32, #tpu.memory_space<vmem>>
      %dma_wait3A_252 = tpu.memref_slice %arg22[%mul3A_35] : memref<80000xf32, #tpu.memory_space<vmem_shared>> -> memref<5000xf32, #tpu.memory_space<vmem_shared>>
      %dma_wait3A_253 = tpu.memref_slice %arg22[%mul3A_35] : memref<80000xf32, #tpu.memory_space<vmem_shared>> -> memref<5000xf32, #tpu.memory_space<vmem_shared>>
      %dma_wait3A_254 = arith.constant 0 : i32
      %dma_wait3A_255 = tpu.memref_slice %arg20[%dma_wait3A_254] : memref<5016xf32, #tpu.memory_space<vmem>> -> memref<5000xf32, #tpu.memory_space<vmem>>
      tpu.wait_dma2 semaphore(%run_scoped3A : memref<!tpu.dma_semaphore, #tpu.memory_space<semaphore_mem>>) src(%dma_wait3A_255 : memref<5000xf32, #tpu.memory_space<vmem>>) dst(%dma_wait3A_253 : memref<5000xf32, #tpu.memory_space<vmem_shared>>)
      tpu.yield
    }) : () -> ()
    %barrier3A = arith.constant 0 : index
    tpu.barrier barrier_id(%barrier3A)
    %mul3A_36 = arith.constant 80 : i32
    %mul3A_37 = arith.muli %add3A, %mul3A_36 : i32
    %mul3A_38 = arith.constant 128 : i32
    %mul3A_39 = arith.muli %mul3A_37, %mul3A_38 : i32
    "tpu.region"() ({
      %run_scoped3A = tpu.sem_alloc : memref<!tpu.dma_semaphore, #tpu.memory_space<semaphore_mem>>
      %dma_start3A_244 = tpu.memref_slice %arg2[%mul3A_39] : memref<327680xi32, #tpu.memory_space<hbm>> -> memref<10240xi32, #tpu.memory_space<hbm>>
      %dma_start3A_245 = tpu.memref_slice %arg2[%mul3A_39] : memref<327680xi32, #tpu.memory_space<hbm>> -> memref<10240xi32, #tpu.memory_space<hbm>>
      tpu.enqueue_dma source(%dma_start3A_245 : memref<10240xi32, #tpu.memory_space<hbm>>) target(%arg8 : memref<10240xi32, #tpu.memory_space<vmem>>) target_semaphore(%run_scoped3A : memref<!tpu.dma_semaphore, #tpu.memory_space<semaphore_mem>>)
      %dma_wait3A_246 = tpu.memref_slice %arg2[%mul3A_39] : memref<327680xi32, #tpu.memory_space<hbm>> -> memref<10240xi32, #tpu.memory_space<hbm>>
      %dma_wait3A_247 = tpu.memref_slice %arg2[%mul3A_39] : memref<327680xi32, #tpu.memory_space<hbm>> -> memref<10240xi32, #tpu.memory_space<hbm>>
      tpu.wait_dma2 semaphore(%run_scoped3A : memref<!tpu.dma_semaphore, #tpu.memory_space<semaphore_mem>>) src(%dma_wait3A_247 : memref<10240xi32, #tpu.memory_space<hbm>>) dst(%arg8 : memref<10240xi32, #tpu.memory_space<vmem>>)
      tpu.yield
    }) : () -> ()
    "tpu.region"() ({
      %run_scoped3A = tpu.sem_alloc : memref<!tpu.dma_semaphore, #tpu.memory_space<semaphore_mem>>
      %dma_start3A_244 = tpu.memref_slice %arg3[%mul3A_39] : memref<327680xi32, #tpu.memory_space<hbm>> -> memref<10240xi32, #tpu.memory_space<hbm>>
      %dma_start3A_245 = tpu.memref_slice %arg3[%mul3A_39] : memref<327680xi32, #tpu.memory_space<hbm>> -> memref<10240xi32, #tpu.memory_space<hbm>>
      tpu.enqueue_dma source(%dma_start3A_245 : memref<10240xi32, #tpu.memory_space<hbm>>) target(%arg9 : memref<10240xi32, #tpu.memory_space<vmem>>) target_semaphore(%run_scoped3A : memref<!tpu.dma_semaphore, #tpu.memory_space<semaphore_mem>>)
      %dma_wait3A_246 = tpu.memref_slice %arg3[%mul3A_39] : memref<327680xi32, #tpu.memory_space<hbm>> -> memref<10240xi32, #tpu.memory_space<hbm>>
      %dma_wait3A_247 = tpu.memref_slice %arg3[%mul3A_39] : memref<327680xi32, #tpu.memory_space<hbm>> -> memref<10240xi32, #tpu.memory_space<hbm>>
      tpu.wait_dma2 semaphore(%run_scoped3A : memref<!tpu.dma_semaphore, #tpu.memory_space<semaphore_mem>>) src(%dma_wait3A_247 : memref<10240xi32, #tpu.memory_space<hbm>>) dst(%arg9 : memref<10240xi32, #tpu.memory_space<vmem>>)
      tpu.yield
    }) : () -> ()
    %iota3A = tpu.iota {dimensions = array<i32: 0>} : vector<16xi32>
    %eq3A = arith.constant 31 : i32
    %eq3A_40 = arith.cmpi eq, %add3A, %eq3A : i32
    %jit3A = arith.constant 20 : i32
    %jit3A_41 = arith.constant 80 : i32
    %select_n3A = arith.select %eq3A_40, %jit3A, %jit3A_41 : i32
    %dma_start3A = arith.constant 0 : i32
    %dma_start3A_42 = tpu.memref_slice %arg8[%dma_start3A] : memref<10240xi32, #tpu.memory_space<vmem>> -> memref<128xi32, #tpu.memory_space<vmem>>
    %dma_start3A_43 = arith.constant 0 : i32
    %dma_start3A_44 = arith.constant 0 : i32
    %dma_start3A_45 = tpu.memref_slice %arg4[%dma_start3A_43, %dma_start3A_44] : memref<10000x72xf32, #tpu.memory_space<hbm>> -> memref<10000x72xf32, #tpu.memory_space<hbm>>
    tpu.enqueue_indirect_dma source(%dma_start3A_45 : memref<10000x72xf32, #tpu.memory_space<hbm>>) target(%arg10 : memref<128x72xf32, #tpu.memory_space<vmem>>) offsets(%dma_start3A_42 : memref<128xi32, #tpu.memory_space<vmem>>) semaphore(%arg23 : memref<!tpu.dma_semaphore, #tpu.memory_space<semaphore_mem>>)
    %dma_start3A_46 = arith.constant 0 : i32
    %dma_start3A_47 = tpu.memref_slice %arg9[%dma_start3A_46] : memref<10240xi32, #tpu.memory_space<vmem>> -> memref<128xi32, #tpu.memory_space<vmem>>
    %dma_start3A_48 = arith.constant 0 : i32
    %dma_start3A_49 = arith.constant 0 : i32
    %dma_start3A_50 = tpu.memref_slice %arg5[%dma_start3A_48, %dma_start3A_49] : memref<10000x16xf32, #tpu.memory_space<hbm>> -> memref<10000x16xf32, #tpu.memory_space<hbm>>
    tpu.enqueue_indirect_dma source(%dma_start3A_50 : memref<10000x16xf32, #tpu.memory_space<hbm>>) target(%arg12 : memref<128x16xf32, #tpu.memory_space<vmem>>) offsets(%dma_start3A_47 : memref<128xi32, #tpu.memory_space<vmem>>) semaphore(%arg24 : memref<!tpu.dma_semaphore, #tpu.memory_space<semaphore_mem>>)
    %dma_start3A_51 = arith.constant 128 : i32
    %dma_start3A_52 = tpu.memref_slice %arg8[%dma_start3A_51] : memref<10240xi32, #tpu.memory_space<vmem>> -> memref<128xi32, #tpu.memory_space<vmem>>
    %dma_start3A_53 = arith.constant 0 : i32
    %dma_start3A_54 = arith.constant 0 : i32
    %dma_start3A_55 = tpu.memref_slice %arg4[%dma_start3A_53, %dma_start3A_54] : memref<10000x72xf32, #tpu.memory_space<hbm>> -> memref<10000x72xf32, #tpu.memory_space<hbm>>
    tpu.enqueue_indirect_dma source(%dma_start3A_55 : memref<10000x72xf32, #tpu.memory_space<hbm>>) target(%arg11 : memref<128x72xf32, #tpu.memory_space<vmem>>) offsets(%dma_start3A_52 : memref<128xi32, #tpu.memory_space<vmem>>) semaphore(%arg25 : memref<!tpu.dma_semaphore, #tpu.memory_space<semaphore_mem>>)
    %dma_start3A_56 = arith.constant 128 : i32
    %dma_start3A_57 = tpu.memref_slice %arg9[%dma_start3A_56] : memref<10240xi32, #tpu.memory_space<vmem>> -> memref<128xi32, #tpu.memory_space<vmem>>
    %dma_start3A_58 = arith.constant 0 : i32
    %dma_start3A_59 = arith.constant 0 : i32
    %dma_start3A_60 = tpu.memref_slice %arg5[%dma_start3A_58, %dma_start3A_59] : memref<10000x16xf32, #tpu.memory_space<hbm>> -> memref<10000x16xf32, #tpu.memory_space<hbm>>
    tpu.enqueue_indirect_dma source(%dma_start3A_60 : memref<10000x16xf32, #tpu.memory_space<hbm>>) target(%arg13 : memref<128x16xf32, #tpu.memory_space<vmem>>) offsets(%dma_start3A_57 : memref<128xi32, #tpu.memory_space<vmem>>) semaphore(%arg26 : memref<!tpu.dma_semaphore, #tpu.memory_space<semaphore_mem>>)
    %jit3A_61 = arith.constant 2 : i32
    %div3A = arith.divsi %select_n3A, %jit3A_61 : i32
    %sign3A = arith.constant 0 : i32
    %sign3A_62 = arith.cmpi sgt, %select_n3A, %sign3A : i32
    %sign3A_63 = arith.extui %sign3A_62 : i1 to i32
    %sign3A_64 = arith.constant 0 : i32
    %sign3A_65 = arith.cmpi slt, %select_n3A, %sign3A_64 : i32
    %sign3A_66 = arith.extui %sign3A_65 : i1 to i32
    %sign3A_67 = arith.subi %sign3A_63, %sign3A_66 : i32
    %sign3A_68 = arith.constant 0 : i32
    %sign3A_69 = arith.cmpi sgt, %jit3A_61, %sign3A_68 : i32
    %sign3A_70 = arith.extui %sign3A_69 : i1 to i32
    %sign3A_71 = arith.constant 0 : i32
    %sign3A_72 = arith.cmpi slt, %jit3A_61, %sign3A_71 : i32
    %sign3A_73 = arith.extui %sign3A_72 : i1 to i32
    %sign3A_74 = arith.subi %sign3A_70, %sign3A_73 : i32
    %ne3A = arith.cmpi ne, %sign3A_67, %sign3A_74 : i32
    %rem3A = arith.remsi %select_n3A, %jit3A_61 : i32
    %ne3A_75 = arith.constant 0 : i32
    %ne3A_76 = arith.cmpi ne, %rem3A, %ne3A_75 : i32
    %and3A = arith.andi %ne3A, %ne3A_76 : i1
    %sub3A = arith.constant 1 : i32
    %sub3A_77 = arith.subi %div3A, %sub3A : i32
    %select_n3A_78 = arith.select %and3A, %sub3A_77, %div3A : i32
    %while3A = arith.constant 0 : i32
    %while3A_79 = arith.constant 0 : i32
    %while3A_80 = arith.subi %select_n3A_78, %while3A : i32
    %while3A_81 = arith.addi %while3A, %while3A_80 : i32
    %while3A_82 = arith.constant 1 : i32
    %while3A_83 = arith.divsi %while3A_80, %while3A_82 : i32
    %while3A_84 = arith.muli %while3A_83, %while3A_82 : i32
    %while3A_85 = arith.addi %while3A, %while3A_84 : i32
    %while3A_86 = arith.constant 1 : i32
    %while3A_87 = scf.for %while3A_244 = %while3A to %while3A_85 step %while3A_86 iter_args(%while3A_245 = %while3A_79) -> (i32)  : i32 {
      %mul3A_246 = arith.constant 2 : i32
      %mul3A_247 = arith.muli %mul3A_246, %while3A_244 : i32
      %add3A_248 = arith.constant 0 : i32
      %add3A_249 = arith.addi %mul3A_247, %add3A_248 : i32
      %gt3A = arith.constant 0 : i32
      %gt3A_250 = arith.cmpi sgt, %while3A_244, %gt3A : i32
      %convert_element_type3A = arith.extui %gt3A_250 : i1 to i32
      %cond3A = arith.constant 0 : i32
      %cond3A_251 = arith.cmpi ne, %convert_element_type3A, %cond3A : i32
      scf.if %cond3A_251 {
        %sub3A_465 = arith.constant 2 : i32
        %sub3A_466 = arith.subi %add3A_249, %sub3A_465 : i32
        %mul3A_467 = arith.constant 128 : i32
        %mul3A_468 = arith.muli %sub3A_466, %mul3A_467 : i32
        %dma_wait3A_469 = tpu.memref_slice %arg9[%mul3A_468] : memref<10240xi32, #tpu.memory_space<vmem>> -> memref<128xi32, #tpu.memory_space<vmem>>
        %dma_wait3A_470 = arith.constant 0 : i32
        %dma_wait3A_471 = arith.constant 0 : i32
        %dma_wait3A_472 = tpu.memref_slice %arg21[%dma_wait3A_470, %dma_wait3A_471] : memref<10000x64xf32, #tpu.memory_space<vmem_shared>> -> memref<10000x64xf32, #tpu.memory_space<vmem_shared>>
        tpu.wait_indirect_dma semaphore(%arg27 : memref<!tpu.dma_semaphore, #tpu.memory_space<semaphore_mem>>) src(%arg14 : memref<128x64xf32, #tpu.memory_space<vmem>>) dst(%dma_wait3A_472 : memref<10000x64xf32, #tpu.memory_space<vmem_shared>>)
        %dma_wait3A_473 = arith.constant 0 : i32
        %dma_wait3A_474 = arith.constant 0 : i32
        %dma_wait3A_475 = tpu.memref_slice %arg16[%dma_wait3A_474] : memref<1024xf32, #tpu.memory_space<vmem>> -> memref<128xf32, #tpu.memory_space<vmem>>
        %dma_wait3A_476 = arith.constant 0 : i32
        %dma_wait3A_477 = tpu.memref_slice %arg18[%dma_wait3A_473, %dma_wait3A_476] : memref<8x128xi32, #tpu.memory_space<vmem>> -> memref<1x128xi32, #tpu.memory_space<vmem>>
        %dma_wait3A_478 = tpu.memref_squeeze %dma_wait3A_477 : memref<1x128xi32, #tpu.memory_space<vmem>> -> memref<128xi32, #tpu.memory_space<vmem>>
        %dma_wait3A_479 = arith.constant 0 : i32
        %dma_wait3A_480 = tpu.memref_slice %arg22[%dma_wait3A_479] : memref<80000xf32, #tpu.memory_space<vmem_shared>> -> memref<80000xf32, #tpu.memory_space<vmem_shared>>
        tpu.wait_indirect_dma semaphore(%arg27 : memref<!tpu.dma_semaphore, #tpu.memory_space<semaphore_mem>>) src(%dma_wait3A_475 : memref<128xf32, #tpu.memory_space<vmem>>) dst(%dma_wait3A_480 : memref<80000xf32, #tpu.memory_space<vmem_shared>>)
        %dma_wait3A_481 = arith.constant 1 : i32
        %dma_wait3A_482 = arith.constant 128 : i32
        %dma_wait3A_483 = tpu.memref_slice %arg16[%dma_wait3A_482] : memref<1024xf32, #tpu.memory_space<vmem>> -> memref<128xf32, #tpu.memory_space<vmem>>
        %dma_wait3A_484 = arith.constant 0 : i32
        %dma_wait3A_485 = tpu.memref_slice %arg18[%dma_wait3A_481, %dma_wait3A_484] : memref<8x128xi32, #tpu.memory_space<vmem>> -> memref<1x128xi32, #tpu.memory_space<vmem>>
        %dma_wait3A_486 = tpu.memref_squeeze %dma_wait3A_485 : memref<1x128xi32, #tpu.memory_space<vmem>> -> memref<128xi32, #tpu.memory_space<vmem>>
        %dma_wait3A_487 = arith.constant 0 : i32
        %dma_wait3A_488 = tpu.memref_slice %arg22[%dma_wait3A_487] : memref<80000xf32, #tpu.memory_space<vmem_shared>> -> memref<80000xf32, #tpu.memory_space<vmem_shared>>
        tpu.wait_indirect_dma semaphore(%arg27 : memref<!tpu.dma_semaphore, #tpu.memory_space<semaphore_mem>>) src(%dma_wait3A_483 : memref<128xf32, #tpu.memory_space<vmem>>) dst(%dma_wait3A_488 : memref<80000xf32, #tpu.memory_space<vmem_shared>>)
        %dma_wait3A_489 = arith.constant 2 : i32
        %dma_wait3A_490 = arith.constant 256 : i32
        %dma_wait3A_491 = tpu.memref_slice %arg16[%dma_wait3A_490] : memref<1024xf32, #tpu.memory_space<vmem>> -> memref<128xf32, #tpu.memory_space<vmem>>
        %dma_wait3A_492 = arith.constant 0 : i32
        %dma_wait3A_493 = tpu.memref_slice %arg18[%dma_wait3A_489, %dma_wait3A_492] : memref<8x128xi32, #tpu.memory_space<vmem>> -> memref<1x128xi32, #tpu.memory_space<vmem>>
        %dma_wait3A_494 = tpu.memref_squeeze %dma_wait3A_493 : memref<1x128xi32, #tpu.memory_space<vmem>> -> memref<128xi32, #tpu.memory_space<vmem>>
        %dma_wait3A_495 = arith.constant 0 : i32
        %dma_wait3A_496 = tpu.memref_slice %arg22[%dma_wait3A_495] : memref<80000xf32, #tpu.memory_space<vmem_shared>> -> memref<80000xf32, #tpu.memory_space<vmem_shared>>
        tpu.wait_indirect_dma semaphore(%arg27 : memref<!tpu.dma_semaphore, #tpu.memory_space<semaphore_mem>>) src(%dma_wait3A_491 : memref<128xf32, #tpu.memory_space<vmem>>) dst(%dma_wait3A_496 : memref<80000xf32, #tpu.memory_space<vmem_shared>>)
        %dma_wait3A_497 = arith.constant 3 : i32
        %dma_wait3A_498 = arith.constant 384 : i32
        %dma_wait3A_499 = tpu.memref_slice %arg16[%dma_wait3A_498] : memref<1024xf32, #tpu.memory_space<vmem>> -> memref<128xf32, #tpu.memory_space<vmem>>
        %dma_wait3A_500 = arith.constant 0 : i32
        %dma_wait3A_501 = tpu.memref_slice %arg18[%dma_wait3A_497, %dma_wait3A_500] : memref<8x128xi32, #tpu.memory_space<vmem>> -> memref<1x128xi32, #tpu.memory_space<vmem>>
        %dma_wait3A_502 = tpu.memref_squeeze %dma_wait3A_501 : memref<1x128xi32, #tpu.memory_space<vmem>> -> memref<128xi32, #tpu.memory_space<vmem>>
        %dma_wait3A_503 = arith.constant 0 : i32
        %dma_wait3A_504 = tpu.memref_slice %arg22[%dma_wait3A_503] : memref<80000xf32, #tpu.memory_space<vmem_shared>> -> memref<80000xf32, #tpu.memory_space<vmem_shared>>
        tpu.wait_indirect_dma semaphore(%arg27 : memref<!tpu.dma_semaphore, #tpu.memory_space<semaphore_mem>>) src(%dma_wait3A_499 : memref<128xf32, #tpu.memory_space<vmem>>) dst(%dma_wait3A_504 : memref<80000xf32, #tpu.memory_space<vmem_shared>>)
        %dma_wait3A_505 = arith.constant 4 : i32
        %dma_wait3A_506 = arith.constant 512 : i32
        %dma_wait3A_507 = tpu.memref_slice %arg16[%dma_wait3A_506] : memref<1024xf32, #tpu.memory_space<vmem>> -> memref<128xf32, #tpu.memory_space<vmem>>
        %dma_wait3A_508 = arith.constant 0 : i32
        %dma_wait3A_509 = tpu.memref_slice %arg18[%dma_wait3A_505, %dma_wait3A_508] : memref<8x128xi32, #tpu.memory_space<vmem>> -> memref<1x128xi32, #tpu.memory_space<vmem>>
        %dma_wait3A_510 = tpu.memref_squeeze %dma_wait3A_509 : memref<1x128xi32, #tpu.memory_space<vmem>> -> memref<128xi32, #tpu.memory_space<vmem>>
        %dma_wait3A_511 = arith.constant 0 : i32
        %dma_wait3A_512 = tpu.memref_slice %arg22[%dma_wait3A_511] : memref<80000xf32, #tpu.memory_space<vmem_shared>> -> memref<80000xf32, #tpu.memory_space<vmem_shared>>
        tpu.wait_indirect_dma semaphore(%arg27 : memref<!tpu.dma_semaphore, #tpu.memory_space<semaphore_mem>>) src(%dma_wait3A_507 : memref<128xf32, #tpu.memory_space<vmem>>) dst(%dma_wait3A_512 : memref<80000xf32, #tpu.memory_space<vmem_shared>>)
        %dma_wait3A_513 = arith.constant 5 : i32
        %dma_wait3A_514 = arith.constant 640 : i32
        %dma_wait3A_515 = tpu.memref_slice %arg16[%dma_wait3A_514] : memref<1024xf32, #tpu.memory_space<vmem>> -> memref<128xf32, #tpu.memory_space<vmem>>
        %dma_wait3A_516 = arith.constant 0 : i32
        %dma_wait3A_517 = tpu.memref_slice %arg18[%dma_wait3A_513, %dma_wait3A_516] : memref<8x128xi32, #tpu.memory_space<vmem>> -> memref<1x128xi32, #tpu.memory_space<vmem>>
        %dma_wait3A_518 = tpu.memref_squeeze %dma_wait3A_517 : memref<1x128xi32, #tpu.memory_space<vmem>> -> memref<128xi32, #tpu.memory_space<vmem>>
        %dma_wait3A_519 = arith.constant 0 : i32
        %dma_wait3A_520 = tpu.memref_slice %arg22[%dma_wait3A_519] : memref<80000xf32, #tpu.memory_space<vmem_shared>> -> memref<80000xf32, #tpu.memory_space<vmem_shared>>
        tpu.wait_indirect_dma semaphore(%arg27 : memref<!tpu.dma_semaphore, #tpu.memory_space<semaphore_mem>>) src(%dma_wait3A_515 : memref<128xf32, #tpu.memory_space<vmem>>) dst(%dma_wait3A_520 : memref<80000xf32, #tpu.memory_space<vmem_shared>>)
        %dma_wait3A_521 = arith.constant 6 : i32
        %dma_wait3A_522 = arith.constant 768 : i32
        %dma_wait3A_523 = tpu.memref_slice %arg16[%dma_wait3A_522] : memref<1024xf32, #tpu.memory_space<vmem>> -> memref<128xf32, #tpu.memory_space<vmem>>
        %dma_wait3A_524 = arith.constant 0 : i32
        %dma_wait3A_525 = tpu.memref_slice %arg18[%dma_wait3A_521, %dma_wait3A_524] : memref<8x128xi32, #tpu.memory_space<vmem>> -> memref<1x128xi32, #tpu.memory_space<vmem>>
        %dma_wait3A_526 = tpu.memref_squeeze %dma_wait3A_525 : memref<1x128xi32, #tpu.memory_space<vmem>> -> memref<128xi32, #tpu.memory_space<vmem>>
        %dma_wait3A_527 = arith.constant 0 : i32
        %dma_wait3A_528 = tpu.memref_slice %arg22[%dma_wait3A_527] : memref<80000xf32, #tpu.memory_space<vmem_shared>> -> memref<80000xf32, #tpu.memory_space<vmem_shared>>
        tpu.wait_indirect_dma semaphore(%arg27 : memref<!tpu.dma_semaphore, #tpu.memory_space<semaphore_mem>>) src(%dma_wait3A_523 : memref<128xf32, #tpu.memory_space<vmem>>) dst(%dma_wait3A_528 : memref<80000xf32, #tpu.memory_space<vmem_shared>>)
        %dma_wait3A_529 = arith.constant 7 : i32
        %dma_wait3A_530 = arith.constant 896 : i32
        %dma_wait3A_531 = tpu.memref_slice %arg16[%dma_wait3A_530] : memref<1024xf32, #tpu.memory_space<vmem>> -> memref<128xf32, #tpu.memory_space<vmem>>
        %dma_wait3A_532 = arith.constant 0 : i32
        %dma_wait3A_533 = tpu.memref_slice %arg18[%dma_wait3A_529, %dma_wait3A_532] : memref<8x128xi32, #tpu.memory_space<vmem>> -> memref<1x128xi32, #tpu.memory_space<vmem>>
        %dma_wait3A_534 = tpu.memref_squeeze %dma_wait3A_533 : memref<1x128xi32, #tpu.memory_space<vmem>> -> memref<128xi32, #tpu.memory_space<vmem>>
        %dma_wait3A_535 = arith.constant 0 : i32
        %dma_wait3A_536 = tpu.memref_slice %arg22[%dma_wait3A_535] : memref<80000xf32, #tpu.memory_space<vmem_shared>> -> memref<80000xf32, #tpu.memory_space<vmem_shared>>
        tpu.wait_indirect_dma semaphore(%arg27 : memref<!tpu.dma_semaphore, #tpu.memory_space<semaphore_mem>>) src(%dma_wait3A_531 : memref<128xf32, #tpu.memory_space<vmem>>) dst(%dma_wait3A_536 : memref<80000xf32, #tpu.memory_space<vmem_shared>>)
      } else {
      }
      %mul3A_252 = arith.constant 128 : i32
      %mul3A_253 = arith.muli %add3A_249, %mul3A_252 : i32
      %mul3A_254 = arith.constant 128 : i32
      %mul3A_255 = arith.muli %add3A_249, %mul3A_254 : i32
      %dma_wait3A_256 = tpu.memref_slice %arg8[%mul3A_253] : memref<10240xi32, #tpu.memory_space<vmem>> -> memref<128xi32, #tpu.memory_space<vmem>>
      %dma_wait3A_257 = arith.constant 0 : i32
      %dma_wait3A_258 = arith.constant 0 : i32
      %dma_wait3A_259 = tpu.memref_slice %arg4[%dma_wait3A_257, %dma_wait3A_258] : memref<10000x72xf32, #tpu.memory_space<hbm>> -> memref<10000x72xf32, #tpu.memory_space<hbm>>
      tpu.wait_indirect_dma semaphore(%arg23 : memref<!tpu.dma_semaphore, #tpu.memory_space<semaphore_mem>>) src(%dma_wait3A_259 : memref<10000x72xf32, #tpu.memory_space<hbm>>) dst(%arg10 : memref<128x72xf32, #tpu.memory_space<vmem>>)
      %dma_wait3A_260 = tpu.memref_slice %arg9[%mul3A_255] : memref<10240xi32, #tpu.memory_space<vmem>> -> memref<128xi32, #tpu.memory_space<vmem>>
      %dma_wait3A_261 = arith.constant 0 : i32
      %dma_wait3A_262 = arith.constant 0 : i32
      %dma_wait3A_263 = tpu.memref_slice %arg5[%dma_wait3A_261, %dma_wait3A_262] : memref<10000x16xf32, #tpu.memory_space<hbm>> -> memref<10000x16xf32, #tpu.memory_space<hbm>>
      tpu.wait_indirect_dma semaphore(%arg24 : memref<!tpu.dma_semaphore, #tpu.memory_space<semaphore_mem>>) src(%dma_wait3A_263 : memref<10000x16xf32, #tpu.memory_space<hbm>>) dst(%arg12 : memref<128x16xf32, #tpu.memory_space<vmem>>)
      %scan3A_264 = arith.constant 0 : i32
      %scan3A_265 = arith.constant 0 : i32
      %scan3A_266 = arith.constant 8 : i32
      %scan3A_267 = arith.addi %scan3A_265, %scan3A_266 : i32
      %scan3A_268 = arith.constant 1 : i32
      %scan3A_269 = scf.for %scan3A_465 = %scan3A_265 to %scan3A_267 step %scan3A_268 iter_args(%scan3A_466 = %scan3A_264) -> (i32)  : i32 {
        %mul3A_467 = arith.constant 16 : i32
        %mul3A_468 = arith.muli %mul3A_467, %scan3A_465 : i32
        %add3A_469 = vector.broadcast %mul3A_468 : i32 to vector<16xi32>
        %add3A_470 = arith.addi %iota3A, %add3A_469 : vector<16xi32>
        %mul3A_471 = arith.constant 128 : i32
        %mul3A_472 = arith.muli %add3A_249, %mul3A_471 : i32
        %mul3A_473 = arith.constant 16 : i32
        %mul3A_474 = arith.muli %mul3A_473, %scan3A_465 : i32
        %add3A_475 = arith.addi %mul3A_472, %mul3A_474 : i32
        %get3A = arith.index_cast %add3A_475 : i32 to index
        %get3A_476 = tpu.vector_load %arg9[%get3A] {strides = array<i32>} : memref<10240xi32, #tpu.memory_space<vmem>>, vector<16xi32>,
        %broadcast_in_dim3A = arith.constant 64 : i32
        %broadcast_in_dim3A_477 = vector.broadcast %broadcast_in_dim3A : i32 to vector<16xi32>
        %gather3A = tpu.vector_load_idx %arg10[%add3A_470, %broadcast_in_dim3A_477] : memref<128x72xf32, #tpu.memory_space<vmem>>[vector<16xi32>, vector<16xi32>], vector<16xf32>,
        %broadcast_in_dim3A_478 = arith.constant 8 : i32
        %broadcast_in_dim3A_479 = vector.broadcast %broadcast_in_dim3A_478 : i32 to vector<16xi32>
        %gather3A_480 = tpu.vector_load_idx %arg12[%add3A_470, %broadcast_in_dim3A_479] : memref<128x16xf32, #tpu.memory_space<vmem>>[vector<16xi32>, vector<16xi32>], vector<16xf32>,
        %add3A_481 = arith.addf %gather3A, %gather3A_480 : vector<16xf32>
        %mul3A_482 = arith.constant 2.000000e-01 : f32
        %mul3A_483 = vector.broadcast %mul3A_482 : f32 to vector<16xf32>
        %mul3A_484 = arith.mulf %mul3A_483, %add3A_481 : vector<16xf32>
        %max3A = arith.maximumf %add3A_481, %mul3A_484 : vector<16xf32>
        %exp3A = math.exp %max3A : vector<16xf32>
        %mul3A_485 = arith.constant 16 : i32
        %mul3A_486 = arith.muli %mul3A_485, %scan3A_465 : i32
        %add3A_487 = arith.constant 0 : i32
        %add3A_488 = arith.addi %add3A_487, %mul3A_486 : i32
        %swap3A = arith.index_cast %add3A_488 : i32 to index
        %swap3A_489 = tpu.vector_load %arg16[%swap3A] {strides = array<i32>} : memref<1024xf32, #tpu.memory_space<vmem>>, vector<16xf32>,
        tpu.vector_store %arg16[%swap3A], %exp3A {strides = array<i32>} : memref<1024xf32, #tpu.memory_space<vmem>>, vector<16xf32>,
        %mul3A_490 = arith.constant 8 : i32
        %mul3A_491 = vector.broadcast %mul3A_490 : i32 to vector<16xi32>
        %mul3A_492 = arith.muli %get3A_476, %mul3A_491 : vector<16xi32>
        %add3A_493 = arith.constant 0 : i32
        %add3A_494 = vector.broadcast %add3A_493 : i32 to vector<16xi32>
        %add3A_495 = arith.addi %mul3A_492, %add3A_494 : vector<16xi32>
        %mul3A_496 = arith.constant 16 : i32
        %mul3A_497 = arith.muli %mul3A_496, %scan3A_465 : i32
        %swap3A_498 = arith.constant 0 : i32
        %swap3A_499 = arith.index_cast %swap3A_498 : i32 to index
        %swap3A_500 = arith.index_cast %mul3A_497 : i32 to index
        %swap3A_501 = tpu.vector_load %arg18[%swap3A_499, %swap3A_500] {strides = array<i32>} : memref<8x128xi32, #tpu.memory_space<vmem>>, vector<16xi32>,
        tpu.vector_store %arg18[%swap3A_499, %swap3A_500], %add3A_495 {strides = array<i32>} : memref<8x128xi32, #tpu.memory_space<vmem>>, vector<16xi32>,
        %broadcast_in_dim3A_502 = arith.constant 65 : i32
        %broadcast_in_dim3A_503 = vector.broadcast %broadcast_in_dim3A_502 : i32 to vector<16xi32>
        %gather3A_504 = tpu.vector_load_idx %arg10[%add3A_470, %broadcast_in_dim3A_503] : memref<128x72xf32, #tpu.memory_space<vmem>>[vector<16xi32>, vector<16xi32>], vector<16xf32>,
        %broadcast_in_dim3A_505 = arith.constant 9 : i32
        %broadcast_in_dim3A_506 = vector.broadcast %broadcast_in_dim3A_505 : i32 to vector<16xi32>
        %gather3A_507 = tpu.vector_load_idx %arg12[%add3A_470, %broadcast_in_dim3A_506] : memref<128x16xf32, #tpu.memory_space<vmem>>[vector<16xi32>, vector<16xi32>], vector<16xf32>,
        %add3A_508 = arith.addf %gather3A_504, %gather3A_507 : vector<16xf32>
        %mul3A_509 = arith.constant 2.000000e-01 : f32
        %mul3A_510 = vector.broadcast %mul3A_509 : f32 to vector<16xf32>
        %mul3A_511 = arith.mulf %mul3A_510, %add3A_508 : vector<16xf32>
        %max3A_512 = arith.maximumf %add3A_508, %mul3A_511 : vector<16xf32>
        %exp3A_513 = math.exp %max3A_512 : vector<16xf32>
        %mul3A_514 = arith.constant 16 : i32
        %mul3A_515 = arith.muli %mul3A_514, %scan3A_465 : i32
        %add3A_516 = arith.constant 128 : i32
        %add3A_517 = arith.addi %add3A_516, %mul3A_515 : i32
        %swap3A_518 = arith.index_cast %add3A_517 : i32 to index
        %swap3A_519 = tpu.vector_load %arg16[%swap3A_518] {strides = array<i32>} : memref<1024xf32, #tpu.memory_space<vmem>>, vector<16xf32>,
        tpu.vector_store %arg16[%swap3A_518], %exp3A_513 {strides = array<i32>} : memref<1024xf32, #tpu.memory_space<vmem>>, vector<16xf32>,
        %mul3A_520 = arith.constant 8 : i32
        %mul3A_521 = vector.broadcast %mul3A_520 : i32 to vector<16xi32>
        %mul3A_522 = arith.muli %get3A_476, %mul3A_521 : vector<16xi32>
        %add3A_523 = arith.constant 1 : i32
        %add3A_524 = vector.broadcast %add3A_523 : i32 to vector<16xi32>
        %add3A_525 = arith.addi %mul3A_522, %add3A_524 : vector<16xi32>
        %mul3A_526 = arith.constant 16 : i32
        %mul3A_527 = arith.muli %mul3A_526, %scan3A_465 : i32
        %swap3A_528 = arith.constant 1 : i32
        %swap3A_529 = arith.index_cast %swap3A_528 : i32 to index
        %swap3A_530 = arith.index_cast %mul3A_527 : i32 to index
        %swap3A_531 = tpu.vector_load %arg18[%swap3A_529, %swap3A_530] {strides = array<i32>} : memref<8x128xi32, #tpu.memory_space<vmem>>, vector<16xi32>,
        tpu.vector_store %arg18[%swap3A_529, %swap3A_530], %add3A_525 {strides = array<i32>} : memref<8x128xi32, #tpu.memory_space<vmem>>, vector<16xi32>,
        %broadcast_in_dim3A_532 = arith.constant 66 : i32
        %broadcast_in_dim3A_533 = vector.broadcast %broadcast_in_dim3A_532 : i32 to vector<16xi32>
        %gather3A_534 = tpu.vector_load_idx %arg10[%add3A_470, %broadcast_in_dim3A_533] : memref<128x72xf32, #tpu.memory_space<vmem>>[vector<16xi32>, vector<16xi32>], vector<16xf32>,
        %broadcast_in_dim3A_535 = arith.constant 10 : i32
        %broadcast_in_dim3A_536 = vector.broadcast %broadcast_in_dim3A_535 : i32 to vector<16xi32>
        %gather3A_537 = tpu.vector_load_idx %arg12[%add3A_470, %broadcast_in_dim3A_536] : memref<128x16xf32, #tpu.memory_space<vmem>>[vector<16xi32>, vector<16xi32>], vector<16xf32>,
        %add3A_538 = arith.addf %gather3A_534, %gather3A_537 : vector<16xf32>
        %mul3A_539 = arith.constant 2.000000e-01 : f32
        %mul3A_540 = vector.broadcast %mul3A_539 : f32 to vector<16xf32>
        %mul3A_541 = arith.mulf %mul3A_540, %add3A_538 : vector<16xf32>
        %max3A_542 = arith.maximumf %add3A_538, %mul3A_541 : vector<16xf32>
        %exp3A_543 = math.exp %max3A_542 : vector<16xf32>
        %mul3A_544 = arith.constant 16 : i32
        %mul3A_545 = arith.muli %mul3A_544, %scan3A_465 : i32
        %add3A_546 = arith.constant 256 : i32
        %add3A_547 = arith.addi %add3A_546, %mul3A_545 : i32
        %swap3A_548 = arith.index_cast %add3A_547 : i32 to index
        %swap3A_549 = tpu.vector_load %arg16[%swap3A_548] {strides = array<i32>} : memref<1024xf32, #tpu.memory_space<vmem>>, vector<16xf32>,
        tpu.vector_store %arg16[%swap3A_548], %exp3A_543 {strides = array<i32>} : memref<1024xf32, #tpu.memory_space<vmem>>, vector<16xf32>,
        %mul3A_550 = arith.constant 8 : i32
        %mul3A_551 = vector.broadcast %mul3A_550 : i32 to vector<16xi32>
        %mul3A_552 = arith.muli %get3A_476, %mul3A_551 : vector<16xi32>
        %add3A_553 = arith.constant 2 : i32
        %add3A_554 = vector.broadcast %add3A_553 : i32 to vector<16xi32>
        %add3A_555 = arith.addi %mul3A_552, %add3A_554 : vector<16xi32>
        %mul3A_556 = arith.constant 16 : i32
        %mul3A_557 = arith.muli %mul3A_556, %scan3A_465 : i32
        %swap3A_558 = arith.constant 2 : i32
        %swap3A_559 = arith.index_cast %swap3A_558 : i32 to index
        %swap3A_560 = arith.index_cast %mul3A_557 : i32 to index
        %swap3A_561 = tpu.vector_load %arg18[%swap3A_559, %swap3A_560] {strides = array<i32>} : memref<8x128xi32, #tpu.memory_space<vmem>>, vector<16xi32>,
        tpu.vector_store %arg18[%swap3A_559, %swap3A_560], %add3A_555 {strides = array<i32>} : memref<8x128xi32, #tpu.memory_space<vmem>>, vector<16xi32>,
        %broadcast_in_dim3A_562 = arith.constant 67 : i32
        %broadcast_in_dim3A_563 = vector.broadcast %broadcast_in_dim3A_562 : i32 to vector<16xi32>
        %gather3A_564 = tpu.vector_load_idx %arg10[%add3A_470, %broadcast_in_dim3A_563] : memref<128x72xf32, #tpu.memory_space<vmem>>[vector<16xi32>, vector<16xi32>], vector<16xf32>,
        %broadcast_in_dim3A_565 = arith.constant 11 : i32
        %broadcast_in_dim3A_566 = vector.broadcast %broadcast_in_dim3A_565 : i32 to vector<16xi32>
        %gather3A_567 = tpu.vector_load_idx %arg12[%add3A_470, %broadcast_in_dim3A_566] : memref<128x16xf32, #tpu.memory_space<vmem>>[vector<16xi32>, vector<16xi32>], vector<16xf32>,
        %add3A_568 = arith.addf %gather3A_564, %gather3A_567 : vector<16xf32>
        %mul3A_569 = arith.constant 2.000000e-01 : f32
        %mul3A_570 = vector.broadcast %mul3A_569 : f32 to vector<16xf32>
        %mul3A_571 = arith.mulf %mul3A_570, %add3A_568 : vector<16xf32>
        %max3A_572 = arith.maximumf %add3A_568, %mul3A_571 : vector<16xf32>
        %exp3A_573 = math.exp %max3A_572 : vector<16xf32>
        %mul3A_574 = arith.constant 16 : i32
        %mul3A_575 = arith.muli %mul3A_574, %scan3A_465 : i32
        %add3A_576 = arith.constant 384 : i32
        %add3A_577 = arith.addi %add3A_576, %mul3A_575 : i32
        %swap3A_578 = arith.index_cast %add3A_577 : i32 to index
        %swap3A_579 = tpu.vector_load %arg16[%swap3A_578] {strides = array<i32>} : memref<1024xf32, #tpu.memory_space<vmem>>, vector<16xf32>,
        tpu.vector_store %arg16[%swap3A_578], %exp3A_573 {strides = array<i32>} : memref<1024xf32, #tpu.memory_space<vmem>>, vector<16xf32>,
        %mul3A_580 = arith.constant 8 : i32
        %mul3A_581 = vector.broadcast %mul3A_580 : i32 to vector<16xi32>
        %mul3A_582 = arith.muli %get3A_476, %mul3A_581 : vector<16xi32>
        %add3A_583 = arith.constant 3 : i32
        %add3A_584 = vector.broadcast %add3A_583 : i32 to vector<16xi32>
        %add3A_585 = arith.addi %mul3A_582, %add3A_584 : vector<16xi32>
        %mul3A_586 = arith.constant 16 : i32
        %mul3A_587 = arith.muli %mul3A_586, %scan3A_465 : i32
        %swap3A_588 = arith.constant 3 : i32
        %swap3A_589 = arith.index_cast %swap3A_588 : i32 to index
        %swap3A_590 = arith.index_cast %mul3A_587 : i32 to index
        %swap3A_591 = tpu.vector_load %arg18[%swap3A_589, %swap3A_590] {strides = array<i32>} : memref<8x128xi32, #tpu.memory_space<vmem>>, vector<16xi32>,
        tpu.vector_store %arg18[%swap3A_589, %swap3A_590], %add3A_585 {strides = array<i32>} : memref<8x128xi32, #tpu.memory_space<vmem>>, vector<16xi32>,
        %broadcast_in_dim3A_592 = arith.constant 68 : i32
        %broadcast_in_dim3A_593 = vector.broadcast %broadcast_in_dim3A_592 : i32 to vector<16xi32>
        %gather3A_594 = tpu.vector_load_idx %arg10[%add3A_470, %broadcast_in_dim3A_593] : memref<128x72xf32, #tpu.memory_space<vmem>>[vector<16xi32>, vector<16xi32>], vector<16xf32>,
        %broadcast_in_dim3A_595 = arith.constant 12 : i32
        %broadcast_in_dim3A_596 = vector.broadcast %broadcast_in_dim3A_595 : i32 to vector<16xi32>
        %gather3A_597 = tpu.vector_load_idx %arg12[%add3A_470, %broadcast_in_dim3A_596] : memref<128x16xf32, #tpu.memory_space<vmem>>[vector<16xi32>, vector<16xi32>], vector<16xf32>,
        %add3A_598 = arith.addf %gather3A_594, %gather3A_597 : vector<16xf32>
        %mul3A_599 = arith.constant 2.000000e-01 : f32
        %mul3A_600 = vector.broadcast %mul3A_599 : f32 to vector<16xf32>
        %mul3A_601 = arith.mulf %mul3A_600, %add3A_598 : vector<16xf32>
        %max3A_602 = arith.maximumf %add3A_598, %mul3A_601 : vector<16xf32>
        %exp3A_603 = math.exp %max3A_602 : vector<16xf32>
        %mul3A_604 = arith.constant 16 : i32
        %mul3A_605 = arith.muli %mul3A_604, %scan3A_465 : i32
        %add3A_606 = arith.constant 512 : i32
        %add3A_607 = arith.addi %add3A_606, %mul3A_605 : i32
        %swap3A_608 = arith.index_cast %add3A_607 : i32 to index
        %swap3A_609 = tpu.vector_load %arg16[%swap3A_608] {strides = array<i32>} : memref<1024xf32, #tpu.memory_space<vmem>>, vector<16xf32>,
        tpu.vector_store %arg16[%swap3A_608], %exp3A_603 {strides = array<i32>} : memref<1024xf32, #tpu.memory_space<vmem>>, vector<16xf32>,
        %mul3A_610 = arith.constant 8 : i32
        %mul3A_611 = vector.broadcast %mul3A_610 : i32 to vector<16xi32>
        %mul3A_612 = arith.muli %get3A_476, %mul3A_611 : vector<16xi32>
        %add3A_613 = arith.constant 4 : i32
        %add3A_614 = vector.broadcast %add3A_613 : i32 to vector<16xi32>
        %add3A_615 = arith.addi %mul3A_612, %add3A_614 : vector<16xi32>
        %mul3A_616 = arith.constant 16 : i32
        %mul3A_617 = arith.muli %mul3A_616, %scan3A_465 : i32
        %swap3A_618 = arith.constant 4 : i32
        %swap3A_619 = arith.index_cast %swap3A_618 : i32 to index
        %swap3A_620 = arith.index_cast %mul3A_617 : i32 to index
        %swap3A_621 = tpu.vector_load %arg18[%swap3A_619, %swap3A_620] {strides = array<i32>} : memref<8x128xi32, #tpu.memory_space<vmem>>, vector<16xi32>,
        tpu.vector_store %arg18[%swap3A_619, %swap3A_620], %add3A_615 {strides = array<i32>} : memref<8x128xi32, #tpu.memory_space<vmem>>, vector<16xi32>,
        %broadcast_in_dim3A_622 = arith.constant 69 : i32
        %broadcast_in_dim3A_623 = vector.broadcast %broadcast_in_dim3A_622 : i32 to vector<16xi32>
        %gather3A_624 = tpu.vector_load_idx %arg10[%add3A_470, %broadcast_in_dim3A_623] : memref<128x72xf32, #tpu.memory_space<vmem>>[vector<16xi32>, vector<16xi32>], vector<16xf32>,
        %broadcast_in_dim3A_625 = arith.constant 13 : i32
        %broadcast_in_dim3A_626 = vector.broadcast %broadcast_in_dim3A_625 : i32 to vector<16xi32>
        %gather3A_627 = tpu.vector_load_idx %arg12[%add3A_470, %broadcast_in_dim3A_626] : memref<128x16xf32, #tpu.memory_space<vmem>>[vector<16xi32>, vector<16xi32>], vector<16xf32>,
        %add3A_628 = arith.addf %gather3A_624, %gather3A_627 : vector<16xf32>
        %mul3A_629 = arith.constant 2.000000e-01 : f32
        %mul3A_630 = vector.broadcast %mul3A_629 : f32 to vector<16xf32>
        %mul3A_631 = arith.mulf %mul3A_630, %add3A_628 : vector<16xf32>
        %max3A_632 = arith.maximumf %add3A_628, %mul3A_631 : vector<16xf32>
        %exp3A_633 = math.exp %max3A_632 : vector<16xf32>
        %mul3A_634 = arith.constant 16 : i32
        %mul3A_635 = arith.muli %mul3A_634, %scan3A_465 : i32
        %add3A_636 = arith.constant 640 : i32
        %add3A_637 = arith.addi %add3A_636, %mul3A_635 : i32
        %swap3A_638 = arith.index_cast %add3A_637 : i32 to index
        %swap3A_639 = tpu.vector_load %arg16[%swap3A_638] {strides = array<i32>} : memref<1024xf32, #tpu.memory_space<vmem>>, vector<16xf32>,
        tpu.vector_store %arg16[%swap3A_638], %exp3A_633 {strides = array<i32>} : memref<1024xf32, #tpu.memory_space<vmem>>, vector<16xf32>,
        %mul3A_640 = arith.constant 8 : i32
        %mul3A_641 = vector.broadcast %mul3A_640 : i32 to vector<16xi32>
        %mul3A_642 = arith.muli %get3A_476, %mul3A_641 : vector<16xi32>
        %add3A_643 = arith.constant 5 : i32
        %add3A_644 = vector.broadcast %add3A_643 : i32 to vector<16xi32>
        %add3A_645 = arith.addi %mul3A_642, %add3A_644 : vector<16xi32>
        %mul3A_646 = arith.constant 16 : i32
        %mul3A_647 = arith.muli %mul3A_646, %scan3A_465 : i32
        %swap3A_648 = arith.constant 5 : i32
        %swap3A_649 = arith.index_cast %swap3A_648 : i32 to index
        %swap3A_650 = arith.index_cast %mul3A_647 : i32 to index
        %swap3A_651 = tpu.vector_load %arg18[%swap3A_649, %swap3A_650] {strides = array<i32>} : memref<8x128xi32, #tpu.memory_space<vmem>>, vector<16xi32>,
        tpu.vector_store %arg18[%swap3A_649, %swap3A_650], %add3A_645 {strides = array<i32>} : memref<8x128xi32, #tpu.memory_space<vmem>>, vector<16xi32>,
        %broadcast_in_dim3A_652 = arith.constant 70 : i32
        %broadcast_in_dim3A_653 = vector.broadcast %broadcast_in_dim3A_652 : i32 to vector<16xi32>
        %gather3A_654 = tpu.vector_load_idx %arg10[%add3A_470, %broadcast_in_dim3A_653] : memref<128x72xf32, #tpu.memory_space<vmem>>[vector<16xi32>, vector<16xi32>], vector<16xf32>,
        %broadcast_in_dim3A_655 = arith.constant 14 : i32
        %broadcast_in_dim3A_656 = vector.broadcast %broadcast_in_dim3A_655 : i32 to vector<16xi32>
        %gather3A_657 = tpu.vector_load_idx %arg12[%add3A_470, %broadcast_in_dim3A_656] : memref<128x16xf32, #tpu.memory_space<vmem>>[vector<16xi32>, vector<16xi32>], vector<16xf32>,
        %add3A_658 = arith.addf %gather3A_654, %gather3A_657 : vector<16xf32>
        %mul3A_659 = arith.constant 2.000000e-01 : f32
        %mul3A_660 = vector.broadcast %mul3A_659 : f32 to vector<16xf32>
        %mul3A_661 = arith.mulf %mul3A_660, %add3A_658 : vector<16xf32>
        %max3A_662 = arith.maximumf %add3A_658, %mul3A_661 : vector<16xf32>
        %exp3A_663 = math.exp %max3A_662 : vector<16xf32>
        %mul3A_664 = arith.constant 16 : i32
        %mul3A_665 = arith.muli %mul3A_664, %scan3A_465 : i32
        %add3A_666 = arith.constant 768 : i32
        %add3A_667 = arith.addi %add3A_666, %mul3A_665 : i32
        %swap3A_668 = arith.index_cast %add3A_667 : i32 to index
        %swap3A_669 = tpu.vector_load %arg16[%swap3A_668] {strides = array<i32>} : memref<1024xf32, #tpu.memory_space<vmem>>, vector<16xf32>,
        tpu.vector_store %arg16[%swap3A_668], %exp3A_663 {strides = array<i32>} : memref<1024xf32, #tpu.memory_space<vmem>>, vector<16xf32>,
        %mul3A_670 = arith.constant 8 : i32
        %mul3A_671 = vector.broadcast %mul3A_670 : i32 to vector<16xi32>
        %mul3A_672 = arith.muli %get3A_476, %mul3A_671 : vector<16xi32>
        %add3A_673 = arith.constant 6 : i32
        %add3A_674 = vector.broadcast %add3A_673 : i32 to vector<16xi32>
        %add3A_675 = arith.addi %mul3A_672, %add3A_674 : vector<16xi32>
        %mul3A_676 = arith.constant 16 : i32
        %mul3A_677 = arith.muli %mul3A_676, %scan3A_465 : i32
        %swap3A_678 = arith.constant 6 : i32
        %swap3A_679 = arith.index_cast %swap3A_678 : i32 to index
        %swap3A_680 = arith.index_cast %mul3A_677 : i32 to index
        %swap3A_681 = tpu.vector_load %arg18[%swap3A_679, %swap3A_680] {strides = array<i32>} : memref<8x128xi32, #tpu.memory_space<vmem>>, vector<16xi32>,
        tpu.vector_store %arg18[%swap3A_679, %swap3A_680], %add3A_675 {strides = array<i32>} : memref<8x128xi32, #tpu.memory_space<vmem>>, vector<16xi32>,
        %broadcast_in_dim3A_682 = arith.constant 71 : i32
        %broadcast_in_dim3A_683 = vector.broadcast %broadcast_in_dim3A_682 : i32 to vector<16xi32>
        %gather3A_684 = tpu.vector_load_idx %arg10[%add3A_470, %broadcast_in_dim3A_683] : memref<128x72xf32, #tpu.memory_space<vmem>>[vector<16xi32>, vector<16xi32>], vector<16xf32>,
        %broadcast_in_dim3A_685 = arith.constant 15 : i32
        %broadcast_in_dim3A_686 = vector.broadcast %broadcast_in_dim3A_685 : i32 to vector<16xi32>
        %gather3A_687 = tpu.vector_load_idx %arg12[%add3A_470, %broadcast_in_dim3A_686] : memref<128x16xf32, #tpu.memory_space<vmem>>[vector<16xi32>, vector<16xi32>], vector<16xf32>,
        %add3A_688 = arith.addf %gather3A_684, %gather3A_687 : vector<16xf32>
        %mul3A_689 = arith.constant 2.000000e-01 : f32
        %mul3A_690 = vector.broadcast %mul3A_689 : f32 to vector<16xf32>
        %mul3A_691 = arith.mulf %mul3A_690, %add3A_688 : vector<16xf32>
        %max3A_692 = arith.maximumf %add3A_688, %mul3A_691 : vector<16xf32>
        %exp3A_693 = math.exp %max3A_692 : vector<16xf32>
        %mul3A_694 = arith.constant 16 : i32
        %mul3A_695 = arith.muli %mul3A_694, %scan3A_465 : i32
        %add3A_696 = arith.constant 896 : i32
        %add3A_697 = arith.addi %add3A_696, %mul3A_695 : i32
        %swap3A_698 = arith.index_cast %add3A_697 : i32 to index
        %swap3A_699 = tpu.vector_load %arg16[%swap3A_698] {strides = array<i32>} : memref<1024xf32, #tpu.memory_space<vmem>>, vector<16xf32>,
        tpu.vector_store %arg16[%swap3A_698], %exp3A_693 {strides = array<i32>} : memref<1024xf32, #tpu.memory_space<vmem>>, vector<16xf32>,
        %mul3A_700 = arith.constant 8 : i32
        %mul3A_701 = vector.broadcast %mul3A_700 : i32 to vector<16xi32>
        %mul3A_702 = arith.muli %get3A_476, %mul3A_701 : vector<16xi32>
        %add3A_703 = arith.constant 7 : i32
        %add3A_704 = vector.broadcast %add3A_703 : i32 to vector<16xi32>
        %add3A_705 = arith.addi %mul3A_702, %add3A_704 : vector<16xi32>
        %mul3A_706 = arith.constant 16 : i32
        %mul3A_707 = arith.muli %mul3A_706, %scan3A_465 : i32
        %swap3A_708 = arith.constant 7 : i32
        %swap3A_709 = arith.index_cast %swap3A_708 : i32 to index
        %swap3A_710 = arith.index_cast %mul3A_707 : i32 to index
        %swap3A_711 = tpu.vector_load %arg18[%swap3A_709, %swap3A_710] {strides = array<i32>} : memref<8x128xi32, #tpu.memory_space<vmem>>, vector<16xi32>,
        tpu.vector_store %arg18[%swap3A_709, %swap3A_710], %add3A_705 {strides = array<i32>} : memref<8x128xi32, #tpu.memory_space<vmem>>, vector<16xi32>,
        %scan3A_712 = arith.constant 0 : i32
        scf.yield %scan3A_712 : i32
      }
      %scan3A_270 = arith.constant 8 : i32
      %scan3A_271 = arith.constant 0 : i32
      %scan3A_272 = arith.constant 0 : i32
      %scan3A_273 = arith.constant 128 : i32
      %scan3A_274 = arith.addi %scan3A_272, %scan3A_273 : i32
      %scan3A_275 = arith.constant 1 : i32
      %scan3A_276 = scf.for %scan3A_465 = %scan3A_272 to %scan3A_274 step %scan3A_275 iter_args(%scan3A_466 = %scan3A_271) -> (i32)  : i32 {
        %get3A = arith.index_cast %scan3A_465 : i32 to index
        %get3A_467 = arith.constant 0 : index
        %get3A_468 = tpu.vector_load %arg10[%get3A, %get3A_467] {strides = array<i32>} : memref<128x72xf32, #tpu.memory_space<vmem>>, vector<16xf32>,
        %jit3A_469 = arith.constant 8 : i32
        %div3A_470 = vector.broadcast %jit3A_469 : i32 to vector<16xi32>
        %div3A_471 = arith.divsi %iota3A, %div3A_470 : vector<16xi32>
        %sign3A_472 = arith.constant 0 : i32
        %sign3A_473 = vector.broadcast %sign3A_472 : i32 to vector<16xi32>
        %sign3A_474 = arith.cmpi sgt, %iota3A, %sign3A_473 : vector<16xi32>
        %sign3A_475 = arith.extui %sign3A_474 : vector<16xi1> to vector<16xi32>
        %sign3A_476 = arith.constant 0 : i32
        %sign3A_477 = vector.broadcast %sign3A_476 : i32 to vector<16xi32>
        %sign3A_478 = arith.cmpi slt, %iota3A, %sign3A_477 : vector<16xi32>
        %sign3A_479 = arith.extui %sign3A_478 : vector<16xi1> to vector<16xi32>
        %sign3A_480 = arith.subi %sign3A_475, %sign3A_479 : vector<16xi32>
        %sign3A_481 = arith.constant 0 : i32
        %sign3A_482 = arith.cmpi sgt, %jit3A_469, %sign3A_481 : i32
        %sign3A_483 = arith.extui %sign3A_482 : i1 to i32
        %sign3A_484 = arith.constant 0 : i32
        %sign3A_485 = arith.cmpi slt, %jit3A_469, %sign3A_484 : i32
        %sign3A_486 = arith.extui %sign3A_485 : i1 to i32
        %sign3A_487 = arith.subi %sign3A_483, %sign3A_486 : i32
        %ne3A_488 = vector.broadcast %sign3A_487 : i32 to vector<16xi32>
        %ne3A_489 = arith.cmpi ne, %sign3A_480, %ne3A_488 : vector<16xi32>
        %rem3A_490 = vector.broadcast %jit3A_469 : i32 to vector<16xi32>
        %rem3A_491 = arith.remsi %iota3A, %rem3A_490 : vector<16xi32>
        %ne3A_492 = arith.constant 0 : i32
        %ne3A_493 = vector.broadcast %ne3A_492 : i32 to vector<16xi32>
        %ne3A_494 = arith.cmpi ne, %rem3A_491, %ne3A_493 : vector<16xi32>
        %and3A_495 = arith.andi %ne3A_489, %ne3A_494 : vector<16xi1>
        %sub3A_496 = arith.constant 1 : i32
        %sub3A_497 = vector.broadcast %sub3A_496 : i32 to vector<16xi32>
        %sub3A_498 = arith.subi %div3A_471, %sub3A_497 : vector<16xi32>
        %select_n3A_499 = arith.select %and3A_495, %sub3A_498, %div3A_471 : vector<16xi1>, vector<16xi32>
        %add3A_500 = arith.constant 0 : i32
        %add3A_501 = vector.broadcast %add3A_500 : i32 to vector<16xi32>
        %add3A_502 = arith.addi %add3A_501, %select_n3A_499 : vector<16xi32>
        %mul3A_503 = arith.constant 128 : i32
        %mul3A_504 = vector.broadcast %mul3A_503 : i32 to vector<16xi32>
        %mul3A_505 = arith.muli %add3A_502, %mul3A_504 : vector<16xi32>
        %add3A_506 = vector.broadcast %scan3A_465 : i32 to vector<16xi32>
        %add3A_507 = arith.addi %mul3A_505, %add3A_506 : vector<16xi32>
        %gather3A = tpu.vector_load_idx %arg16[%add3A_507] : memref<1024xf32, #tpu.memory_space<vmem>>[vector<16xi32>], vector<16xf32>,
        %mul3A_508 = arith.mulf %get3A_468, %gather3A : vector<16xf32>
        %swap3A = arith.index_cast %scan3A_465 : i32 to index
        %swap3A_509 = arith.constant 0 : index
        %swap3A_510 = tpu.vector_load %arg14[%swap3A, %swap3A_509] {strides = array<i32>} : memref<128x64xf32, #tpu.memory_space<vmem>>, vector<16xf32>,
        tpu.vector_store %arg14[%swap3A, %swap3A_509], %mul3A_508 {strides = array<i32>} : memref<128x64xf32, #tpu.memory_space<vmem>>, vector<16xf32>,
        %get3A_511 = arith.index_cast %scan3A_465 : i32 to index
        %get3A_512 = arith.constant 16 : index
        %get3A_513 = tpu.vector_load %arg10[%get3A_511, %get3A_512] {strides = array<i32>} : memref<128x72xf32, #tpu.memory_space<vmem>>, vector<16xf32>,
        %jit3A_514 = arith.constant 8 : i32
        %div3A_515 = vector.broadcast %jit3A_514 : i32 to vector<16xi32>
        %div3A_516 = arith.divsi %iota3A, %div3A_515 : vector<16xi32>
        %sign3A_517 = arith.constant 0 : i32
        %sign3A_518 = vector.broadcast %sign3A_517 : i32 to vector<16xi32>
        %sign3A_519 = arith.cmpi sgt, %iota3A, %sign3A_518 : vector<16xi32>
        %sign3A_520 = arith.extui %sign3A_519 : vector<16xi1> to vector<16xi32>
        %sign3A_521 = arith.constant 0 : i32
        %sign3A_522 = vector.broadcast %sign3A_521 : i32 to vector<16xi32>
        %sign3A_523 = arith.cmpi slt, %iota3A, %sign3A_522 : vector<16xi32>
        %sign3A_524 = arith.extui %sign3A_523 : vector<16xi1> to vector<16xi32>
        %sign3A_525 = arith.subi %sign3A_520, %sign3A_524 : vector<16xi32>
        %sign3A_526 = arith.constant 0 : i32
        %sign3A_527 = arith.cmpi sgt, %jit3A_514, %sign3A_526 : i32
        %sign3A_528 = arith.extui %sign3A_527 : i1 to i32
        %sign3A_529 = arith.constant 0 : i32
        %sign3A_530 = arith.cmpi slt, %jit3A_514, %sign3A_529 : i32
        %sign3A_531 = arith.extui %sign3A_530 : i1 to i32
        %sign3A_532 = arith.subi %sign3A_528, %sign3A_531 : i32
        %ne3A_533 = vector.broadcast %sign3A_532 : i32 to vector<16xi32>
        %ne3A_534 = arith.cmpi ne, %sign3A_525, %ne3A_533 : vector<16xi32>
        %rem3A_535 = vector.broadcast %jit3A_514 : i32 to vector<16xi32>
        %rem3A_536 = arith.remsi %iota3A, %rem3A_535 : vector<16xi32>
        %ne3A_537 = arith.constant 0 : i32
        %ne3A_538 = vector.broadcast %ne3A_537 : i32 to vector<16xi32>
        %ne3A_539 = arith.cmpi ne, %rem3A_536, %ne3A_538 : vector<16xi32>
        %and3A_540 = arith.andi %ne3A_534, %ne3A_539 : vector<16xi1>
        %sub3A_541 = arith.constant 1 : i32
        %sub3A_542 = vector.broadcast %sub3A_541 : i32 to vector<16xi32>
        %sub3A_543 = arith.subi %div3A_516, %sub3A_542 : vector<16xi32>
        %select_n3A_544 = arith.select %and3A_540, %sub3A_543, %div3A_516 : vector<16xi1>, vector<16xi32>
        %add3A_545 = arith.constant 2 : i32
        %add3A_546 = vector.broadcast %add3A_545 : i32 to vector<16xi32>
        %add3A_547 = arith.addi %add3A_546, %select_n3A_544 : vector<16xi32>
        %mul3A_548 = arith.constant 128 : i32
        %mul3A_549 = vector.broadcast %mul3A_548 : i32 to vector<16xi32>
        %mul3A_550 = arith.muli %add3A_547, %mul3A_549 : vector<16xi32>
        %add3A_551 = vector.broadcast %scan3A_465 : i32 to vector<16xi32>
        %add3A_552 = arith.addi %mul3A_550, %add3A_551 : vector<16xi32>
        %gather3A_553 = tpu.vector_load_idx %arg16[%add3A_552] : memref<1024xf32, #tpu.memory_space<vmem>>[vector<16xi32>], vector<16xf32>,
        %mul3A_554 = arith.mulf %get3A_513, %gather3A_553 : vector<16xf32>
        %swap3A_555 = arith.index_cast %scan3A_465 : i32 to index
        %swap3A_556 = arith.constant 16 : index
        %swap3A_557 = tpu.vector_load %arg14[%swap3A_555, %swap3A_556] {strides = array<i32>} : memref<128x64xf32, #tpu.memory_space<vmem>>, vector<16xf32>,
        tpu.vector_store %arg14[%swap3A_555, %swap3A_556], %mul3A_554 {strides = array<i32>} : memref<128x64xf32, #tpu.memory_space<vmem>>, vector<16xf32>,
        %get3A_558 = arith.index_cast %scan3A_465 : i32 to index
        %get3A_559 = arith.constant 32 : index
        %get3A_560 = tpu.vector_load %arg10[%get3A_558, %get3A_559] {strides = array<i32>} : memref<128x72xf32, #tpu.memory_space<vmem>>, vector<16xf32>,
        %jit3A_561 = arith.constant 8 : i32
        %div3A_562 = vector.broadcast %jit3A_561 : i32 to vector<16xi32>
        %div3A_563 = arith.divsi %iota3A, %div3A_562 : vector<16xi32>
        %sign3A_564 = arith.constant 0 : i32
        %sign3A_565 = vector.broadcast %sign3A_564 : i32 to vector<16xi32>
        %sign3A_566 = arith.cmpi sgt, %iota3A, %sign3A_565 : vector<16xi32>
        %sign3A_567 = arith.extui %sign3A_566 : vector<16xi1> to vector<16xi32>
        %sign3A_568 = arith.constant 0 : i32
        %sign3A_569 = vector.broadcast %sign3A_568 : i32 to vector<16xi32>
        %sign3A_570 = arith.cmpi slt, %iota3A, %sign3A_569 : vector<16xi32>
        %sign3A_571 = arith.extui %sign3A_570 : vector<16xi1> to vector<16xi32>
        %sign3A_572 = arith.subi %sign3A_567, %sign3A_571 : vector<16xi32>
        %sign3A_573 = arith.constant 0 : i32
        %sign3A_574 = arith.cmpi sgt, %jit3A_561, %sign3A_573 : i32
        %sign3A_575 = arith.extui %sign3A_574 : i1 to i32
        %sign3A_576 = arith.constant 0 : i32
        %sign3A_577 = arith.cmpi slt, %jit3A_561, %sign3A_576 : i32
        %sign3A_578 = arith.extui %sign3A_577 : i1 to i32
        %sign3A_579 = arith.subi %sign3A_575, %sign3A_578 : i32
        %ne3A_580 = vector.broadcast %sign3A_579 : i32 to vector<16xi32>
        %ne3A_581 = arith.cmpi ne, %sign3A_572, %ne3A_580 : vector<16xi32>
        %rem3A_582 = vector.broadcast %jit3A_561 : i32 to vector<16xi32>
        %rem3A_583 = arith.remsi %iota3A, %rem3A_582 : vector<16xi32>
        %ne3A_584 = arith.constant 0 : i32
        %ne3A_585 = vector.broadcast %ne3A_584 : i32 to vector<16xi32>
        %ne3A_586 = arith.cmpi ne, %rem3A_583, %ne3A_585 : vector<16xi32>
        %and3A_587 = arith.andi %ne3A_581, %ne3A_586 : vector<16xi1>
        %sub3A_588 = arith.constant 1 : i32
        %sub3A_589 = vector.broadcast %sub3A_588 : i32 to vector<16xi32>
        %sub3A_590 = arith.subi %div3A_563, %sub3A_589 : vector<16xi32>
        %select_n3A_591 = arith.select %and3A_587, %sub3A_590, %div3A_563 : vector<16xi1>, vector<16xi32>
        %add3A_592 = arith.constant 4 : i32
        %add3A_593 = vector.broadcast %add3A_592 : i32 to vector<16xi32>
        %add3A_594 = arith.addi %add3A_593, %select_n3A_591 : vector<16xi32>
        %mul3A_595 = arith.constant 128 : i32
        %mul3A_596 = vector.broadcast %mul3A_595 : i32 to vector<16xi32>
        %mul3A_597 = arith.muli %add3A_594, %mul3A_596 : vector<16xi32>
        %add3A_598 = vector.broadcast %scan3A_465 : i32 to vector<16xi32>
        %add3A_599 = arith.addi %mul3A_597, %add3A_598 : vector<16xi32>
        %gather3A_600 = tpu.vector_load_idx %arg16[%add3A_599] : memref<1024xf32, #tpu.memory_space<vmem>>[vector<16xi32>], vector<16xf32>,
        %mul3A_601 = arith.mulf %get3A_560, %gather3A_600 : vector<16xf32>
        %swap3A_602 = arith.index_cast %scan3A_465 : i32 to index
        %swap3A_603 = arith.constant 32 : index
        %swap3A_604 = tpu.vector_load %arg14[%swap3A_602, %swap3A_603] {strides = array<i32>} : memref<128x64xf32, #tpu.memory_space<vmem>>, vector<16xf32>,
        tpu.vector_store %arg14[%swap3A_602, %swap3A_603], %mul3A_601 {strides = array<i32>} : memref<128x64xf32, #tpu.memory_space<vmem>>, vector<16xf32>,
        %get3A_605 = arith.index_cast %scan3A_465 : i32 to index
        %get3A_606 = arith.constant 48 : index
        %get3A_607 = tpu.vector_load %arg10[%get3A_605, %get3A_606] {strides = array<i32>} : memref<128x72xf32, #tpu.memory_space<vmem>>, vector<16xf32>,
        %jit3A_608 = arith.constant 8 : i32
        %div3A_609 = vector.broadcast %jit3A_608 : i32 to vector<16xi32>
        %div3A_610 = arith.divsi %iota3A, %div3A_609 : vector<16xi32>
        %sign3A_611 = arith.constant 0 : i32
        %sign3A_612 = vector.broadcast %sign3A_611 : i32 to vector<16xi32>
        %sign3A_613 = arith.cmpi sgt, %iota3A, %sign3A_612 : vector<16xi32>
        %sign3A_614 = arith.extui %sign3A_613 : vector<16xi1> to vector<16xi32>
        %sign3A_615 = arith.constant 0 : i32
        %sign3A_616 = vector.broadcast %sign3A_615 : i32 to vector<16xi32>
        %sign3A_617 = arith.cmpi slt, %iota3A, %sign3A_616 : vector<16xi32>
        %sign3A_618 = arith.extui %sign3A_617 : vector<16xi1> to vector<16xi32>
        %sign3A_619 = arith.subi %sign3A_614, %sign3A_618 : vector<16xi32>
        %sign3A_620 = arith.constant 0 : i32
        %sign3A_621 = arith.cmpi sgt, %jit3A_608, %sign3A_620 : i32
        %sign3A_622 = arith.extui %sign3A_621 : i1 to i32
        %sign3A_623 = arith.constant 0 : i32
        %sign3A_624 = arith.cmpi slt, %jit3A_608, %sign3A_623 : i32
        %sign3A_625 = arith.extui %sign3A_624 : i1 to i32
        %sign3A_626 = arith.subi %sign3A_622, %sign3A_625 : i32
        %ne3A_627 = vector.broadcast %sign3A_626 : i32 to vector<16xi32>
        %ne3A_628 = arith.cmpi ne, %sign3A_619, %ne3A_627 : vector<16xi32>
        %rem3A_629 = vector.broadcast %jit3A_608 : i32 to vector<16xi32>
        %rem3A_630 = arith.remsi %iota3A, %rem3A_629 : vector<16xi32>
        %ne3A_631 = arith.constant 0 : i32
        %ne3A_632 = vector.broadcast %ne3A_631 : i32 to vector<16xi32>
        %ne3A_633 = arith.cmpi ne, %rem3A_630, %ne3A_632 : vector<16xi32>
        %and3A_634 = arith.andi %ne3A_628, %ne3A_633 : vector<16xi1>
        %sub3A_635 = arith.constant 1 : i32
        %sub3A_636 = vector.broadcast %sub3A_635 : i32 to vector<16xi32>
        %sub3A_637 = arith.subi %div3A_610, %sub3A_636 : vector<16xi32>
        %select_n3A_638 = arith.select %and3A_634, %sub3A_637, %div3A_610 : vector<16xi1>, vector<16xi32>
        %add3A_639 = arith.constant 6 : i32
        %add3A_640 = vector.broadcast %add3A_639 : i32 to vector<16xi32>
        %add3A_641 = arith.addi %add3A_640, %select_n3A_638 : vector<16xi32>
        %mul3A_642 = arith.constant 128 : i32
        %mul3A_643 = vector.broadcast %mul3A_642 : i32 to vector<16xi32>
        %mul3A_644 = arith.muli %add3A_641, %mul3A_643 : vector<16xi32>
        %add3A_645 = vector.broadcast %scan3A_465 : i32 to vector<16xi32>
        %add3A_646 = arith.addi %mul3A_644, %add3A_645 : vector<16xi32>
        %gather3A_647 = tpu.vector_load_idx %arg16[%add3A_646] : memref<1024xf32, #tpu.memory_space<vmem>>[vector<16xi32>], vector<16xf32>,
        %mul3A_648 = arith.mulf %get3A_607, %gather3A_647 : vector<16xf32>
        %swap3A_649 = arith.index_cast %scan3A_465 : i32 to index
        %swap3A_650 = arith.constant 48 : index
        %swap3A_651 = tpu.vector_load %arg14[%swap3A_649, %swap3A_650] {strides = array<i32>} : memref<128x64xf32, #tpu.memory_space<vmem>>, vector<16xf32>,
        tpu.vector_store %arg14[%swap3A_649, %swap3A_650], %mul3A_648 {strides = array<i32>} : memref<128x64xf32, #tpu.memory_space<vmem>>, vector<16xf32>,
        %scan3A_652 = arith.constant 0 : i32
        scf.yield %scan3A_652 : i32
      }
      %scan3A_277 = arith.constant 128 : i32
      %mul3A_278 = arith.constant 128 : i32
      %mul3A_279 = arith.muli %add3A_249, %mul3A_278 : i32
      %dma_start3A_280 = tpu.memref_slice %arg9[%mul3A_279] : memref<10240xi32, #tpu.memory_space<vmem>> -> memref<128xi32, #tpu.memory_space<vmem>>
      %dma_start3A_281 = arith.constant 0 : i32
      %dma_start3A_282 = arith.constant 0 : i32
      %dma_start3A_283 = tpu.memref_slice %arg21[%dma_start3A_281, %dma_start3A_282] : memref<10000x64xf32, #tpu.memory_space<vmem_shared>> -> memref<10000x64xf32, #tpu.memory_space<vmem_shared>>
      tpu.enqueue_indirect_dma source(%arg14 : memref<128x64xf32, #tpu.memory_space<vmem>>) target(%dma_start3A_283 : memref<10000x64xf32, #tpu.memory_space<vmem_shared>>) offsets(%dma_start3A_280 : memref<128xi32, #tpu.memory_space<vmem>>) semaphore(%arg27 : memref<!tpu.dma_semaphore, #tpu.memory_space<semaphore_mem>>) {add = true}
      %dma_start3A_284 = arith.constant 0 : i32
      %dma_start3A_285 = arith.constant 0 : i32
      %dma_start3A_286 = tpu.memref_slice %arg16[%dma_start3A_285] : memref<1024xf32, #tpu.memory_space<vmem>> -> memref<128xf32, #tpu.memory_space<vmem>>
      %dma_start3A_287 = arith.constant 0 : i32
      %dma_start3A_288 = tpu.memref_slice %arg18[%dma_start3A_284, %dma_start3A_287] : memref<8x128xi32, #tpu.memory_space<vmem>> -> memref<1x128xi32, #tpu.memory_space<vmem>>
      %dma_start3A_289 = tpu.memref_squeeze %dma_start3A_288 : memref<1x128xi32, #tpu.memory_space<vmem>> -> memref<128xi32, #tpu.memory_space<vmem>>
      %dma_start3A_290 = arith.constant 0 : i32
      %dma_start3A_291 = tpu.memref_slice %arg22[%dma_start3A_290] : memref<80000xf32, #tpu.memory_space<vmem_shared>> -> memref<80000xf32, #tpu.memory_space<vmem_shared>>
      tpu.enqueue_indirect_dma source(%dma_start3A_286 : memref<128xf32, #tpu.memory_space<vmem>>) target(%dma_start3A_291 : memref<80000xf32, #tpu.memory_space<vmem_shared>>) offsets(%dma_start3A_289 : memref<128xi32, #tpu.memory_space<vmem>>) semaphore(%arg27 : memref<!tpu.dma_semaphore, #tpu.memory_space<semaphore_mem>>) {add = true}
      %dma_start3A_292 = arith.constant 1 : i32
      %dma_start3A_293 = arith.constant 128 : i32
      %dma_start3A_294 = tpu.memref_slice %arg16[%dma_start3A_293] : memref<1024xf32, #tpu.memory_space<vmem>> -> memref<128xf32, #tpu.memory_space<vmem>>
      %dma_start3A_295 = arith.constant 0 : i32
      %dma_start3A_296 = tpu.memref_slice %arg18[%dma_start3A_292, %dma_start3A_295] : memref<8x128xi32, #tpu.memory_space<vmem>> -> memref<1x128xi32, #tpu.memory_space<vmem>>
      %dma_start3A_297 = tpu.memref_squeeze %dma_start3A_296 : memref<1x128xi32, #tpu.memory_space<vmem>> -> memref<128xi32, #tpu.memory_space<vmem>>
      %dma_start3A_298 = arith.constant 0 : i32
      %dma_start3A_299 = tpu.memref_slice %arg22[%dma_start3A_298] : memref<80000xf32, #tpu.memory_space<vmem_shared>> -> memref<80000xf32, #tpu.memory_space<vmem_shared>>
      tpu.enqueue_indirect_dma source(%dma_start3A_294 : memref<128xf32, #tpu.memory_space<vmem>>) target(%dma_start3A_299 : memref<80000xf32, #tpu.memory_space<vmem_shared>>) offsets(%dma_start3A_297 : memref<128xi32, #tpu.memory_space<vmem>>) semaphore(%arg27 : memref<!tpu.dma_semaphore, #tpu.memory_space<semaphore_mem>>) {add = true}
      %dma_start3A_300 = arith.constant 2 : i32
      %dma_start3A_301 = arith.constant 256 : i32
      %dma_start3A_302 = tpu.memref_slice %arg16[%dma_start3A_301] : memref<1024xf32, #tpu.memory_space<vmem>> -> memref<128xf32, #tpu.memory_space<vmem>>
      %dma_start3A_303 = arith.constant 0 : i32
      %dma_start3A_304 = tpu.memref_slice %arg18[%dma_start3A_300, %dma_start3A_303] : memref<8x128xi32, #tpu.memory_space<vmem>> -> memref<1x128xi32, #tpu.memory_space<vmem>>
      %dma_start3A_305 = tpu.memref_squeeze %dma_start3A_304 : memref<1x128xi32, #tpu.memory_space<vmem>> -> memref<128xi32, #tpu.memory_space<vmem>>
      %dma_start3A_306 = arith.constant 0 : i32
      %dma_start3A_307 = tpu.memref_slice %arg22[%dma_start3A_306] : memref<80000xf32, #tpu.memory_space<vmem_shared>> -> memref<80000xf32, #tpu.memory_space<vmem_shared>>
      tpu.enqueue_indirect_dma source(%dma_start3A_302 : memref<128xf32, #tpu.memory_space<vmem>>) target(%dma_start3A_307 : memref<80000xf32, #tpu.memory_space<vmem_shared>>) offsets(%dma_start3A_305 : memref<128xi32, #tpu.memory_space<vmem>>) semaphore(%arg27 : memref<!tpu.dma_semaphore, #tpu.memory_space<semaphore_mem>>) {add = true}
      %dma_start3A_308 = arith.constant 3 : i32
      %dma_start3A_309 = arith.constant 384 : i32
      %dma_start3A_310 = tpu.memref_slice %arg16[%dma_start3A_309] : memref<1024xf32, #tpu.memory_space<vmem>> -> memref<128xf32, #tpu.memory_space<vmem>>
      %dma_start3A_311 = arith.constant 0 : i32
      %dma_start3A_312 = tpu.memref_slice %arg18[%dma_start3A_308, %dma_start3A_311] : memref<8x128xi32, #tpu.memory_space<vmem>> -> memref<1x128xi32, #tpu.memory_space<vmem>>
      %dma_start3A_313 = tpu.memref_squeeze %dma_start3A_312 : memref<1x128xi32, #tpu.memory_space<vmem>> -> memref<128xi32, #tpu.memory_space<vmem>>
      %dma_start3A_314 = arith.constant 0 : i32
      %dma_start3A_315 = tpu.memref_slice %arg22[%dma_start3A_314] : memref<80000xf32, #tpu.memory_space<vmem_shared>> -> memref<80000xf32, #tpu.memory_space<vmem_shared>>
      tpu.enqueue_indirect_dma source(%dma_start3A_310 : memref<128xf32, #tpu.memory_space<vmem>>) target(%dma_start3A_315 : memref<80000xf32, #tpu.memory_space<vmem_shared>>) offsets(%dma_start3A_313 : memref<128xi32, #tpu.memory_space<vmem>>) semaphore(%arg27 : memref<!tpu.dma_semaphore, #tpu.memory_space<semaphore_mem>>) {add = true}
      %dma_start3A_316 = arith.constant 4 : i32
      %dma_start3A_317 = arith.constant 512 : i32
      %dma_start3A_318 = tpu.memref_slice %arg16[%dma_start3A_317] : memref<1024xf32, #tpu.memory_space<vmem>> -> memref<128xf32, #tpu.memory_space<vmem>>
      %dma_start3A_319 = arith.constant 0 : i32
      %dma_start3A_320 = tpu.memref_slice %arg18[%dma_start3A_316, %dma_start3A_319] : memref<8x128xi32, #tpu.memory_space<vmem>> -> memref<1x128xi32, #tpu.memory_space<vmem>>
      %dma_start3A_321 = tpu.memref_squeeze %dma_start3A_320 : memref<1x128xi32, #tpu.memory_space<vmem>> -> memref<128xi32, #tpu.memory_space<vmem>>
      %dma_start3A_322 = arith.constant 0 : i32
      %dma_start3A_323 = tpu.memref_slice %arg22[%dma_start3A_322] : memref<80000xf32, #tpu.memory_space<vmem_shared>> -> memref<80000xf32, #tpu.memory_space<vmem_shared>>
      tpu.enqueue_indirect_dma source(%dma_start3A_318 : memref<128xf32, #tpu.memory_space<vmem>>) target(%dma_start3A_323 : memref<80000xf32, #tpu.memory_space<vmem_shared>>) offsets(%dma_start3A_321 : memref<128xi32, #tpu.memory_space<vmem>>) semaphore(%arg27 : memref<!tpu.dma_semaphore, #tpu.memory_space<semaphore_mem>>) {add = true}
      %dma_start3A_324 = arith.constant 5 : i32
      %dma_start3A_325 = arith.constant 640 : i32
      %dma_start3A_326 = tpu.memref_slice %arg16[%dma_start3A_325] : memref<1024xf32, #tpu.memory_space<vmem>> -> memref<128xf32, #tpu.memory_space<vmem>>
      %dma_start3A_327 = arith.constant 0 : i32
      %dma_start3A_328 = tpu.memref_slice %arg18[%dma_start3A_324, %dma_start3A_327] : memref<8x128xi32, #tpu.memory_space<vmem>> -> memref<1x128xi32, #tpu.memory_space<vmem>>
      %dma_start3A_329 = tpu.memref_squeeze %dma_start3A_328 : memref<1x128xi32, #tpu.memory_space<vmem>> -> memref<128xi32, #tpu.memory_space<vmem>>
      %dma_start3A_330 = arith.constant 0 : i32
      %dma_start3A_331 = tpu.memref_slice %arg22[%dma_start3A_330] : memref<80000xf32, #tpu.memory_space<vmem_shared>> -> memref<80000xf32, #tpu.memory_space<vmem_shared>>
      tpu.enqueue_indirect_dma source(%dma_start3A_326 : memref<128xf32, #tpu.memory_space<vmem>>) target(%dma_start3A_331 : memref<80000xf32, #tpu.memory_space<vmem_shared>>) offsets(%dma_start3A_329 : memref<128xi32, #tpu.memory_space<vmem>>) semaphore(%arg27 : memref<!tpu.dma_semaphore, #tpu.memory_space<semaphore_mem>>) {add = true}
      %dma_start3A_332 = arith.constant 6 : i32
      %dma_start3A_333 = arith.constant 768 : i32
      %dma_start3A_334 = tpu.memref_slice %arg16[%dma_start3A_333] : memref<1024xf32, #tpu.memory_space<vmem>> -> memref<128xf32, #tpu.memory_space<vmem>>
      %dma_start3A_335 = arith.constant 0 : i32
      %dma_start3A_336 = tpu.memref_slice %arg18[%dma_start3A_332, %dma_start3A_335] : memref<8x128xi32, #tpu.memory_space<vmem>> -> memref<1x128xi32, #tpu.memory_space<vmem>>
      %dma_start3A_337 = tpu.memref_squeeze %dma_start3A_336 : memref<1x128xi32, #tpu.memory_space<vmem>> -> memref<128xi32, #tpu.memory_space<vmem>>
      %dma_start3A_338 = arith.constant 0 : i32
      %dma_start3A_339 = tpu.memref_slice %arg22[%dma_start3A_338] : memref<80000xf32, #tpu.memory_space<vmem_shared>> -> memref<80000xf32, #tpu.memory_space<vmem_shared>>
      tpu.enqueue_indirect_dma source(%dma_start3A_334 : memref<128xf32, #tpu.memory_space<vmem>>) target(%dma_start3A_339 : memref<80000xf32, #tpu.memory_space<vmem_shared>>) offsets(%dma_start3A_337 : memref<128xi32, #tpu.memory_space<vmem>>) semaphore(%arg27 : memref<!tpu.dma_semaphore, #tpu.memory_space<semaphore_mem>>) {add = true}
      %dma_start3A_340 = arith.constant 7 : i32
      %dma_start3A_341 = arith.constant 896 : i32
      %dma_start3A_342 = tpu.memref_slice %arg16[%dma_start3A_341] : memref<1024xf32, #tpu.memory_space<vmem>> -> memref<128xf32, #tpu.memory_space<vmem>>
      %dma_start3A_343 = arith.constant 0 : i32
      %dma_start3A_344 = tpu.memref_slice %arg18[%dma_start3A_340, %dma_start3A_343] : memref<8x128xi32, #tpu.memory_space<vmem>> -> memref<1x128xi32, #tpu.memory_space<vmem>>
      %dma_start3A_345 = tpu.memref_squeeze %dma_start3A_344 : memref<1x128xi32, #tpu.memory_space<vmem>> -> memref<128xi32, #tpu.memory_space<vmem>>
      %dma_start3A_346 = arith.constant 0 : i32
      %dma_start3A_347 = tpu.memref_slice %arg22[%dma_start3A_346] : memref<80000xf32, #tpu.memory_space<vmem_shared>> -> memref<80000xf32, #tpu.memory_space<vmem_shared>>
      tpu.enqueue_indirect_dma source(%dma_start3A_342 : memref<128xf32, #tpu.memory_space<vmem>>) target(%dma_start3A_347 : memref<80000xf32, #tpu.memory_space<vmem_shared>>) offsets(%dma_start3A_345 : memref<128xi32, #tpu.memory_space<vmem>>) semaphore(%arg27 : memref<!tpu.dma_semaphore, #tpu.memory_space<semaphore_mem>>) {add = true}
      %add3A_348 = arith.constant 2 : i32
      %add3A_349 = arith.addi %add3A_249, %add3A_348 : i32
      %lt3A = arith.cmpi slt, %add3A_349, %select_n3A : i32
      %convert_element_type3A_350 = arith.extui %lt3A : i1 to i32
      %cond3A_351 = arith.constant 0 : i32
      %cond3A_352 = arith.cmpi ne, %convert_element_type3A_350, %cond3A_351 : i32
      scf.if %cond3A_352 {
        %add3A_465 = arith.constant 2 : i32
        %add3A_466 = arith.addi %add3A_249, %add3A_465 : i32
        %mul3A_467 = arith.constant 128 : i32
        %mul3A_468 = arith.muli %add3A_466, %mul3A_467 : i32
        %mul3A_469 = arith.constant 128 : i32
        %mul3A_470 = arith.muli %add3A_466, %mul3A_469 : i32
        %dma_start3A_471 = tpu.memref_slice %arg8[%mul3A_468] : memref<10240xi32, #tpu.memory_space<vmem>> -> memref<128xi32, #tpu.memory_space<vmem>>
        %dma_start3A_472 = arith.constant 0 : i32
        %dma_start3A_473 = arith.constant 0 : i32
        %dma_start3A_474 = tpu.memref_slice %arg4[%dma_start3A_472, %dma_start3A_473] : memref<10000x72xf32, #tpu.memory_space<hbm>> -> memref<10000x72xf32, #tpu.memory_space<hbm>>
        tpu.enqueue_indirect_dma source(%dma_start3A_474 : memref<10000x72xf32, #tpu.memory_space<hbm>>) target(%arg10 : memref<128x72xf32, #tpu.memory_space<vmem>>) offsets(%dma_start3A_471 : memref<128xi32, #tpu.memory_space<vmem>>) semaphore(%arg23 : memref<!tpu.dma_semaphore, #tpu.memory_space<semaphore_mem>>)
        %dma_start3A_475 = tpu.memref_slice %arg9[%mul3A_470] : memref<10240xi32, #tpu.memory_space<vmem>> -> memref<128xi32, #tpu.memory_space<vmem>>
        %dma_start3A_476 = arith.constant 0 : i32
        %dma_start3A_477 = arith.constant 0 : i32
        %dma_start3A_478 = tpu.memref_slice %arg5[%dma_start3A_476, %dma_start3A_477] : memref<10000x16xf32, #tpu.memory_space<hbm>> -> memref<10000x16xf32, #tpu.memory_space<hbm>>
        tpu.enqueue_indirect_dma source(%dma_start3A_478 : memref<10000x16xf32, #tpu.memory_space<hbm>>) target(%arg12 : memref<128x16xf32, #tpu.memory_space<vmem>>) offsets(%dma_start3A_475 : memref<128xi32, #tpu.memory_space<vmem>>) semaphore(%arg24 : memref<!tpu.dma_semaphore, #tpu.memory_space<semaphore_mem>>)
      } else {
      }
      %mul3A_353 = arith.constant 2 : i32
      %mul3A_354 = arith.muli %mul3A_353, %while3A_244 : i32
      %add3A_355 = arith.constant 1 : i32
      %add3A_356 = arith.addi %mul3A_354, %add3A_355 : i32
      %gt3A_357 = arith.constant 0 : i32
      %gt3A_358 = arith.cmpi sgt, %while3A_244, %gt3A_357 : i32
      %convert_element_type3A_359 = arith.extui %gt3A_358 : i1 to i32
      %cond3A_360 = arith.constant 0 : i32
      %cond3A_361 = arith.cmpi ne, %convert_element_type3A_359, %cond3A_360 : i32
      scf.if %cond3A_361 {
        %sub3A_465 = arith.constant 2 : i32
        %sub3A_466 = arith.subi %add3A_356, %sub3A_465 : i32
        %mul3A_467 = arith.constant 128 : i32
        %mul3A_468 = arith.muli %sub3A_466, %mul3A_467 : i32
        %dma_wait3A_469 = tpu.memref_slice %arg9[%mul3A_468] : memref<10240xi32, #tpu.memory_space<vmem>> -> memref<128xi32, #tpu.memory_space<vmem>>
        %dma_wait3A_470 = arith.constant 0 : i32
        %dma_wait3A_471 = arith.constant 0 : i32
        %dma_wait3A_472 = tpu.memref_slice %arg21[%dma_wait3A_470, %dma_wait3A_471] : memref<10000x64xf32, #tpu.memory_space<vmem_shared>> -> memref<10000x64xf32, #tpu.memory_space<vmem_shared>>
        tpu.wait_indirect_dma semaphore(%arg28 : memref<!tpu.dma_semaphore, #tpu.memory_space<semaphore_mem>>) src(%arg15 : memref<128x64xf32, #tpu.memory_space<vmem>>) dst(%dma_wait3A_472 : memref<10000x64xf32, #tpu.memory_space<vmem_shared>>)
        %dma_wait3A_473 = arith.constant 0 : i32
        %dma_wait3A_474 = arith.constant 0 : i32
        %dma_wait3A_475 = tpu.memref_slice %arg17[%dma_wait3A_474] : memref<1024xf32, #tpu.memory_space<vmem>> -> memref<128xf32, #tpu.memory_space<vmem>>
        %dma_wait3A_476 = arith.constant 0 : i32
        %dma_wait3A_477 = tpu.memref_slice %arg19[%dma_wait3A_473, %dma_wait3A_476] : memref<8x128xi32, #tpu.memory_space<vmem>> -> memref<1x128xi32, #tpu.memory_space<vmem>>
        %dma_wait3A_478 = tpu.memref_squeeze %dma_wait3A_477 : memref<1x128xi32, #tpu.memory_space<vmem>> -> memref<128xi32, #tpu.memory_space<vmem>>
        %dma_wait3A_479 = arith.constant 0 : i32
        %dma_wait3A_480 = tpu.memref_slice %arg22[%dma_wait3A_479] : memref<80000xf32, #tpu.memory_space<vmem_shared>> -> memref<80000xf32, #tpu.memory_space<vmem_shared>>
        tpu.wait_indirect_dma semaphore(%arg28 : memref<!tpu.dma_semaphore, #tpu.memory_space<semaphore_mem>>) src(%dma_wait3A_475 : memref<128xf32, #tpu.memory_space<vmem>>) dst(%dma_wait3A_480 : memref<80000xf32, #tpu.memory_space<vmem_shared>>)
        %dma_wait3A_481 = arith.constant 1 : i32
        %dma_wait3A_482 = arith.constant 128 : i32
        %dma_wait3A_483 = tpu.memref_slice %arg17[%dma_wait3A_482] : memref<1024xf32, #tpu.memory_space<vmem>> -> memref<128xf32, #tpu.memory_space<vmem>>
        %dma_wait3A_484 = arith.constant 0 : i32
        %dma_wait3A_485 = tpu.memref_slice %arg19[%dma_wait3A_481, %dma_wait3A_484] : memref<8x128xi32, #tpu.memory_space<vmem>> -> memref<1x128xi32, #tpu.memory_space<vmem>>
        %dma_wait3A_486 = tpu.memref_squeeze %dma_wait3A_485 : memref<1x128xi32, #tpu.memory_space<vmem>> -> memref<128xi32, #tpu.memory_space<vmem>>
        %dma_wait3A_487 = arith.constant 0 : i32
        %dma_wait3A_488 = tpu.memref_slice %arg22[%dma_wait3A_487] : memref<80000xf32, #tpu.memory_space<vmem_shared>> -> memref<80000xf32, #tpu.memory_space<vmem_shared>>
        tpu.wait_indirect_dma semaphore(%arg28 : memref<!tpu.dma_semaphore, #tpu.memory_space<semaphore_mem>>) src(%dma_wait3A_483 : memref<128xf32, #tpu.memory_space<vmem>>) dst(%dma_wait3A_488 : memref<80000xf32, #tpu.memory_space<vmem_shared>>)
        %dma_wait3A_489 = arith.constant 2 : i32
        %dma_wait3A_490 = arith.constant 256 : i32
        %dma_wait3A_491 = tpu.memref_slice %arg17[%dma_wait3A_490] : memref<1024xf32, #tpu.memory_space<vmem>> -> memref<128xf32, #tpu.memory_space<vmem>>
        %dma_wait3A_492 = arith.constant 0 : i32
        %dma_wait3A_493 = tpu.memref_slice %arg19[%dma_wait3A_489, %dma_wait3A_492] : memref<8x128xi32, #tpu.memory_space<vmem>> -> memref<1x128xi32, #tpu.memory_space<vmem>>
        %dma_wait3A_494 = tpu.memref_squeeze %dma_wait3A_493 : memref<1x128xi32, #tpu.memory_space<vmem>> -> memref<128xi32, #tpu.memory_space<vmem>>
        %dma_wait3A_495 = arith.constant 0 : i32
        %dma_wait3A_496 = tpu.memref_slice %arg22[%dma_wait3A_495] : memref<80000xf32, #tpu.memory_space<vmem_shared>> -> memref<80000xf32, #tpu.memory_space<vmem_shared>>
        tpu.wait_indirect_dma semaphore(%arg28 : memref<!tpu.dma_semaphore, #tpu.memory_space<semaphore_mem>>) src(%dma_wait3A_491 : memref<128xf32, #tpu.memory_space<vmem>>) dst(%dma_wait3A_496 : memref<80000xf32, #tpu.memory_space<vmem_shared>>)
        %dma_wait3A_497 = arith.constant 3 : i32
        %dma_wait3A_498 = arith.constant 384 : i32
        %dma_wait3A_499 = tpu.memref_slice %arg17[%dma_wait3A_498] : memref<1024xf32, #tpu.memory_space<vmem>> -> memref<128xf32, #tpu.memory_space<vmem>>
        %dma_wait3A_500 = arith.constant 0 : i32
        %dma_wait3A_501 = tpu.memref_slice %arg19[%dma_wait3A_497, %dma_wait3A_500] : memref<8x128xi32, #tpu.memory_space<vmem>> -> memref<1x128xi32, #tpu.memory_space<vmem>>
        %dma_wait3A_502 = tpu.memref_squeeze %dma_wait3A_501 : memref<1x128xi32, #tpu.memory_space<vmem>> -> memref<128xi32, #tpu.memory_space<vmem>>
        %dma_wait3A_503 = arith.constant 0 : i32
        %dma_wait3A_504 = tpu.memref_slice %arg22[%dma_wait3A_503] : memref<80000xf32, #tpu.memory_space<vmem_shared>> -> memref<80000xf32, #tpu.memory_space<vmem_shared>>
        tpu.wait_indirect_dma semaphore(%arg28 : memref<!tpu.dma_semaphore, #tpu.memory_space<semaphore_mem>>) src(%dma_wait3A_499 : memref<128xf32, #tpu.memory_space<vmem>>) dst(%dma_wait3A_504 : memref<80000xf32, #tpu.memory_space<vmem_shared>>)
        %dma_wait3A_505 = arith.constant 4 : i32
        %dma_wait3A_506 = arith.constant 512 : i32
        %dma_wait3A_507 = tpu.memref_slice %arg17[%dma_wait3A_506] : memref<1024xf32, #tpu.memory_space<vmem>> -> memref<128xf32, #tpu.memory_space<vmem>>
        %dma_wait3A_508 = arith.constant 0 : i32
        %dma_wait3A_509 = tpu.memref_slice %arg19[%dma_wait3A_505, %dma_wait3A_508] : memref<8x128xi32, #tpu.memory_space<vmem>> -> memref<1x128xi32, #tpu.memory_space<vmem>>
        %dma_wait3A_510 = tpu.memref_squeeze %dma_wait3A_509 : memref<1x128xi32, #tpu.memory_space<vmem>> -> memref<128xi32, #tpu.memory_space<vmem>>
        %dma_wait3A_511 = arith.constant 0 : i32
        %dma_wait3A_512 = tpu.memref_slice %arg22[%dma_wait3A_511] : memref<80000xf32, #tpu.memory_space<vmem_shared>> -> memref<80000xf32, #tpu.memory_space<vmem_shared>>
        tpu.wait_indirect_dma semaphore(%arg28 : memref<!tpu.dma_semaphore, #tpu.memory_space<semaphore_mem>>) src(%dma_wait3A_507 : memref<128xf32, #tpu.memory_space<vmem>>) dst(%dma_wait3A_512 : memref<80000xf32, #tpu.memory_space<vmem_shared>>)
        %dma_wait3A_513 = arith.constant 5 : i32
        %dma_wait3A_514 = arith.constant 640 : i32
        %dma_wait3A_515 = tpu.memref_slice %arg17[%dma_wait3A_514] : memref<1024xf32, #tpu.memory_space<vmem>> -> memref<128xf32, #tpu.memory_space<vmem>>
        %dma_wait3A_516 = arith.constant 0 : i32
        %dma_wait3A_517 = tpu.memref_slice %arg19[%dma_wait3A_513, %dma_wait3A_516] : memref<8x128xi32, #tpu.memory_space<vmem>> -> memref<1x128xi32, #tpu.memory_space<vmem>>
        %dma_wait3A_518 = tpu.memref_squeeze %dma_wait3A_517 : memref<1x128xi32, #tpu.memory_space<vmem>> -> memref<128xi32, #tpu.memory_space<vmem>>
        %dma_wait3A_519 = arith.constant 0 : i32
        %dma_wait3A_520 = tpu.memref_slice %arg22[%dma_wait3A_519] : memref<80000xf32, #tpu.memory_space<vmem_shared>> -> memref<80000xf32, #tpu.memory_space<vmem_shared>>
        tpu.wait_indirect_dma semaphore(%arg28 : memref<!tpu.dma_semaphore, #tpu.memory_space<semaphore_mem>>) src(%dma_wait3A_515 : memref<128xf32, #tpu.memory_space<vmem>>) dst(%dma_wait3A_520 : memref<80000xf32, #tpu.memory_space<vmem_shared>>)
        %dma_wait3A_521 = arith.constant 6 : i32
        %dma_wait3A_522 = arith.constant 768 : i32
        %dma_wait3A_523 = tpu.memref_slice %arg17[%dma_wait3A_522] : memref<1024xf32, #tpu.memory_space<vmem>> -> memref<128xf32, #tpu.memory_space<vmem>>
        %dma_wait3A_524 = arith.constant 0 : i32
        %dma_wait3A_525 = tpu.memref_slice %arg19[%dma_wait3A_521, %dma_wait3A_524] : memref<8x128xi32, #tpu.memory_space<vmem>> -> memref<1x128xi32, #tpu.memory_space<vmem>>
        %dma_wait3A_526 = tpu.memref_squeeze %dma_wait3A_525 : memref<1x128xi32, #tpu.memory_space<vmem>> -> memref<128xi32, #tpu.memory_space<vmem>>
        %dma_wait3A_527 = arith.constant 0 : i32
        %dma_wait3A_528 = tpu.memref_slice %arg22[%dma_wait3A_527] : memref<80000xf32, #tpu.memory_space<vmem_shared>> -> memref<80000xf32, #tpu.memory_space<vmem_shared>>
        tpu.wait_indirect_dma semaphore(%arg28 : memref<!tpu.dma_semaphore, #tpu.memory_space<semaphore_mem>>) src(%dma_wait3A_523 : memref<128xf32, #tpu.memory_space<vmem>>) dst(%dma_wait3A_528 : memref<80000xf32, #tpu.memory_space<vmem_shared>>)
        %dma_wait3A_529 = arith.constant 7 : i32
        %dma_wait3A_530 = arith.constant 896 : i32
        %dma_wait3A_531 = tpu.memref_slice %arg17[%dma_wait3A_530] : memref<1024xf32, #tpu.memory_space<vmem>> -> memref<128xf32, #tpu.memory_space<vmem>>
        %dma_wait3A_532 = arith.constant 0 : i32
        %dma_wait3A_533 = tpu.memref_slice %arg19[%dma_wait3A_529, %dma_wait3A_532] : memref<8x128xi32, #tpu.memory_space<vmem>> -> memref<1x128xi32, #tpu.memory_space<vmem>>
        %dma_wait3A_534 = tpu.memref_squeeze %dma_wait3A_533 : memref<1x128xi32, #tpu.memory_space<vmem>> -> memref<128xi32, #tpu.memory_space<vmem>>
        %dma_wait3A_535 = arith.constant 0 : i32
        %dma_wait3A_536 = tpu.memref_slice %arg22[%dma_wait3A_535] : memref<80000xf32, #tpu.memory_space<vmem_shared>> -> memref<80000xf32, #tpu.memory_space<vmem_shared>>
        tpu.wait_indirect_dma semaphore(%arg28 : memref<!tpu.dma_semaphore, #tpu.memory_space<semaphore_mem>>) src(%dma_wait3A_531 : memref<128xf32, #tpu.memory_space<vmem>>) dst(%dma_wait3A_536 : memref<80000xf32, #tpu.memory_space<vmem_shared>>)
      } else {
      }
      %mul3A_362 = arith.constant 128 : i32
      %mul3A_363 = arith.muli %add3A_356, %mul3A_362 : i32
      %mul3A_364 = arith.constant 128 : i32
      %mul3A_365 = arith.muli %add3A_356, %mul3A_364 : i32
      %dma_wait3A_366 = tpu.memref_slice %arg8[%mul3A_363] : memref<10240xi32, #tpu.memory_space<vmem>> -> memref<128xi32, #tpu.memory_space<vmem>>
      %dma_wait3A_367 = arith.constant 0 : i32
      %dma_wait3A_368 = arith.constant 0 : i32
      %dma_wait3A_369 = tpu.memref_slice %arg4[%dma_wait3A_367, %dma_wait3A_368] : memref<10000x72xf32, #tpu.memory_space<hbm>> -> memref<10000x72xf32, #tpu.memory_space<hbm>>
      tpu.wait_indirect_dma semaphore(%arg25 : memref<!tpu.dma_semaphore, #tpu.memory_space<semaphore_mem>>) src(%dma_wait3A_369 : memref<10000x72xf32, #tpu.memory_space<hbm>>) dst(%arg11 : memref<128x72xf32, #tpu.memory_space<vmem>>)
      %dma_wait3A_370 = tpu.memref_slice %arg9[%mul3A_365] : memref<10240xi32, #tpu.memory_space<vmem>> -> memref<128xi32, #tpu.memory_space<vmem>>
      %dma_wait3A_371 = arith.constant 0 : i32
      %dma_wait3A_372 = arith.constant 0 : i32
      %dma_wait3A_373 = tpu.memref_slice %arg5[%dma_wait3A_371, %dma_wait3A_372] : memref<10000x16xf32, #tpu.memory_space<hbm>> -> memref<10000x16xf32, #tpu.memory_space<hbm>>
      tpu.wait_indirect_dma semaphore(%arg26 : memref<!tpu.dma_semaphore, #tpu.memory_space<semaphore_mem>>) src(%dma_wait3A_373 : memref<10000x16xf32, #tpu.memory_space<hbm>>) dst(%arg13 : memref<128x16xf32, #tpu.memory_space<vmem>>)
      %scan3A_374 = arith.constant 0 : i32
      %scan3A_375 = arith.constant 0 : i32
      %scan3A_376 = arith.constant 8 : i32
      %scan3A_377 = arith.addi %scan3A_375, %scan3A_376 : i32
      %scan3A_378 = arith.constant 1 : i32
      %scan3A_379 = scf.for %scan3A_465 = %scan3A_375 to %scan3A_377 step %scan3A_378 iter_args(%scan3A_466 = %scan3A_374) -> (i32)  : i32 {
        %mul3A_467 = arith.constant 16 : i32
        %mul3A_468 = arith.muli %mul3A_467, %scan3A_465 : i32
        %add3A_469 = vector.broadcast %mul3A_468 : i32 to vector<16xi32>
        %add3A_470 = arith.addi %iota3A, %add3A_469 : vector<16xi32>
        %mul3A_471 = arith.constant 128 : i32
        %mul3A_472 = arith.muli %add3A_356, %mul3A_471 : i32
        %mul3A_473 = arith.constant 16 : i32
        %mul3A_474 = arith.muli %mul3A_473, %scan3A_465 : i32
        %add3A_475 = arith.addi %mul3A_472, %mul3A_474 : i32
        %get3A = arith.index_cast %add3A_475 : i32 to index
        %get3A_476 = tpu.vector_load %arg9[%get3A] {strides = array<i32>} : memref<10240xi32, #tpu.memory_space<vmem>>, vector<16xi32>,
        %broadcast_in_dim3A = arith.constant 64 : i32
        %broadcast_in_dim3A_477 = vector.broadcast %broadcast_in_dim3A : i32 to vector<16xi32>
        %gather3A = tpu.vector_load_idx %arg11[%add3A_470, %broadcast_in_dim3A_477] : memref<128x72xf32, #tpu.memory_space<vmem>>[vector<16xi32>, vector<16xi32>], vector<16xf32>,
        %broadcast_in_dim3A_478 = arith.constant 8 : i32
        %broadcast_in_dim3A_479 = vector.broadcast %broadcast_in_dim3A_478 : i32 to vector<16xi32>
        %gather3A_480 = tpu.vector_load_idx %arg13[%add3A_470, %broadcast_in_dim3A_479] : memref<128x16xf32, #tpu.memory_space<vmem>>[vector<16xi32>, vector<16xi32>], vector<16xf32>,
        %add3A_481 = arith.addf %gather3A, %gather3A_480 : vector<16xf32>
        %mul3A_482 = arith.constant 2.000000e-01 : f32
        %mul3A_483 = vector.broadcast %mul3A_482 : f32 to vector<16xf32>
        %mul3A_484 = arith.mulf %mul3A_483, %add3A_481 : vector<16xf32>
        %max3A = arith.maximumf %add3A_481, %mul3A_484 : vector<16xf32>
        %exp3A = math.exp %max3A : vector<16xf32>
        %mul3A_485 = arith.constant 16 : i32
        %mul3A_486 = arith.muli %mul3A_485, %scan3A_465 : i32
        %add3A_487 = arith.constant 0 : i32
        %add3A_488 = arith.addi %add3A_487, %mul3A_486 : i32
        %swap3A = arith.index_cast %add3A_488 : i32 to index
        %swap3A_489 = tpu.vector_load %arg17[%swap3A] {strides = array<i32>} : memref<1024xf32, #tpu.memory_space<vmem>>, vector<16xf32>,
        tpu.vector_store %arg17[%swap3A], %exp3A {strides = array<i32>} : memref<1024xf32, #tpu.memory_space<vmem>>, vector<16xf32>,
        %mul3A_490 = arith.constant 8 : i32
        %mul3A_491 = vector.broadcast %mul3A_490 : i32 to vector<16xi32>
        %mul3A_492 = arith.muli %get3A_476, %mul3A_491 : vector<16xi32>
        %add3A_493 = arith.constant 0 : i32
        %add3A_494 = vector.broadcast %add3A_493 : i32 to vector<16xi32>
        %add3A_495 = arith.addi %mul3A_492, %add3A_494 : vector<16xi32>
        %mul3A_496 = arith.constant 16 : i32
        %mul3A_497 = arith.muli %mul3A_496, %scan3A_465 : i32
        %swap3A_498 = arith.constant 0 : i32
        %swap3A_499 = arith.index_cast %swap3A_498 : i32 to index
        %swap3A_500 = arith.index_cast %mul3A_497 : i32 to index
        %swap3A_501 = tpu.vector_load %arg19[%swap3A_499, %swap3A_500] {strides = array<i32>} : memref<8x128xi32, #tpu.memory_space<vmem>>, vector<16xi32>,
        tpu.vector_store %arg19[%swap3A_499, %swap3A_500], %add3A_495 {strides = array<i32>} : memref<8x128xi32, #tpu.memory_space<vmem>>, vector<16xi32>,
        %broadcast_in_dim3A_502 = arith.constant 65 : i32
        %broadcast_in_dim3A_503 = vector.broadcast %broadcast_in_dim3A_502 : i32 to vector<16xi32>
        %gather3A_504 = tpu.vector_load_idx %arg11[%add3A_470, %broadcast_in_dim3A_503] : memref<128x72xf32, #tpu.memory_space<vmem>>[vector<16xi32>, vector<16xi32>], vector<16xf32>,
        %broadcast_in_dim3A_505 = arith.constant 9 : i32
        %broadcast_in_dim3A_506 = vector.broadcast %broadcast_in_dim3A_505 : i32 to vector<16xi32>
        %gather3A_507 = tpu.vector_load_idx %arg13[%add3A_470, %broadcast_in_dim3A_506] : memref<128x16xf32, #tpu.memory_space<vmem>>[vector<16xi32>, vector<16xi32>], vector<16xf32>,
        %add3A_508 = arith.addf %gather3A_504, %gather3A_507 : vector<16xf32>
        %mul3A_509 = arith.constant 2.000000e-01 : f32
        %mul3A_510 = vector.broadcast %mul3A_509 : f32 to vector<16xf32>
        %mul3A_511 = arith.mulf %mul3A_510, %add3A_508 : vector<16xf32>
        %max3A_512 = arith.maximumf %add3A_508, %mul3A_511 : vector<16xf32>
        %exp3A_513 = math.exp %max3A_512 : vector<16xf32>
        %mul3A_514 = arith.constant 16 : i32
        %mul3A_515 = arith.muli %mul3A_514, %scan3A_465 : i32
        %add3A_516 = arith.constant 128 : i32
        %add3A_517 = arith.addi %add3A_516, %mul3A_515 : i32
        %swap3A_518 = arith.index_cast %add3A_517 : i32 to index
        %swap3A_519 = tpu.vector_load %arg17[%swap3A_518] {strides = array<i32>} : memref<1024xf32, #tpu.memory_space<vmem>>, vector<16xf32>,
        tpu.vector_store %arg17[%swap3A_518], %exp3A_513 {strides = array<i32>} : memref<1024xf32, #tpu.memory_space<vmem>>, vector<16xf32>,
        %mul3A_520 = arith.constant 8 : i32
        %mul3A_521 = vector.broadcast %mul3A_520 : i32 to vector<16xi32>
        %mul3A_522 = arith.muli %get3A_476, %mul3A_521 : vector<16xi32>
        %add3A_523 = arith.constant 1 : i32
        %add3A_524 = vector.broadcast %add3A_523 : i32 to vector<16xi32>
        %add3A_525 = arith.addi %mul3A_522, %add3A_524 : vector<16xi32>
        %mul3A_526 = arith.constant 16 : i32
        %mul3A_527 = arith.muli %mul3A_526, %scan3A_465 : i32
        %swap3A_528 = arith.constant 1 : i32
        %swap3A_529 = arith.index_cast %swap3A_528 : i32 to index
        %swap3A_530 = arith.index_cast %mul3A_527 : i32 to index
        %swap3A_531 = tpu.vector_load %arg19[%swap3A_529, %swap3A_530] {strides = array<i32>} : memref<8x128xi32, #tpu.memory_space<vmem>>, vector<16xi32>,
        tpu.vector_store %arg19[%swap3A_529, %swap3A_530], %add3A_525 {strides = array<i32>} : memref<8x128xi32, #tpu.memory_space<vmem>>, vector<16xi32>,
        %broadcast_in_dim3A_532 = arith.constant 66 : i32
        %broadcast_in_dim3A_533 = vector.broadcast %broadcast_in_dim3A_532 : i32 to vector<16xi32>
        %gather3A_534 = tpu.vector_load_idx %arg11[%add3A_470, %broadcast_in_dim3A_533] : memref<128x72xf32, #tpu.memory_space<vmem>>[vector<16xi32>, vector<16xi32>], vector<16xf32>,
        %broadcast_in_dim3A_535 = arith.constant 10 : i32
        %broadcast_in_dim3A_536 = vector.broadcast %broadcast_in_dim3A_535 : i32 to vector<16xi32>
        %gather3A_537 = tpu.vector_load_idx %arg13[%add3A_470, %broadcast_in_dim3A_536] : memref<128x16xf32, #tpu.memory_space<vmem>>[vector<16xi32>, vector<16xi32>], vector<16xf32>,
        %add3A_538 = arith.addf %gather3A_534, %gather3A_537 : vector<16xf32>
        %mul3A_539 = arith.constant 2.000000e-01 : f32
        %mul3A_540 = vector.broadcast %mul3A_539 : f32 to vector<16xf32>
        %mul3A_541 = arith.mulf %mul3A_540, %add3A_538 : vector<16xf32>
        %max3A_542 = arith.maximumf %add3A_538, %mul3A_541 : vector<16xf32>
        %exp3A_543 = math.exp %max3A_542 : vector<16xf32>
        %mul3A_544 = arith.constant 16 : i32
        %mul3A_545 = arith.muli %mul3A_544, %scan3A_465 : i32
        %add3A_546 = arith.constant 256 : i32
        %add3A_547 = arith.addi %add3A_546, %mul3A_545 : i32
        %swap3A_548 = arith.index_cast %add3A_547 : i32 to index
        %swap3A_549 = tpu.vector_load %arg17[%swap3A_548] {strides = array<i32>} : memref<1024xf32, #tpu.memory_space<vmem>>, vector<16xf32>,
        tpu.vector_store %arg17[%swap3A_548], %exp3A_543 {strides = array<i32>} : memref<1024xf32, #tpu.memory_space<vmem>>, vector<16xf32>,
        %mul3A_550 = arith.constant 8 : i32
        %mul3A_551 = vector.broadcast %mul3A_550 : i32 to vector<16xi32>
        %mul3A_552 = arith.muli %get3A_476, %mul3A_551 : vector<16xi32>
        %add3A_553 = arith.constant 2 : i32
        %add3A_554 = vector.broadcast %add3A_553 : i32 to vector<16xi32>
        %add3A_555 = arith.addi %mul3A_552, %add3A_554 : vector<16xi32>
        %mul3A_556 = arith.constant 16 : i32
        %mul3A_557 = arith.muli %mul3A_556, %scan3A_465 : i32
        %swap3A_558 = arith.constant 2 : i32
        %swap3A_559 = arith.index_cast %swap3A_558 : i32 to index
        %swap3A_560 = arith.index_cast %mul3A_557 : i32 to index
        %swap3A_561 = tpu.vector_load %arg19[%swap3A_559, %swap3A_560] {strides = array<i32>} : memref<8x128xi32, #tpu.memory_space<vmem>>, vector<16xi32>,
        tpu.vector_store %arg19[%swap3A_559, %swap3A_560], %add3A_555 {strides = array<i32>} : memref<8x128xi32, #tpu.memory_space<vmem>>, vector<16xi32>,
        %broadcast_in_dim3A_562 = arith.constant 67 : i32
        %broadcast_in_dim3A_563 = vector.broadcast %broadcast_in_dim3A_562 : i32 to vector<16xi32>
        %gather3A_564 = tpu.vector_load_idx %arg11[%add3A_470, %broadcast_in_dim3A_563] : memref<128x72xf32, #tpu.memory_space<vmem>>[vector<16xi32>, vector<16xi32>], vector<16xf32>,
        %broadcast_in_dim3A_565 = arith.constant 11 : i32
        %broadcast_in_dim3A_566 = vector.broadcast %broadcast_in_dim3A_565 : i32 to vector<16xi32>
        %gather3A_567 = tpu.vector_load_idx %arg13[%add3A_470, %broadcast_in_dim3A_566] : memref<128x16xf32, #tpu.memory_space<vmem>>[vector<16xi32>, vector<16xi32>], vector<16xf32>,
        %add3A_568 = arith.addf %gather3A_564, %gather3A_567 : vector<16xf32>
        %mul3A_569 = arith.constant 2.000000e-01 : f32
        %mul3A_570 = vector.broadcast %mul3A_569 : f32 to vector<16xf32>
        %mul3A_571 = arith.mulf %mul3A_570, %add3A_568 : vector<16xf32>
        %max3A_572 = arith.maximumf %add3A_568, %mul3A_571 : vector<16xf32>
        %exp3A_573 = math.exp %max3A_572 : vector<16xf32>
        %mul3A_574 = arith.constant 16 : i32
        %mul3A_575 = arith.muli %mul3A_574, %scan3A_465 : i32
        %add3A_576 = arith.constant 384 : i32
        %add3A_577 = arith.addi %add3A_576, %mul3A_575 : i32
        %swap3A_578 = arith.index_cast %add3A_577 : i32 to index
        %swap3A_579 = tpu.vector_load %arg17[%swap3A_578] {strides = array<i32>} : memref<1024xf32, #tpu.memory_space<vmem>>, vector<16xf32>,
        tpu.vector_store %arg17[%swap3A_578], %exp3A_573 {strides = array<i32>} : memref<1024xf32, #tpu.memory_space<vmem>>, vector<16xf32>,
        %mul3A_580 = arith.constant 8 : i32
        %mul3A_581 = vector.broadcast %mul3A_580 : i32 to vector<16xi32>
        %mul3A_582 = arith.muli %get3A_476, %mul3A_581 : vector<16xi32>
        %add3A_583 = arith.constant 3 : i32
        %add3A_584 = vector.broadcast %add3A_583 : i32 to vector<16xi32>
        %add3A_585 = arith.addi %mul3A_582, %add3A_584 : vector<16xi32>
        %mul3A_586 = arith.constant 16 : i32
        %mul3A_587 = arith.muli %mul3A_586, %scan3A_465 : i32
        %swap3A_588 = arith.constant 3 : i32
        %swap3A_589 = arith.index_cast %swap3A_588 : i32 to index
        %swap3A_590 = arith.index_cast %mul3A_587 : i32 to index
        %swap3A_591 = tpu.vector_load %arg19[%swap3A_589, %swap3A_590] {strides = array<i32>} : memref<8x128xi32, #tpu.memory_space<vmem>>, vector<16xi32>,
        tpu.vector_store %arg19[%swap3A_589, %swap3A_590], %add3A_585 {strides = array<i32>} : memref<8x128xi32, #tpu.memory_space<vmem>>, vector<16xi32>,
        %broadcast_in_dim3A_592 = arith.constant 68 : i32
        %broadcast_in_dim3A_593 = vector.broadcast %broadcast_in_dim3A_592 : i32 to vector<16xi32>
        %gather3A_594 = tpu.vector_load_idx %arg11[%add3A_470, %broadcast_in_dim3A_593] : memref<128x72xf32, #tpu.memory_space<vmem>>[vector<16xi32>, vector<16xi32>], vector<16xf32>,
        %broadcast_in_dim3A_595 = arith.constant 12 : i32
        %broadcast_in_dim3A_596 = vector.broadcast %broadcast_in_dim3A_595 : i32 to vector<16xi32>
        %gather3A_597 = tpu.vector_load_idx %arg13[%add3A_470, %broadcast_in_dim3A_596] : memref<128x16xf32, #tpu.memory_space<vmem>>[vector<16xi32>, vector<16xi32>], vector<16xf32>,
        %add3A_598 = arith.addf %gather3A_594, %gather3A_597 : vector<16xf32>
        %mul3A_599 = arith.constant 2.000000e-01 : f32
        %mul3A_600 = vector.broadcast %mul3A_599 : f32 to vector<16xf32>
        %mul3A_601 = arith.mulf %mul3A_600, %add3A_598 : vector<16xf32>
        %max3A_602 = arith.maximumf %add3A_598, %mul3A_601 : vector<16xf32>
        %exp3A_603 = math.exp %max3A_602 : vector<16xf32>
        %mul3A_604 = arith.constant 16 : i32
        %mul3A_605 = arith.muli %mul3A_604, %scan3A_465 : i32
        %add3A_606 = arith.constant 512 : i32
        %add3A_607 = arith.addi %add3A_606, %mul3A_605 : i32
        %swap3A_608 = arith.index_cast %add3A_607 : i32 to index
        %swap3A_609 = tpu.vector_load %arg17[%swap3A_608] {strides = array<i32>} : memref<1024xf32, #tpu.memory_space<vmem>>, vector<16xf32>,
        tpu.vector_store %arg17[%swap3A_608], %exp3A_603 {strides = array<i32>} : memref<1024xf32, #tpu.memory_space<vmem>>, vector<16xf32>,
        %mul3A_610 = arith.constant 8 : i32
        %mul3A_611 = vector.broadcast %mul3A_610 : i32 to vector<16xi32>
        %mul3A_612 = arith.muli %get3A_476, %mul3A_611 : vector<16xi32>
        %add3A_613 = arith.constant 4 : i32
        %add3A_614 = vector.broadcast %add3A_613 : i32 to vector<16xi32>
        %add3A_615 = arith.addi %mul3A_612, %add3A_614 : vector<16xi32>
        %mul3A_616 = arith.constant 16 : i32
        %mul3A_617 = arith.muli %mul3A_616, %scan3A_465 : i32
        %swap3A_618 = arith.constant 4 : i32
        %swap3A_619 = arith.index_cast %swap3A_618 : i32 to index
        %swap3A_620 = arith.index_cast %mul3A_617 : i32 to index
        %swap3A_621 = tpu.vector_load %arg19[%swap3A_619, %swap3A_620] {strides = array<i32>} : memref<8x128xi32, #tpu.memory_space<vmem>>, vector<16xi32>,
        tpu.vector_store %arg19[%swap3A_619, %swap3A_620], %add3A_615 {strides = array<i32>} : memref<8x128xi32, #tpu.memory_space<vmem>>, vector<16xi32>,
        %broadcast_in_dim3A_622 = arith.constant 69 : i32
        %broadcast_in_dim3A_623 = vector.broadcast %broadcast_in_dim3A_622 : i32 to vector<16xi32>
        %gather3A_624 = tpu.vector_load_idx %arg11[%add3A_470, %broadcast_in_dim3A_623] : memref<128x72xf32, #tpu.memory_space<vmem>>[vector<16xi32>, vector<16xi32>], vector<16xf32>,
        %broadcast_in_dim3A_625 = arith.constant 13 : i32
        %broadcast_in_dim3A_626 = vector.broadcast %broadcast_in_dim3A_625 : i32 to vector<16xi32>
        %gather3A_627 = tpu.vector_load_idx %arg13[%add3A_470, %broadcast_in_dim3A_626] : memref<128x16xf32, #tpu.memory_space<vmem>>[vector<16xi32>, vector<16xi32>], vector<16xf32>,
        %add3A_628 = arith.addf %gather3A_624, %gather3A_627 : vector<16xf32>
        %mul3A_629 = arith.constant 2.000000e-01 : f32
        %mul3A_630 = vector.broadcast %mul3A_629 : f32 to vector<16xf32>
        %mul3A_631 = arith.mulf %mul3A_630, %add3A_628 : vector<16xf32>
        %max3A_632 = arith.maximumf %add3A_628, %mul3A_631 : vector<16xf32>
        %exp3A_633 = math.exp %max3A_632 : vector<16xf32>
        %mul3A_634 = arith.constant 16 : i32
        %mul3A_635 = arith.muli %mul3A_634, %scan3A_465 : i32
        %add3A_636 = arith.constant 640 : i32
        %add3A_637 = arith.addi %add3A_636, %mul3A_635 : i32
        %swap3A_638 = arith.index_cast %add3A_637 : i32 to index
        %swap3A_639 = tpu.vector_load %arg17[%swap3A_638] {strides = array<i32>} : memref<1024xf32, #tpu.memory_space<vmem>>, vector<16xf32>,
        tpu.vector_store %arg17[%swap3A_638], %exp3A_633 {strides = array<i32>} : memref<1024xf32, #tpu.memory_space<vmem>>, vector<16xf32>,
        %mul3A_640 = arith.constant 8 : i32
        %mul3A_641 = vector.broadcast %mul3A_640 : i32 to vector<16xi32>
        %mul3A_642 = arith.muli %get3A_476, %mul3A_641 : vector<16xi32>
        %add3A_643 = arith.constant 5 : i32
        %add3A_644 = vector.broadcast %add3A_643 : i32 to vector<16xi32>
        %add3A_645 = arith.addi %mul3A_642, %add3A_644 : vector<16xi32>
        %mul3A_646 = arith.constant 16 : i32
        %mul3A_647 = arith.muli %mul3A_646, %scan3A_465 : i32
        %swap3A_648 = arith.constant 5 : i32
        %swap3A_649 = arith.index_cast %swap3A_648 : i32 to index
        %swap3A_650 = arith.index_cast %mul3A_647 : i32 to index
        %swap3A_651 = tpu.vector_load %arg19[%swap3A_649, %swap3A_650] {strides = array<i32>} : memref<8x128xi32, #tpu.memory_space<vmem>>, vector<16xi32>,
        tpu.vector_store %arg19[%swap3A_649, %swap3A_650], %add3A_645 {strides = array<i32>} : memref<8x128xi32, #tpu.memory_space<vmem>>, vector<16xi32>,
        %broadcast_in_dim3A_652 = arith.constant 70 : i32
        %broadcast_in_dim3A_653 = vector.broadcast %broadcast_in_dim3A_652 : i32 to vector<16xi32>
        %gather3A_654 = tpu.vector_load_idx %arg11[%add3A_470, %broadcast_in_dim3A_653] : memref<128x72xf32, #tpu.memory_space<vmem>>[vector<16xi32>, vector<16xi32>], vector<16xf32>,
        %broadcast_in_dim3A_655 = arith.constant 14 : i32
        %broadcast_in_dim3A_656 = vector.broadcast %broadcast_in_dim3A_655 : i32 to vector<16xi32>
        %gather3A_657 = tpu.vector_load_idx %arg13[%add3A_470, %broadcast_in_dim3A_656] : memref<128x16xf32, #tpu.memory_space<vmem>>[vector<16xi32>, vector<16xi32>], vector<16xf32>,
        %add3A_658 = arith.addf %gather3A_654, %gather3A_657 : vector<16xf32>
        %mul3A_659 = arith.constant 2.000000e-01 : f32
        %mul3A_660 = vector.broadcast %mul3A_659 : f32 to vector<16xf32>
        %mul3A_661 = arith.mulf %mul3A_660, %add3A_658 : vector<16xf32>
        %max3A_662 = arith.maximumf %add3A_658, %mul3A_661 : vector<16xf32>
        %exp3A_663 = math.exp %max3A_662 : vector<16xf32>
        %mul3A_664 = arith.constant 16 : i32
        %mul3A_665 = arith.muli %mul3A_664, %scan3A_465 : i32
        %add3A_666 = arith.constant 768 : i32
        %add3A_667 = arith.addi %add3A_666, %mul3A_665 : i32
        %swap3A_668 = arith.index_cast %add3A_667 : i32 to index
        %swap3A_669 = tpu.vector_load %arg17[%swap3A_668] {strides = array<i32>} : memref<1024xf32, #tpu.memory_space<vmem>>, vector<16xf32>,
        tpu.vector_store %arg17[%swap3A_668], %exp3A_663 {strides = array<i32>} : memref<1024xf32, #tpu.memory_space<vmem>>, vector<16xf32>,
        %mul3A_670 = arith.constant 8 : i32
        %mul3A_671 = vector.broadcast %mul3A_670 : i32 to vector<16xi32>
        %mul3A_672 = arith.muli %get3A_476, %mul3A_671 : vector<16xi32>
        %add3A_673 = arith.constant 6 : i32
        %add3A_674 = vector.broadcast %add3A_673 : i32 to vector<16xi32>
        %add3A_675 = arith.addi %mul3A_672, %add3A_674 : vector<16xi32>
        %mul3A_676 = arith.constant 16 : i32
        %mul3A_677 = arith.muli %mul3A_676, %scan3A_465 : i32
        %swap3A_678 = arith.constant 6 : i32
        %swap3A_679 = arith.index_cast %swap3A_678 : i32 to index
        %swap3A_680 = arith.index_cast %mul3A_677 : i32 to index
        %swap3A_681 = tpu.vector_load %arg19[%swap3A_679, %swap3A_680] {strides = array<i32>} : memref<8x128xi32, #tpu.memory_space<vmem>>, vector<16xi32>,
        tpu.vector_store %arg19[%swap3A_679, %swap3A_680], %add3A_675 {strides = array<i32>} : memref<8x128xi32, #tpu.memory_space<vmem>>, vector<16xi32>,
        %broadcast_in_dim3A_682 = arith.constant 71 : i32
        %broadcast_in_dim3A_683 = vector.broadcast %broadcast_in_dim3A_682 : i32 to vector<16xi32>
        %gather3A_684 = tpu.vector_load_idx %arg11[%add3A_470, %broadcast_in_dim3A_683] : memref<128x72xf32, #tpu.memory_space<vmem>>[vector<16xi32>, vector<16xi32>], vector<16xf32>,
        %broadcast_in_dim3A_685 = arith.constant 15 : i32
        %broadcast_in_dim3A_686 = vector.broadcast %broadcast_in_dim3A_685 : i32 to vector<16xi32>
        %gather3A_687 = tpu.vector_load_idx %arg13[%add3A_470, %broadcast_in_dim3A_686] : memref<128x16xf32, #tpu.memory_space<vmem>>[vector<16xi32>, vector<16xi32>], vector<16xf32>,
        %add3A_688 = arith.addf %gather3A_684, %gather3A_687 : vector<16xf32>
        %mul3A_689 = arith.constant 2.000000e-01 : f32
        %mul3A_690 = vector.broadcast %mul3A_689 : f32 to vector<16xf32>
        %mul3A_691 = arith.mulf %mul3A_690, %add3A_688 : vector<16xf32>
        %max3A_692 = arith.maximumf %add3A_688, %mul3A_691 : vector<16xf32>
        %exp3A_693 = math.exp %max3A_692 : vector<16xf32>
        %mul3A_694 = arith.constant 16 : i32
        %mul3A_695 = arith.muli %mul3A_694, %scan3A_465 : i32
        %add3A_696 = arith.constant 896 : i32
        %add3A_697 = arith.addi %add3A_696, %mul3A_695 : i32
        %swap3A_698 = arith.index_cast %add3A_697 : i32 to index
        %swap3A_699 = tpu.vector_load %arg17[%swap3A_698] {strides = array<i32>} : memref<1024xf32, #tpu.memory_space<vmem>>, vector<16xf32>,
        tpu.vector_store %arg17[%swap3A_698], %exp3A_693 {strides = array<i32>} : memref<1024xf32, #tpu.memory_space<vmem>>, vector<16xf32>,
        %mul3A_700 = arith.constant 8 : i32
        %mul3A_701 = vector.broadcast %mul3A_700 : i32 to vector<16xi32>
        %mul3A_702 = arith.muli %get3A_476, %mul3A_701 : vector<16xi32>
        %add3A_703 = arith.constant 7 : i32
        %add3A_704 = vector.broadcast %add3A_703 : i32 to vector<16xi32>
        %add3A_705 = arith.addi %mul3A_702, %add3A_704 : vector<16xi32>
        %mul3A_706 = arith.constant 16 : i32
        %mul3A_707 = arith.muli %mul3A_706, %scan3A_465 : i32
        %swap3A_708 = arith.constant 7 : i32
        %swap3A_709 = arith.index_cast %swap3A_708 : i32 to index
        %swap3A_710 = arith.index_cast %mul3A_707 : i32 to index
        %swap3A_711 = tpu.vector_load %arg19[%swap3A_709, %swap3A_710] {strides = array<i32>} : memref<8x128xi32, #tpu.memory_space<vmem>>, vector<16xi32>,
        tpu.vector_store %arg19[%swap3A_709, %swap3A_710], %add3A_705 {strides = array<i32>} : memref<8x128xi32, #tpu.memory_space<vmem>>, vector<16xi32>,
        %scan3A_712 = arith.constant 0 : i32
        scf.yield %scan3A_712 : i32
      }
      %scan3A_380 = arith.constant 8 : i32
      %scan3A_381 = arith.constant 0 : i32
      %scan3A_382 = arith.constant 0 : i32
      %scan3A_383 = arith.constant 128 : i32
      %scan3A_384 = arith.addi %scan3A_382, %scan3A_383 : i32
      %scan3A_385 = arith.constant 1 : i32
      %scan3A_386 = scf.for %scan3A_465 = %scan3A_382 to %scan3A_384 step %scan3A_385 iter_args(%scan3A_466 = %scan3A_381) -> (i32)  : i32 {
        %get3A = arith.index_cast %scan3A_465 : i32 to index
        %get3A_467 = arith.constant 0 : index
        %get3A_468 = tpu.vector_load %arg11[%get3A, %get3A_467] {strides = array<i32>} : memref<128x72xf32, #tpu.memory_space<vmem>>, vector<16xf32>,
        %jit3A_469 = arith.constant 8 : i32
        %div3A_470 = vector.broadcast %jit3A_469 : i32 to vector<16xi32>
        %div3A_471 = arith.divsi %iota3A, %div3A_470 : vector<16xi32>
        %sign3A_472 = arith.constant 0 : i32
        %sign3A_473 = vector.broadcast %sign3A_472 : i32 to vector<16xi32>
        %sign3A_474 = arith.cmpi sgt, %iota3A, %sign3A_473 : vector<16xi32>
        %sign3A_475 = arith.extui %sign3A_474 : vector<16xi1> to vector<16xi32>
        %sign3A_476 = arith.constant 0 : i32
        %sign3A_477 = vector.broadcast %sign3A_476 : i32 to vector<16xi32>
        %sign3A_478 = arith.cmpi slt, %iota3A, %sign3A_477 : vector<16xi32>
        %sign3A_479 = arith.extui %sign3A_478 : vector<16xi1> to vector<16xi32>
        %sign3A_480 = arith.subi %sign3A_475, %sign3A_479 : vector<16xi32>
        %sign3A_481 = arith.constant 0 : i32
        %sign3A_482 = arith.cmpi sgt, %jit3A_469, %sign3A_481 : i32
        %sign3A_483 = arith.extui %sign3A_482 : i1 to i32
        %sign3A_484 = arith.constant 0 : i32
        %sign3A_485 = arith.cmpi slt, %jit3A_469, %sign3A_484 : i32
        %sign3A_486 = arith.extui %sign3A_485 : i1 to i32
        %sign3A_487 = arith.subi %sign3A_483, %sign3A_486 : i32
        %ne3A_488 = vector.broadcast %sign3A_487 : i32 to vector<16xi32>
        %ne3A_489 = arith.cmpi ne, %sign3A_480, %ne3A_488 : vector<16xi32>
        %rem3A_490 = vector.broadcast %jit3A_469 : i32 to vector<16xi32>
        %rem3A_491 = arith.remsi %iota3A, %rem3A_490 : vector<16xi32>
        %ne3A_492 = arith.constant 0 : i32
        %ne3A_493 = vector.broadcast %ne3A_492 : i32 to vector<16xi32>
        %ne3A_494 = arith.cmpi ne, %rem3A_491, %ne3A_493 : vector<16xi32>
        %and3A_495 = arith.andi %ne3A_489, %ne3A_494 : vector<16xi1>
        %sub3A_496 = arith.constant 1 : i32
        %sub3A_497 = vector.broadcast %sub3A_496 : i32 to vector<16xi32>
        %sub3A_498 = arith.subi %div3A_471, %sub3A_497 : vector<16xi32>
        %select_n3A_499 = arith.select %and3A_495, %sub3A_498, %div3A_471 : vector<16xi1>, vector<16xi32>
        %add3A_500 = arith.constant 0 : i32
        %add3A_501 = vector.broadcast %add3A_500 : i32 to vector<16xi32>
        %add3A_502 = arith.addi %add3A_501, %select_n3A_499 : vector<16xi32>
        %mul3A_503 = arith.constant 128 : i32
        %mul3A_504 = vector.broadcast %mul3A_503 : i32 to vector<16xi32>
        %mul3A_505 = arith.muli %add3A_502, %mul3A_504 : vector<16xi32>
        %add3A_506 = vector.broadcast %scan3A_465 : i32 to vector<16xi32>
        %add3A_507 = arith.addi %mul3A_505, %add3A_506 : vector<16xi32>
        %gather3A = tpu.vector_load_idx %arg17[%add3A_507] : memref<1024xf32, #tpu.memory_space<vmem>>[vector<16xi32>], vector<16xf32>,
        %mul3A_508 = arith.mulf %get3A_468, %gather3A : vector<16xf32>
        %swap3A = arith.index_cast %scan3A_465 : i32 to index
        %swap3A_509 = arith.constant 0 : index
        %swap3A_510 = tpu.vector_load %arg15[%swap3A, %swap3A_509] {strides = array<i32>} : memref<128x64xf32, #tpu.memory_space<vmem>>, vector<16xf32>,
        tpu.vector_store %arg15[%swap3A, %swap3A_509], %mul3A_508 {strides = array<i32>} : memref<128x64xf32, #tpu.memory_space<vmem>>, vector<16xf32>,
        %get3A_511 = arith.index_cast %scan3A_465 : i32 to index
        %get3A_512 = arith.constant 16 : index
        %get3A_513 = tpu.vector_load %arg11[%get3A_511, %get3A_512] {strides = array<i32>} : memref<128x72xf32, #tpu.memory_space<vmem>>, vector<16xf32>,
        %jit3A_514 = arith.constant 8 : i32
        %div3A_515 = vector.broadcast %jit3A_514 : i32 to vector<16xi32>
        %div3A_516 = arith.divsi %iota3A, %div3A_515 : vector<16xi32>
        %sign3A_517 = arith.constant 0 : i32
        %sign3A_518 = vector.broadcast %sign3A_517 : i32 to vector<16xi32>
        %sign3A_519 = arith.cmpi sgt, %iota3A, %sign3A_518 : vector<16xi32>
        %sign3A_520 = arith.extui %sign3A_519 : vector<16xi1> to vector<16xi32>
        %sign3A_521 = arith.constant 0 : i32
        %sign3A_522 = vector.broadcast %sign3A_521 : i32 to vector<16xi32>
        %sign3A_523 = arith.cmpi slt, %iota3A, %sign3A_522 : vector<16xi32>
        %sign3A_524 = arith.extui %sign3A_523 : vector<16xi1> to vector<16xi32>
        %sign3A_525 = arith.subi %sign3A_520, %sign3A_524 : vector<16xi32>
        %sign3A_526 = arith.constant 0 : i32
        %sign3A_527 = arith.cmpi sgt, %jit3A_514, %sign3A_526 : i32
        %sign3A_528 = arith.extui %sign3A_527 : i1 to i32
        %sign3A_529 = arith.constant 0 : i32
        %sign3A_530 = arith.cmpi slt, %jit3A_514, %sign3A_529 : i32
        %sign3A_531 = arith.extui %sign3A_530 : i1 to i32
        %sign3A_532 = arith.subi %sign3A_528, %sign3A_531 : i32
        %ne3A_533 = vector.broadcast %sign3A_532 : i32 to vector<16xi32>
        %ne3A_534 = arith.cmpi ne, %sign3A_525, %ne3A_533 : vector<16xi32>
        %rem3A_535 = vector.broadcast %jit3A_514 : i32 to vector<16xi32>
        %rem3A_536 = arith.remsi %iota3A, %rem3A_535 : vector<16xi32>
        %ne3A_537 = arith.constant 0 : i32
        %ne3A_538 = vector.broadcast %ne3A_537 : i32 to vector<16xi32>
        %ne3A_539 = arith.cmpi ne, %rem3A_536, %ne3A_538 : vector<16xi32>
        %and3A_540 = arith.andi %ne3A_534, %ne3A_539 : vector<16xi1>
        %sub3A_541 = arith.constant 1 : i32
        %sub3A_542 = vector.broadcast %sub3A_541 : i32 to vector<16xi32>
        %sub3A_543 = arith.subi %div3A_516, %sub3A_542 : vector<16xi32>
        %select_n3A_544 = arith.select %and3A_540, %sub3A_543, %div3A_516 : vector<16xi1>, vector<16xi32>
        %add3A_545 = arith.constant 2 : i32
        %add3A_546 = vector.broadcast %add3A_545 : i32 to vector<16xi32>
        %add3A_547 = arith.addi %add3A_546, %select_n3A_544 : vector<16xi32>
        %mul3A_548 = arith.constant 128 : i32
        %mul3A_549 = vector.broadcast %mul3A_548 : i32 to vector<16xi32>
        %mul3A_550 = arith.muli %add3A_547, %mul3A_549 : vector<16xi32>
        %add3A_551 = vector.broadcast %scan3A_465 : i32 to vector<16xi32>
        %add3A_552 = arith.addi %mul3A_550, %add3A_551 : vector<16xi32>
        %gather3A_553 = tpu.vector_load_idx %arg17[%add3A_552] : memref<1024xf32, #tpu.memory_space<vmem>>[vector<16xi32>], vector<16xf32>,
        %mul3A_554 = arith.mulf %get3A_513, %gather3A_553 : vector<16xf32>
        %swap3A_555 = arith.index_cast %scan3A_465 : i32 to index
        %swap3A_556 = arith.constant 16 : index
        %swap3A_557 = tpu.vector_load %arg15[%swap3A_555, %swap3A_556] {strides = array<i32>} : memref<128x64xf32, #tpu.memory_space<vmem>>, vector<16xf32>,
        tpu.vector_store %arg15[%swap3A_555, %swap3A_556], %mul3A_554 {strides = array<i32>} : memref<128x64xf32, #tpu.memory_space<vmem>>, vector<16xf32>,
        %get3A_558 = arith.index_cast %scan3A_465 : i32 to index
        %get3A_559 = arith.constant 32 : index
        %get3A_560 = tpu.vector_load %arg11[%get3A_558, %get3A_559] {strides = array<i32>} : memref<128x72xf32, #tpu.memory_space<vmem>>, vector<16xf32>,
        %jit3A_561 = arith.constant 8 : i32
        %div3A_562 = vector.broadcast %jit3A_561 : i32 to vector<16xi32>
        %div3A_563 = arith.divsi %iota3A, %div3A_562 : vector<16xi32>
        %sign3A_564 = arith.constant 0 : i32
        %sign3A_565 = vector.broadcast %sign3A_564 : i32 to vector<16xi32>
        %sign3A_566 = arith.cmpi sgt, %iota3A, %sign3A_565 : vector<16xi32>
        %sign3A_567 = arith.extui %sign3A_566 : vector<16xi1> to vector<16xi32>
        %sign3A_568 = arith.constant 0 : i32
        %sign3A_569 = vector.broadcast %sign3A_568 : i32 to vector<16xi32>
        %sign3A_570 = arith.cmpi slt, %iota3A, %sign3A_569 : vector<16xi32>
        %sign3A_571 = arith.extui %sign3A_570 : vector<16xi1> to vector<16xi32>
        %sign3A_572 = arith.subi %sign3A_567, %sign3A_571 : vector<16xi32>
        %sign3A_573 = arith.constant 0 : i32
        %sign3A_574 = arith.cmpi sgt, %jit3A_561, %sign3A_573 : i32
        %sign3A_575 = arith.extui %sign3A_574 : i1 to i32
        %sign3A_576 = arith.constant 0 : i32
        %sign3A_577 = arith.cmpi slt, %jit3A_561, %sign3A_576 : i32
        %sign3A_578 = arith.extui %sign3A_577 : i1 to i32
        %sign3A_579 = arith.subi %sign3A_575, %sign3A_578 : i32
        %ne3A_580 = vector.broadcast %sign3A_579 : i32 to vector<16xi32>
        %ne3A_581 = arith.cmpi ne, %sign3A_572, %ne3A_580 : vector<16xi32>
        %rem3A_582 = vector.broadcast %jit3A_561 : i32 to vector<16xi32>
        %rem3A_583 = arith.remsi %iota3A, %rem3A_582 : vector<16xi32>
        %ne3A_584 = arith.constant 0 : i32
        %ne3A_585 = vector.broadcast %ne3A_584 : i32 to vector<16xi32>
        %ne3A_586 = arith.cmpi ne, %rem3A_583, %ne3A_585 : vector<16xi32>
        %and3A_587 = arith.andi %ne3A_581, %ne3A_586 : vector<16xi1>
        %sub3A_588 = arith.constant 1 : i32
        %sub3A_589 = vector.broadcast %sub3A_588 : i32 to vector<16xi32>
        %sub3A_590 = arith.subi %div3A_563, %sub3A_589 : vector<16xi32>
        %select_n3A_591 = arith.select %and3A_587, %sub3A_590, %div3A_563 : vector<16xi1>, vector<16xi32>
        %add3A_592 = arith.constant 4 : i32
        %add3A_593 = vector.broadcast %add3A_592 : i32 to vector<16xi32>
        %add3A_594 = arith.addi %add3A_593, %select_n3A_591 : vector<16xi32>
        %mul3A_595 = arith.constant 128 : i32
        %mul3A_596 = vector.broadcast %mul3A_595 : i32 to vector<16xi32>
        %mul3A_597 = arith.muli %add3A_594, %mul3A_596 : vector<16xi32>
        %add3A_598 = vector.broadcast %scan3A_465 : i32 to vector<16xi32>
        %add3A_599 = arith.addi %mul3A_597, %add3A_598 : vector<16xi32>
        %gather3A_600 = tpu.vector_load_idx %arg17[%add3A_599] : memref<1024xf32, #tpu.memory_space<vmem>>[vector<16xi32>], vector<16xf32>,
        %mul3A_601 = arith.mulf %get3A_560, %gather3A_600 : vector<16xf32>
        %swap3A_602 = arith.index_cast %scan3A_465 : i32 to index
        %swap3A_603 = arith.constant 32 : index
        %swap3A_604 = tpu.vector_load %arg15[%swap3A_602, %swap3A_603] {strides = array<i32>} : memref<128x64xf32, #tpu.memory_space<vmem>>, vector<16xf32>,
        tpu.vector_store %arg15[%swap3A_602, %swap3A_603], %mul3A_601 {strides = array<i32>} : memref<128x64xf32, #tpu.memory_space<vmem>>, vector<16xf32>,
        %get3A_605 = arith.index_cast %scan3A_465 : i32 to index
        %get3A_606 = arith.constant 48 : index
        %get3A_607 = tpu.vector_load %arg11[%get3A_605, %get3A_606] {strides = array<i32>} : memref<128x72xf32, #tpu.memory_space<vmem>>, vector<16xf32>,
        %jit3A_608 = arith.constant 8 : i32
        %div3A_609 = vector.broadcast %jit3A_608 : i32 to vector<16xi32>
        %div3A_610 = arith.divsi %iota3A, %div3A_609 : vector<16xi32>
        %sign3A_611 = arith.constant 0 : i32
        %sign3A_612 = vector.broadcast %sign3A_611 : i32 to vector<16xi32>
        %sign3A_613 = arith.cmpi sgt, %iota3A, %sign3A_612 : vector<16xi32>
        %sign3A_614 = arith.extui %sign3A_613 : vector<16xi1> to vector<16xi32>
        %sign3A_615 = arith.constant 0 : i32
        %sign3A_616 = vector.broadcast %sign3A_615 : i32 to vector<16xi32>
        %sign3A_617 = arith.cmpi slt, %iota3A, %sign3A_616 : vector<16xi32>
        %sign3A_618 = arith.extui %sign3A_617 : vector<16xi1> to vector<16xi32>
        %sign3A_619 = arith.subi %sign3A_614, %sign3A_618 : vector<16xi32>
        %sign3A_620 = arith.constant 0 : i32
        %sign3A_621 = arith.cmpi sgt, %jit3A_608, %sign3A_620 : i32
        %sign3A_622 = arith.extui %sign3A_621 : i1 to i32
        %sign3A_623 = arith.constant 0 : i32
        %sign3A_624 = arith.cmpi slt, %jit3A_608, %sign3A_623 : i32
        %sign3A_625 = arith.extui %sign3A_624 : i1 to i32
        %sign3A_626 = arith.subi %sign3A_622, %sign3A_625 : i32
        %ne3A_627 = vector.broadcast %sign3A_626 : i32 to vector<16xi32>
        %ne3A_628 = arith.cmpi ne, %sign3A_619, %ne3A_627 : vector<16xi32>
        %rem3A_629 = vector.broadcast %jit3A_608 : i32 to vector<16xi32>
        %rem3A_630 = arith.remsi %iota3A, %rem3A_629 : vector<16xi32>
        %ne3A_631 = arith.constant 0 : i32
        %ne3A_632 = vector.broadcast %ne3A_631 : i32 to vector<16xi32>
        %ne3A_633 = arith.cmpi ne, %rem3A_630, %ne3A_632 : vector<16xi32>
        %and3A_634 = arith.andi %ne3A_628, %ne3A_633 : vector<16xi1>
        %sub3A_635 = arith.constant 1 : i32
        %sub3A_636 = vector.broadcast %sub3A_635 : i32 to vector<16xi32>
        %sub3A_637 = arith.subi %div3A_610, %sub3A_636 : vector<16xi32>
        %select_n3A_638 = arith.select %and3A_634, %sub3A_637, %div3A_610 : vector<16xi1>, vector<16xi32>
        %add3A_639 = arith.constant 6 : i32
        %add3A_640 = vector.broadcast %add3A_639 : i32 to vector<16xi32>
        %add3A_641 = arith.addi %add3A_640, %select_n3A_638 : vector<16xi32>
        %mul3A_642 = arith.constant 128 : i32
        %mul3A_643 = vector.broadcast %mul3A_642 : i32 to vector<16xi32>
        %mul3A_644 = arith.muli %add3A_641, %mul3A_643 : vector<16xi32>
        %add3A_645 = vector.broadcast %scan3A_465 : i32 to vector<16xi32>
        %add3A_646 = arith.addi %mul3A_644, %add3A_645 : vector<16xi32>
        %gather3A_647 = tpu.vector_load_idx %arg17[%add3A_646] : memref<1024xf32, #tpu.memory_space<vmem>>[vector<16xi32>], vector<16xf32>,
        %mul3A_648 = arith.mulf %get3A_607, %gather3A_647 : vector<16xf32>
        %swap3A_649 = arith.index_cast %scan3A_465 : i32 to index
        %swap3A_650 = arith.constant 48 : index
        %swap3A_651 = tpu.vector_load %arg15[%swap3A_649, %swap3A_650] {strides = array<i32>} : memref<128x64xf32, #tpu.memory_space<vmem>>, vector<16xf32>,
        tpu.vector_store %arg15[%swap3A_649, %swap3A_650], %mul3A_648 {strides = array<i32>} : memref<128x64xf32, #tpu.memory_space<vmem>>, vector<16xf32>,
        %scan3A_652 = arith.constant 0 : i32
        scf.yield %scan3A_652 : i32
      }
      %scan3A_387 = arith.constant 128 : i32
      %mul3A_388 = arith.constant 128 : i32
      %mul3A_389 = arith.muli %add3A_356, %mul3A_388 : i32
      %dma_start3A_390 = tpu.memref_slice %arg9[%mul3A_389] : memref<10240xi32, #tpu.memory_space<vmem>> -> memref<128xi32, #tpu.memory_space<vmem>>
      %dma_start3A_391 = arith.constant 0 : i32
      %dma_start3A_392 = arith.constant 0 : i32
      %dma_start3A_393 = tpu.memref_slice %arg21[%dma_start3A_391, %dma_start3A_392] : memref<10000x64xf32, #tpu.memory_space<vmem_shared>> -> memref<10000x64xf32, #tpu.memory_space<vmem_shared>>
      tpu.enqueue_indirect_dma source(%arg15 : memref<128x64xf32, #tpu.memory_space<vmem>>) target(%dma_start3A_393 : memref<10000x64xf32, #tpu.memory_space<vmem_shared>>) offsets(%dma_start3A_390 : memref<128xi32, #tpu.memory_space<vmem>>) semaphore(%arg28 : memref<!tpu.dma_semaphore, #tpu.memory_space<semaphore_mem>>) {add = true}
      %dma_start3A_394 = arith.constant 0 : i32
      %dma_start3A_395 = arith.constant 0 : i32
      %dma_start3A_396 = tpu.memref_slice %arg17[%dma_start3A_395] : memref<1024xf32, #tpu.memory_space<vmem>> -> memref<128xf32, #tpu.memory_space<vmem>>
      %dma_start3A_397 = arith.constant 0 : i32
      %dma_start3A_398 = tpu.memref_slice %arg19[%dma_start3A_394, %dma_start3A_397] : memref<8x128xi32, #tpu.memory_space<vmem>> -> memref<1x128xi32, #tpu.memory_space<vmem>>
      %dma_start3A_399 = tpu.memref_squeeze %dma_start3A_398 : memref<1x128xi32, #tpu.memory_space<vmem>> -> memref<128xi32, #tpu.memory_space<vmem>>
      %dma_start3A_400 = arith.constant 0 : i32
      %dma_start3A_401 = tpu.memref_slice %arg22[%dma_start3A_400] : memref<80000xf32, #tpu.memory_space<vmem_shared>> -> memref<80000xf32, #tpu.memory_space<vmem_shared>>
      tpu.enqueue_indirect_dma source(%dma_start3A_396 : memref<128xf32, #tpu.memory_space<vmem>>) target(%dma_start3A_401 : memref<80000xf32, #tpu.memory_space<vmem_shared>>) offsets(%dma_start3A_399 : memref<128xi32, #tpu.memory_space<vmem>>) semaphore(%arg28 : memref<!tpu.dma_semaphore, #tpu.memory_space<semaphore_mem>>) {add = true}
      %dma_start3A_402 = arith.constant 1 : i32
      %dma_start3A_403 = arith.constant 128 : i32
      %dma_start3A_404 = tpu.memref_slice %arg17[%dma_start3A_403] : memref<1024xf32, #tpu.memory_space<vmem>> -> memref<128xf32, #tpu.memory_space<vmem>>
      %dma_start3A_405 = arith.constant 0 : i32
      %dma_start3A_406 = tpu.memref_slice %arg19[%dma_start3A_402, %dma_start3A_405] : memref<8x128xi32, #tpu.memory_space<vmem>> -> memref<1x128xi32, #tpu.memory_space<vmem>>
      %dma_start3A_407 = tpu.memref_squeeze %dma_start3A_406 : memref<1x128xi32, #tpu.memory_space<vmem>> -> memref<128xi32, #tpu.memory_space<vmem>>
      %dma_start3A_408 = arith.constant 0 : i32
      %dma_start3A_409 = tpu.memref_slice %arg22[%dma_start3A_408] : memref<80000xf32, #tpu.memory_space<vmem_shared>> -> memref<80000xf32, #tpu.memory_space<vmem_shared>>
      tpu.enqueue_indirect_dma source(%dma_start3A_404 : memref<128xf32, #tpu.memory_space<vmem>>) target(%dma_start3A_409 : memref<80000xf32, #tpu.memory_space<vmem_shared>>) offsets(%dma_start3A_407 : memref<128xi32, #tpu.memory_space<vmem>>) semaphore(%arg28 : memref<!tpu.dma_semaphore, #tpu.memory_space<semaphore_mem>>) {add = true}
      %dma_start3A_410 = arith.constant 2 : i32
      %dma_start3A_411 = arith.constant 256 : i32
      %dma_start3A_412 = tpu.memref_slice %arg17[%dma_start3A_411] : memref<1024xf32, #tpu.memory_space<vmem>> -> memref<128xf32, #tpu.memory_space<vmem>>
      %dma_start3A_413 = arith.constant 0 : i32
      %dma_start3A_414 = tpu.memref_slice %arg19[%dma_start3A_410, %dma_start3A_413] : memref<8x128xi32, #tpu.memory_space<vmem>> -> memref<1x128xi32, #tpu.memory_space<vmem>>
      %dma_start3A_415 = tpu.memref_squeeze %dma_start3A_414 : memref<1x128xi32, #tpu.memory_space<vmem>> -> memref<128xi32, #tpu.memory_space<vmem>>
      %dma_start3A_416 = arith.constant 0 : i32
      %dma_start3A_417 = tpu.memref_slice %arg22[%dma_start3A_416] : memref<80000xf32, #tpu.memory_space<vmem_shared>> -> memref<80000xf32, #tpu.memory_space<vmem_shared>>
      tpu.enqueue_indirect_dma source(%dma_start3A_412 : memref<128xf32, #tpu.memory_space<vmem>>) target(%dma_start3A_417 : memref<80000xf32, #tpu.memory_space<vmem_shared>>) offsets(%dma_start3A_415 : memref<128xi32, #tpu.memory_space<vmem>>) semaphore(%arg28 : memref<!tpu.dma_semaphore, #tpu.memory_space<semaphore_mem>>) {add = true}
      %dma_start3A_418 = arith.constant 3 : i32
      %dma_start3A_419 = arith.constant 384 : i32
      %dma_start3A_420 = tpu.memref_slice %arg17[%dma_start3A_419] : memref<1024xf32, #tpu.memory_space<vmem>> -> memref<128xf32, #tpu.memory_space<vmem>>
      %dma_start3A_421 = arith.constant 0 : i32
      %dma_start3A_422 = tpu.memref_slice %arg19[%dma_start3A_418, %dma_start3A_421] : memref<8x128xi32, #tpu.memory_space<vmem>> -> memref<1x128xi32, #tpu.memory_space<vmem>>
      %dma_start3A_423 = tpu.memref_squeeze %dma_start3A_422 : memref<1x128xi32, #tpu.memory_space<vmem>> -> memref<128xi32, #tpu.memory_space<vmem>>
      %dma_start3A_424 = arith.constant 0 : i32
      %dma_start3A_425 = tpu.memref_slice %arg22[%dma_start3A_424] : memref<80000xf32, #tpu.memory_space<vmem_shared>> -> memref<80000xf32, #tpu.memory_space<vmem_shared>>
      tpu.enqueue_indirect_dma source(%dma_start3A_420 : memref<128xf32, #tpu.memory_space<vmem>>) target(%dma_start3A_425 : memref<80000xf32, #tpu.memory_space<vmem_shared>>) offsets(%dma_start3A_423 : memref<128xi32, #tpu.memory_space<vmem>>) semaphore(%arg28 : memref<!tpu.dma_semaphore, #tpu.memory_space<semaphore_mem>>) {add = true}
      %dma_start3A_426 = arith.constant 4 : i32
      %dma_start3A_427 = arith.constant 512 : i32
      %dma_start3A_428 = tpu.memref_slice %arg17[%dma_start3A_427] : memref<1024xf32, #tpu.memory_space<vmem>> -> memref<128xf32, #tpu.memory_space<vmem>>
      %dma_start3A_429 = arith.constant 0 : i32
      %dma_start3A_430 = tpu.memref_slice %arg19[%dma_start3A_426, %dma_start3A_429] : memref<8x128xi32, #tpu.memory_space<vmem>> -> memref<1x128xi32, #tpu.memory_space<vmem>>
      %dma_start3A_431 = tpu.memref_squeeze %dma_start3A_430 : memref<1x128xi32, #tpu.memory_space<vmem>> -> memref<128xi32, #tpu.memory_space<vmem>>
      %dma_start3A_432 = arith.constant 0 : i32
      %dma_start3A_433 = tpu.memref_slice %arg22[%dma_start3A_432] : memref<80000xf32, #tpu.memory_space<vmem_shared>> -> memref<80000xf32, #tpu.memory_space<vmem_shared>>
      tpu.enqueue_indirect_dma source(%dma_start3A_428 : memref<128xf32, #tpu.memory_space<vmem>>) target(%dma_start3A_433 : memref<80000xf32, #tpu.memory_space<vmem_shared>>) offsets(%dma_start3A_431 : memref<128xi32, #tpu.memory_space<vmem>>) semaphore(%arg28 : memref<!tpu.dma_semaphore, #tpu.memory_space<semaphore_mem>>) {add = true}
      %dma_start3A_434 = arith.constant 5 : i32
      %dma_start3A_435 = arith.constant 640 : i32
      %dma_start3A_436 = tpu.memref_slice %arg17[%dma_start3A_435] : memref<1024xf32, #tpu.memory_space<vmem>> -> memref<128xf32, #tpu.memory_space<vmem>>
      %dma_start3A_437 = arith.constant 0 : i32
      %dma_start3A_438 = tpu.memref_slice %arg19[%dma_start3A_434, %dma_start3A_437] : memref<8x128xi32, #tpu.memory_space<vmem>> -> memref<1x128xi32, #tpu.memory_space<vmem>>
      %dma_start3A_439 = tpu.memref_squeeze %dma_start3A_438 : memref<1x128xi32, #tpu.memory_space<vmem>> -> memref<128xi32, #tpu.memory_space<vmem>>
      %dma_start3A_440 = arith.constant 0 : i32
      %dma_start3A_441 = tpu.memref_slice %arg22[%dma_start3A_440] : memref<80000xf32, #tpu.memory_space<vmem_shared>> -> memref<80000xf32, #tpu.memory_space<vmem_shared>>
      tpu.enqueue_indirect_dma source(%dma_start3A_436 : memref<128xf32, #tpu.memory_space<vmem>>) target(%dma_start3A_441 : memref<80000xf32, #tpu.memory_space<vmem_shared>>) offsets(%dma_start3A_439 : memref<128xi32, #tpu.memory_space<vmem>>) semaphore(%arg28 : memref<!tpu.dma_semaphore, #tpu.memory_space<semaphore_mem>>) {add = true}
      %dma_start3A_442 = arith.constant 6 : i32
      %dma_start3A_443 = arith.constant 768 : i32
      %dma_start3A_444 = tpu.memref_slice %arg17[%dma_start3A_443] : memref<1024xf32, #tpu.memory_space<vmem>> -> memref<128xf32, #tpu.memory_space<vmem>>
      %dma_start3A_445 = arith.constant 0 : i32
      %dma_start3A_446 = tpu.memref_slice %arg19[%dma_start3A_442, %dma_start3A_445] : memref<8x128xi32, #tpu.memory_space<vmem>> -> memref<1x128xi32, #tpu.memory_space<vmem>>
      %dma_start3A_447 = tpu.memref_squeeze %dma_start3A_446 : memref<1x128xi32, #tpu.memory_space<vmem>> -> memref<128xi32, #tpu.memory_space<vmem>>
      %dma_start3A_448 = arith.constant 0 : i32
      %dma_start3A_449 = tpu.memref_slice %arg22[%dma_start3A_448] : memref<80000xf32, #tpu.memory_space<vmem_shared>> -> memref<80000xf32, #tpu.memory_space<vmem_shared>>
      tpu.enqueue_indirect_dma source(%dma_start3A_444 : memref<128xf32, #tpu.memory_space<vmem>>) target(%dma_start3A_449 : memref<80000xf32, #tpu.memory_space<vmem_shared>>) offsets(%dma_start3A_447 : memref<128xi32, #tpu.memory_space<vmem>>) semaphore(%arg28 : memref<!tpu.dma_semaphore, #tpu.memory_space<semaphore_mem>>) {add = true}
      %dma_start3A_450 = arith.constant 7 : i32
      %dma_start3A_451 = arith.constant 896 : i32
      %dma_start3A_452 = tpu.memref_slice %arg17[%dma_start3A_451] : memref<1024xf32, #tpu.memory_space<vmem>> -> memref<128xf32, #tpu.memory_space<vmem>>
      %dma_start3A_453 = arith.constant 0 : i32
      %dma_start3A_454 = tpu.memref_slice %arg19[%dma_start3A_450, %dma_start3A_453] : memref<8x128xi32, #tpu.memory_space<vmem>> -> memref<1x128xi32, #tpu.memory_space<vmem>>
      %dma_start3A_455 = tpu.memref_squeeze %dma_start3A_454 : memref<1x128xi32, #tpu.memory_space<vmem>> -> memref<128xi32, #tpu.memory_space<vmem>>
      %dma_start3A_456 = arith.constant 0 : i32
      %dma_start3A_457 = tpu.memref_slice %arg22[%dma_start3A_456] : memref<80000xf32, #tpu.memory_space<vmem_shared>> -> memref<80000xf32, #tpu.memory_space<vmem_shared>>
      tpu.enqueue_indirect_dma source(%dma_start3A_452 : memref<128xf32, #tpu.memory_space<vmem>>) target(%dma_start3A_457 : memref<80000xf32, #tpu.memory_space<vmem_shared>>) offsets(%dma_start3A_455 : memref<128xi32, #tpu.memory_space<vmem>>) semaphore(%arg28 : memref<!tpu.dma_semaphore, #tpu.memory_space<semaphore_mem>>) {add = true}
      %add3A_458 = arith.constant 2 : i32
      %add3A_459 = arith.addi %add3A_356, %add3A_458 : i32
      %lt3A_460 = arith.cmpi slt, %add3A_459, %select_n3A : i32
      %convert_element_type3A_461 = arith.extui %lt3A_460 : i1 to i32
      %cond3A_462 = arith.constant 0 : i32
      %cond3A_463 = arith.cmpi ne, %convert_element_type3A_461, %cond3A_462 : i32
      scf.if %cond3A_463 {
        %add3A_465 = arith.constant 2 : i32
        %add3A_466 = arith.addi %add3A_356, %add3A_465 : i32
        %mul3A_467 = arith.constant 128 : i32
        %mul3A_468 = arith.muli %add3A_466, %mul3A_467 : i32
        %mul3A_469 = arith.constant 128 : i32
        %mul3A_470 = arith.muli %add3A_466, %mul3A_469 : i32
        %dma_start3A_471 = tpu.memref_slice %arg8[%mul3A_468] : memref<10240xi32, #tpu.memory_space<vmem>> -> memref<128xi32, #tpu.memory_space<vmem>>
        %dma_start3A_472 = arith.constant 0 : i32
        %dma_start3A_473 = arith.constant 0 : i32
        %dma_start3A_474 = tpu.memref_slice %arg4[%dma_start3A_472, %dma_start3A_473] : memref<10000x72xf32, #tpu.memory_space<hbm>> -> memref<10000x72xf32, #tpu.memory_space<hbm>>
        tpu.enqueue_indirect_dma source(%dma_start3A_474 : memref<10000x72xf32, #tpu.memory_space<hbm>>) target(%arg11 : memref<128x72xf32, #tpu.memory_space<vmem>>) offsets(%dma_start3A_471 : memref<128xi32, #tpu.memory_space<vmem>>) semaphore(%arg25 : memref<!tpu.dma_semaphore, #tpu.memory_space<semaphore_mem>>)
        %dma_start3A_475 = tpu.memref_slice %arg9[%mul3A_470] : memref<10240xi32, #tpu.memory_space<vmem>> -> memref<128xi32, #tpu.memory_space<vmem>>
        %dma_start3A_476 = arith.constant 0 : i32
        %dma_start3A_477 = arith.constant 0 : i32
        %dma_start3A_478 = tpu.memref_slice %arg5[%dma_start3A_476, %dma_start3A_477] : memref<10000x16xf32, #tpu.memory_space<hbm>> -> memref<10000x16xf32, #tpu.memory_space<hbm>>
        tpu.enqueue_indirect_dma source(%dma_start3A_478 : memref<10000x16xf32, #tpu.memory_space<hbm>>) target(%arg13 : memref<128x16xf32, #tpu.memory_space<vmem>>) offsets(%dma_start3A_475 : memref<128xi32, #tpu.memory_space<vmem>>) semaphore(%arg26 : memref<!tpu.dma_semaphore, #tpu.memory_space<semaphore_mem>>)
      } else {
      }
      %while3A_464 = arith.constant 0 : i32
      scf.yield %while3A_464 : i32
    }
    %while3A_88 = arith.constant 1 : i32
    %while3A_89 = scf.for %while3A_244 = %while3A_85 to %while3A_81 step %while3A_88 iter_args(%while3A_245 = %while3A_87) -> (i32)  : i32 {
      %mul3A_246 = arith.constant 2 : i32
      %mul3A_247 = arith.muli %mul3A_246, %while3A_244 : i32
      %add3A_248 = arith.constant 0 : i32
      %add3A_249 = arith.addi %mul3A_247, %add3A_248 : i32
      %gt3A = arith.constant 0 : i32
      %gt3A_250 = arith.cmpi sgt, %while3A_244, %gt3A : i32
      %convert_element_type3A = arith.extui %gt3A_250 : i1 to i32
      %cond3A = arith.constant 0 : i32
      %cond3A_251 = arith.cmpi ne, %convert_element_type3A, %cond3A : i32
      scf.if %cond3A_251 {
        %sub3A_465 = arith.constant 2 : i32
        %sub3A_466 = arith.subi %add3A_249, %sub3A_465 : i32
        %mul3A_467 = arith.constant 128 : i32
        %mul3A_468 = arith.muli %sub3A_466, %mul3A_467 : i32
        %dma_wait3A_469 = tpu.memref_slice %arg9[%mul3A_468] : memref<10240xi32, #tpu.memory_space<vmem>> -> memref<128xi32, #tpu.memory_space<vmem>>
        %dma_wait3A_470 = arith.constant 0 : i32
        %dma_wait3A_471 = arith.constant 0 : i32
        %dma_wait3A_472 = tpu.memref_slice %arg21[%dma_wait3A_470, %dma_wait3A_471] : memref<10000x64xf32, #tpu.memory_space<vmem_shared>> -> memref<10000x64xf32, #tpu.memory_space<vmem_shared>>
        tpu.wait_indirect_dma semaphore(%arg27 : memref<!tpu.dma_semaphore, #tpu.memory_space<semaphore_mem>>) src(%arg14 : memref<128x64xf32, #tpu.memory_space<vmem>>) dst(%dma_wait3A_472 : memref<10000x64xf32, #tpu.memory_space<vmem_shared>>)
        %dma_wait3A_473 = arith.constant 0 : i32
        %dma_wait3A_474 = arith.constant 0 : i32
        %dma_wait3A_475 = tpu.memref_slice %arg16[%dma_wait3A_474] : memref<1024xf32, #tpu.memory_space<vmem>> -> memref<128xf32, #tpu.memory_space<vmem>>
        %dma_wait3A_476 = arith.constant 0 : i32
        %dma_wait3A_477 = tpu.memref_slice %arg18[%dma_wait3A_473, %dma_wait3A_476] : memref<8x128xi32, #tpu.memory_space<vmem>> -> memref<1x128xi32, #tpu.memory_space<vmem>>
        %dma_wait3A_478 = tpu.memref_squeeze %dma_wait3A_477 : memref<1x128xi32, #tpu.memory_space<vmem>> -> memref<128xi32, #tpu.memory_space<vmem>>
        %dma_wait3A_479 = arith.constant 0 : i32
        %dma_wait3A_480 = tpu.memref_slice %arg22[%dma_wait3A_479] : memref<80000xf32, #tpu.memory_space<vmem_shared>> -> memref<80000xf32, #tpu.memory_space<vmem_shared>>
        tpu.wait_indirect_dma semaphore(%arg27 : memref<!tpu.dma_semaphore, #tpu.memory_space<semaphore_mem>>) src(%dma_wait3A_475 : memref<128xf32, #tpu.memory_space<vmem>>) dst(%dma_wait3A_480 : memref<80000xf32, #tpu.memory_space<vmem_shared>>)
        %dma_wait3A_481 = arith.constant 1 : i32
        %dma_wait3A_482 = arith.constant 128 : i32
        %dma_wait3A_483 = tpu.memref_slice %arg16[%dma_wait3A_482] : memref<1024xf32, #tpu.memory_space<vmem>> -> memref<128xf32, #tpu.memory_space<vmem>>
        %dma_wait3A_484 = arith.constant 0 : i32
        %dma_wait3A_485 = tpu.memref_slice %arg18[%dma_wait3A_481, %dma_wait3A_484] : memref<8x128xi32, #tpu.memory_space<vmem>> -> memref<1x128xi32, #tpu.memory_space<vmem>>
        %dma_wait3A_486 = tpu.memref_squeeze %dma_wait3A_485 : memref<1x128xi32, #tpu.memory_space<vmem>> -> memref<128xi32, #tpu.memory_space<vmem>>
        %dma_wait3A_487 = arith.constant 0 : i32
        %dma_wait3A_488 = tpu.memref_slice %arg22[%dma_wait3A_487] : memref<80000xf32, #tpu.memory_space<vmem_shared>> -> memref<80000xf32, #tpu.memory_space<vmem_shared>>
        tpu.wait_indirect_dma semaphore(%arg27 : memref<!tpu.dma_semaphore, #tpu.memory_space<semaphore_mem>>) src(%dma_wait3A_483 : memref<128xf32, #tpu.memory_space<vmem>>) dst(%dma_wait3A_488 : memref<80000xf32, #tpu.memory_space<vmem_shared>>)
        %dma_wait3A_489 = arith.constant 2 : i32
        %dma_wait3A_490 = arith.constant 256 : i32
        %dma_wait3A_491 = tpu.memref_slice %arg16[%dma_wait3A_490] : memref<1024xf32, #tpu.memory_space<vmem>> -> memref<128xf32, #tpu.memory_space<vmem>>
        %dma_wait3A_492 = arith.constant 0 : i32
        %dma_wait3A_493 = tpu.memref_slice %arg18[%dma_wait3A_489, %dma_wait3A_492] : memref<8x128xi32, #tpu.memory_space<vmem>> -> memref<1x128xi32, #tpu.memory_space<vmem>>
        %dma_wait3A_494 = tpu.memref_squeeze %dma_wait3A_493 : memref<1x128xi32, #tpu.memory_space<vmem>> -> memref<128xi32, #tpu.memory_space<vmem>>
        %dma_wait3A_495 = arith.constant 0 : i32
        %dma_wait3A_496 = tpu.memref_slice %arg22[%dma_wait3A_495] : memref<80000xf32, #tpu.memory_space<vmem_shared>> -> memref<80000xf32, #tpu.memory_space<vmem_shared>>
        tpu.wait_indirect_dma semaphore(%arg27 : memref<!tpu.dma_semaphore, #tpu.memory_space<semaphore_mem>>) src(%dma_wait3A_491 : memref<128xf32, #tpu.memory_space<vmem>>) dst(%dma_wait3A_496 : memref<80000xf32, #tpu.memory_space<vmem_shared>>)
        %dma_wait3A_497 = arith.constant 3 : i32
        %dma_wait3A_498 = arith.constant 384 : i32
        %dma_wait3A_499 = tpu.memref_slice %arg16[%dma_wait3A_498] : memref<1024xf32, #tpu.memory_space<vmem>> -> memref<128xf32, #tpu.memory_space<vmem>>
        %dma_wait3A_500 = arith.constant 0 : i32
        %dma_wait3A_501 = tpu.memref_slice %arg18[%dma_wait3A_497, %dma_wait3A_500] : memref<8x128xi32, #tpu.memory_space<vmem>> -> memref<1x128xi32, #tpu.memory_space<vmem>>
        %dma_wait3A_502 = tpu.memref_squeeze %dma_wait3A_501 : memref<1x128xi32, #tpu.memory_space<vmem>> -> memref<128xi32, #tpu.memory_space<vmem>>
        %dma_wait3A_503 = arith.constant 0 : i32
        %dma_wait3A_504 = tpu.memref_slice %arg22[%dma_wait3A_503] : memref<80000xf32, #tpu.memory_space<vmem_shared>> -> memref<80000xf32, #tpu.memory_space<vmem_shared>>
        tpu.wait_indirect_dma semaphore(%arg27 : memref<!tpu.dma_semaphore, #tpu.memory_space<semaphore_mem>>) src(%dma_wait3A_499 : memref<128xf32, #tpu.memory_space<vmem>>) dst(%dma_wait3A_504 : memref<80000xf32, #tpu.memory_space<vmem_shared>>)
        %dma_wait3A_505 = arith.constant 4 : i32
        %dma_wait3A_506 = arith.constant 512 : i32
        %dma_wait3A_507 = tpu.memref_slice %arg16[%dma_wait3A_506] : memref<1024xf32, #tpu.memory_space<vmem>> -> memref<128xf32, #tpu.memory_space<vmem>>
        %dma_wait3A_508 = arith.constant 0 : i32
        %dma_wait3A_509 = tpu.memref_slice %arg18[%dma_wait3A_505, %dma_wait3A_508] : memref<8x128xi32, #tpu.memory_space<vmem>> -> memref<1x128xi32, #tpu.memory_space<vmem>>
        %dma_wait3A_510 = tpu.memref_squeeze %dma_wait3A_509 : memref<1x128xi32, #tpu.memory_space<vmem>> -> memref<128xi32, #tpu.memory_space<vmem>>
        %dma_wait3A_511 = arith.constant 0 : i32
        %dma_wait3A_512 = tpu.memref_slice %arg22[%dma_wait3A_511] : memref<80000xf32, #tpu.memory_space<vmem_shared>> -> memref<80000xf32, #tpu.memory_space<vmem_shared>>
        tpu.wait_indirect_dma semaphore(%arg27 : memref<!tpu.dma_semaphore, #tpu.memory_space<semaphore_mem>>) src(%dma_wait3A_507 : memref<128xf32, #tpu.memory_space<vmem>>) dst(%dma_wait3A_512 : memref<80000xf32, #tpu.memory_space<vmem_shared>>)
        %dma_wait3A_513 = arith.constant 5 : i32
        %dma_wait3A_514 = arith.constant 640 : i32
        %dma_wait3A_515 = tpu.memref_slice %arg16[%dma_wait3A_514] : memref<1024xf32, #tpu.memory_space<vmem>> -> memref<128xf32, #tpu.memory_space<vmem>>
        %dma_wait3A_516 = arith.constant 0 : i32
        %dma_wait3A_517 = tpu.memref_slice %arg18[%dma_wait3A_513, %dma_wait3A_516] : memref<8x128xi32, #tpu.memory_space<vmem>> -> memref<1x128xi32, #tpu.memory_space<vmem>>
        %dma_wait3A_518 = tpu.memref_squeeze %dma_wait3A_517 : memref<1x128xi32, #tpu.memory_space<vmem>> -> memref<128xi32, #tpu.memory_space<vmem>>
        %dma_wait3A_519 = arith.constant 0 : i32
        %dma_wait3A_520 = tpu.memref_slice %arg22[%dma_wait3A_519] : memref<80000xf32, #tpu.memory_space<vmem_shared>> -> memref<80000xf32, #tpu.memory_space<vmem_shared>>
        tpu.wait_indirect_dma semaphore(%arg27 : memref<!tpu.dma_semaphore, #tpu.memory_space<semaphore_mem>>) src(%dma_wait3A_515 : memref<128xf32, #tpu.memory_space<vmem>>) dst(%dma_wait3A_520 : memref<80000xf32, #tpu.memory_space<vmem_shared>>)
        %dma_wait3A_521 = arith.constant 6 : i32
        %dma_wait3A_522 = arith.constant 768 : i32
        %dma_wait3A_523 = tpu.memref_slice %arg16[%dma_wait3A_522] : memref<1024xf32, #tpu.memory_space<vmem>> -> memref<128xf32, #tpu.memory_space<vmem>>
        %dma_wait3A_524 = arith.constant 0 : i32
        %dma_wait3A_525 = tpu.memref_slice %arg18[%dma_wait3A_521, %dma_wait3A_524] : memref<8x128xi32, #tpu.memory_space<vmem>> -> memref<1x128xi32, #tpu.memory_space<vmem>>
        %dma_wait3A_526 = tpu.memref_squeeze %dma_wait3A_525 : memref<1x128xi32, #tpu.memory_space<vmem>> -> memref<128xi32, #tpu.memory_space<vmem>>
        %dma_wait3A_527 = arith.constant 0 : i32
        %dma_wait3A_528 = tpu.memref_slice %arg22[%dma_wait3A_527] : memref<80000xf32, #tpu.memory_space<vmem_shared>> -> memref<80000xf32, #tpu.memory_space<vmem_shared>>
        tpu.wait_indirect_dma semaphore(%arg27 : memref<!tpu.dma_semaphore, #tpu.memory_space<semaphore_mem>>) src(%dma_wait3A_523 : memref<128xf32, #tpu.memory_space<vmem>>) dst(%dma_wait3A_528 : memref<80000xf32, #tpu.memory_space<vmem_shared>>)
        %dma_wait3A_529 = arith.constant 7 : i32
        %dma_wait3A_530 = arith.constant 896 : i32
        %dma_wait3A_531 = tpu.memref_slice %arg16[%dma_wait3A_530] : memref<1024xf32, #tpu.memory_space<vmem>> -> memref<128xf32, #tpu.memory_space<vmem>>
        %dma_wait3A_532 = arith.constant 0 : i32
        %dma_wait3A_533 = tpu.memref_slice %arg18[%dma_wait3A_529, %dma_wait3A_532] : memref<8x128xi32, #tpu.memory_space<vmem>> -> memref<1x128xi32, #tpu.memory_space<vmem>>
        %dma_wait3A_534 = tpu.memref_squeeze %dma_wait3A_533 : memref<1x128xi32, #tpu.memory_space<vmem>> -> memref<128xi32, #tpu.memory_space<vmem>>
        %dma_wait3A_535 = arith.constant 0 : i32
        %dma_wait3A_536 = tpu.memref_slice %arg22[%dma_wait3A_535] : memref<80000xf32, #tpu.memory_space<vmem_shared>> -> memref<80000xf32, #tpu.memory_space<vmem_shared>>
        tpu.wait_indirect_dma semaphore(%arg27 : memref<!tpu.dma_semaphore, #tpu.memory_space<semaphore_mem>>) src(%dma_wait3A_531 : memref<128xf32, #tpu.memory_space<vmem>>) dst(%dma_wait3A_536 : memref<80000xf32, #tpu.memory_space<vmem_shared>>)
      } else {
      }
      %mul3A_252 = arith.constant 128 : i32
      %mul3A_253 = arith.muli %add3A_249, %mul3A_252 : i32
      %mul3A_254 = arith.constant 128 : i32
      %mul3A_255 = arith.muli %add3A_249, %mul3A_254 : i32
      %dma_wait3A_256 = tpu.memref_slice %arg8[%mul3A_253] : memref<10240xi32, #tpu.memory_space<vmem>> -> memref<128xi32, #tpu.memory_space<vmem>>
      %dma_wait3A_257 = arith.constant 0 : i32
      %dma_wait3A_258 = arith.constant 0 : i32
      %dma_wait3A_259 = tpu.memref_slice %arg4[%dma_wait3A_257, %dma_wait3A_258] : memref<10000x72xf32, #tpu.memory_space<hbm>> -> memref<10000x72xf32, #tpu.memory_space<hbm>>
      tpu.wait_indirect_dma semaphore(%arg23 : memref<!tpu.dma_semaphore, #tpu.memory_space<semaphore_mem>>) src(%dma_wait3A_259 : memref<10000x72xf32, #tpu.memory_space<hbm>>) dst(%arg10 : memref<128x72xf32, #tpu.memory_space<vmem>>)
      %dma_wait3A_260 = tpu.memref_slice %arg9[%mul3A_255] : memref<10240xi32, #tpu.memory_space<vmem>> -> memref<128xi32, #tpu.memory_space<vmem>>
      %dma_wait3A_261 = arith.constant 0 : i32
      %dma_wait3A_262 = arith.constant 0 : i32
      %dma_wait3A_263 = tpu.memref_slice %arg5[%dma_wait3A_261, %dma_wait3A_262] : memref<10000x16xf32, #tpu.memory_space<hbm>> -> memref<10000x16xf32, #tpu.memory_space<hbm>>
      tpu.wait_indirect_dma semaphore(%arg24 : memref<!tpu.dma_semaphore, #tpu.memory_space<semaphore_mem>>) src(%dma_wait3A_263 : memref<10000x16xf32, #tpu.memory_space<hbm>>) dst(%arg12 : memref<128x16xf32, #tpu.memory_space<vmem>>)
      %scan3A_264 = arith.constant 0 : i32
      %scan3A_265 = arith.constant 0 : i32
      %scan3A_266 = arith.constant 8 : i32
      %scan3A_267 = arith.addi %scan3A_265, %scan3A_266 : i32
      %scan3A_268 = arith.constant 1 : i32
      %scan3A_269 = scf.for %scan3A_465 = %scan3A_265 to %scan3A_267 step %scan3A_268 iter_args(%scan3A_466 = %scan3A_264) -> (i32)  : i32 {
        %mul3A_467 = arith.constant 16 : i32
        %mul3A_468 = arith.muli %mul3A_467, %scan3A_465 : i32
        %add3A_469 = vector.broadcast %mul3A_468 : i32 to vector<16xi32>
        %add3A_470 = arith.addi %iota3A, %add3A_469 : vector<16xi32>
        %mul3A_471 = arith.constant 128 : i32
        %mul3A_472 = arith.muli %add3A_249, %mul3A_471 : i32
        %mul3A_473 = arith.constant 16 : i32
        %mul3A_474 = arith.muli %mul3A_473, %scan3A_465 : i32
        %add3A_475 = arith.addi %mul3A_472, %mul3A_474 : i32
        %get3A = arith.index_cast %add3A_475 : i32 to index
        %get3A_476 = tpu.vector_load %arg9[%get3A] {strides = array<i32>} : memref<10240xi32, #tpu.memory_space<vmem>>, vector<16xi32>,
        %broadcast_in_dim3A = arith.constant 64 : i32
        %broadcast_in_dim3A_477 = vector.broadcast %broadcast_in_dim3A : i32 to vector<16xi32>
        %gather3A = tpu.vector_load_idx %arg10[%add3A_470, %broadcast_in_dim3A_477] : memref<128x72xf32, #tpu.memory_space<vmem>>[vector<16xi32>, vector<16xi32>], vector<16xf32>,
        %broadcast_in_dim3A_478 = arith.constant 8 : i32
        %broadcast_in_dim3A_479 = vector.broadcast %broadcast_in_dim3A_478 : i32 to vector<16xi32>
        %gather3A_480 = tpu.vector_load_idx %arg12[%add3A_470, %broadcast_in_dim3A_479] : memref<128x16xf32, #tpu.memory_space<vmem>>[vector<16xi32>, vector<16xi32>], vector<16xf32>,
        %add3A_481 = arith.addf %gather3A, %gather3A_480 : vector<16xf32>
        %mul3A_482 = arith.constant 2.000000e-01 : f32
        %mul3A_483 = vector.broadcast %mul3A_482 : f32 to vector<16xf32>
        %mul3A_484 = arith.mulf %mul3A_483, %add3A_481 : vector<16xf32>
        %max3A = arith.maximumf %add3A_481, %mul3A_484 : vector<16xf32>
        %exp3A = math.exp %max3A : vector<16xf32>
        %mul3A_485 = arith.constant 16 : i32
        %mul3A_486 = arith.muli %mul3A_485, %scan3A_465 : i32
        %add3A_487 = arith.constant 0 : i32
        %add3A_488 = arith.addi %add3A_487, %mul3A_486 : i32
        %swap3A = arith.index_cast %add3A_488 : i32 to index
        %swap3A_489 = tpu.vector_load %arg16[%swap3A] {strides = array<i32>} : memref<1024xf32, #tpu.memory_space<vmem>>, vector<16xf32>,
        tpu.vector_store %arg16[%swap3A], %exp3A {strides = array<i32>} : memref<1024xf32, #tpu.memory_space<vmem>>, vector<16xf32>,
        %mul3A_490 = arith.constant 8 : i32
        %mul3A_491 = vector.broadcast %mul3A_490 : i32 to vector<16xi32>
        %mul3A_492 = arith.muli %get3A_476, %mul3A_491 : vector<16xi32>
        %add3A_493 = arith.constant 0 : i32
        %add3A_494 = vector.broadcast %add3A_493 : i32 to vector<16xi32>
        %add3A_495 = arith.addi %mul3A_492, %add3A_494 : vector<16xi32>
        %mul3A_496 = arith.constant 16 : i32
        %mul3A_497 = arith.muli %mul3A_496, %scan3A_465 : i32
        %swap3A_498 = arith.constant 0 : i32
        %swap3A_499 = arith.index_cast %swap3A_498 : i32 to index
        %swap3A_500 = arith.index_cast %mul3A_497 : i32 to index
        %swap3A_501 = tpu.vector_load %arg18[%swap3A_499, %swap3A_500] {strides = array<i32>} : memref<8x128xi32, #tpu.memory_space<vmem>>, vector<16xi32>,
        tpu.vector_store %arg18[%swap3A_499, %swap3A_500], %add3A_495 {strides = array<i32>} : memref<8x128xi32, #tpu.memory_space<vmem>>, vector<16xi32>,
        %broadcast_in_dim3A_502 = arith.constant 65 : i32
        %broadcast_in_dim3A_503 = vector.broadcast %broadcast_in_dim3A_502 : i32 to vector<16xi32>
        %gather3A_504 = tpu.vector_load_idx %arg10[%add3A_470, %broadcast_in_dim3A_503] : memref<128x72xf32, #tpu.memory_space<vmem>>[vector<16xi32>, vector<16xi32>], vector<16xf32>,
        %broadcast_in_dim3A_505 = arith.constant 9 : i32
        %broadcast_in_dim3A_506 = vector.broadcast %broadcast_in_dim3A_505 : i32 to vector<16xi32>
        %gather3A_507 = tpu.vector_load_idx %arg12[%add3A_470, %broadcast_in_dim3A_506] : memref<128x16xf32, #tpu.memory_space<vmem>>[vector<16xi32>, vector<16xi32>], vector<16xf32>,
        %add3A_508 = arith.addf %gather3A_504, %gather3A_507 : vector<16xf32>
        %mul3A_509 = arith.constant 2.000000e-01 : f32
        %mul3A_510 = vector.broadcast %mul3A_509 : f32 to vector<16xf32>
        %mul3A_511 = arith.mulf %mul3A_510, %add3A_508 : vector<16xf32>
        %max3A_512 = arith.maximumf %add3A_508, %mul3A_511 : vector<16xf32>
        %exp3A_513 = math.exp %max3A_512 : vector<16xf32>
        %mul3A_514 = arith.constant 16 : i32
        %mul3A_515 = arith.muli %mul3A_514, %scan3A_465 : i32
        %add3A_516 = arith.constant 128 : i32
        %add3A_517 = arith.addi %add3A_516, %mul3A_515 : i32
        %swap3A_518 = arith.index_cast %add3A_517 : i32 to index
        %swap3A_519 = tpu.vector_load %arg16[%swap3A_518] {strides = array<i32>} : memref<1024xf32, #tpu.memory_space<vmem>>, vector<16xf32>,
        tpu.vector_store %arg16[%swap3A_518], %exp3A_513 {strides = array<i32>} : memref<1024xf32, #tpu.memory_space<vmem>>, vector<16xf32>,
        %mul3A_520 = arith.constant 8 : i32
        %mul3A_521 = vector.broadcast %mul3A_520 : i32 to vector<16xi32>
        %mul3A_522 = arith.muli %get3A_476, %mul3A_521 : vector<16xi32>
        %add3A_523 = arith.constant 1 : i32
        %add3A_524 = vector.broadcast %add3A_523 : i32 to vector<16xi32>
        %add3A_525 = arith.addi %mul3A_522, %add3A_524 : vector<16xi32>
        %mul3A_526 = arith.constant 16 : i32
        %mul3A_527 = arith.muli %mul3A_526, %scan3A_465 : i32
        %swap3A_528 = arith.constant 1 : i32
        %swap3A_529 = arith.index_cast %swap3A_528 : i32 to index
        %swap3A_530 = arith.index_cast %mul3A_527 : i32 to index
        %swap3A_531 = tpu.vector_load %arg18[%swap3A_529, %swap3A_530] {strides = array<i32>} : memref<8x128xi32, #tpu.memory_space<vmem>>, vector<16xi32>,
        tpu.vector_store %arg18[%swap3A_529, %swap3A_530], %add3A_525 {strides = array<i32>} : memref<8x128xi32, #tpu.memory_space<vmem>>, vector<16xi32>,
        %broadcast_in_dim3A_532 = arith.constant 66 : i32
        %broadcast_in_dim3A_533 = vector.broadcast %broadcast_in_dim3A_532 : i32 to vector<16xi32>
        %gather3A_534 = tpu.vector_load_idx %arg10[%add3A_470, %broadcast_in_dim3A_533] : memref<128x72xf32, #tpu.memory_space<vmem>>[vector<16xi32>, vector<16xi32>], vector<16xf32>,
        %broadcast_in_dim3A_535 = arith.constant 10 : i32
        %broadcast_in_dim3A_536 = vector.broadcast %broadcast_in_dim3A_535 : i32 to vector<16xi32>
        %gather3A_537 = tpu.vector_load_idx %arg12[%add3A_470, %broadcast_in_dim3A_536] : memref<128x16xf32, #tpu.memory_space<vmem>>[vector<16xi32>, vector<16xi32>], vector<16xf32>,
        %add3A_538 = arith.addf %gather3A_534, %gather3A_537 : vector<16xf32>
        %mul3A_539 = arith.constant 2.000000e-01 : f32
        %mul3A_540 = vector.broadcast %mul3A_539 : f32 to vector<16xf32>
        %mul3A_541 = arith.mulf %mul3A_540, %add3A_538 : vector<16xf32>
        %max3A_542 = arith.maximumf %add3A_538, %mul3A_541 : vector<16xf32>
        %exp3A_543 = math.exp %max3A_542 : vector<16xf32>
        %mul3A_544 = arith.constant 16 : i32
        %mul3A_545 = arith.muli %mul3A_544, %scan3A_465 : i32
        %add3A_546 = arith.constant 256 : i32
        %add3A_547 = arith.addi %add3A_546, %mul3A_545 : i32
        %swap3A_548 = arith.index_cast %add3A_547 : i32 to index
        %swap3A_549 = tpu.vector_load %arg16[%swap3A_548] {strides = array<i32>} : memref<1024xf32, #tpu.memory_space<vmem>>, vector<16xf32>,
        tpu.vector_store %arg16[%swap3A_548], %exp3A_543 {strides = array<i32>} : memref<1024xf32, #tpu.memory_space<vmem>>, vector<16xf32>,
        %mul3A_550 = arith.constant 8 : i32
        %mul3A_551 = vector.broadcast %mul3A_550 : i32 to vector<16xi32>
        %mul3A_552 = arith.muli %get3A_476, %mul3A_551 : vector<16xi32>
        %add3A_553 = arith.constant 2 : i32
        %add3A_554 = vector.broadcast %add3A_553 : i32 to vector<16xi32>
        %add3A_555 = arith.addi %mul3A_552, %add3A_554 : vector<16xi32>
        %mul3A_556 = arith.constant 16 : i32
        %mul3A_557 = arith.muli %mul3A_556, %scan3A_465 : i32
        %swap3A_558 = arith.constant 2 : i32
        %swap3A_559 = arith.index_cast %swap3A_558 : i32 to index
        %swap3A_560 = arith.index_cast %mul3A_557 : i32 to index
        %swap3A_561 = tpu.vector_load %arg18[%swap3A_559, %swap3A_560] {strides = array<i32>} : memref<8x128xi32, #tpu.memory_space<vmem>>, vector<16xi32>,
        tpu.vector_store %arg18[%swap3A_559, %swap3A_560], %add3A_555 {strides = array<i32>} : memref<8x128xi32, #tpu.memory_space<vmem>>, vector<16xi32>,
        %broadcast_in_dim3A_562 = arith.constant 67 : i32
        %broadcast_in_dim3A_563 = vector.broadcast %broadcast_in_dim3A_562 : i32 to vector<16xi32>
        %gather3A_564 = tpu.vector_load_idx %arg10[%add3A_470, %broadcast_in_dim3A_563] : memref<128x72xf32, #tpu.memory_space<vmem>>[vector<16xi32>, vector<16xi32>], vector<16xf32>,
        %broadcast_in_dim3A_565 = arith.constant 11 : i32
        %broadcast_in_dim3A_566 = vector.broadcast %broadcast_in_dim3A_565 : i32 to vector<16xi32>
        %gather3A_567 = tpu.vector_load_idx %arg12[%add3A_470, %broadcast_in_dim3A_566] : memref<128x16xf32, #tpu.memory_space<vmem>>[vector<16xi32>, vector<16xi32>], vector<16xf32>,
        %add3A_568 = arith.addf %gather3A_564, %gather3A_567 : vector<16xf32>
        %mul3A_569 = arith.constant 2.000000e-01 : f32
        %mul3A_570 = vector.broadcast %mul3A_569 : f32 to vector<16xf32>
        %mul3A_571 = arith.mulf %mul3A_570, %add3A_568 : vector<16xf32>
        %max3A_572 = arith.maximumf %add3A_568, %mul3A_571 : vector<16xf32>
        %exp3A_573 = math.exp %max3A_572 : vector<16xf32>
        %mul3A_574 = arith.constant 16 : i32
        %mul3A_575 = arith.muli %mul3A_574, %scan3A_465 : i32
        %add3A_576 = arith.constant 384 : i32
        %add3A_577 = arith.addi %add3A_576, %mul3A_575 : i32
        %swap3A_578 = arith.index_cast %add3A_577 : i32 to index
        %swap3A_579 = tpu.vector_load %arg16[%swap3A_578] {strides = array<i32>} : memref<1024xf32, #tpu.memory_space<vmem>>, vector<16xf32>,
        tpu.vector_store %arg16[%swap3A_578], %exp3A_573 {strides = array<i32>} : memref<1024xf32, #tpu.memory_space<vmem>>, vector<16xf32>,
        %mul3A_580 = arith.constant 8 : i32
        %mul3A_581 = vector.broadcast %mul3A_580 : i32 to vector<16xi32>
        %mul3A_582 = arith.muli %get3A_476, %mul3A_581 : vector<16xi32>
        %add3A_583 = arith.constant 3 : i32
        %add3A_584 = vector.broadcast %add3A_583 : i32 to vector<16xi32>
        %add3A_585 = arith.addi %mul3A_582, %add3A_584 : vector<16xi32>
        %mul3A_586 = arith.constant 16 : i32
        %mul3A_587 = arith.muli %mul3A_586, %scan3A_465 : i32
        %swap3A_588 = arith.constant 3 : i32
        %swap3A_589 = arith.index_cast %swap3A_588 : i32 to index
        %swap3A_590 = arith.index_cast %mul3A_587 : i32 to index
        %swap3A_591 = tpu.vector_load %arg18[%swap3A_589, %swap3A_590] {strides = array<i32>} : memref<8x128xi32, #tpu.memory_space<vmem>>, vector<16xi32>,
        tpu.vector_store %arg18[%swap3A_589, %swap3A_590], %add3A_585 {strides = array<i32>} : memref<8x128xi32, #tpu.memory_space<vmem>>, vector<16xi32>,
        %broadcast_in_dim3A_592 = arith.constant 68 : i32
        %broadcast_in_dim3A_593 = vector.broadcast %broadcast_in_dim3A_592 : i32 to vector<16xi32>
        %gather3A_594 = tpu.vector_load_idx %arg10[%add3A_470, %broadcast_in_dim3A_593] : memref<128x72xf32, #tpu.memory_space<vmem>>[vector<16xi32>, vector<16xi32>], vector<16xf32>,
        %broadcast_in_dim3A_595 = arith.constant 12 : i32
        %broadcast_in_dim3A_596 = vector.broadcast %broadcast_in_dim3A_595 : i32 to vector<16xi32>
        %gather3A_597 = tpu.vector_load_idx %arg12[%add3A_470, %broadcast_in_dim3A_596] : memref<128x16xf32, #tpu.memory_space<vmem>>[vector<16xi32>, vector<16xi32>], vector<16xf32>,
        %add3A_598 = arith.addf %gather3A_594, %gather3A_597 : vector<16xf32>
        %mul3A_599 = arith.constant 2.000000e-01 : f32
        %mul3A_600 = vector.broadcast %mul3A_599 : f32 to vector<16xf32>
        %mul3A_601 = arith.mulf %mul3A_600, %add3A_598 : vector<16xf32>
        %max3A_602 = arith.maximumf %add3A_598, %mul3A_601 : vector<16xf32>
        %exp3A_603 = math.exp %max3A_602 : vector<16xf32>
        %mul3A_604 = arith.constant 16 : i32
        %mul3A_605 = arith.muli %mul3A_604, %scan3A_465 : i32
        %add3A_606 = arith.constant 512 : i32
        %add3A_607 = arith.addi %add3A_606, %mul3A_605 : i32
        %swap3A_608 = arith.index_cast %add3A_607 : i32 to index
        %swap3A_609 = tpu.vector_load %arg16[%swap3A_608] {strides = array<i32>} : memref<1024xf32, #tpu.memory_space<vmem>>, vector<16xf32>,
        tpu.vector_store %arg16[%swap3A_608], %exp3A_603 {strides = array<i32>} : memref<1024xf32, #tpu.memory_space<vmem>>, vector<16xf32>,
        %mul3A_610 = arith.constant 8 : i32
        %mul3A_611 = vector.broadcast %mul3A_610 : i32 to vector<16xi32>
        %mul3A_612 = arith.muli %get3A_476, %mul3A_611 : vector<16xi32>
        %add3A_613 = arith.constant 4 : i32
        %add3A_614 = vector.broadcast %add3A_613 : i32 to vector<16xi32>
        %add3A_615 = arith.addi %mul3A_612, %add3A_614 : vector<16xi32>
        %mul3A_616 = arith.constant 16 : i32
        %mul3A_617 = arith.muli %mul3A_616, %scan3A_465 : i32
        %swap3A_618 = arith.constant 4 : i32
        %swap3A_619 = arith.index_cast %swap3A_618 : i32 to index
        %swap3A_620 = arith.index_cast %mul3A_617 : i32 to index
        %swap3A_621 = tpu.vector_load %arg18[%swap3A_619, %swap3A_620] {strides = array<i32>} : memref<8x128xi32, #tpu.memory_space<vmem>>, vector<16xi32>,
        tpu.vector_store %arg18[%swap3A_619, %swap3A_620], %add3A_615 {strides = array<i32>} : memref<8x128xi32, #tpu.memory_space<vmem>>, vector<16xi32>,
        %broadcast_in_dim3A_622 = arith.constant 69 : i32
        %broadcast_in_dim3A_623 = vector.broadcast %broadcast_in_dim3A_622 : i32 to vector<16xi32>
        %gather3A_624 = tpu.vector_load_idx %arg10[%add3A_470, %broadcast_in_dim3A_623] : memref<128x72xf32, #tpu.memory_space<vmem>>[vector<16xi32>, vector<16xi32>], vector<16xf32>,
        %broadcast_in_dim3A_625 = arith.constant 13 : i32
        %broadcast_in_dim3A_626 = vector.broadcast %broadcast_in_dim3A_625 : i32 to vector<16xi32>
        %gather3A_627 = tpu.vector_load_idx %arg12[%add3A_470, %broadcast_in_dim3A_626] : memref<128x16xf32, #tpu.memory_space<vmem>>[vector<16xi32>, vector<16xi32>], vector<16xf32>,
        %add3A_628 = arith.addf %gather3A_624, %gather3A_627 : vector<16xf32>
        %mul3A_629 = arith.constant 2.000000e-01 : f32
        %mul3A_630 = vector.broadcast %mul3A_629 : f32 to vector<16xf32>
        %mul3A_631 = arith.mulf %mul3A_630, %add3A_628 : vector<16xf32>
        %max3A_632 = arith.maximumf %add3A_628, %mul3A_631 : vector<16xf32>
        %exp3A_633 = math.exp %max3A_632 : vector<16xf32>
        %mul3A_634 = arith.constant 16 : i32
        %mul3A_635 = arith.muli %mul3A_634, %scan3A_465 : i32
        %add3A_636 = arith.constant 640 : i32
        %add3A_637 = arith.addi %add3A_636, %mul3A_635 : i32
        %swap3A_638 = arith.index_cast %add3A_637 : i32 to index
        %swap3A_639 = tpu.vector_load %arg16[%swap3A_638] {strides = array<i32>} : memref<1024xf32, #tpu.memory_space<vmem>>, vector<16xf32>,
        tpu.vector_store %arg16[%swap3A_638], %exp3A_633 {strides = array<i32>} : memref<1024xf32, #tpu.memory_space<vmem>>, vector<16xf32>,
        %mul3A_640 = arith.constant 8 : i32
        %mul3A_641 = vector.broadcast %mul3A_640 : i32 to vector<16xi32>
        %mul3A_642 = arith.muli %get3A_476, %mul3A_641 : vector<16xi32>
        %add3A_643 = arith.constant 5 : i32
        %add3A_644 = vector.broadcast %add3A_643 : i32 to vector<16xi32>
        %add3A_645 = arith.addi %mul3A_642, %add3A_644 : vector<16xi32>
        %mul3A_646 = arith.constant 16 : i32
        %mul3A_647 = arith.muli %mul3A_646, %scan3A_465 : i32
        %swap3A_648 = arith.constant 5 : i32
        %swap3A_649 = arith.index_cast %swap3A_648 : i32 to index
        %swap3A_650 = arith.index_cast %mul3A_647 : i32 to index
        %swap3A_651 = tpu.vector_load %arg18[%swap3A_649, %swap3A_650] {strides = array<i32>} : memref<8x128xi32, #tpu.memory_space<vmem>>, vector<16xi32>,
        tpu.vector_store %arg18[%swap3A_649, %swap3A_650], %add3A_645 {strides = array<i32>} : memref<8x128xi32, #tpu.memory_space<vmem>>, vector<16xi32>,
        %broadcast_in_dim3A_652 = arith.constant 70 : i32
        %broadcast_in_dim3A_653 = vector.broadcast %broadcast_in_dim3A_652 : i32 to vector<16xi32>
        %gather3A_654 = tpu.vector_load_idx %arg10[%add3A_470, %broadcast_in_dim3A_653] : memref<128x72xf32, #tpu.memory_space<vmem>>[vector<16xi32>, vector<16xi32>], vector<16xf32>,
        %broadcast_in_dim3A_655 = arith.constant 14 : i32
        %broadcast_in_dim3A_656 = vector.broadcast %broadcast_in_dim3A_655 : i32 to vector<16xi32>
        %gather3A_657 = tpu.vector_load_idx %arg12[%add3A_470, %broadcast_in_dim3A_656] : memref<128x16xf32, #tpu.memory_space<vmem>>[vector<16xi32>, vector<16xi32>], vector<16xf32>,
        %add3A_658 = arith.addf %gather3A_654, %gather3A_657 : vector<16xf32>
        %mul3A_659 = arith.constant 2.000000e-01 : f32
        %mul3A_660 = vector.broadcast %mul3A_659 : f32 to vector<16xf32>
        %mul3A_661 = arith.mulf %mul3A_660, %add3A_658 : vector<16xf32>
        %max3A_662 = arith.maximumf %add3A_658, %mul3A_661 : vector<16xf32>
        %exp3A_663 = math.exp %max3A_662 : vector<16xf32>
        %mul3A_664 = arith.constant 16 : i32
        %mul3A_665 = arith.muli %mul3A_664, %scan3A_465 : i32
        %add3A_666 = arith.constant 768 : i32
        %add3A_667 = arith.addi %add3A_666, %mul3A_665 : i32
        %swap3A_668 = arith.index_cast %add3A_667 : i32 to index
        %swap3A_669 = tpu.vector_load %arg16[%swap3A_668] {strides = array<i32>} : memref<1024xf32, #tpu.memory_space<vmem>>, vector<16xf32>,
        tpu.vector_store %arg16[%swap3A_668], %exp3A_663 {strides = array<i32>} : memref<1024xf32, #tpu.memory_space<vmem>>, vector<16xf32>,
        %mul3A_670 = arith.constant 8 : i32
        %mul3A_671 = vector.broadcast %mul3A_670 : i32 to vector<16xi32>
        %mul3A_672 = arith.muli %get3A_476, %mul3A_671 : vector<16xi32>
        %add3A_673 = arith.constant 6 : i32
        %add3A_674 = vector.broadcast %add3A_673 : i32 to vector<16xi32>
        %add3A_675 = arith.addi %mul3A_672, %add3A_674 : vector<16xi32>
        %mul3A_676 = arith.constant 16 : i32
        %mul3A_677 = arith.muli %mul3A_676, %scan3A_465 : i32
        %swap3A_678 = arith.constant 6 : i32
        %swap3A_679 = arith.index_cast %swap3A_678 : i32 to index
        %swap3A_680 = arith.index_cast %mul3A_677 : i32 to index
        %swap3A_681 = tpu.vector_load %arg18[%swap3A_679, %swap3A_680] {strides = array<i32>} : memref<8x128xi32, #tpu.memory_space<vmem>>, vector<16xi32>,
        tpu.vector_store %arg18[%swap3A_679, %swap3A_680], %add3A_675 {strides = array<i32>} : memref<8x128xi32, #tpu.memory_space<vmem>>, vector<16xi32>,
        %broadcast_in_dim3A_682 = arith.constant 71 : i32
        %broadcast_in_dim3A_683 = vector.broadcast %broadcast_in_dim3A_682 : i32 to vector<16xi32>
        %gather3A_684 = tpu.vector_load_idx %arg10[%add3A_470, %broadcast_in_dim3A_683] : memref<128x72xf32, #tpu.memory_space<vmem>>[vector<16xi32>, vector<16xi32>], vector<16xf32>,
        %broadcast_in_dim3A_685 = arith.constant 15 : i32
        %broadcast_in_dim3A_686 = vector.broadcast %broadcast_in_dim3A_685 : i32 to vector<16xi32>
        %gather3A_687 = tpu.vector_load_idx %arg12[%add3A_470, %broadcast_in_dim3A_686] : memref<128x16xf32, #tpu.memory_space<vmem>>[vector<16xi32>, vector<16xi32>], vector<16xf32>,
        %add3A_688 = arith.addf %gather3A_684, %gather3A_687 : vector<16xf32>
        %mul3A_689 = arith.constant 2.000000e-01 : f32
        %mul3A_690 = vector.broadcast %mul3A_689 : f32 to vector<16xf32>
        %mul3A_691 = arith.mulf %mul3A_690, %add3A_688 : vector<16xf32>
        %max3A_692 = arith.maximumf %add3A_688, %mul3A_691 : vector<16xf32>
        %exp3A_693 = math.exp %max3A_692 : vector<16xf32>
        %mul3A_694 = arith.constant 16 : i32
        %mul3A_695 = arith.muli %mul3A_694, %scan3A_465 : i32
        %add3A_696 = arith.constant 896 : i32
        %add3A_697 = arith.addi %add3A_696, %mul3A_695 : i32
        %swap3A_698 = arith.index_cast %add3A_697 : i32 to index
        %swap3A_699 = tpu.vector_load %arg16[%swap3A_698] {strides = array<i32>} : memref<1024xf32, #tpu.memory_space<vmem>>, vector<16xf32>,
        tpu.vector_store %arg16[%swap3A_698], %exp3A_693 {strides = array<i32>} : memref<1024xf32, #tpu.memory_space<vmem>>, vector<16xf32>,
        %mul3A_700 = arith.constant 8 : i32
        %mul3A_701 = vector.broadcast %mul3A_700 : i32 to vector<16xi32>
        %mul3A_702 = arith.muli %get3A_476, %mul3A_701 : vector<16xi32>
        %add3A_703 = arith.constant 7 : i32
        %add3A_704 = vector.broadcast %add3A_703 : i32 to vector<16xi32>
        %add3A_705 = arith.addi %mul3A_702, %add3A_704 : vector<16xi32>
        %mul3A_706 = arith.constant 16 : i32
        %mul3A_707 = arith.muli %mul3A_706, %scan3A_465 : i32
        %swap3A_708 = arith.constant 7 : i32
        %swap3A_709 = arith.index_cast %swap3A_708 : i32 to index
        %swap3A_710 = arith.index_cast %mul3A_707 : i32 to index
        %swap3A_711 = tpu.vector_load %arg18[%swap3A_709, %swap3A_710] {strides = array<i32>} : memref<8x128xi32, #tpu.memory_space<vmem>>, vector<16xi32>,
        tpu.vector_store %arg18[%swap3A_709, %swap3A_710], %add3A_705 {strides = array<i32>} : memref<8x128xi32, #tpu.memory_space<vmem>>, vector<16xi32>,
        %scan3A_712 = arith.constant 0 : i32
        scf.yield %scan3A_712 : i32
      }
      %scan3A_270 = arith.constant 8 : i32
      %scan3A_271 = arith.constant 0 : i32
      %scan3A_272 = arith.constant 0 : i32
      %scan3A_273 = arith.constant 128 : i32
      %scan3A_274 = arith.addi %scan3A_272, %scan3A_273 : i32
      %scan3A_275 = arith.constant 1 : i32
      %scan3A_276 = scf.for %scan3A_465 = %scan3A_272 to %scan3A_274 step %scan3A_275 iter_args(%scan3A_466 = %scan3A_271) -> (i32)  : i32 {
        %get3A = arith.index_cast %scan3A_465 : i32 to index
        %get3A_467 = arith.constant 0 : index
        %get3A_468 = tpu.vector_load %arg10[%get3A, %get3A_467] {strides = array<i32>} : memref<128x72xf32, #tpu.memory_space<vmem>>, vector<16xf32>,
        %jit3A_469 = arith.constant 8 : i32
        %div3A_470 = vector.broadcast %jit3A_469 : i32 to vector<16xi32>
        %div3A_471 = arith.divsi %iota3A, %div3A_470 : vector<16xi32>
        %sign3A_472 = arith.constant 0 : i32
        %sign3A_473 = vector.broadcast %sign3A_472 : i32 to vector<16xi32>
        %sign3A_474 = arith.cmpi sgt, %iota3A, %sign3A_473 : vector<16xi32>
        %sign3A_475 = arith.extui %sign3A_474 : vector<16xi1> to vector<16xi32>
        %sign3A_476 = arith.constant 0 : i32
        %sign3A_477 = vector.broadcast %sign3A_476 : i32 to vector<16xi32>
        %sign3A_478 = arith.cmpi slt, %iota3A, %sign3A_477 : vector<16xi32>
        %sign3A_479 = arith.extui %sign3A_478 : vector<16xi1> to vector<16xi32>
        %sign3A_480 = arith.subi %sign3A_475, %sign3A_479 : vector<16xi32>
        %sign3A_481 = arith.constant 0 : i32
        %sign3A_482 = arith.cmpi sgt, %jit3A_469, %sign3A_481 : i32
        %sign3A_483 = arith.extui %sign3A_482 : i1 to i32
        %sign3A_484 = arith.constant 0 : i32
        %sign3A_485 = arith.cmpi slt, %jit3A_469, %sign3A_484 : i32
        %sign3A_486 = arith.extui %sign3A_485 : i1 to i32
        %sign3A_487 = arith.subi %sign3A_483, %sign3A_486 : i32
        %ne3A_488 = vector.broadcast %sign3A_487 : i32 to vector<16xi32>
        %ne3A_489 = arith.cmpi ne, %sign3A_480, %ne3A_488 : vector<16xi32>
        %rem3A_490 = vector.broadcast %jit3A_469 : i32 to vector<16xi32>
        %rem3A_491 = arith.remsi %iota3A, %rem3A_490 : vector<16xi32>
        %ne3A_492 = arith.constant 0 : i32
        %ne3A_493 = vector.broadcast %ne3A_492 : i32 to vector<16xi32>
        %ne3A_494 = arith.cmpi ne, %rem3A_491, %ne3A_493 : vector<16xi32>
        %and3A_495 = arith.andi %ne3A_489, %ne3A_494 : vector<16xi1>
        %sub3A_496 = arith.constant 1 : i32
        %sub3A_497 = vector.broadcast %sub3A_496 : i32 to vector<16xi32>
        %sub3A_498 = arith.subi %div3A_471, %sub3A_497 : vector<16xi32>
        %select_n3A_499 = arith.select %and3A_495, %sub3A_498, %div3A_471 : vector<16xi1>, vector<16xi32>
        %add3A_500 = arith.constant 0 : i32
        %add3A_501 = vector.broadcast %add3A_500 : i32 to vector<16xi32>
        %add3A_502 = arith.addi %add3A_501, %select_n3A_499 : vector<16xi32>
        %mul3A_503 = arith.constant 128 : i32
        %mul3A_504 = vector.broadcast %mul3A_503 : i32 to vector<16xi32>
        %mul3A_505 = arith.muli %add3A_502, %mul3A_504 : vector<16xi32>
        %add3A_506 = vector.broadcast %scan3A_465 : i32 to vector<16xi32>
        %add3A_507 = arith.addi %mul3A_505, %add3A_506 : vector<16xi32>
        %gather3A = tpu.vector_load_idx %arg16[%add3A_507] : memref<1024xf32, #tpu.memory_space<vmem>>[vector<16xi32>], vector<16xf32>,
        %mul3A_508 = arith.mulf %get3A_468, %gather3A : vector<16xf32>
        %swap3A = arith.index_cast %scan3A_465 : i32 to index
        %swap3A_509 = arith.constant 0 : index
        %swap3A_510 = tpu.vector_load %arg14[%swap3A, %swap3A_509] {strides = array<i32>} : memref<128x64xf32, #tpu.memory_space<vmem>>, vector<16xf32>,
        tpu.vector_store %arg14[%swap3A, %swap3A_509], %mul3A_508 {strides = array<i32>} : memref<128x64xf32, #tpu.memory_space<vmem>>, vector<16xf32>,
        %get3A_511 = arith.index_cast %scan3A_465 : i32 to index
        %get3A_512 = arith.constant 16 : index
        %get3A_513 = tpu.vector_load %arg10[%get3A_511, %get3A_512] {strides = array<i32>} : memref<128x72xf32, #tpu.memory_space<vmem>>, vector<16xf32>,
        %jit3A_514 = arith.constant 8 : i32
        %div3A_515 = vector.broadcast %jit3A_514 : i32 to vector<16xi32>
        %div3A_516 = arith.divsi %iota3A, %div3A_515 : vector<16xi32>
        %sign3A_517 = arith.constant 0 : i32
        %sign3A_518 = vector.broadcast %sign3A_517 : i32 to vector<16xi32>
        %sign3A_519 = arith.cmpi sgt, %iota3A, %sign3A_518 : vector<16xi32>
        %sign3A_520 = arith.extui %sign3A_519 : vector<16xi1> to vector<16xi32>
        %sign3A_521 = arith.constant 0 : i32
        %sign3A_522 = vector.broadcast %sign3A_521 : i32 to vector<16xi32>
        %sign3A_523 = arith.cmpi slt, %iota3A, %sign3A_522 : vector<16xi32>
        %sign3A_524 = arith.extui %sign3A_523 : vector<16xi1> to vector<16xi32>
        %sign3A_525 = arith.subi %sign3A_520, %sign3A_524 : vector<16xi32>
        %sign3A_526 = arith.constant 0 : i32
        %sign3A_527 = arith.cmpi sgt, %jit3A_514, %sign3A_526 : i32
        %sign3A_528 = arith.extui %sign3A_527 : i1 to i32
        %sign3A_529 = arith.constant 0 : i32
        %sign3A_530 = arith.cmpi slt, %jit3A_514, %sign3A_529 : i32
        %sign3A_531 = arith.extui %sign3A_530 : i1 to i32
        %sign3A_532 = arith.subi %sign3A_528, %sign3A_531 : i32
        %ne3A_533 = vector.broadcast %sign3A_532 : i32 to vector<16xi32>
        %ne3A_534 = arith.cmpi ne, %sign3A_525, %ne3A_533 : vector<16xi32>
        %rem3A_535 = vector.broadcast %jit3A_514 : i32 to vector<16xi32>
        %rem3A_536 = arith.remsi %iota3A, %rem3A_535 : vector<16xi32>
        %ne3A_537 = arith.constant 0 : i32
        %ne3A_538 = vector.broadcast %ne3A_537 : i32 to vector<16xi32>
        %ne3A_539 = arith.cmpi ne, %rem3A_536, %ne3A_538 : vector<16xi32>
        %and3A_540 = arith.andi %ne3A_534, %ne3A_539 : vector<16xi1>
        %sub3A_541 = arith.constant 1 : i32
        %sub3A_542 = vector.broadcast %sub3A_541 : i32 to vector<16xi32>
        %sub3A_543 = arith.subi %div3A_516, %sub3A_542 : vector<16xi32>
        %select_n3A_544 = arith.select %and3A_540, %sub3A_543, %div3A_516 : vector<16xi1>, vector<16xi32>
        %add3A_545 = arith.constant 2 : i32
        %add3A_546 = vector.broadcast %add3A_545 : i32 to vector<16xi32>
        %add3A_547 = arith.addi %add3A_546, %select_n3A_544 : vector<16xi32>
        %mul3A_548 = arith.constant 128 : i32
        %mul3A_549 = vector.broadcast %mul3A_548 : i32 to vector<16xi32>
        %mul3A_550 = arith.muli %add3A_547, %mul3A_549 : vector<16xi32>
        %add3A_551 = vector.broadcast %scan3A_465 : i32 to vector<16xi32>
        %add3A_552 = arith.addi %mul3A_550, %add3A_551 : vector<16xi32>
        %gather3A_553 = tpu.vector_load_idx %arg16[%add3A_552] : memref<1024xf32, #tpu.memory_space<vmem>>[vector<16xi32>], vector<16xf32>,
        %mul3A_554 = arith.mulf %get3A_513, %gather3A_553 : vector<16xf32>
        %swap3A_555 = arith.index_cast %scan3A_465 : i32 to index
        %swap3A_556 = arith.constant 16 : index
        %swap3A_557 = tpu.vector_load %arg14[%swap3A_555, %swap3A_556] {strides = array<i32>} : memref<128x64xf32, #tpu.memory_space<vmem>>, vector<16xf32>,
        tpu.vector_store %arg14[%swap3A_555, %swap3A_556], %mul3A_554 {strides = array<i32>} : memref<128x64xf32, #tpu.memory_space<vmem>>, vector<16xf32>,
        %get3A_558 = arith.index_cast %scan3A_465 : i32 to index
        %get3A_559 = arith.constant 32 : index
        %get3A_560 = tpu.vector_load %arg10[%get3A_558, %get3A_559] {strides = array<i32>} : memref<128x72xf32, #tpu.memory_space<vmem>>, vector<16xf32>,
        %jit3A_561 = arith.constant 8 : i32
        %div3A_562 = vector.broadcast %jit3A_561 : i32 to vector<16xi32>
        %div3A_563 = arith.divsi %iota3A, %div3A_562 : vector<16xi32>
        %sign3A_564 = arith.constant 0 : i32
        %sign3A_565 = vector.broadcast %sign3A_564 : i32 to vector<16xi32>
        %sign3A_566 = arith.cmpi sgt, %iota3A, %sign3A_565 : vector<16xi32>
        %sign3A_567 = arith.extui %sign3A_566 : vector<16xi1> to vector<16xi32>
        %sign3A_568 = arith.constant 0 : i32
        %sign3A_569 = vector.broadcast %sign3A_568 : i32 to vector<16xi32>
        %sign3A_570 = arith.cmpi slt, %iota3A, %sign3A_569 : vector<16xi32>
        %sign3A_571 = arith.extui %sign3A_570 : vector<16xi1> to vector<16xi32>
        %sign3A_572 = arith.subi %sign3A_567, %sign3A_571 : vector<16xi32>
        %sign3A_573 = arith.constant 0 : i32
        %sign3A_574 = arith.cmpi sgt, %jit3A_561, %sign3A_573 : i32
        %sign3A_575 = arith.extui %sign3A_574 : i1 to i32
        %sign3A_576 = arith.constant 0 : i32
        %sign3A_577 = arith.cmpi slt, %jit3A_561, %sign3A_576 : i32
        %sign3A_578 = arith.extui %sign3A_577 : i1 to i32
        %sign3A_579 = arith.subi %sign3A_575, %sign3A_578 : i32
        %ne3A_580 = vector.broadcast %sign3A_579 : i32 to vector<16xi32>
        %ne3A_581 = arith.cmpi ne, %sign3A_572, %ne3A_580 : vector<16xi32>
        %rem3A_582 = vector.broadcast %jit3A_561 : i32 to vector<16xi32>
        %rem3A_583 = arith.remsi %iota3A, %rem3A_582 : vector<16xi32>
        %ne3A_584 = arith.constant 0 : i32
        %ne3A_585 = vector.broadcast %ne3A_584 : i32 to vector<16xi32>
        %ne3A_586 = arith.cmpi ne, %rem3A_583, %ne3A_585 : vector<16xi32>
        %and3A_587 = arith.andi %ne3A_581, %ne3A_586 : vector<16xi1>
        %sub3A_588 = arith.constant 1 : i32
        %sub3A_589 = vector.broadcast %sub3A_588 : i32 to vector<16xi32>
        %sub3A_590 = arith.subi %div3A_563, %sub3A_589 : vector<16xi32>
        %select_n3A_591 = arith.select %and3A_587, %sub3A_590, %div3A_563 : vector<16xi1>, vector<16xi32>
        %add3A_592 = arith.constant 4 : i32
        %add3A_593 = vector.broadcast %add3A_592 : i32 to vector<16xi32>
        %add3A_594 = arith.addi %add3A_593, %select_n3A_591 : vector<16xi32>
        %mul3A_595 = arith.constant 128 : i32
        %mul3A_596 = vector.broadcast %mul3A_595 : i32 to vector<16xi32>
        %mul3A_597 = arith.muli %add3A_594, %mul3A_596 : vector<16xi32>
        %add3A_598 = vector.broadcast %scan3A_465 : i32 to vector<16xi32>
        %add3A_599 = arith.addi %mul3A_597, %add3A_598 : vector<16xi32>
        %gather3A_600 = tpu.vector_load_idx %arg16[%add3A_599] : memref<1024xf32, #tpu.memory_space<vmem>>[vector<16xi32>], vector<16xf32>,
        %mul3A_601 = arith.mulf %get3A_560, %gather3A_600 : vector<16xf32>
        %swap3A_602 = arith.index_cast %scan3A_465 : i32 to index
        %swap3A_603 = arith.constant 32 : index
        %swap3A_604 = tpu.vector_load %arg14[%swap3A_602, %swap3A_603] {strides = array<i32>} : memref<128x64xf32, #tpu.memory_space<vmem>>, vector<16xf32>,
        tpu.vector_store %arg14[%swap3A_602, %swap3A_603], %mul3A_601 {strides = array<i32>} : memref<128x64xf32, #tpu.memory_space<vmem>>, vector<16xf32>,
        %get3A_605 = arith.index_cast %scan3A_465 : i32 to index
        %get3A_606 = arith.constant 48 : index
        %get3A_607 = tpu.vector_load %arg10[%get3A_605, %get3A_606] {strides = array<i32>} : memref<128x72xf32, #tpu.memory_space<vmem>>, vector<16xf32>,
        %jit3A_608 = arith.constant 8 : i32
        %div3A_609 = vector.broadcast %jit3A_608 : i32 to vector<16xi32>
        %div3A_610 = arith.divsi %iota3A, %div3A_609 : vector<16xi32>
        %sign3A_611 = arith.constant 0 : i32
        %sign3A_612 = vector.broadcast %sign3A_611 : i32 to vector<16xi32>
        %sign3A_613 = arith.cmpi sgt, %iota3A, %sign3A_612 : vector<16xi32>
        %sign3A_614 = arith.extui %sign3A_613 : vector<16xi1> to vector<16xi32>
        %sign3A_615 = arith.constant 0 : i32
        %sign3A_616 = vector.broadcast %sign3A_615 : i32 to vector<16xi32>
        %sign3A_617 = arith.cmpi slt, %iota3A, %sign3A_616 : vector<16xi32>
        %sign3A_618 = arith.extui %sign3A_617 : vector<16xi1> to vector<16xi32>
        %sign3A_619 = arith.subi %sign3A_614, %sign3A_618 : vector<16xi32>
        %sign3A_620 = arith.constant 0 : i32
        %sign3A_621 = arith.cmpi sgt, %jit3A_608, %sign3A_620 : i32
        %sign3A_622 = arith.extui %sign3A_621 : i1 to i32
        %sign3A_623 = arith.constant 0 : i32
        %sign3A_624 = arith.cmpi slt, %jit3A_608, %sign3A_623 : i32
        %sign3A_625 = arith.extui %sign3A_624 : i1 to i32
        %sign3A_626 = arith.subi %sign3A_622, %sign3A_625 : i32
        %ne3A_627 = vector.broadcast %sign3A_626 : i32 to vector<16xi32>
        %ne3A_628 = arith.cmpi ne, %sign3A_619, %ne3A_627 : vector<16xi32>
        %rem3A_629 = vector.broadcast %jit3A_608 : i32 to vector<16xi32>
        %rem3A_630 = arith.remsi %iota3A, %rem3A_629 : vector<16xi32>
        %ne3A_631 = arith.constant 0 : i32
        %ne3A_632 = vector.broadcast %ne3A_631 : i32 to vector<16xi32>
        %ne3A_633 = arith.cmpi ne, %rem3A_630, %ne3A_632 : vector<16xi32>
        %and3A_634 = arith.andi %ne3A_628, %ne3A_633 : vector<16xi1>
        %sub3A_635 = arith.constant 1 : i32
        %sub3A_636 = vector.broadcast %sub3A_635 : i32 to vector<16xi32>
        %sub3A_637 = arith.subi %div3A_610, %sub3A_636 : vector<16xi32>
        %select_n3A_638 = arith.select %and3A_634, %sub3A_637, %div3A_610 : vector<16xi1>, vector<16xi32>
        %add3A_639 = arith.constant 6 : i32
        %add3A_640 = vector.broadcast %add3A_639 : i32 to vector<16xi32>
        %add3A_641 = arith.addi %add3A_640, %select_n3A_638 : vector<16xi32>
        %mul3A_642 = arith.constant 128 : i32
        %mul3A_643 = vector.broadcast %mul3A_642 : i32 to vector<16xi32>
        %mul3A_644 = arith.muli %add3A_641, %mul3A_643 : vector<16xi32>
        %add3A_645 = vector.broadcast %scan3A_465 : i32 to vector<16xi32>
        %add3A_646 = arith.addi %mul3A_644, %add3A_645 : vector<16xi32>
        %gather3A_647 = tpu.vector_load_idx %arg16[%add3A_646] : memref<1024xf32, #tpu.memory_space<vmem>>[vector<16xi32>], vector<16xf32>,
        %mul3A_648 = arith.mulf %get3A_607, %gather3A_647 : vector<16xf32>
        %swap3A_649 = arith.index_cast %scan3A_465 : i32 to index
        %swap3A_650 = arith.constant 48 : index
        %swap3A_651 = tpu.vector_load %arg14[%swap3A_649, %swap3A_650] {strides = array<i32>} : memref<128x64xf32, #tpu.memory_space<vmem>>, vector<16xf32>,
        tpu.vector_store %arg14[%swap3A_649, %swap3A_650], %mul3A_648 {strides = array<i32>} : memref<128x64xf32, #tpu.memory_space<vmem>>, vector<16xf32>,
        %scan3A_652 = arith.constant 0 : i32
        scf.yield %scan3A_652 : i32
      }
      %scan3A_277 = arith.constant 128 : i32
      %mul3A_278 = arith.constant 128 : i32
      %mul3A_279 = arith.muli %add3A_249, %mul3A_278 : i32
      %dma_start3A_280 = tpu.memref_slice %arg9[%mul3A_279] : memref<10240xi32, #tpu.memory_space<vmem>> -> memref<128xi32, #tpu.memory_space<vmem>>
      %dma_start3A_281 = arith.constant 0 : i32
      %dma_start3A_282 = arith.constant 0 : i32
      %dma_start3A_283 = tpu.memref_slice %arg21[%dma_start3A_281, %dma_start3A_282] : memref<10000x64xf32, #tpu.memory_space<vmem_shared>> -> memref<10000x64xf32, #tpu.memory_space<vmem_shared>>
      tpu.enqueue_indirect_dma source(%arg14 : memref<128x64xf32, #tpu.memory_space<vmem>>) target(%dma_start3A_283 : memref<10000x64xf32, #tpu.memory_space<vmem_shared>>) offsets(%dma_start3A_280 : memref<128xi32, #tpu.memory_space<vmem>>) semaphore(%arg27 : memref<!tpu.dma_semaphore, #tpu.memory_space<semaphore_mem>>) {add = true}
      %dma_start3A_284 = arith.constant 0 : i32
      %dma_start3A_285 = arith.constant 0 : i32
      %dma_start3A_286 = tpu.memref_slice %arg16[%dma_start3A_285] : memref<1024xf32, #tpu.memory_space<vmem>> -> memref<128xf32, #tpu.memory_space<vmem>>
      %dma_start3A_287 = arith.constant 0 : i32
      %dma_start3A_288 = tpu.memref_slice %arg18[%dma_start3A_284, %dma_start3A_287] : memref<8x128xi32, #tpu.memory_space<vmem>> -> memref<1x128xi32, #tpu.memory_space<vmem>>
      %dma_start3A_289 = tpu.memref_squeeze %dma_start3A_288 : memref<1x128xi32, #tpu.memory_space<vmem>> -> memref<128xi32, #tpu.memory_space<vmem>>
      %dma_start3A_290 = arith.constant 0 : i32
      %dma_start3A_291 = tpu.memref_slice %arg22[%dma_start3A_290] : memref<80000xf32, #tpu.memory_space<vmem_shared>> -> memref<80000xf32, #tpu.memory_space<vmem_shared>>
      tpu.enqueue_indirect_dma source(%dma_start3A_286 : memref<128xf32, #tpu.memory_space<vmem>>) target(%dma_start3A_291 : memref<80000xf32, #tpu.memory_space<vmem_shared>>) offsets(%dma_start3A_289 : memref<128xi32, #tpu.memory_space<vmem>>) semaphore(%arg27 : memref<!tpu.dma_semaphore, #tpu.memory_space<semaphore_mem>>) {add = true}
      %dma_start3A_292 = arith.constant 1 : i32
      %dma_start3A_293 = arith.constant 128 : i32
      %dma_start3A_294 = tpu.memref_slice %arg16[%dma_start3A_293] : memref<1024xf32, #tpu.memory_space<vmem>> -> memref<128xf32, #tpu.memory_space<vmem>>
      %dma_start3A_295 = arith.constant 0 : i32
      %dma_start3A_296 = tpu.memref_slice %arg18[%dma_start3A_292, %dma_start3A_295] : memref<8x128xi32, #tpu.memory_space<vmem>> -> memref<1x128xi32, #tpu.memory_space<vmem>>
      %dma_start3A_297 = tpu.memref_squeeze %dma_start3A_296 : memref<1x128xi32, #tpu.memory_space<vmem>> -> memref<128xi32, #tpu.memory_space<vmem>>
      %dma_start3A_298 = arith.constant 0 : i32
      %dma_start3A_299 = tpu.memref_slice %arg22[%dma_start3A_298] : memref<80000xf32, #tpu.memory_space<vmem_shared>> -> memref<80000xf32, #tpu.memory_space<vmem_shared>>
      tpu.enqueue_indirect_dma source(%dma_start3A_294 : memref<128xf32, #tpu.memory_space<vmem>>) target(%dma_start3A_299 : memref<80000xf32, #tpu.memory_space<vmem_shared>>) offsets(%dma_start3A_297 : memref<128xi32, #tpu.memory_space<vmem>>) semaphore(%arg27 : memref<!tpu.dma_semaphore, #tpu.memory_space<semaphore_mem>>) {add = true}
      %dma_start3A_300 = arith.constant 2 : i32
      %dma_start3A_301 = arith.constant 256 : i32
      %dma_start3A_302 = tpu.memref_slice %arg16[%dma_start3A_301] : memref<1024xf32, #tpu.memory_space<vmem>> -> memref<128xf32, #tpu.memory_space<vmem>>
      %dma_start3A_303 = arith.constant 0 : i32
      %dma_start3A_304 = tpu.memref_slice %arg18[%dma_start3A_300, %dma_start3A_303] : memref<8x128xi32, #tpu.memory_space<vmem>> -> memref<1x128xi32, #tpu.memory_space<vmem>>
      %dma_start3A_305 = tpu.memref_squeeze %dma_start3A_304 : memref<1x128xi32, #tpu.memory_space<vmem>> -> memref<128xi32, #tpu.memory_space<vmem>>
      %dma_start3A_306 = arith.constant 0 : i32
      %dma_start3A_307 = tpu.memref_slice %arg22[%dma_start3A_306] : memref<80000xf32, #tpu.memory_space<vmem_shared>> -> memref<80000xf32, #tpu.memory_space<vmem_shared>>
      tpu.enqueue_indirect_dma source(%dma_start3A_302 : memref<128xf32, #tpu.memory_space<vmem>>) target(%dma_start3A_307 : memref<80000xf32, #tpu.memory_space<vmem_shared>>) offsets(%dma_start3A_305 : memref<128xi32, #tpu.memory_space<vmem>>) semaphore(%arg27 : memref<!tpu.dma_semaphore, #tpu.memory_space<semaphore_mem>>) {add = true}
      %dma_start3A_308 = arith.constant 3 : i32
      %dma_start3A_309 = arith.constant 384 : i32
      %dma_start3A_310 = tpu.memref_slice %arg16[%dma_start3A_309] : memref<1024xf32, #tpu.memory_space<vmem>> -> memref<128xf32, #tpu.memory_space<vmem>>
      %dma_start3A_311 = arith.constant 0 : i32
      %dma_start3A_312 = tpu.memref_slice %arg18[%dma_start3A_308, %dma_start3A_311] : memref<8x128xi32, #tpu.memory_space<vmem>> -> memref<1x128xi32, #tpu.memory_space<vmem>>
      %dma_start3A_313 = tpu.memref_squeeze %dma_start3A_312 : memref<1x128xi32, #tpu.memory_space<vmem>> -> memref<128xi32, #tpu.memory_space<vmem>>
      %dma_start3A_314 = arith.constant 0 : i32
      %dma_start3A_315 = tpu.memref_slice %arg22[%dma_start3A_314] : memref<80000xf32, #tpu.memory_space<vmem_shared>> -> memref<80000xf32, #tpu.memory_space<vmem_shared>>
      tpu.enqueue_indirect_dma source(%dma_start3A_310 : memref<128xf32, #tpu.memory_space<vmem>>) target(%dma_start3A_315 : memref<80000xf32, #tpu.memory_space<vmem_shared>>) offsets(%dma_start3A_313 : memref<128xi32, #tpu.memory_space<vmem>>) semaphore(%arg27 : memref<!tpu.dma_semaphore, #tpu.memory_space<semaphore_mem>>) {add = true}
      %dma_start3A_316 = arith.constant 4 : i32
      %dma_start3A_317 = arith.constant 512 : i32
      %dma_start3A_318 = tpu.memref_slice %arg16[%dma_start3A_317] : memref<1024xf32, #tpu.memory_space<vmem>> -> memref<128xf32, #tpu.memory_space<vmem>>
      %dma_start3A_319 = arith.constant 0 : i32
      %dma_start3A_320 = tpu.memref_slice %arg18[%dma_start3A_316, %dma_start3A_319] : memref<8x128xi32, #tpu.memory_space<vmem>> -> memref<1x128xi32, #tpu.memory_space<vmem>>
      %dma_start3A_321 = tpu.memref_squeeze %dma_start3A_320 : memref<1x128xi32, #tpu.memory_space<vmem>> -> memref<128xi32, #tpu.memory_space<vmem>>
      %dma_start3A_322 = arith.constant 0 : i32
      %dma_start3A_323 = tpu.memref_slice %arg22[%dma_start3A_322] : memref<80000xf32, #tpu.memory_space<vmem_shared>> -> memref<80000xf32, #tpu.memory_space<vmem_shared>>
      tpu.enqueue_indirect_dma source(%dma_start3A_318 : memref<128xf32, #tpu.memory_space<vmem>>) target(%dma_start3A_323 : memref<80000xf32, #tpu.memory_space<vmem_shared>>) offsets(%dma_start3A_321 : memref<128xi32, #tpu.memory_space<vmem>>) semaphore(%arg27 : memref<!tpu.dma_semaphore, #tpu.memory_space<semaphore_mem>>) {add = true}
      %dma_start3A_324 = arith.constant 5 : i32
      %dma_start3A_325 = arith.constant 640 : i32
      %dma_start3A_326 = tpu.memref_slice %arg16[%dma_start3A_325] : memref<1024xf32, #tpu.memory_space<vmem>> -> memref<128xf32, #tpu.memory_space<vmem>>
      %dma_start3A_327 = arith.constant 0 : i32
      %dma_start3A_328 = tpu.memref_slice %arg18[%dma_start3A_324, %dma_start3A_327] : memref<8x128xi32, #tpu.memory_space<vmem>> -> memref<1x128xi32, #tpu.memory_space<vmem>>
      %dma_start3A_329 = tpu.memref_squeeze %dma_start3A_328 : memref<1x128xi32, #tpu.memory_space<vmem>> -> memref<128xi32, #tpu.memory_space<vmem>>
      %dma_start3A_330 = arith.constant 0 : i32
      %dma_start3A_331 = tpu.memref_slice %arg22[%dma_start3A_330] : memref<80000xf32, #tpu.memory_space<vmem_shared>> -> memref<80000xf32, #tpu.memory_space<vmem_shared>>
      tpu.enqueue_indirect_dma source(%dma_start3A_326 : memref<128xf32, #tpu.memory_space<vmem>>) target(%dma_start3A_331 : memref<80000xf32, #tpu.memory_space<vmem_shared>>) offsets(%dma_start3A_329 : memref<128xi32, #tpu.memory_space<vmem>>) semaphore(%arg27 : memref<!tpu.dma_semaphore, #tpu.memory_space<semaphore_mem>>) {add = true}
      %dma_start3A_332 = arith.constant 6 : i32
      %dma_start3A_333 = arith.constant 768 : i32
      %dma_start3A_334 = tpu.memref_slice %arg16[%dma_start3A_333] : memref<1024xf32, #tpu.memory_space<vmem>> -> memref<128xf32, #tpu.memory_space<vmem>>
      %dma_start3A_335 = arith.constant 0 : i32
      %dma_start3A_336 = tpu.memref_slice %arg18[%dma_start3A_332, %dma_start3A_335] : memref<8x128xi32, #tpu.memory_space<vmem>> -> memref<1x128xi32, #tpu.memory_space<vmem>>
      %dma_start3A_337 = tpu.memref_squeeze %dma_start3A_336 : memref<1x128xi32, #tpu.memory_space<vmem>> -> memref<128xi32, #tpu.memory_space<vmem>>
      %dma_start3A_338 = arith.constant 0 : i32
      %dma_start3A_339 = tpu.memref_slice %arg22[%dma_start3A_338] : memref<80000xf32, #tpu.memory_space<vmem_shared>> -> memref<80000xf32, #tpu.memory_space<vmem_shared>>
      tpu.enqueue_indirect_dma source(%dma_start3A_334 : memref<128xf32, #tpu.memory_space<vmem>>) target(%dma_start3A_339 : memref<80000xf32, #tpu.memory_space<vmem_shared>>) offsets(%dma_start3A_337 : memref<128xi32, #tpu.memory_space<vmem>>) semaphore(%arg27 : memref<!tpu.dma_semaphore, #tpu.memory_space<semaphore_mem>>) {add = true}
      %dma_start3A_340 = arith.constant 7 : i32
      %dma_start3A_341 = arith.constant 896 : i32
      %dma_start3A_342 = tpu.memref_slice %arg16[%dma_start3A_341] : memref<1024xf32, #tpu.memory_space<vmem>> -> memref<128xf32, #tpu.memory_space<vmem>>
      %dma_start3A_343 = arith.constant 0 : i32
      %dma_start3A_344 = tpu.memref_slice %arg18[%dma_start3A_340, %dma_start3A_343] : memref<8x128xi32, #tpu.memory_space<vmem>> -> memref<1x128xi32, #tpu.memory_space<vmem>>
      %dma_start3A_345 = tpu.memref_squeeze %dma_start3A_344 : memref<1x128xi32, #tpu.memory_space<vmem>> -> memref<128xi32, #tpu.memory_space<vmem>>
      %dma_start3A_346 = arith.constant 0 : i32
      %dma_start3A_347 = tpu.memref_slice %arg22[%dma_start3A_346] : memref<80000xf32, #tpu.memory_space<vmem_shared>> -> memref<80000xf32, #tpu.memory_space<vmem_shared>>
      tpu.enqueue_indirect_dma source(%dma_start3A_342 : memref<128xf32, #tpu.memory_space<vmem>>) target(%dma_start3A_347 : memref<80000xf32, #tpu.memory_space<vmem_shared>>) offsets(%dma_start3A_345 : memref<128xi32, #tpu.memory_space<vmem>>) semaphore(%arg27 : memref<!tpu.dma_semaphore, #tpu.memory_space<semaphore_mem>>) {add = true}
      %add3A_348 = arith.constant 2 : i32
      %add3A_349 = arith.addi %add3A_249, %add3A_348 : i32
      %lt3A = arith.cmpi slt, %add3A_349, %select_n3A : i32
      %convert_element_type3A_350 = arith.extui %lt3A : i1 to i32
      %cond3A_351 = arith.constant 0 : i32
      %cond3A_352 = arith.cmpi ne, %convert_element_type3A_350, %cond3A_351 : i32
      scf.if %cond3A_352 {
        %add3A_465 = arith.constant 2 : i32
        %add3A_466 = arith.addi %add3A_249, %add3A_465 : i32
        %mul3A_467 = arith.constant 128 : i32
        %mul3A_468 = arith.muli %add3A_466, %mul3A_467 : i32
        %mul3A_469 = arith.constant 128 : i32
        %mul3A_470 = arith.muli %add3A_466, %mul3A_469 : i32
        %dma_start3A_471 = tpu.memref_slice %arg8[%mul3A_468] : memref<10240xi32, #tpu.memory_space<vmem>> -> memref<128xi32, #tpu.memory_space<vmem>>
        %dma_start3A_472 = arith.constant 0 : i32
        %dma_start3A_473 = arith.constant 0 : i32
        %dma_start3A_474 = tpu.memref_slice %arg4[%dma_start3A_472, %dma_start3A_473] : memref<10000x72xf32, #tpu.memory_space<hbm>> -> memref<10000x72xf32, #tpu.memory_space<hbm>>
        tpu.enqueue_indirect_dma source(%dma_start3A_474 : memref<10000x72xf32, #tpu.memory_space<hbm>>) target(%arg10 : memref<128x72xf32, #tpu.memory_space<vmem>>) offsets(%dma_start3A_471 : memref<128xi32, #tpu.memory_space<vmem>>) semaphore(%arg23 : memref<!tpu.dma_semaphore, #tpu.memory_space<semaphore_mem>>)
        %dma_start3A_475 = tpu.memref_slice %arg9[%mul3A_470] : memref<10240xi32, #tpu.memory_space<vmem>> -> memref<128xi32, #tpu.memory_space<vmem>>
        %dma_start3A_476 = arith.constant 0 : i32
        %dma_start3A_477 = arith.constant 0 : i32
        %dma_start3A_478 = tpu.memref_slice %arg5[%dma_start3A_476, %dma_start3A_477] : memref<10000x16xf32, #tpu.memory_space<hbm>> -> memref<10000x16xf32, #tpu.memory_space<hbm>>
        tpu.enqueue_indirect_dma source(%dma_start3A_478 : memref<10000x16xf32, #tpu.memory_space<hbm>>) target(%arg12 : memref<128x16xf32, #tpu.memory_space<vmem>>) offsets(%dma_start3A_475 : memref<128xi32, #tpu.memory_space<vmem>>) semaphore(%arg24 : memref<!tpu.dma_semaphore, #tpu.memory_space<semaphore_mem>>)
      } else {
      }
      %mul3A_353 = arith.constant 2 : i32
      %mul3A_354 = arith.muli %mul3A_353, %while3A_244 : i32
      %add3A_355 = arith.constant 1 : i32
      %add3A_356 = arith.addi %mul3A_354, %add3A_355 : i32
      %gt3A_357 = arith.constant 0 : i32
      %gt3A_358 = arith.cmpi sgt, %while3A_244, %gt3A_357 : i32
      %convert_element_type3A_359 = arith.extui %gt3A_358 : i1 to i32
      %cond3A_360 = arith.constant 0 : i32
      %cond3A_361 = arith.cmpi ne, %convert_element_type3A_359, %cond3A_360 : i32
      scf.if %cond3A_361 {
        %sub3A_465 = arith.constant 2 : i32
        %sub3A_466 = arith.subi %add3A_356, %sub3A_465 : i32
        %mul3A_467 = arith.constant 128 : i32
        %mul3A_468 = arith.muli %sub3A_466, %mul3A_467 : i32
        %dma_wait3A_469 = tpu.memref_slice %arg9[%mul3A_468] : memref<10240xi32, #tpu.memory_space<vmem>> -> memref<128xi32, #tpu.memory_space<vmem>>
        %dma_wait3A_470 = arith.constant 0 : i32
        %dma_wait3A_471 = arith.constant 0 : i32
        %dma_wait3A_472 = tpu.memref_slice %arg21[%dma_wait3A_470, %dma_wait3A_471] : memref<10000x64xf32, #tpu.memory_space<vmem_shared>> -> memref<10000x64xf32, #tpu.memory_space<vmem_shared>>
        tpu.wait_indirect_dma semaphore(%arg28 : memref<!tpu.dma_semaphore, #tpu.memory_space<semaphore_mem>>) src(%arg15 : memref<128x64xf32, #tpu.memory_space<vmem>>) dst(%dma_wait3A_472 : memref<10000x64xf32, #tpu.memory_space<vmem_shared>>)
        %dma_wait3A_473 = arith.constant 0 : i32
        %dma_wait3A_474 = arith.constant 0 : i32
        %dma_wait3A_475 = tpu.memref_slice %arg17[%dma_wait3A_474] : memref<1024xf32, #tpu.memory_space<vmem>> -> memref<128xf32, #tpu.memory_space<vmem>>
        %dma_wait3A_476 = arith.constant 0 : i32
        %dma_wait3A_477 = tpu.memref_slice %arg19[%dma_wait3A_473, %dma_wait3A_476] : memref<8x128xi32, #tpu.memory_space<vmem>> -> memref<1x128xi32, #tpu.memory_space<vmem>>
        %dma_wait3A_478 = tpu.memref_squeeze %dma_wait3A_477 : memref<1x128xi32, #tpu.memory_space<vmem>> -> memref<128xi32, #tpu.memory_space<vmem>>
        %dma_wait3A_479 = arith.constant 0 : i32
        %dma_wait3A_480 = tpu.memref_slice %arg22[%dma_wait3A_479] : memref<80000xf32, #tpu.memory_space<vmem_shared>> -> memref<80000xf32, #tpu.memory_space<vmem_shared>>
        tpu.wait_indirect_dma semaphore(%arg28 : memref<!tpu.dma_semaphore, #tpu.memory_space<semaphore_mem>>) src(%dma_wait3A_475 : memref<128xf32, #tpu.memory_space<vmem>>) dst(%dma_wait3A_480 : memref<80000xf32, #tpu.memory_space<vmem_shared>>)
        %dma_wait3A_481 = arith.constant 1 : i32
        %dma_wait3A_482 = arith.constant 128 : i32
        %dma_wait3A_483 = tpu.memref_slice %arg17[%dma_wait3A_482] : memref<1024xf32, #tpu.memory_space<vmem>> -> memref<128xf32, #tpu.memory_space<vmem>>
        %dma_wait3A_484 = arith.constant 0 : i32
        %dma_wait3A_485 = tpu.memref_slice %arg19[%dma_wait3A_481, %dma_wait3A_484] : memref<8x128xi32, #tpu.memory_space<vmem>> -> memref<1x128xi32, #tpu.memory_space<vmem>>
        %dma_wait3A_486 = tpu.memref_squeeze %dma_wait3A_485 : memref<1x128xi32, #tpu.memory_space<vmem>> -> memref<128xi32, #tpu.memory_space<vmem>>
        %dma_wait3A_487 = arith.constant 0 : i32
        %dma_wait3A_488 = tpu.memref_slice %arg22[%dma_wait3A_487] : memref<80000xf32, #tpu.memory_space<vmem_shared>> -> memref<80000xf32, #tpu.memory_space<vmem_shared>>
        tpu.wait_indirect_dma semaphore(%arg28 : memref<!tpu.dma_semaphore, #tpu.memory_space<semaphore_mem>>) src(%dma_wait3A_483 : memref<128xf32, #tpu.memory_space<vmem>>) dst(%dma_wait3A_488 : memref<80000xf32, #tpu.memory_space<vmem_shared>>)
        %dma_wait3A_489 = arith.constant 2 : i32
        %dma_wait3A_490 = arith.constant 256 : i32
        %dma_wait3A_491 = tpu.memref_slice %arg17[%dma_wait3A_490] : memref<1024xf32, #tpu.memory_space<vmem>> -> memref<128xf32, #tpu.memory_space<vmem>>
        %dma_wait3A_492 = arith.constant 0 : i32
        %dma_wait3A_493 = tpu.memref_slice %arg19[%dma_wait3A_489, %dma_wait3A_492] : memref<8x128xi32, #tpu.memory_space<vmem>> -> memref<1x128xi32, #tpu.memory_space<vmem>>
        %dma_wait3A_494 = tpu.memref_squeeze %dma_wait3A_493 : memref<1x128xi32, #tpu.memory_space<vmem>> -> memref<128xi32, #tpu.memory_space<vmem>>
        %dma_wait3A_495 = arith.constant 0 : i32
        %dma_wait3A_496 = tpu.memref_slice %arg22[%dma_wait3A_495] : memref<80000xf32, #tpu.memory_space<vmem_shared>> -> memref<80000xf32, #tpu.memory_space<vmem_shared>>
        tpu.wait_indirect_dma semaphore(%arg28 : memref<!tpu.dma_semaphore, #tpu.memory_space<semaphore_mem>>) src(%dma_wait3A_491 : memref<128xf32, #tpu.memory_space<vmem>>) dst(%dma_wait3A_496 : memref<80000xf32, #tpu.memory_space<vmem_shared>>)
        %dma_wait3A_497 = arith.constant 3 : i32
        %dma_wait3A_498 = arith.constant 384 : i32
        %dma_wait3A_499 = tpu.memref_slice %arg17[%dma_wait3A_498] : memref<1024xf32, #tpu.memory_space<vmem>> -> memref<128xf32, #tpu.memory_space<vmem>>
        %dma_wait3A_500 = arith.constant 0 : i32
        %dma_wait3A_501 = tpu.memref_slice %arg19[%dma_wait3A_497, %dma_wait3A_500] : memref<8x128xi32, #tpu.memory_space<vmem>> -> memref<1x128xi32, #tpu.memory_space<vmem>>
        %dma_wait3A_502 = tpu.memref_squeeze %dma_wait3A_501 : memref<1x128xi32, #tpu.memory_space<vmem>> -> memref<128xi32, #tpu.memory_space<vmem>>
        %dma_wait3A_503 = arith.constant 0 : i32
        %dma_wait3A_504 = tpu.memref_slice %arg22[%dma_wait3A_503] : memref<80000xf32, #tpu.memory_space<vmem_shared>> -> memref<80000xf32, #tpu.memory_space<vmem_shared>>
        tpu.wait_indirect_dma semaphore(%arg28 : memref<!tpu.dma_semaphore, #tpu.memory_space<semaphore_mem>>) src(%dma_wait3A_499 : memref<128xf32, #tpu.memory_space<vmem>>) dst(%dma_wait3A_504 : memref<80000xf32, #tpu.memory_space<vmem_shared>>)
        %dma_wait3A_505 = arith.constant 4 : i32
        %dma_wait3A_506 = arith.constant 512 : i32
        %dma_wait3A_507 = tpu.memref_slice %arg17[%dma_wait3A_506] : memref<1024xf32, #tpu.memory_space<vmem>> -> memref<128xf32, #tpu.memory_space<vmem>>
        %dma_wait3A_508 = arith.constant 0 : i32
        %dma_wait3A_509 = tpu.memref_slice %arg19[%dma_wait3A_505, %dma_wait3A_508] : memref<8x128xi32, #tpu.memory_space<vmem>> -> memref<1x128xi32, #tpu.memory_space<vmem>>
        %dma_wait3A_510 = tpu.memref_squeeze %dma_wait3A_509 : memref<1x128xi32, #tpu.memory_space<vmem>> -> memref<128xi32, #tpu.memory_space<vmem>>
        %dma_wait3A_511 = arith.constant 0 : i32
        %dma_wait3A_512 = tpu.memref_slice %arg22[%dma_wait3A_511] : memref<80000xf32, #tpu.memory_space<vmem_shared>> -> memref<80000xf32, #tpu.memory_space<vmem_shared>>
        tpu.wait_indirect_dma semaphore(%arg28 : memref<!tpu.dma_semaphore, #tpu.memory_space<semaphore_mem>>) src(%dma_wait3A_507 : memref<128xf32, #tpu.memory_space<vmem>>) dst(%dma_wait3A_512 : memref<80000xf32, #tpu.memory_space<vmem_shared>>)
        %dma_wait3A_513 = arith.constant 5 : i32
        %dma_wait3A_514 = arith.constant 640 : i32
        %dma_wait3A_515 = tpu.memref_slice %arg17[%dma_wait3A_514] : memref<1024xf32, #tpu.memory_space<vmem>> -> memref<128xf32, #tpu.memory_space<vmem>>
        %dma_wait3A_516 = arith.constant 0 : i32
        %dma_wait3A_517 = tpu.memref_slice %arg19[%dma_wait3A_513, %dma_wait3A_516] : memref<8x128xi32, #tpu.memory_space<vmem>> -> memref<1x128xi32, #tpu.memory_space<vmem>>
        %dma_wait3A_518 = tpu.memref_squeeze %dma_wait3A_517 : memref<1x128xi32, #tpu.memory_space<vmem>> -> memref<128xi32, #tpu.memory_space<vmem>>
        %dma_wait3A_519 = arith.constant 0 : i32
        %dma_wait3A_520 = tpu.memref_slice %arg22[%dma_wait3A_519] : memref<80000xf32, #tpu.memory_space<vmem_shared>> -> memref<80000xf32, #tpu.memory_space<vmem_shared>>
        tpu.wait_indirect_dma semaphore(%arg28 : memref<!tpu.dma_semaphore, #tpu.memory_space<semaphore_mem>>) src(%dma_wait3A_515 : memref<128xf32, #tpu.memory_space<vmem>>) dst(%dma_wait3A_520 : memref<80000xf32, #tpu.memory_space<vmem_shared>>)
        %dma_wait3A_521 = arith.constant 6 : i32
        %dma_wait3A_522 = arith.constant 768 : i32
        %dma_wait3A_523 = tpu.memref_slice %arg17[%dma_wait3A_522] : memref<1024xf32, #tpu.memory_space<vmem>> -> memref<128xf32, #tpu.memory_space<vmem>>
        %dma_wait3A_524 = arith.constant 0 : i32
        %dma_wait3A_525 = tpu.memref_slice %arg19[%dma_wait3A_521, %dma_wait3A_524] : memref<8x128xi32, #tpu.memory_space<vmem>> -> memref<1x128xi32, #tpu.memory_space<vmem>>
        %dma_wait3A_526 = tpu.memref_squeeze %dma_wait3A_525 : memref<1x128xi32, #tpu.memory_space<vmem>> -> memref<128xi32, #tpu.memory_space<vmem>>
        %dma_wait3A_527 = arith.constant 0 : i32
        %dma_wait3A_528 = tpu.memref_slice %arg22[%dma_wait3A_527] : memref<80000xf32, #tpu.memory_space<vmem_shared>> -> memref<80000xf32, #tpu.memory_space<vmem_shared>>
        tpu.wait_indirect_dma semaphore(%arg28 : memref<!tpu.dma_semaphore, #tpu.memory_space<semaphore_mem>>) src(%dma_wait3A_523 : memref<128xf32, #tpu.memory_space<vmem>>) dst(%dma_wait3A_528 : memref<80000xf32, #tpu.memory_space<vmem_shared>>)
        %dma_wait3A_529 = arith.constant 7 : i32
        %dma_wait3A_530 = arith.constant 896 : i32
        %dma_wait3A_531 = tpu.memref_slice %arg17[%dma_wait3A_530] : memref<1024xf32, #tpu.memory_space<vmem>> -> memref<128xf32, #tpu.memory_space<vmem>>
        %dma_wait3A_532 = arith.constant 0 : i32
        %dma_wait3A_533 = tpu.memref_slice %arg19[%dma_wait3A_529, %dma_wait3A_532] : memref<8x128xi32, #tpu.memory_space<vmem>> -> memref<1x128xi32, #tpu.memory_space<vmem>>
        %dma_wait3A_534 = tpu.memref_squeeze %dma_wait3A_533 : memref<1x128xi32, #tpu.memory_space<vmem>> -> memref<128xi32, #tpu.memory_space<vmem>>
        %dma_wait3A_535 = arith.constant 0 : i32
        %dma_wait3A_536 = tpu.memref_slice %arg22[%dma_wait3A_535] : memref<80000xf32, #tpu.memory_space<vmem_shared>> -> memref<80000xf32, #tpu.memory_space<vmem_shared>>
        tpu.wait_indirect_dma semaphore(%arg28 : memref<!tpu.dma_semaphore, #tpu.memory_space<semaphore_mem>>) src(%dma_wait3A_531 : memref<128xf32, #tpu.memory_space<vmem>>) dst(%dma_wait3A_536 : memref<80000xf32, #tpu.memory_space<vmem_shared>>)
      } else {
      }
      %mul3A_362 = arith.constant 128 : i32
      %mul3A_363 = arith.muli %add3A_356, %mul3A_362 : i32
      %mul3A_364 = arith.constant 128 : i32
      %mul3A_365 = arith.muli %add3A_356, %mul3A_364 : i32
      %dma_wait3A_366 = tpu.memref_slice %arg8[%mul3A_363] : memref<10240xi32, #tpu.memory_space<vmem>> -> memref<128xi32, #tpu.memory_space<vmem>>
      %dma_wait3A_367 = arith.constant 0 : i32
      %dma_wait3A_368 = arith.constant 0 : i32
      %dma_wait3A_369 = tpu.memref_slice %arg4[%dma_wait3A_367, %dma_wait3A_368] : memref<10000x72xf32, #tpu.memory_space<hbm>> -> memref<10000x72xf32, #tpu.memory_space<hbm>>
      tpu.wait_indirect_dma semaphore(%arg25 : memref<!tpu.dma_semaphore, #tpu.memory_space<semaphore_mem>>) src(%dma_wait3A_369 : memref<10000x72xf32, #tpu.memory_space<hbm>>) dst(%arg11 : memref<128x72xf32, #tpu.memory_space<vmem>>)
      %dma_wait3A_370 = tpu.memref_slice %arg9[%mul3A_365] : memref<10240xi32, #tpu.memory_space<vmem>> -> memref<128xi32, #tpu.memory_space<vmem>>
      %dma_wait3A_371 = arith.constant 0 : i32
      %dma_wait3A_372 = arith.constant 0 : i32
      %dma_wait3A_373 = tpu.memref_slice %arg5[%dma_wait3A_371, %dma_wait3A_372] : memref<10000x16xf32, #tpu.memory_space<hbm>> -> memref<10000x16xf32, #tpu.memory_space<hbm>>
      tpu.wait_indirect_dma semaphore(%arg26 : memref<!tpu.dma_semaphore, #tpu.memory_space<semaphore_mem>>) src(%dma_wait3A_373 : memref<10000x16xf32, #tpu.memory_space<hbm>>) dst(%arg13 : memref<128x16xf32, #tpu.memory_space<vmem>>)
      %scan3A_374 = arith.constant 0 : i32
      %scan3A_375 = arith.constant 0 : i32
      %scan3A_376 = arith.constant 8 : i32
      %scan3A_377 = arith.addi %scan3A_375, %scan3A_376 : i32
      %scan3A_378 = arith.constant 1 : i32
      %scan3A_379 = scf.for %scan3A_465 = %scan3A_375 to %scan3A_377 step %scan3A_378 iter_args(%scan3A_466 = %scan3A_374) -> (i32)  : i32 {
        %mul3A_467 = arith.constant 16 : i32
        %mul3A_468 = arith.muli %mul3A_467, %scan3A_465 : i32
        %add3A_469 = vector.broadcast %mul3A_468 : i32 to vector<16xi32>
        %add3A_470 = arith.addi %iota3A, %add3A_469 : vector<16xi32>
        %mul3A_471 = arith.constant 128 : i32
        %mul3A_472 = arith.muli %add3A_356, %mul3A_471 : i32
        %mul3A_473 = arith.constant 16 : i32
        %mul3A_474 = arith.muli %mul3A_473, %scan3A_465 : i32
        %add3A_475 = arith.addi %mul3A_472, %mul3A_474 : i32
        %get3A = arith.index_cast %add3A_475 : i32 to index
        %get3A_476 = tpu.vector_load %arg9[%get3A] {strides = array<i32>} : memref<10240xi32, #tpu.memory_space<vmem>>, vector<16xi32>,
        %broadcast_in_dim3A = arith.constant 64 : i32
        %broadcast_in_dim3A_477 = vector.broadcast %broadcast_in_dim3A : i32 to vector<16xi32>
        %gather3A = tpu.vector_load_idx %arg11[%add3A_470, %broadcast_in_dim3A_477] : memref<128x72xf32, #tpu.memory_space<vmem>>[vector<16xi32>, vector<16xi32>], vector<16xf32>,
        %broadcast_in_dim3A_478 = arith.constant 8 : i32
        %broadcast_in_dim3A_479 = vector.broadcast %broadcast_in_dim3A_478 : i32 to vector<16xi32>
        %gather3A_480 = tpu.vector_load_idx %arg13[%add3A_470, %broadcast_in_dim3A_479] : memref<128x16xf32, #tpu.memory_space<vmem>>[vector<16xi32>, vector<16xi32>], vector<16xf32>,
        %add3A_481 = arith.addf %gather3A, %gather3A_480 : vector<16xf32>
        %mul3A_482 = arith.constant 2.000000e-01 : f32
        %mul3A_483 = vector.broadcast %mul3A_482 : f32 to vector<16xf32>
        %mul3A_484 = arith.mulf %mul3A_483, %add3A_481 : vector<16xf32>
        %max3A = arith.maximumf %add3A_481, %mul3A_484 : vector<16xf32>
        %exp3A = math.exp %max3A : vector<16xf32>
        %mul3A_485 = arith.constant 16 : i32
        %mul3A_486 = arith.muli %mul3A_485, %scan3A_465 : i32
        %add3A_487 = arith.constant 0 : i32
        %add3A_488 = arith.addi %add3A_487, %mul3A_486 : i32
        %swap3A = arith.index_cast %add3A_488 : i32 to index
        %swap3A_489 = tpu.vector_load %arg17[%swap3A] {strides = array<i32>} : memref<1024xf32, #tpu.memory_space<vmem>>, vector<16xf32>,
        tpu.vector_store %arg17[%swap3A], %exp3A {strides = array<i32>} : memref<1024xf32, #tpu.memory_space<vmem>>, vector<16xf32>,
        %mul3A_490 = arith.constant 8 : i32
        %mul3A_491 = vector.broadcast %mul3A_490 : i32 to vector<16xi32>
        %mul3A_492 = arith.muli %get3A_476, %mul3A_491 : vector<16xi32>
        %add3A_493 = arith.constant 0 : i32
        %add3A_494 = vector.broadcast %add3A_493 : i32 to vector<16xi32>
        %add3A_495 = arith.addi %mul3A_492, %add3A_494 : vector<16xi32>
        %mul3A_496 = arith.constant 16 : i32
        %mul3A_497 = arith.muli %mul3A_496, %scan3A_465 : i32
        %swap3A_498 = arith.constant 0 : i32
        %swap3A_499 = arith.index_cast %swap3A_498 : i32 to index
        %swap3A_500 = arith.index_cast %mul3A_497 : i32 to index
        %swap3A_501 = tpu.vector_load %arg19[%swap3A_499, %swap3A_500] {strides = array<i32>} : memref<8x128xi32, #tpu.memory_space<vmem>>, vector<16xi32>,
        tpu.vector_store %arg19[%swap3A_499, %swap3A_500], %add3A_495 {strides = array<i32>} : memref<8x128xi32, #tpu.memory_space<vmem>>, vector<16xi32>,
        %broadcast_in_dim3A_502 = arith.constant 65 : i32
        %broadcast_in_dim3A_503 = vector.broadcast %broadcast_in_dim3A_502 : i32 to vector<16xi32>
        %gather3A_504 = tpu.vector_load_idx %arg11[%add3A_470, %broadcast_in_dim3A_503] : memref<128x72xf32, #tpu.memory_space<vmem>>[vector<16xi32>, vector<16xi32>], vector<16xf32>,
        %broadcast_in_dim3A_505 = arith.constant 9 : i32
        %broadcast_in_dim3A_506 = vector.broadcast %broadcast_in_dim3A_505 : i32 to vector<16xi32>
        %gather3A_507 = tpu.vector_load_idx %arg13[%add3A_470, %broadcast_in_dim3A_506] : memref<128x16xf32, #tpu.memory_space<vmem>>[vector<16xi32>, vector<16xi32>], vector<16xf32>,
        %add3A_508 = arith.addf %gather3A_504, %gather3A_507 : vector<16xf32>
        %mul3A_509 = arith.constant 2.000000e-01 : f32
        %mul3A_510 = vector.broadcast %mul3A_509 : f32 to vector<16xf32>
        %mul3A_511 = arith.mulf %mul3A_510, %add3A_508 : vector<16xf32>
        %max3A_512 = arith.maximumf %add3A_508, %mul3A_511 : vector<16xf32>
        %exp3A_513 = math.exp %max3A_512 : vector<16xf32>
        %mul3A_514 = arith.constant 16 : i32
        %mul3A_515 = arith.muli %mul3A_514, %scan3A_465 : i32
        %add3A_516 = arith.constant 128 : i32
        %add3A_517 = arith.addi %add3A_516, %mul3A_515 : i32
        %swap3A_518 = arith.index_cast %add3A_517 : i32 to index
        %swap3A_519 = tpu.vector_load %arg17[%swap3A_518] {strides = array<i32>} : memref<1024xf32, #tpu.memory_space<vmem>>, vector<16xf32>,
        tpu.vector_store %arg17[%swap3A_518], %exp3A_513 {strides = array<i32>} : memref<1024xf32, #tpu.memory_space<vmem>>, vector<16xf32>,
        %mul3A_520 = arith.constant 8 : i32
        %mul3A_521 = vector.broadcast %mul3A_520 : i32 to vector<16xi32>
        %mul3A_522 = arith.muli %get3A_476, %mul3A_521 : vector<16xi32>
        %add3A_523 = arith.constant 1 : i32
        %add3A_524 = vector.broadcast %add3A_523 : i32 to vector<16xi32>
        %add3A_525 = arith.addi %mul3A_522, %add3A_524 : vector<16xi32>
        %mul3A_526 = arith.constant 16 : i32
        %mul3A_527 = arith.muli %mul3A_526, %scan3A_465 : i32
        %swap3A_528 = arith.constant 1 : i32
        %swap3A_529 = arith.index_cast %swap3A_528 : i32 to index
        %swap3A_530 = arith.index_cast %mul3A_527 : i32 to index
        %swap3A_531 = tpu.vector_load %arg19[%swap3A_529, %swap3A_530] {strides = array<i32>} : memref<8x128xi32, #tpu.memory_space<vmem>>, vector<16xi32>,
        tpu.vector_store %arg19[%swap3A_529, %swap3A_530], %add3A_525 {strides = array<i32>} : memref<8x128xi32, #tpu.memory_space<vmem>>, vector<16xi32>,
        %broadcast_in_dim3A_532 = arith.constant 66 : i32
        %broadcast_in_dim3A_533 = vector.broadcast %broadcast_in_dim3A_532 : i32 to vector<16xi32>
        %gather3A_534 = tpu.vector_load_idx %arg11[%add3A_470, %broadcast_in_dim3A_533] : memref<128x72xf32, #tpu.memory_space<vmem>>[vector<16xi32>, vector<16xi32>], vector<16xf32>,
        %broadcast_in_dim3A_535 = arith.constant 10 : i32
        %broadcast_in_dim3A_536 = vector.broadcast %broadcast_in_dim3A_535 : i32 to vector<16xi32>
        %gather3A_537 = tpu.vector_load_idx %arg13[%add3A_470, %broadcast_in_dim3A_536] : memref<128x16xf32, #tpu.memory_space<vmem>>[vector<16xi32>, vector<16xi32>], vector<16xf32>,
        %add3A_538 = arith.addf %gather3A_534, %gather3A_537 : vector<16xf32>
        %mul3A_539 = arith.constant 2.000000e-01 : f32
        %mul3A_540 = vector.broadcast %mul3A_539 : f32 to vector<16xf32>
        %mul3A_541 = arith.mulf %mul3A_540, %add3A_538 : vector<16xf32>
        %max3A_542 = arith.maximumf %add3A_538, %mul3A_541 : vector<16xf32>
        %exp3A_543 = math.exp %max3A_542 : vector<16xf32>
        %mul3A_544 = arith.constant 16 : i32
        %mul3A_545 = arith.muli %mul3A_544, %scan3A_465 : i32
        %add3A_546 = arith.constant 256 : i32
        %add3A_547 = arith.addi %add3A_546, %mul3A_545 : i32
        %swap3A_548 = arith.index_cast %add3A_547 : i32 to index
        %swap3A_549 = tpu.vector_load %arg17[%swap3A_548] {strides = array<i32>} : memref<1024xf32, #tpu.memory_space<vmem>>, vector<16xf32>,
        tpu.vector_store %arg17[%swap3A_548], %exp3A_543 {strides = array<i32>} : memref<1024xf32, #tpu.memory_space<vmem>>, vector<16xf32>,
        %mul3A_550 = arith.constant 8 : i32
        %mul3A_551 = vector.broadcast %mul3A_550 : i32 to vector<16xi32>
        %mul3A_552 = arith.muli %get3A_476, %mul3A_551 : vector<16xi32>
        %add3A_553 = arith.constant 2 : i32
        %add3A_554 = vector.broadcast %add3A_553 : i32 to vector<16xi32>
        %add3A_555 = arith.addi %mul3A_552, %add3A_554 : vector<16xi32>
        %mul3A_556 = arith.constant 16 : i32
        %mul3A_557 = arith.muli %mul3A_556, %scan3A_465 : i32
        %swap3A_558 = arith.constant 2 : i32
        %swap3A_559 = arith.index_cast %swap3A_558 : i32 to index
        %swap3A_560 = arith.index_cast %mul3A_557 : i32 to index
        %swap3A_561 = tpu.vector_load %arg19[%swap3A_559, %swap3A_560] {strides = array<i32>} : memref<8x128xi32, #tpu.memory_space<vmem>>, vector<16xi32>,
        tpu.vector_store %arg19[%swap3A_559, %swap3A_560], %add3A_555 {strides = array<i32>} : memref<8x128xi32, #tpu.memory_space<vmem>>, vector<16xi32>,
        %broadcast_in_dim3A_562 = arith.constant 67 : i32
        %broadcast_in_dim3A_563 = vector.broadcast %broadcast_in_dim3A_562 : i32 to vector<16xi32>
        %gather3A_564 = tpu.vector_load_idx %arg11[%add3A_470, %broadcast_in_dim3A_563] : memref<128x72xf32, #tpu.memory_space<vmem>>[vector<16xi32>, vector<16xi32>], vector<16xf32>,
        %broadcast_in_dim3A_565 = arith.constant 11 : i32
        %broadcast_in_dim3A_566 = vector.broadcast %broadcast_in_dim3A_565 : i32 to vector<16xi32>
        %gather3A_567 = tpu.vector_load_idx %arg13[%add3A_470, %broadcast_in_dim3A_566] : memref<128x16xf32, #tpu.memory_space<vmem>>[vector<16xi32>, vector<16xi32>], vector<16xf32>,
        %add3A_568 = arith.addf %gather3A_564, %gather3A_567 : vector<16xf32>
        %mul3A_569 = arith.constant 2.000000e-01 : f32
        %mul3A_570 = vector.broadcast %mul3A_569 : f32 to vector<16xf32>
        %mul3A_571 = arith.mulf %mul3A_570, %add3A_568 : vector<16xf32>
        %max3A_572 = arith.maximumf %add3A_568, %mul3A_571 : vector<16xf32>
        %exp3A_573 = math.exp %max3A_572 : vector<16xf32>
        %mul3A_574 = arith.constant 16 : i32
        %mul3A_575 = arith.muli %mul3A_574, %scan3A_465 : i32
        %add3A_576 = arith.constant 384 : i32
        %add3A_577 = arith.addi %add3A_576, %mul3A_575 : i32
        %swap3A_578 = arith.index_cast %add3A_577 : i32 to index
        %swap3A_579 = tpu.vector_load %arg17[%swap3A_578] {strides = array<i32>} : memref<1024xf32, #tpu.memory_space<vmem>>, vector<16xf32>,
        tpu.vector_store %arg17[%swap3A_578], %exp3A_573 {strides = array<i32>} : memref<1024xf32, #tpu.memory_space<vmem>>, vector<16xf32>,
        %mul3A_580 = arith.constant 8 : i32
        %mul3A_581 = vector.broadcast %mul3A_580 : i32 to vector<16xi32>
        %mul3A_582 = arith.muli %get3A_476, %mul3A_581 : vector<16xi32>
        %add3A_583 = arith.constant 3 : i32
        %add3A_584 = vector.broadcast %add3A_583 : i32 to vector<16xi32>
        %add3A_585 = arith.addi %mul3A_582, %add3A_584 : vector<16xi32>
        %mul3A_586 = arith.constant 16 : i32
        %mul3A_587 = arith.muli %mul3A_586, %scan3A_465 : i32
        %swap3A_588 = arith.constant 3 : i32
        %swap3A_589 = arith.index_cast %swap3A_588 : i32 to index
        %swap3A_590 = arith.index_cast %mul3A_587 : i32 to index
        %swap3A_591 = tpu.vector_load %arg19[%swap3A_589, %swap3A_590] {strides = array<i32>} : memref<8x128xi32, #tpu.memory_space<vmem>>, vector<16xi32>,
        tpu.vector_store %arg19[%swap3A_589, %swap3A_590], %add3A_585 {strides = array<i32>} : memref<8x128xi32, #tpu.memory_space<vmem>>, vector<16xi32>,
        %broadcast_in_dim3A_592 = arith.constant 68 : i32
        %broadcast_in_dim3A_593 = vector.broadcast %broadcast_in_dim3A_592 : i32 to vector<16xi32>
        %gather3A_594 = tpu.vector_load_idx %arg11[%add3A_470, %broadcast_in_dim3A_593] : memref<128x72xf32, #tpu.memory_space<vmem>>[vector<16xi32>, vector<16xi32>], vector<16xf32>,
        %broadcast_in_dim3A_595 = arith.constant 12 : i32
        %broadcast_in_dim3A_596 = vector.broadcast %broadcast_in_dim3A_595 : i32 to vector<16xi32>
        %gather3A_597 = tpu.vector_load_idx %arg13[%add3A_470, %broadcast_in_dim3A_596] : memref<128x16xf32, #tpu.memory_space<vmem>>[vector<16xi32>, vector<16xi32>], vector<16xf32>,
        %add3A_598 = arith.addf %gather3A_594, %gather3A_597 : vector<16xf32>
        %mul3A_599 = arith.constant 2.000000e-01 : f32
        %mul3A_600 = vector.broadcast %mul3A_599 : f32 to vector<16xf32>
        %mul3A_601 = arith.mulf %mul3A_600, %add3A_598 : vector<16xf32>
        %max3A_602 = arith.maximumf %add3A_598, %mul3A_601 : vector<16xf32>
        %exp3A_603 = math.exp %max3A_602 : vector<16xf32>
        %mul3A_604 = arith.constant 16 : i32
        %mul3A_605 = arith.muli %mul3A_604, %scan3A_465 : i32
        %add3A_606 = arith.constant 512 : i32
        %add3A_607 = arith.addi %add3A_606, %mul3A_605 : i32
        %swap3A_608 = arith.index_cast %add3A_607 : i32 to index
        %swap3A_609 = tpu.vector_load %arg17[%swap3A_608] {strides = array<i32>} : memref<1024xf32, #tpu.memory_space<vmem>>, vector<16xf32>,
        tpu.vector_store %arg17[%swap3A_608], %exp3A_603 {strides = array<i32>} : memref<1024xf32, #tpu.memory_space<vmem>>, vector<16xf32>,
        %mul3A_610 = arith.constant 8 : i32
        %mul3A_611 = vector.broadcast %mul3A_610 : i32 to vector<16xi32>
        %mul3A_612 = arith.muli %get3A_476, %mul3A_611 : vector<16xi32>
        %add3A_613 = arith.constant 4 : i32
        %add3A_614 = vector.broadcast %add3A_613 : i32 to vector<16xi32>
        %add3A_615 = arith.addi %mul3A_612, %add3A_614 : vector<16xi32>
        %mul3A_616 = arith.constant 16 : i32
        %mul3A_617 = arith.muli %mul3A_616, %scan3A_465 : i32
        %swap3A_618 = arith.constant 4 : i32
        %swap3A_619 = arith.index_cast %swap3A_618 : i32 to index
        %swap3A_620 = arith.index_cast %mul3A_617 : i32 to index
        %swap3A_621 = tpu.vector_load %arg19[%swap3A_619, %swap3A_620] {strides = array<i32>} : memref<8x128xi32, #tpu.memory_space<vmem>>, vector<16xi32>,
        tpu.vector_store %arg19[%swap3A_619, %swap3A_620], %add3A_615 {strides = array<i32>} : memref<8x128xi32, #tpu.memory_space<vmem>>, vector<16xi32>,
        %broadcast_in_dim3A_622 = arith.constant 69 : i32
        %broadcast_in_dim3A_623 = vector.broadcast %broadcast_in_dim3A_622 : i32 to vector<16xi32>
        %gather3A_624 = tpu.vector_load_idx %arg11[%add3A_470, %broadcast_in_dim3A_623] : memref<128x72xf32, #tpu.memory_space<vmem>>[vector<16xi32>, vector<16xi32>], vector<16xf32>,
        %broadcast_in_dim3A_625 = arith.constant 13 : i32
        %broadcast_in_dim3A_626 = vector.broadcast %broadcast_in_dim3A_625 : i32 to vector<16xi32>
        %gather3A_627 = tpu.vector_load_idx %arg13[%add3A_470, %broadcast_in_dim3A_626] : memref<128x16xf32, #tpu.memory_space<vmem>>[vector<16xi32>, vector<16xi32>], vector<16xf32>,
        %add3A_628 = arith.addf %gather3A_624, %gather3A_627 : vector<16xf32>
        %mul3A_629 = arith.constant 2.000000e-01 : f32
        %mul3A_630 = vector.broadcast %mul3A_629 : f32 to vector<16xf32>
        %mul3A_631 = arith.mulf %mul3A_630, %add3A_628 : vector<16xf32>
        %max3A_632 = arith.maximumf %add3A_628, %mul3A_631 : vector<16xf32>
        %exp3A_633 = math.exp %max3A_632 : vector<16xf32>
        %mul3A_634 = arith.constant 16 : i32
        %mul3A_635 = arith.muli %mul3A_634, %scan3A_465 : i32
        %add3A_636 = arith.constant 640 : i32
        %add3A_637 = arith.addi %add3A_636, %mul3A_635 : i32
        %swap3A_638 = arith.index_cast %add3A_637 : i32 to index
        %swap3A_639 = tpu.vector_load %arg17[%swap3A_638] {strides = array<i32>} : memref<1024xf32, #tpu.memory_space<vmem>>, vector<16xf32>,
        tpu.vector_store %arg17[%swap3A_638], %exp3A_633 {strides = array<i32>} : memref<1024xf32, #tpu.memory_space<vmem>>, vector<16xf32>,
        %mul3A_640 = arith.constant 8 : i32
        %mul3A_641 = vector.broadcast %mul3A_640 : i32 to vector<16xi32>
        %mul3A_642 = arith.muli %get3A_476, %mul3A_641 : vector<16xi32>
        %add3A_643 = arith.constant 5 : i32
        %add3A_644 = vector.broadcast %add3A_643 : i32 to vector<16xi32>
        %add3A_645 = arith.addi %mul3A_642, %add3A_644 : vector<16xi32>
        %mul3A_646 = arith.constant 16 : i32
        %mul3A_647 = arith.muli %mul3A_646, %scan3A_465 : i32
        %swap3A_648 = arith.constant 5 : i32
        %swap3A_649 = arith.index_cast %swap3A_648 : i32 to index
        %swap3A_650 = arith.index_cast %mul3A_647 : i32 to index
        %swap3A_651 = tpu.vector_load %arg19[%swap3A_649, %swap3A_650] {strides = array<i32>} : memref<8x128xi32, #tpu.memory_space<vmem>>, vector<16xi32>,
        tpu.vector_store %arg19[%swap3A_649, %swap3A_650], %add3A_645 {strides = array<i32>} : memref<8x128xi32, #tpu.memory_space<vmem>>, vector<16xi32>,
        %broadcast_in_dim3A_652 = arith.constant 70 : i32
        %broadcast_in_dim3A_653 = vector.broadcast %broadcast_in_dim3A_652 : i32 to vector<16xi32>
        %gather3A_654 = tpu.vector_load_idx %arg11[%add3A_470, %broadcast_in_dim3A_653] : memref<128x72xf32, #tpu.memory_space<vmem>>[vector<16xi32>, vector<16xi32>], vector<16xf32>,
        %broadcast_in_dim3A_655 = arith.constant 14 : i32
        %broadcast_in_dim3A_656 = vector.broadcast %broadcast_in_dim3A_655 : i32 to vector<16xi32>
        %gather3A_657 = tpu.vector_load_idx %arg13[%add3A_470, %broadcast_in_dim3A_656] : memref<128x16xf32, #tpu.memory_space<vmem>>[vector<16xi32>, vector<16xi32>], vector<16xf32>,
        %add3A_658 = arith.addf %gather3A_654, %gather3A_657 : vector<16xf32>
        %mul3A_659 = arith.constant 2.000000e-01 : f32
        %mul3A_660 = vector.broadcast %mul3A_659 : f32 to vector<16xf32>
        %mul3A_661 = arith.mulf %mul3A_660, %add3A_658 : vector<16xf32>
        %max3A_662 = arith.maximumf %add3A_658, %mul3A_661 : vector<16xf32>
        %exp3A_663 = math.exp %max3A_662 : vector<16xf32>
        %mul3A_664 = arith.constant 16 : i32
        %mul3A_665 = arith.muli %mul3A_664, %scan3A_465 : i32
        %add3A_666 = arith.constant 768 : i32
        %add3A_667 = arith.addi %add3A_666, %mul3A_665 : i32
        %swap3A_668 = arith.index_cast %add3A_667 : i32 to index
        %swap3A_669 = tpu.vector_load %arg17[%swap3A_668] {strides = array<i32>} : memref<1024xf32, #tpu.memory_space<vmem>>, vector<16xf32>,
        tpu.vector_store %arg17[%swap3A_668], %exp3A_663 {strides = array<i32>} : memref<1024xf32, #tpu.memory_space<vmem>>, vector<16xf32>,
        %mul3A_670 = arith.constant 8 : i32
        %mul3A_671 = vector.broadcast %mul3A_670 : i32 to vector<16xi32>
        %mul3A_672 = arith.muli %get3A_476, %mul3A_671 : vector<16xi32>
        %add3A_673 = arith.constant 6 : i32
        %add3A_674 = vector.broadcast %add3A_673 : i32 to vector<16xi32>
        %add3A_675 = arith.addi %mul3A_672, %add3A_674 : vector<16xi32>
        %mul3A_676 = arith.constant 16 : i32
        %mul3A_677 = arith.muli %mul3A_676, %scan3A_465 : i32
        %swap3A_678 = arith.constant 6 : i32
        %swap3A_679 = arith.index_cast %swap3A_678 : i32 to index
        %swap3A_680 = arith.index_cast %mul3A_677 : i32 to index
        %swap3A_681 = tpu.vector_load %arg19[%swap3A_679, %swap3A_680] {strides = array<i32>} : memref<8x128xi32, #tpu.memory_space<vmem>>, vector<16xi32>,
        tpu.vector_store %arg19[%swap3A_679, %swap3A_680], %add3A_675 {strides = array<i32>} : memref<8x128xi32, #tpu.memory_space<vmem>>, vector<16xi32>,
        %broadcast_in_dim3A_682 = arith.constant 71 : i32
        %broadcast_in_dim3A_683 = vector.broadcast %broadcast_in_dim3A_682 : i32 to vector<16xi32>
        %gather3A_684 = tpu.vector_load_idx %arg11[%add3A_470, %broadcast_in_dim3A_683] : memref<128x72xf32, #tpu.memory_space<vmem>>[vector<16xi32>, vector<16xi32>], vector<16xf32>,
        %broadcast_in_dim3A_685 = arith.constant 15 : i32
        %broadcast_in_dim3A_686 = vector.broadcast %broadcast_in_dim3A_685 : i32 to vector<16xi32>
        %gather3A_687 = tpu.vector_load_idx %arg13[%add3A_470, %broadcast_in_dim3A_686] : memref<128x16xf32, #tpu.memory_space<vmem>>[vector<16xi32>, vector<16xi32>], vector<16xf32>,
        %add3A_688 = arith.addf %gather3A_684, %gather3A_687 : vector<16xf32>
        %mul3A_689 = arith.constant 2.000000e-01 : f32
        %mul3A_690 = vector.broadcast %mul3A_689 : f32 to vector<16xf32>
        %mul3A_691 = arith.mulf %mul3A_690, %add3A_688 : vector<16xf32>
        %max3A_692 = arith.maximumf %add3A_688, %mul3A_691 : vector<16xf32>
        %exp3A_693 = math.exp %max3A_692 : vector<16xf32>
        %mul3A_694 = arith.constant 16 : i32
        %mul3A_695 = arith.muli %mul3A_694, %scan3A_465 : i32
        %add3A_696 = arith.constant 896 : i32
        %add3A_697 = arith.addi %add3A_696, %mul3A_695 : i32
        %swap3A_698 = arith.index_cast %add3A_697 : i32 to index
        %swap3A_699 = tpu.vector_load %arg17[%swap3A_698] {strides = array<i32>} : memref<1024xf32, #tpu.memory_space<vmem>>, vector<16xf32>,
        tpu.vector_store %arg17[%swap3A_698], %exp3A_693 {strides = array<i32>} : memref<1024xf32, #tpu.memory_space<vmem>>, vector<16xf32>,
        %mul3A_700 = arith.constant 8 : i32
        %mul3A_701 = vector.broadcast %mul3A_700 : i32 to vector<16xi32>
        %mul3A_702 = arith.muli %get3A_476, %mul3A_701 : vector<16xi32>
        %add3A_703 = arith.constant 7 : i32
        %add3A_704 = vector.broadcast %add3A_703 : i32 to vector<16xi32>
        %add3A_705 = arith.addi %mul3A_702, %add3A_704 : vector<16xi32>
        %mul3A_706 = arith.constant 16 : i32
        %mul3A_707 = arith.muli %mul3A_706, %scan3A_465 : i32
        %swap3A_708 = arith.constant 7 : i32
        %swap3A_709 = arith.index_cast %swap3A_708 : i32 to index
        %swap3A_710 = arith.index_cast %mul3A_707 : i32 to index
        %swap3A_711 = tpu.vector_load %arg19[%swap3A_709, %swap3A_710] {strides = array<i32>} : memref<8x128xi32, #tpu.memory_space<vmem>>, vector<16xi32>,
        tpu.vector_store %arg19[%swap3A_709, %swap3A_710], %add3A_705 {strides = array<i32>} : memref<8x128xi32, #tpu.memory_space<vmem>>, vector<16xi32>,
        %scan3A_712 = arith.constant 0 : i32
        scf.yield %scan3A_712 : i32
      }
      %scan3A_380 = arith.constant 8 : i32
      %scan3A_381 = arith.constant 0 : i32
      %scan3A_382 = arith.constant 0 : i32
      %scan3A_383 = arith.constant 128 : i32
      %scan3A_384 = arith.addi %scan3A_382, %scan3A_383 : i32
      %scan3A_385 = arith.constant 1 : i32
      %scan3A_386 = scf.for %scan3A_465 = %scan3A_382 to %scan3A_384 step %scan3A_385 iter_args(%scan3A_466 = %scan3A_381) -> (i32)  : i32 {
        %get3A = arith.index_cast %scan3A_465 : i32 to index
        %get3A_467 = arith.constant 0 : index
        %get3A_468 = tpu.vector_load %arg11[%get3A, %get3A_467] {strides = array<i32>} : memref<128x72xf32, #tpu.memory_space<vmem>>, vector<16xf32>,
        %jit3A_469 = arith.constant 8 : i32
        %div3A_470 = vector.broadcast %jit3A_469 : i32 to vector<16xi32>
        %div3A_471 = arith.divsi %iota3A, %div3A_470 : vector<16xi32>
        %sign3A_472 = arith.constant 0 : i32
        %sign3A_473 = vector.broadcast %sign3A_472 : i32 to vector<16xi32>
        %sign3A_474 = arith.cmpi sgt, %iota3A, %sign3A_473 : vector<16xi32>
        %sign3A_475 = arith.extui %sign3A_474 : vector<16xi1> to vector<16xi32>
        %sign3A_476 = arith.constant 0 : i32
        %sign3A_477 = vector.broadcast %sign3A_476 : i32 to vector<16xi32>
        %sign3A_478 = arith.cmpi slt, %iota3A, %sign3A_477 : vector<16xi32>
        %sign3A_479 = arith.extui %sign3A_478 : vector<16xi1> to vector<16xi32>
        %sign3A_480 = arith.subi %sign3A_475, %sign3A_479 : vector<16xi32>
        %sign3A_481 = arith.constant 0 : i32
        %sign3A_482 = arith.cmpi sgt, %jit3A_469, %sign3A_481 : i32
        %sign3A_483 = arith.extui %sign3A_482 : i1 to i32
        %sign3A_484 = arith.constant 0 : i32
        %sign3A_485 = arith.cmpi slt, %jit3A_469, %sign3A_484 : i32
        %sign3A_486 = arith.extui %sign3A_485 : i1 to i32
        %sign3A_487 = arith.subi %sign3A_483, %sign3A_486 : i32
        %ne3A_488 = vector.broadcast %sign3A_487 : i32 to vector<16xi32>
        %ne3A_489 = arith.cmpi ne, %sign3A_480, %ne3A_488 : vector<16xi32>
        %rem3A_490 = vector.broadcast %jit3A_469 : i32 to vector<16xi32>
        %rem3A_491 = arith.remsi %iota3A, %rem3A_490 : vector<16xi32>
        %ne3A_492 = arith.constant 0 : i32
        %ne3A_493 = vector.broadcast %ne3A_492 : i32 to vector<16xi32>
        %ne3A_494 = arith.cmpi ne, %rem3A_491, %ne3A_493 : vector<16xi32>
        %and3A_495 = arith.andi %ne3A_489, %ne3A_494 : vector<16xi1>
        %sub3A_496 = arith.constant 1 : i32
        %sub3A_497 = vector.broadcast %sub3A_496 : i32 to vector<16xi32>
        %sub3A_498 = arith.subi %div3A_471, %sub3A_497 : vector<16xi32>
        %select_n3A_499 = arith.select %and3A_495, %sub3A_498, %div3A_471 : vector<16xi1>, vector<16xi32>
        %add3A_500 = arith.constant 0 : i32
        %add3A_501 = vector.broadcast %add3A_500 : i32 to vector<16xi32>
        %add3A_502 = arith.addi %add3A_501, %select_n3A_499 : vector<16xi32>
        %mul3A_503 = arith.constant 128 : i32
        %mul3A_504 = vector.broadcast %mul3A_503 : i32 to vector<16xi32>
        %mul3A_505 = arith.muli %add3A_502, %mul3A_504 : vector<16xi32>
        %add3A_506 = vector.broadcast %scan3A_465 : i32 to vector<16xi32>
        %add3A_507 = arith.addi %mul3A_505, %add3A_506 : vector<16xi32>
        %gather3A = tpu.vector_load_idx %arg17[%add3A_507] : memref<1024xf32, #tpu.memory_space<vmem>>[vector<16xi32>], vector<16xf32>,
        %mul3A_508 = arith.mulf %get3A_468, %gather3A : vector<16xf32>
        %swap3A = arith.index_cast %scan3A_465 : i32 to index
        %swap3A_509 = arith.constant 0 : index
        %swap3A_510 = tpu.vector_load %arg15[%swap3A, %swap3A_509] {strides = array<i32>} : memref<128x64xf32, #tpu.memory_space<vmem>>, vector<16xf32>,
        tpu.vector_store %arg15[%swap3A, %swap3A_509], %mul3A_508 {strides = array<i32>} : memref<128x64xf32, #tpu.memory_space<vmem>>, vector<16xf32>,
        %get3A_511 = arith.index_cast %scan3A_465 : i32 to index
        %get3A_512 = arith.constant 16 : index
        %get3A_513 = tpu.vector_load %arg11[%get3A_511, %get3A_512] {strides = array<i32>} : memref<128x72xf32, #tpu.memory_space<vmem>>, vector<16xf32>,
        %jit3A_514 = arith.constant 8 : i32
        %div3A_515 = vector.broadcast %jit3A_514 : i32 to vector<16xi32>
        %div3A_516 = arith.divsi %iota3A, %div3A_515 : vector<16xi32>
        %sign3A_517 = arith.constant 0 : i32
        %sign3A_518 = vector.broadcast %sign3A_517 : i32 to vector<16xi32>
        %sign3A_519 = arith.cmpi sgt, %iota3A, %sign3A_518 : vector<16xi32>
        %sign3A_520 = arith.extui %sign3A_519 : vector<16xi1> to vector<16xi32>
        %sign3A_521 = arith.constant 0 : i32
        %sign3A_522 = vector.broadcast %sign3A_521 : i32 to vector<16xi32>
        %sign3A_523 = arith.cmpi slt, %iota3A, %sign3A_522 : vector<16xi32>
        %sign3A_524 = arith.extui %sign3A_523 : vector<16xi1> to vector<16xi32>
        %sign3A_525 = arith.subi %sign3A_520, %sign3A_524 : vector<16xi32>
        %sign3A_526 = arith.constant 0 : i32
        %sign3A_527 = arith.cmpi sgt, %jit3A_514, %sign3A_526 : i32
        %sign3A_528 = arith.extui %sign3A_527 : i1 to i32
        %sign3A_529 = arith.constant 0 : i32
        %sign3A_530 = arith.cmpi slt, %jit3A_514, %sign3A_529 : i32
        %sign3A_531 = arith.extui %sign3A_530 : i1 to i32
        %sign3A_532 = arith.subi %sign3A_528, %sign3A_531 : i32
        %ne3A_533 = vector.broadcast %sign3A_532 : i32 to vector<16xi32>
        %ne3A_534 = arith.cmpi ne, %sign3A_525, %ne3A_533 : vector<16xi32>
        %rem3A_535 = vector.broadcast %jit3A_514 : i32 to vector<16xi32>
        %rem3A_536 = arith.remsi %iota3A, %rem3A_535 : vector<16xi32>
        %ne3A_537 = arith.constant 0 : i32
        %ne3A_538 = vector.broadcast %ne3A_537 : i32 to vector<16xi32>
        %ne3A_539 = arith.cmpi ne, %rem3A_536, %ne3A_538 : vector<16xi32>
        %and3A_540 = arith.andi %ne3A_534, %ne3A_539 : vector<16xi1>
        %sub3A_541 = arith.constant 1 : i32
        %sub3A_542 = vector.broadcast %sub3A_541 : i32 to vector<16xi32>
        %sub3A_543 = arith.subi %div3A_516, %sub3A_542 : vector<16xi32>
        %select_n3A_544 = arith.select %and3A_540, %sub3A_543, %div3A_516 : vector<16xi1>, vector<16xi32>
        %add3A_545 = arith.constant 2 : i32
        %add3A_546 = vector.broadcast %add3A_545 : i32 to vector<16xi32>
        %add3A_547 = arith.addi %add3A_546, %select_n3A_544 : vector<16xi32>
        %mul3A_548 = arith.constant 128 : i32
        %mul3A_549 = vector.broadcast %mul3A_548 : i32 to vector<16xi32>
        %mul3A_550 = arith.muli %add3A_547, %mul3A_549 : vector<16xi32>
        %add3A_551 = vector.broadcast %scan3A_465 : i32 to vector<16xi32>
        %add3A_552 = arith.addi %mul3A_550, %add3A_551 : vector<16xi32>
        %gather3A_553 = tpu.vector_load_idx %arg17[%add3A_552] : memref<1024xf32, #tpu.memory_space<vmem>>[vector<16xi32>], vector<16xf32>,
        %mul3A_554 = arith.mulf %get3A_513, %gather3A_553 : vector<16xf32>
        %swap3A_555 = arith.index_cast %scan3A_465 : i32 to index
        %swap3A_556 = arith.constant 16 : index
        %swap3A_557 = tpu.vector_load %arg15[%swap3A_555, %swap3A_556] {strides = array<i32>} : memref<128x64xf32, #tpu.memory_space<vmem>>, vector<16xf32>,
        tpu.vector_store %arg15[%swap3A_555, %swap3A_556], %mul3A_554 {strides = array<i32>} : memref<128x64xf32, #tpu.memory_space<vmem>>, vector<16xf32>,
        %get3A_558 = arith.index_cast %scan3A_465 : i32 to index
        %get3A_559 = arith.constant 32 : index
        %get3A_560 = tpu.vector_load %arg11[%get3A_558, %get3A_559] {strides = array<i32>} : memref<128x72xf32, #tpu.memory_space<vmem>>, vector<16xf32>,
        %jit3A_561 = arith.constant 8 : i32
        %div3A_562 = vector.broadcast %jit3A_561 : i32 to vector<16xi32>
        %div3A_563 = arith.divsi %iota3A, %div3A_562 : vector<16xi32>
        %sign3A_564 = arith.constant 0 : i32
        %sign3A_565 = vector.broadcast %sign3A_564 : i32 to vector<16xi32>
        %sign3A_566 = arith.cmpi sgt, %iota3A, %sign3A_565 : vector<16xi32>
        %sign3A_567 = arith.extui %sign3A_566 : vector<16xi1> to vector<16xi32>
        %sign3A_568 = arith.constant 0 : i32
        %sign3A_569 = vector.broadcast %sign3A_568 : i32 to vector<16xi32>
        %sign3A_570 = arith.cmpi slt, %iota3A, %sign3A_569 : vector<16xi32>
        %sign3A_571 = arith.extui %sign3A_570 : vector<16xi1> to vector<16xi32>
        %sign3A_572 = arith.subi %sign3A_567, %sign3A_571 : vector<16xi32>
        %sign3A_573 = arith.constant 0 : i32
        %sign3A_574 = arith.cmpi sgt, %jit3A_561, %sign3A_573 : i32
        %sign3A_575 = arith.extui %sign3A_574 : i1 to i32
        %sign3A_576 = arith.constant 0 : i32
        %sign3A_577 = arith.cmpi slt, %jit3A_561, %sign3A_576 : i32
        %sign3A_578 = arith.extui %sign3A_577 : i1 to i32
        %sign3A_579 = arith.subi %sign3A_575, %sign3A_578 : i32
        %ne3A_580 = vector.broadcast %sign3A_579 : i32 to vector<16xi32>
        %ne3A_581 = arith.cmpi ne, %sign3A_572, %ne3A_580 : vector<16xi32>
        %rem3A_582 = vector.broadcast %jit3A_561 : i32 to vector<16xi32>
        %rem3A_583 = arith.remsi %iota3A, %rem3A_582 : vector<16xi32>
        %ne3A_584 = arith.constant 0 : i32
        %ne3A_585 = vector.broadcast %ne3A_584 : i32 to vector<16xi32>
        %ne3A_586 = arith.cmpi ne, %rem3A_583, %ne3A_585 : vector<16xi32>
        %and3A_587 = arith.andi %ne3A_581, %ne3A_586 : vector<16xi1>
        %sub3A_588 = arith.constant 1 : i32
        %sub3A_589 = vector.broadcast %sub3A_588 : i32 to vector<16xi32>
        %sub3A_590 = arith.subi %div3A_563, %sub3A_589 : vector<16xi32>
        %select_n3A_591 = arith.select %and3A_587, %sub3A_590, %div3A_563 : vector<16xi1>, vector<16xi32>
        %add3A_592 = arith.constant 4 : i32
        %add3A_593 = vector.broadcast %add3A_592 : i32 to vector<16xi32>
        %add3A_594 = arith.addi %add3A_593, %select_n3A_591 : vector<16xi32>
        %mul3A_595 = arith.constant 128 : i32
        %mul3A_596 = vector.broadcast %mul3A_595 : i32 to vector<16xi32>
        %mul3A_597 = arith.muli %add3A_594, %mul3A_596 : vector<16xi32>
        %add3A_598 = vector.broadcast %scan3A_465 : i32 to vector<16xi32>
        %add3A_599 = arith.addi %mul3A_597, %add3A_598 : vector<16xi32>
        %gather3A_600 = tpu.vector_load_idx %arg17[%add3A_599] : memref<1024xf32, #tpu.memory_space<vmem>>[vector<16xi32>], vector<16xf32>,
        %mul3A_601 = arith.mulf %get3A_560, %gather3A_600 : vector<16xf32>
        %swap3A_602 = arith.index_cast %scan3A_465 : i32 to index
        %swap3A_603 = arith.constant 32 : index
        %swap3A_604 = tpu.vector_load %arg15[%swap3A_602, %swap3A_603] {strides = array<i32>} : memref<128x64xf32, #tpu.memory_space<vmem>>, vector<16xf32>,
        tpu.vector_store %arg15[%swap3A_602, %swap3A_603], %mul3A_601 {strides = array<i32>} : memref<128x64xf32, #tpu.memory_space<vmem>>, vector<16xf32>,
        %get3A_605 = arith.index_cast %scan3A_465 : i32 to index
        %get3A_606 = arith.constant 48 : index
        %get3A_607 = tpu.vector_load %arg11[%get3A_605, %get3A_606] {strides = array<i32>} : memref<128x72xf32, #tpu.memory_space<vmem>>, vector<16xf32>,
        %jit3A_608 = arith.constant 8 : i32
        %div3A_609 = vector.broadcast %jit3A_608 : i32 to vector<16xi32>
        %div3A_610 = arith.divsi %iota3A, %div3A_609 : vector<16xi32>
        %sign3A_611 = arith.constant 0 : i32
        %sign3A_612 = vector.broadcast %sign3A_611 : i32 to vector<16xi32>
        %sign3A_613 = arith.cmpi sgt, %iota3A, %sign3A_612 : vector<16xi32>
        %sign3A_614 = arith.extui %sign3A_613 : vector<16xi1> to vector<16xi32>
        %sign3A_615 = arith.constant 0 : i32
        %sign3A_616 = vector.broadcast %sign3A_615 : i32 to vector<16xi32>
        %sign3A_617 = arith.cmpi slt, %iota3A, %sign3A_616 : vector<16xi32>
        %sign3A_618 = arith.extui %sign3A_617 : vector<16xi1> to vector<16xi32>
        %sign3A_619 = arith.subi %sign3A_614, %sign3A_618 : vector<16xi32>
        %sign3A_620 = arith.constant 0 : i32
        %sign3A_621 = arith.cmpi sgt, %jit3A_608, %sign3A_620 : i32
        %sign3A_622 = arith.extui %sign3A_621 : i1 to i32
        %sign3A_623 = arith.constant 0 : i32
        %sign3A_624 = arith.cmpi slt, %jit3A_608, %sign3A_623 : i32
        %sign3A_625 = arith.extui %sign3A_624 : i1 to i32
        %sign3A_626 = arith.subi %sign3A_622, %sign3A_625 : i32
        %ne3A_627 = vector.broadcast %sign3A_626 : i32 to vector<16xi32>
        %ne3A_628 = arith.cmpi ne, %sign3A_619, %ne3A_627 : vector<16xi32>
        %rem3A_629 = vector.broadcast %jit3A_608 : i32 to vector<16xi32>
        %rem3A_630 = arith.remsi %iota3A, %rem3A_629 : vector<16xi32>
        %ne3A_631 = arith.constant 0 : i32
        %ne3A_632 = vector.broadcast %ne3A_631 : i32 to vector<16xi32>
        %ne3A_633 = arith.cmpi ne, %rem3A_630, %ne3A_632 : vector<16xi32>
        %and3A_634 = arith.andi %ne3A_628, %ne3A_633 : vector<16xi1>
        %sub3A_635 = arith.constant 1 : i32
        %sub3A_636 = vector.broadcast %sub3A_635 : i32 to vector<16xi32>
        %sub3A_637 = arith.subi %div3A_610, %sub3A_636 : vector<16xi32>
        %select_n3A_638 = arith.select %and3A_634, %sub3A_637, %div3A_610 : vector<16xi1>, vector<16xi32>
        %add3A_639 = arith.constant 6 : i32
        %add3A_640 = vector.broadcast %add3A_639 : i32 to vector<16xi32>
        %add3A_641 = arith.addi %add3A_640, %select_n3A_638 : vector<16xi32>
        %mul3A_642 = arith.constant 128 : i32
        %mul3A_643 = vector.broadcast %mul3A_642 : i32 to vector<16xi32>
        %mul3A_644 = arith.muli %add3A_641, %mul3A_643 : vector<16xi32>
        %add3A_645 = vector.broadcast %scan3A_465 : i32 to vector<16xi32>
        %add3A_646 = arith.addi %mul3A_644, %add3A_645 : vector<16xi32>
        %gather3A_647 = tpu.vector_load_idx %arg17[%add3A_646] : memref<1024xf32, #tpu.memory_space<vmem>>[vector<16xi32>], vector<16xf32>,
        %mul3A_648 = arith.mulf %get3A_607, %gather3A_647 : vector<16xf32>
        %swap3A_649 = arith.index_cast %scan3A_465 : i32 to index
        %swap3A_650 = arith.constant 48 : index
        %swap3A_651 = tpu.vector_load %arg15[%swap3A_649, %swap3A_650] {strides = array<i32>} : memref<128x64xf32, #tpu.memory_space<vmem>>, vector<16xf32>,
        tpu.vector_store %arg15[%swap3A_649, %swap3A_650], %mul3A_648 {strides = array<i32>} : memref<128x64xf32, #tpu.memory_space<vmem>>, vector<16xf32>,
        %scan3A_652 = arith.constant 0 : i32
        scf.yield %scan3A_652 : i32
      }
      %scan3A_387 = arith.constant 128 : i32
      %mul3A_388 = arith.constant 128 : i32
      %mul3A_389 = arith.muli %add3A_356, %mul3A_388 : i32
      %dma_start3A_390 = tpu.memref_slice %arg9[%mul3A_389] : memref<10240xi32, #tpu.memory_space<vmem>> -> memref<128xi32, #tpu.memory_space<vmem>>
      %dma_start3A_391 = arith.constant 0 : i32
      %dma_start3A_392 = arith.constant 0 : i32
      %dma_start3A_393 = tpu.memref_slice %arg21[%dma_start3A_391, %dma_start3A_392] : memref<10000x64xf32, #tpu.memory_space<vmem_shared>> -> memref<10000x64xf32, #tpu.memory_space<vmem_shared>>
      tpu.enqueue_indirect_dma source(%arg15 : memref<128x64xf32, #tpu.memory_space<vmem>>) target(%dma_start3A_393 : memref<10000x64xf32, #tpu.memory_space<vmem_shared>>) offsets(%dma_start3A_390 : memref<128xi32, #tpu.memory_space<vmem>>) semaphore(%arg28 : memref<!tpu.dma_semaphore, #tpu.memory_space<semaphore_mem>>) {add = true}
      %dma_start3A_394 = arith.constant 0 : i32
      %dma_start3A_395 = arith.constant 0 : i32
      %dma_start3A_396 = tpu.memref_slice %arg17[%dma_start3A_395] : memref<1024xf32, #tpu.memory_space<vmem>> -> memref<128xf32, #tpu.memory_space<vmem>>
      %dma_start3A_397 = arith.constant 0 : i32
      %dma_start3A_398 = tpu.memref_slice %arg19[%dma_start3A_394, %dma_start3A_397] : memref<8x128xi32, #tpu.memory_space<vmem>> -> memref<1x128xi32, #tpu.memory_space<vmem>>
      %dma_start3A_399 = tpu.memref_squeeze %dma_start3A_398 : memref<1x128xi32, #tpu.memory_space<vmem>> -> memref<128xi32, #tpu.memory_space<vmem>>
      %dma_start3A_400 = arith.constant 0 : i32
      %dma_start3A_401 = tpu.memref_slice %arg22[%dma_start3A_400] : memref<80000xf32, #tpu.memory_space<vmem_shared>> -> memref<80000xf32, #tpu.memory_space<vmem_shared>>
      tpu.enqueue_indirect_dma source(%dma_start3A_396 : memref<128xf32, #tpu.memory_space<vmem>>) target(%dma_start3A_401 : memref<80000xf32, #tpu.memory_space<vmem_shared>>) offsets(%dma_start3A_399 : memref<128xi32, #tpu.memory_space<vmem>>) semaphore(%arg28 : memref<!tpu.dma_semaphore, #tpu.memory_space<semaphore_mem>>) {add = true}
      %dma_start3A_402 = arith.constant 1 : i32
      %dma_start3A_403 = arith.constant 128 : i32
      %dma_start3A_404 = tpu.memref_slice %arg17[%dma_start3A_403] : memref<1024xf32, #tpu.memory_space<vmem>> -> memref<128xf32, #tpu.memory_space<vmem>>
      %dma_start3A_405 = arith.constant 0 : i32
      %dma_start3A_406 = tpu.memref_slice %arg19[%dma_start3A_402, %dma_start3A_405] : memref<8x128xi32, #tpu.memory_space<vmem>> -> memref<1x128xi32, #tpu.memory_space<vmem>>
      %dma_start3A_407 = tpu.memref_squeeze %dma_start3A_406 : memref<1x128xi32, #tpu.memory_space<vmem>> -> memref<128xi32, #tpu.memory_space<vmem>>
      %dma_start3A_408 = arith.constant 0 : i32
      %dma_start3A_409 = tpu.memref_slice %arg22[%dma_start3A_408] : memref<80000xf32, #tpu.memory_space<vmem_shared>> -> memref<80000xf32, #tpu.memory_space<vmem_shared>>
      tpu.enqueue_indirect_dma source(%dma_start3A_404 : memref<128xf32, #tpu.memory_space<vmem>>) target(%dma_start3A_409 : memref<80000xf32, #tpu.memory_space<vmem_shared>>) offsets(%dma_start3A_407 : memref<128xi32, #tpu.memory_space<vmem>>) semaphore(%arg28 : memref<!tpu.dma_semaphore, #tpu.memory_space<semaphore_mem>>) {add = true}
      %dma_start3A_410 = arith.constant 2 : i32
      %dma_start3A_411 = arith.constant 256 : i32
      %dma_start3A_412 = tpu.memref_slice %arg17[%dma_start3A_411] : memref<1024xf32, #tpu.memory_space<vmem>> -> memref<128xf32, #tpu.memory_space<vmem>>
      %dma_start3A_413 = arith.constant 0 : i32
      %dma_start3A_414 = tpu.memref_slice %arg19[%dma_start3A_410, %dma_start3A_413] : memref<8x128xi32, #tpu.memory_space<vmem>> -> memref<1x128xi32, #tpu.memory_space<vmem>>
      %dma_start3A_415 = tpu.memref_squeeze %dma_start3A_414 : memref<1x128xi32, #tpu.memory_space<vmem>> -> memref<128xi32, #tpu.memory_space<vmem>>
      %dma_start3A_416 = arith.constant 0 : i32
      %dma_start3A_417 = tpu.memref_slice %arg22[%dma_start3A_416] : memref<80000xf32, #tpu.memory_space<vmem_shared>> -> memref<80000xf32, #tpu.memory_space<vmem_shared>>
      tpu.enqueue_indirect_dma source(%dma_start3A_412 : memref<128xf32, #tpu.memory_space<vmem>>) target(%dma_start3A_417 : memref<80000xf32, #tpu.memory_space<vmem_shared>>) offsets(%dma_start3A_415 : memref<128xi32, #tpu.memory_space<vmem>>) semaphore(%arg28 : memref<!tpu.dma_semaphore, #tpu.memory_space<semaphore_mem>>) {add = true}
      %dma_start3A_418 = arith.constant 3 : i32
      %dma_start3A_419 = arith.constant 384 : i32
      %dma_start3A_420 = tpu.memref_slice %arg17[%dma_start3A_419] : memref<1024xf32, #tpu.memory_space<vmem>> -> memref<128xf32, #tpu.memory_space<vmem>>
      %dma_start3A_421 = arith.constant 0 : i32
      %dma_start3A_422 = tpu.memref_slice %arg19[%dma_start3A_418, %dma_start3A_421] : memref<8x128xi32, #tpu.memory_space<vmem>> -> memref<1x128xi32, #tpu.memory_space<vmem>>
      %dma_start3A_423 = tpu.memref_squeeze %dma_start3A_422 : memref<1x128xi32, #tpu.memory_space<vmem>> -> memref<128xi32, #tpu.memory_space<vmem>>
      %dma_start3A_424 = arith.constant 0 : i32
      %dma_start3A_425 = tpu.memref_slice %arg22[%dma_start3A_424] : memref<80000xf32, #tpu.memory_space<vmem_shared>> -> memref<80000xf32, #tpu.memory_space<vmem_shared>>
      tpu.enqueue_indirect_dma source(%dma_start3A_420 : memref<128xf32, #tpu.memory_space<vmem>>) target(%dma_start3A_425 : memref<80000xf32, #tpu.memory_space<vmem_shared>>) offsets(%dma_start3A_423 : memref<128xi32, #tpu.memory_space<vmem>>) semaphore(%arg28 : memref<!tpu.dma_semaphore, #tpu.memory_space<semaphore_mem>>) {add = true}
      %dma_start3A_426 = arith.constant 4 : i32
      %dma_start3A_427 = arith.constant 512 : i32
      %dma_start3A_428 = tpu.memref_slice %arg17[%dma_start3A_427] : memref<1024xf32, #tpu.memory_space<vmem>> -> memref<128xf32, #tpu.memory_space<vmem>>
      %dma_start3A_429 = arith.constant 0 : i32
      %dma_start3A_430 = tpu.memref_slice %arg19[%dma_start3A_426, %dma_start3A_429] : memref<8x128xi32, #tpu.memory_space<vmem>> -> memref<1x128xi32, #tpu.memory_space<vmem>>
      %dma_start3A_431 = tpu.memref_squeeze %dma_start3A_430 : memref<1x128xi32, #tpu.memory_space<vmem>> -> memref<128xi32, #tpu.memory_space<vmem>>
      %dma_start3A_432 = arith.constant 0 : i32
      %dma_start3A_433 = tpu.memref_slice %arg22[%dma_start3A_432] : memref<80000xf32, #tpu.memory_space<vmem_shared>> -> memref<80000xf32, #tpu.memory_space<vmem_shared>>
      tpu.enqueue_indirect_dma source(%dma_start3A_428 : memref<128xf32, #tpu.memory_space<vmem>>) target(%dma_start3A_433 : memref<80000xf32, #tpu.memory_space<vmem_shared>>) offsets(%dma_start3A_431 : memref<128xi32, #tpu.memory_space<vmem>>) semaphore(%arg28 : memref<!tpu.dma_semaphore, #tpu.memory_space<semaphore_mem>>) {add = true}
      %dma_start3A_434 = arith.constant 5 : i32
      %dma_start3A_435 = arith.constant 640 : i32
      %dma_start3A_436 = tpu.memref_slice %arg17[%dma_start3A_435] : memref<1024xf32, #tpu.memory_space<vmem>> -> memref<128xf32, #tpu.memory_space<vmem>>
      %dma_start3A_437 = arith.constant 0 : i32
      %dma_start3A_438 = tpu.memref_slice %arg19[%dma_start3A_434, %dma_start3A_437] : memref<8x128xi32, #tpu.memory_space<vmem>> -> memref<1x128xi32, #tpu.memory_space<vmem>>
      %dma_start3A_439 = tpu.memref_squeeze %dma_start3A_438 : memref<1x128xi32, #tpu.memory_space<vmem>> -> memref<128xi32, #tpu.memory_space<vmem>>
      %dma_start3A_440 = arith.constant 0 : i32
      %dma_start3A_441 = tpu.memref_slice %arg22[%dma_start3A_440] : memref<80000xf32, #tpu.memory_space<vmem_shared>> -> memref<80000xf32, #tpu.memory_space<vmem_shared>>
      tpu.enqueue_indirect_dma source(%dma_start3A_436 : memref<128xf32, #tpu.memory_space<vmem>>) target(%dma_start3A_441 : memref<80000xf32, #tpu.memory_space<vmem_shared>>) offsets(%dma_start3A_439 : memref<128xi32, #tpu.memory_space<vmem>>) semaphore(%arg28 : memref<!tpu.dma_semaphore, #tpu.memory_space<semaphore_mem>>) {add = true}
      %dma_start3A_442 = arith.constant 6 : i32
      %dma_start3A_443 = arith.constant 768 : i32
      %dma_start3A_444 = tpu.memref_slice %arg17[%dma_start3A_443] : memref<1024xf32, #tpu.memory_space<vmem>> -> memref<128xf32, #tpu.memory_space<vmem>>
      %dma_start3A_445 = arith.constant 0 : i32
      %dma_start3A_446 = tpu.memref_slice %arg19[%dma_start3A_442, %dma_start3A_445] : memref<8x128xi32, #tpu.memory_space<vmem>> -> memref<1x128xi32, #tpu.memory_space<vmem>>
      %dma_start3A_447 = tpu.memref_squeeze %dma_start3A_446 : memref<1x128xi32, #tpu.memory_space<vmem>> -> memref<128xi32, #tpu.memory_space<vmem>>
      %dma_start3A_448 = arith.constant 0 : i32
      %dma_start3A_449 = tpu.memref_slice %arg22[%dma_start3A_448] : memref<80000xf32, #tpu.memory_space<vmem_shared>> -> memref<80000xf32, #tpu.memory_space<vmem_shared>>
      tpu.enqueue_indirect_dma source(%dma_start3A_444 : memref<128xf32, #tpu.memory_space<vmem>>) target(%dma_start3A_449 : memref<80000xf32, #tpu.memory_space<vmem_shared>>) offsets(%dma_start3A_447 : memref<128xi32, #tpu.memory_space<vmem>>) semaphore(%arg28 : memref<!tpu.dma_semaphore, #tpu.memory_space<semaphore_mem>>) {add = true}
      %dma_start3A_450 = arith.constant 7 : i32
      %dma_start3A_451 = arith.constant 896 : i32
      %dma_start3A_452 = tpu.memref_slice %arg17[%dma_start3A_451] : memref<1024xf32, #tpu.memory_space<vmem>> -> memref<128xf32, #tpu.memory_space<vmem>>
      %dma_start3A_453 = arith.constant 0 : i32
      %dma_start3A_454 = tpu.memref_slice %arg19[%dma_start3A_450, %dma_start3A_453] : memref<8x128xi32, #tpu.memory_space<vmem>> -> memref<1x128xi32, #tpu.memory_space<vmem>>
      %dma_start3A_455 = tpu.memref_squeeze %dma_start3A_454 : memref<1x128xi32, #tpu.memory_space<vmem>> -> memref<128xi32, #tpu.memory_space<vmem>>
      %dma_start3A_456 = arith.constant 0 : i32
      %dma_start3A_457 = tpu.memref_slice %arg22[%dma_start3A_456] : memref<80000xf32, #tpu.memory_space<vmem_shared>> -> memref<80000xf32, #tpu.memory_space<vmem_shared>>
      tpu.enqueue_indirect_dma source(%dma_start3A_452 : memref<128xf32, #tpu.memory_space<vmem>>) target(%dma_start3A_457 : memref<80000xf32, #tpu.memory_space<vmem_shared>>) offsets(%dma_start3A_455 : memref<128xi32, #tpu.memory_space<vmem>>) semaphore(%arg28 : memref<!tpu.dma_semaphore, #tpu.memory_space<semaphore_mem>>) {add = true}
      %add3A_458 = arith.constant 2 : i32
      %add3A_459 = arith.addi %add3A_356, %add3A_458 : i32
      %lt3A_460 = arith.cmpi slt, %add3A_459, %select_n3A : i32
      %convert_element_type3A_461 = arith.extui %lt3A_460 : i1 to i32
      %cond3A_462 = arith.constant 0 : i32
      %cond3A_463 = arith.cmpi ne, %convert_element_type3A_461, %cond3A_462 : i32
      scf.if %cond3A_463 {
        %add3A_465 = arith.constant 2 : i32
        %add3A_466 = arith.addi %add3A_356, %add3A_465 : i32
        %mul3A_467 = arith.constant 128 : i32
        %mul3A_468 = arith.muli %add3A_466, %mul3A_467 : i32
        %mul3A_469 = arith.constant 128 : i32
        %mul3A_470 = arith.muli %add3A_466, %mul3A_469 : i32
        %dma_start3A_471 = tpu.memref_slice %arg8[%mul3A_468] : memref<10240xi32, #tpu.memory_space<vmem>> -> memref<128xi32, #tpu.memory_space<vmem>>
        %dma_start3A_472 = arith.constant 0 : i32
        %dma_start3A_473 = arith.constant 0 : i32
        %dma_start3A_474 = tpu.memref_slice %arg4[%dma_start3A_472, %dma_start3A_473] : memref<10000x72xf32, #tpu.memory_space<hbm>> -> memref<10000x72xf32, #tpu.memory_space<hbm>>
        tpu.enqueue_indirect_dma source(%dma_start3A_474 : memref<10000x72xf32, #tpu.memory_space<hbm>>) target(%arg11 : memref<128x72xf32, #tpu.memory_space<vmem>>) offsets(%dma_start3A_471 : memref<128xi32, #tpu.memory_space<vmem>>) semaphore(%arg25 : memref<!tpu.dma_semaphore, #tpu.memory_space<semaphore_mem>>)
        %dma_start3A_475 = tpu.memref_slice %arg9[%mul3A_470] : memref<10240xi32, #tpu.memory_space<vmem>> -> memref<128xi32, #tpu.memory_space<vmem>>
        %dma_start3A_476 = arith.constant 0 : i32
        %dma_start3A_477 = arith.constant 0 : i32
        %dma_start3A_478 = tpu.memref_slice %arg5[%dma_start3A_476, %dma_start3A_477] : memref<10000x16xf32, #tpu.memory_space<hbm>> -> memref<10000x16xf32, #tpu.memory_space<hbm>>
        tpu.enqueue_indirect_dma source(%dma_start3A_478 : memref<10000x16xf32, #tpu.memory_space<hbm>>) target(%arg13 : memref<128x16xf32, #tpu.memory_space<vmem>>) offsets(%dma_start3A_475 : memref<128xi32, #tpu.memory_space<vmem>>) semaphore(%arg26 : memref<!tpu.dma_semaphore, #tpu.memory_space<semaphore_mem>>)
      } else {
      }
      %while3A_464 = arith.constant 0 : i32
      scf.yield %while3A_464 : i32
    }
    %dma_wait3A = arith.constant 0 : i32
    %dma_wait3A_90 = tpu.memref_slice %arg9[%dma_wait3A] : memref<10240xi32, #tpu.memory_space<vmem>> -> memref<128xi32, #tpu.memory_space<vmem>>
    %dma_wait3A_91 = arith.constant 0 : i32
    %dma_wait3A_92 = arith.constant 0 : i32
    %dma_wait3A_93 = tpu.memref_slice %arg21[%dma_wait3A_91, %dma_wait3A_92] : memref<10000x64xf32, #tpu.memory_space<vmem_shared>> -> memref<10000x64xf32, #tpu.memory_space<vmem_shared>>
    tpu.wait_indirect_dma semaphore(%arg27 : memref<!tpu.dma_semaphore, #tpu.memory_space<semaphore_mem>>) src(%arg14 : memref<128x64xf32, #tpu.memory_space<vmem>>) dst(%dma_wait3A_93 : memref<10000x64xf32, #tpu.memory_space<vmem_shared>>)
    %dma_wait3A_94 = arith.constant 0 : i32
    %dma_wait3A_95 = arith.constant 0 : i32
    %dma_wait3A_96 = tpu.memref_slice %arg16[%dma_wait3A_95] : memref<1024xf32, #tpu.memory_space<vmem>> -> memref<128xf32, #tpu.memory_space<vmem>>
    %dma_wait3A_97 = arith.constant 0 : i32
    %dma_wait3A_98 = tpu.memref_slice %arg18[%dma_wait3A_94, %dma_wait3A_97] : memref<8x128xi32, #tpu.memory_space<vmem>> -> memref<1x128xi32, #tpu.memory_space<vmem>>
    %dma_wait3A_99 = tpu.memref_squeeze %dma_wait3A_98 : memref<1x128xi32, #tpu.memory_space<vmem>> -> memref<128xi32, #tpu.memory_space<vmem>>
    %dma_wait3A_100 = arith.constant 0 : i32
    %dma_wait3A_101 = tpu.memref_slice %arg22[%dma_wait3A_100] : memref<80000xf32, #tpu.memory_space<vmem_shared>> -> memref<80000xf32, #tpu.memory_space<vmem_shared>>
    tpu.wait_indirect_dma semaphore(%arg27 : memref<!tpu.dma_semaphore, #tpu.memory_space<semaphore_mem>>) src(%dma_wait3A_96 : memref<128xf32, #tpu.memory_space<vmem>>) dst(%dma_wait3A_101 : memref<80000xf32, #tpu.memory_space<vmem_shared>>)
    %dma_wait3A_102 = arith.constant 1 : i32
    %dma_wait3A_103 = arith.constant 128 : i32
    %dma_wait3A_104 = tpu.memref_slice %arg16[%dma_wait3A_103] : memref<1024xf32, #tpu.memory_space<vmem>> -> memref<128xf32, #tpu.memory_space<vmem>>
    %dma_wait3A_105 = arith.constant 0 : i32
    %dma_wait3A_106 = tpu.memref_slice %arg18[%dma_wait3A_102, %dma_wait3A_105] : memref<8x128xi32, #tpu.memory_space<vmem>> -> memref<1x128xi32, #tpu.memory_space<vmem>>
    %dma_wait3A_107 = tpu.memref_squeeze %dma_wait3A_106 : memref<1x128xi32, #tpu.memory_space<vmem>> -> memref<128xi32, #tpu.memory_space<vmem>>
    %dma_wait3A_108 = arith.constant 0 : i32
    %dma_wait3A_109 = tpu.memref_slice %arg22[%dma_wait3A_108] : memref<80000xf32, #tpu.memory_space<vmem_shared>> -> memref<80000xf32, #tpu.memory_space<vmem_shared>>
    tpu.wait_indirect_dma semaphore(%arg27 : memref<!tpu.dma_semaphore, #tpu.memory_space<semaphore_mem>>) src(%dma_wait3A_104 : memref<128xf32, #tpu.memory_space<vmem>>) dst(%dma_wait3A_109 : memref<80000xf32, #tpu.memory_space<vmem_shared>>)
    %dma_wait3A_110 = arith.constant 2 : i32
    %dma_wait3A_111 = arith.constant 256 : i32
    %dma_wait3A_112 = tpu.memref_slice %arg16[%dma_wait3A_111] : memref<1024xf32, #tpu.memory_space<vmem>> -> memref<128xf32, #tpu.memory_space<vmem>>
    %dma_wait3A_113 = arith.constant 0 : i32
    %dma_wait3A_114 = tpu.memref_slice %arg18[%dma_wait3A_110, %dma_wait3A_113] : memref<8x128xi32, #tpu.memory_space<vmem>> -> memref<1x128xi32, #tpu.memory_space<vmem>>
    %dma_wait3A_115 = tpu.memref_squeeze %dma_wait3A_114 : memref<1x128xi32, #tpu.memory_space<vmem>> -> memref<128xi32, #tpu.memory_space<vmem>>
    %dma_wait3A_116 = arith.constant 0 : i32
    %dma_wait3A_117 = tpu.memref_slice %arg22[%dma_wait3A_116] : memref<80000xf32, #tpu.memory_space<vmem_shared>> -> memref<80000xf32, #tpu.memory_space<vmem_shared>>
    tpu.wait_indirect_dma semaphore(%arg27 : memref<!tpu.dma_semaphore, #tpu.memory_space<semaphore_mem>>) src(%dma_wait3A_112 : memref<128xf32, #tpu.memory_space<vmem>>) dst(%dma_wait3A_117 : memref<80000xf32, #tpu.memory_space<vmem_shared>>)
    %dma_wait3A_118 = arith.constant 3 : i32
    %dma_wait3A_119 = arith.constant 384 : i32
    %dma_wait3A_120 = tpu.memref_slice %arg16[%dma_wait3A_119] : memref<1024xf32, #tpu.memory_space<vmem>> -> memref<128xf32, #tpu.memory_space<vmem>>
    %dma_wait3A_121 = arith.constant 0 : i32
    %dma_wait3A_122 = tpu.memref_slice %arg18[%dma_wait3A_118, %dma_wait3A_121] : memref<8x128xi32, #tpu.memory_space<vmem>> -> memref<1x128xi32, #tpu.memory_space<vmem>>
    %dma_wait3A_123 = tpu.memref_squeeze %dma_wait3A_122 : memref<1x128xi32, #tpu.memory_space<vmem>> -> memref<128xi32, #tpu.memory_space<vmem>>
    %dma_wait3A_124 = arith.constant 0 : i32
    %dma_wait3A_125 = tpu.memref_slice %arg22[%dma_wait3A_124] : memref<80000xf32, #tpu.memory_space<vmem_shared>> -> memref<80000xf32, #tpu.memory_space<vmem_shared>>
    tpu.wait_indirect_dma semaphore(%arg27 : memref<!tpu.dma_semaphore, #tpu.memory_space<semaphore_mem>>) src(%dma_wait3A_120 : memref<128xf32, #tpu.memory_space<vmem>>) dst(%dma_wait3A_125 : memref<80000xf32, #tpu.memory_space<vmem_shared>>)
    %dma_wait3A_126 = arith.constant 4 : i32
    %dma_wait3A_127 = arith.constant 512 : i32
    %dma_wait3A_128 = tpu.memref_slice %arg16[%dma_wait3A_127] : memref<1024xf32, #tpu.memory_space<vmem>> -> memref<128xf32, #tpu.memory_space<vmem>>
    %dma_wait3A_129 = arith.constant 0 : i32
    %dma_wait3A_130 = tpu.memref_slice %arg18[%dma_wait3A_126, %dma_wait3A_129] : memref<8x128xi32, #tpu.memory_space<vmem>> -> memref<1x128xi32, #tpu.memory_space<vmem>>
    %dma_wait3A_131 = tpu.memref_squeeze %dma_wait3A_130 : memref<1x128xi32, #tpu.memory_space<vmem>> -> memref<128xi32, #tpu.memory_space<vmem>>
    %dma_wait3A_132 = arith.constant 0 : i32
    %dma_wait3A_133 = tpu.memref_slice %arg22[%dma_wait3A_132] : memref<80000xf32, #tpu.memory_space<vmem_shared>> -> memref<80000xf32, #tpu.memory_space<vmem_shared>>
    tpu.wait_indirect_dma semaphore(%arg27 : memref<!tpu.dma_semaphore, #tpu.memory_space<semaphore_mem>>) src(%dma_wait3A_128 : memref<128xf32, #tpu.memory_space<vmem>>) dst(%dma_wait3A_133 : memref<80000xf32, #tpu.memory_space<vmem_shared>>)
    %dma_wait3A_134 = arith.constant 5 : i32
    %dma_wait3A_135 = arith.constant 640 : i32
    %dma_wait3A_136 = tpu.memref_slice %arg16[%dma_wait3A_135] : memref<1024xf32, #tpu.memory_space<vmem>> -> memref<128xf32, #tpu.memory_space<vmem>>
    %dma_wait3A_137 = arith.constant 0 : i32
    %dma_wait3A_138 = tpu.memref_slice %arg18[%dma_wait3A_134, %dma_wait3A_137] : memref<8x128xi32, #tpu.memory_space<vmem>> -> memref<1x128xi32, #tpu.memory_space<vmem>>
    %dma_wait3A_139 = tpu.memref_squeeze %dma_wait3A_138 : memref<1x128xi32, #tpu.memory_space<vmem>> -> memref<128xi32, #tpu.memory_space<vmem>>
    %dma_wait3A_140 = arith.constant 0 : i32
    %dma_wait3A_141 = tpu.memref_slice %arg22[%dma_wait3A_140] : memref<80000xf32, #tpu.memory_space<vmem_shared>> -> memref<80000xf32, #tpu.memory_space<vmem_shared>>
    tpu.wait_indirect_dma semaphore(%arg27 : memref<!tpu.dma_semaphore, #tpu.memory_space<semaphore_mem>>) src(%dma_wait3A_136 : memref<128xf32, #tpu.memory_space<vmem>>) dst(%dma_wait3A_141 : memref<80000xf32, #tpu.memory_space<vmem_shared>>)
    %dma_wait3A_142 = arith.constant 6 : i32
    %dma_wait3A_143 = arith.constant 768 : i32
    %dma_wait3A_144 = tpu.memref_slice %arg16[%dma_wait3A_143] : memref<1024xf32, #tpu.memory_space<vmem>> -> memref<128xf32, #tpu.memory_space<vmem>>
    %dma_wait3A_145 = arith.constant 0 : i32
    %dma_wait3A_146 = tpu.memref_slice %arg18[%dma_wait3A_142, %dma_wait3A_145] : memref<8x128xi32, #tpu.memory_space<vmem>> -> memref<1x128xi32, #tpu.memory_space<vmem>>
    %dma_wait3A_147 = tpu.memref_squeeze %dma_wait3A_146 : memref<1x128xi32, #tpu.memory_space<vmem>> -> memref<128xi32, #tpu.memory_space<vmem>>
    %dma_wait3A_148 = arith.constant 0 : i32
    %dma_wait3A_149 = tpu.memref_slice %arg22[%dma_wait3A_148] : memref<80000xf32, #tpu.memory_space<vmem_shared>> -> memref<80000xf32, #tpu.memory_space<vmem_shared>>
    tpu.wait_indirect_dma semaphore(%arg27 : memref<!tpu.dma_semaphore, #tpu.memory_space<semaphore_mem>>) src(%dma_wait3A_144 : memref<128xf32, #tpu.memory_space<vmem>>) dst(%dma_wait3A_149 : memref<80000xf32, #tpu.memory_space<vmem_shared>>)
    %dma_wait3A_150 = arith.constant 7 : i32
    %dma_wait3A_151 = arith.constant 896 : i32
    %dma_wait3A_152 = tpu.memref_slice %arg16[%dma_wait3A_151] : memref<1024xf32, #tpu.memory_space<vmem>> -> memref<128xf32, #tpu.memory_space<vmem>>
    %dma_wait3A_153 = arith.constant 0 : i32
    %dma_wait3A_154 = tpu.memref_slice %arg18[%dma_wait3A_150, %dma_wait3A_153] : memref<8x128xi32, #tpu.memory_space<vmem>> -> memref<1x128xi32, #tpu.memory_space<vmem>>
    %dma_wait3A_155 = tpu.memref_squeeze %dma_wait3A_154 : memref<1x128xi32, #tpu.memory_space<vmem>> -> memref<128xi32, #tpu.memory_space<vmem>>
    %dma_wait3A_156 = arith.constant 0 : i32
    %dma_wait3A_157 = tpu.memref_slice %arg22[%dma_wait3A_156] : memref<80000xf32, #tpu.memory_space<vmem_shared>> -> memref<80000xf32, #tpu.memory_space<vmem_shared>>
    tpu.wait_indirect_dma semaphore(%arg27 : memref<!tpu.dma_semaphore, #tpu.memory_space<semaphore_mem>>) src(%dma_wait3A_152 : memref<128xf32, #tpu.memory_space<vmem>>) dst(%dma_wait3A_157 : memref<80000xf32, #tpu.memory_space<vmem_shared>>)
    %dma_wait3A_158 = arith.constant 128 : i32
    %dma_wait3A_159 = tpu.memref_slice %arg9[%dma_wait3A_158] : memref<10240xi32, #tpu.memory_space<vmem>> -> memref<128xi32, #tpu.memory_space<vmem>>
    %dma_wait3A_160 = arith.constant 0 : i32
    %dma_wait3A_161 = arith.constant 0 : i32
    %dma_wait3A_162 = tpu.memref_slice %arg21[%dma_wait3A_160, %dma_wait3A_161] : memref<10000x64xf32, #tpu.memory_space<vmem_shared>> -> memref<10000x64xf32, #tpu.memory_space<vmem_shared>>
    tpu.wait_indirect_dma semaphore(%arg28 : memref<!tpu.dma_semaphore, #tpu.memory_space<semaphore_mem>>) src(%arg15 : memref<128x64xf32, #tpu.memory_space<vmem>>) dst(%dma_wait3A_162 : memref<10000x64xf32, #tpu.memory_space<vmem_shared>>)
    %dma_wait3A_163 = arith.constant 0 : i32
    %dma_wait3A_164 = arith.constant 0 : i32
    %dma_wait3A_165 = tpu.memref_slice %arg17[%dma_wait3A_164] : memref<1024xf32, #tpu.memory_space<vmem>> -> memref<128xf32, #tpu.memory_space<vmem>>
    %dma_wait3A_166 = arith.constant 0 : i32
    %dma_wait3A_167 = tpu.memref_slice %arg19[%dma_wait3A_163, %dma_wait3A_166] : memref<8x128xi32, #tpu.memory_space<vmem>> -> memref<1x128xi32, #tpu.memory_space<vmem>>
    %dma_wait3A_168 = tpu.memref_squeeze %dma_wait3A_167 : memref<1x128xi32, #tpu.memory_space<vmem>> -> memref<128xi32, #tpu.memory_space<vmem>>
    %dma_wait3A_169 = arith.constant 0 : i32
    %dma_wait3A_170 = tpu.memref_slice %arg22[%dma_wait3A_169] : memref<80000xf32, #tpu.memory_space<vmem_shared>> -> memref<80000xf32, #tpu.memory_space<vmem_shared>>
    tpu.wait_indirect_dma semaphore(%arg28 : memref<!tpu.dma_semaphore, #tpu.memory_space<semaphore_mem>>) src(%dma_wait3A_165 : memref<128xf32, #tpu.memory_space<vmem>>) dst(%dma_wait3A_170 : memref<80000xf32, #tpu.memory_space<vmem_shared>>)
    %dma_wait3A_171 = arith.constant 1 : i32
    %dma_wait3A_172 = arith.constant 128 : i32
    %dma_wait3A_173 = tpu.memref_slice %arg17[%dma_wait3A_172] : memref<1024xf32, #tpu.memory_space<vmem>> -> memref<128xf32, #tpu.memory_space<vmem>>
    %dma_wait3A_174 = arith.constant 0 : i32
    %dma_wait3A_175 = tpu.memref_slice %arg19[%dma_wait3A_171, %dma_wait3A_174] : memref<8x128xi32, #tpu.memory_space<vmem>> -> memref<1x128xi32, #tpu.memory_space<vmem>>
    %dma_wait3A_176 = tpu.memref_squeeze %dma_wait3A_175 : memref<1x128xi32, #tpu.memory_space<vmem>> -> memref<128xi32, #tpu.memory_space<vmem>>
    %dma_wait3A_177 = arith.constant 0 : i32
    %dma_wait3A_178 = tpu.memref_slice %arg22[%dma_wait3A_177] : memref<80000xf32, #tpu.memory_space<vmem_shared>> -> memref<80000xf32, #tpu.memory_space<vmem_shared>>
    tpu.wait_indirect_dma semaphore(%arg28 : memref<!tpu.dma_semaphore, #tpu.memory_space<semaphore_mem>>) src(%dma_wait3A_173 : memref<128xf32, #tpu.memory_space<vmem>>) dst(%dma_wait3A_178 : memref<80000xf32, #tpu.memory_space<vmem_shared>>)
    %dma_wait3A_179 = arith.constant 2 : i32
    %dma_wait3A_180 = arith.constant 256 : i32
    %dma_wait3A_181 = tpu.memref_slice %arg17[%dma_wait3A_180] : memref<1024xf32, #tpu.memory_space<vmem>> -> memref<128xf32, #tpu.memory_space<vmem>>
    %dma_wait3A_182 = arith.constant 0 : i32
    %dma_wait3A_183 = tpu.memref_slice %arg19[%dma_wait3A_179, %dma_wait3A_182] : memref<8x128xi32, #tpu.memory_space<vmem>> -> memref<1x128xi32, #tpu.memory_space<vmem>>
    %dma_wait3A_184 = tpu.memref_squeeze %dma_wait3A_183 : memref<1x128xi32, #tpu.memory_space<vmem>> -> memref<128xi32, #tpu.memory_space<vmem>>
    %dma_wait3A_185 = arith.constant 0 : i32
    %dma_wait3A_186 = tpu.memref_slice %arg22[%dma_wait3A_185] : memref<80000xf32, #tpu.memory_space<vmem_shared>> -> memref<80000xf32, #tpu.memory_space<vmem_shared>>
    tpu.wait_indirect_dma semaphore(%arg28 : memref<!tpu.dma_semaphore, #tpu.memory_space<semaphore_mem>>) src(%dma_wait3A_181 : memref<128xf32, #tpu.memory_space<vmem>>) dst(%dma_wait3A_186 : memref<80000xf32, #tpu.memory_space<vmem_shared>>)
    %dma_wait3A_187 = arith.constant 3 : i32
    %dma_wait3A_188 = arith.constant 384 : i32
    %dma_wait3A_189 = tpu.memref_slice %arg17[%dma_wait3A_188] : memref<1024xf32, #tpu.memory_space<vmem>> -> memref<128xf32, #tpu.memory_space<vmem>>
    %dma_wait3A_190 = arith.constant 0 : i32
    %dma_wait3A_191 = tpu.memref_slice %arg19[%dma_wait3A_187, %dma_wait3A_190] : memref<8x128xi32, #tpu.memory_space<vmem>> -> memref<1x128xi32, #tpu.memory_space<vmem>>
    %dma_wait3A_192 = tpu.memref_squeeze %dma_wait3A_191 : memref<1x128xi32, #tpu.memory_space<vmem>> -> memref<128xi32, #tpu.memory_space<vmem>>
    %dma_wait3A_193 = arith.constant 0 : i32
    %dma_wait3A_194 = tpu.memref_slice %arg22[%dma_wait3A_193] : memref<80000xf32, #tpu.memory_space<vmem_shared>> -> memref<80000xf32, #tpu.memory_space<vmem_shared>>
    tpu.wait_indirect_dma semaphore(%arg28 : memref<!tpu.dma_semaphore, #tpu.memory_space<semaphore_mem>>) src(%dma_wait3A_189 : memref<128xf32, #tpu.memory_space<vmem>>) dst(%dma_wait3A_194 : memref<80000xf32, #tpu.memory_space<vmem_shared>>)
    %dma_wait3A_195 = arith.constant 4 : i32
    %dma_wait3A_196 = arith.constant 512 : i32
    %dma_wait3A_197 = tpu.memref_slice %arg17[%dma_wait3A_196] : memref<1024xf32, #tpu.memory_space<vmem>> -> memref<128xf32, #tpu.memory_space<vmem>>
    %dma_wait3A_198 = arith.constant 0 : i32
    %dma_wait3A_199 = tpu.memref_slice %arg19[%dma_wait3A_195, %dma_wait3A_198] : memref<8x128xi32, #tpu.memory_space<vmem>> -> memref<1x128xi32, #tpu.memory_space<vmem>>
    %dma_wait3A_200 = tpu.memref_squeeze %dma_wait3A_199 : memref<1x128xi32, #tpu.memory_space<vmem>> -> memref<128xi32, #tpu.memory_space<vmem>>
    %dma_wait3A_201 = arith.constant 0 : i32
    %dma_wait3A_202 = tpu.memref_slice %arg22[%dma_wait3A_201] : memref<80000xf32, #tpu.memory_space<vmem_shared>> -> memref<80000xf32, #tpu.memory_space<vmem_shared>>
    tpu.wait_indirect_dma semaphore(%arg28 : memref<!tpu.dma_semaphore, #tpu.memory_space<semaphore_mem>>) src(%dma_wait3A_197 : memref<128xf32, #tpu.memory_space<vmem>>) dst(%dma_wait3A_202 : memref<80000xf32, #tpu.memory_space<vmem_shared>>)
    %dma_wait3A_203 = arith.constant 5 : i32
    %dma_wait3A_204 = arith.constant 640 : i32
    %dma_wait3A_205 = tpu.memref_slice %arg17[%dma_wait3A_204] : memref<1024xf32, #tpu.memory_space<vmem>> -> memref<128xf32, #tpu.memory_space<vmem>>
    %dma_wait3A_206 = arith.constant 0 : i32
    %dma_wait3A_207 = tpu.memref_slice %arg19[%dma_wait3A_203, %dma_wait3A_206] : memref<8x128xi32, #tpu.memory_space<vmem>> -> memref<1x128xi32, #tpu.memory_space<vmem>>
    %dma_wait3A_208 = tpu.memref_squeeze %dma_wait3A_207 : memref<1x128xi32, #tpu.memory_space<vmem>> -> memref<128xi32, #tpu.memory_space<vmem>>
    %dma_wait3A_209 = arith.constant 0 : i32
    %dma_wait3A_210 = tpu.memref_slice %arg22[%dma_wait3A_209] : memref<80000xf32, #tpu.memory_space<vmem_shared>> -> memref<80000xf32, #tpu.memory_space<vmem_shared>>
    tpu.wait_indirect_dma semaphore(%arg28 : memref<!tpu.dma_semaphore, #tpu.memory_space<semaphore_mem>>) src(%dma_wait3A_205 : memref<128xf32, #tpu.memory_space<vmem>>) dst(%dma_wait3A_210 : memref<80000xf32, #tpu.memory_space<vmem_shared>>)
    %dma_wait3A_211 = arith.constant 6 : i32
    %dma_wait3A_212 = arith.constant 768 : i32
    %dma_wait3A_213 = tpu.memref_slice %arg17[%dma_wait3A_212] : memref<1024xf32, #tpu.memory_space<vmem>> -> memref<128xf32, #tpu.memory_space<vmem>>
    %dma_wait3A_214 = arith.constant 0 : i32
    %dma_wait3A_215 = tpu.memref_slice %arg19[%dma_wait3A_211, %dma_wait3A_214] : memref<8x128xi32, #tpu.memory_space<vmem>> -> memref<1x128xi32, #tpu.memory_space<vmem>>
    %dma_wait3A_216 = tpu.memref_squeeze %dma_wait3A_215 : memref<1x128xi32, #tpu.memory_space<vmem>> -> memref<128xi32, #tpu.memory_space<vmem>>
    %dma_wait3A_217 = arith.constant 0 : i32
    %dma_wait3A_218 = tpu.memref_slice %arg22[%dma_wait3A_217] : memref<80000xf32, #tpu.memory_space<vmem_shared>> -> memref<80000xf32, #tpu.memory_space<vmem_shared>>
    tpu.wait_indirect_dma semaphore(%arg28 : memref<!tpu.dma_semaphore, #tpu.memory_space<semaphore_mem>>) src(%dma_wait3A_213 : memref<128xf32, #tpu.memory_space<vmem>>) dst(%dma_wait3A_218 : memref<80000xf32, #tpu.memory_space<vmem_shared>>)
    %dma_wait3A_219 = arith.constant 7 : i32
    %dma_wait3A_220 = arith.constant 896 : i32
    %dma_wait3A_221 = tpu.memref_slice %arg17[%dma_wait3A_220] : memref<1024xf32, #tpu.memory_space<vmem>> -> memref<128xf32, #tpu.memory_space<vmem>>
    %dma_wait3A_222 = arith.constant 0 : i32
    %dma_wait3A_223 = tpu.memref_slice %arg19[%dma_wait3A_219, %dma_wait3A_222] : memref<8x128xi32, #tpu.memory_space<vmem>> -> memref<1x128xi32, #tpu.memory_space<vmem>>
    %dma_wait3A_224 = tpu.memref_squeeze %dma_wait3A_223 : memref<1x128xi32, #tpu.memory_space<vmem>> -> memref<128xi32, #tpu.memory_space<vmem>>
    %dma_wait3A_225 = arith.constant 0 : i32
    %dma_wait3A_226 = tpu.memref_slice %arg22[%dma_wait3A_225] : memref<80000xf32, #tpu.memory_space<vmem_shared>> -> memref<80000xf32, #tpu.memory_space<vmem_shared>>
    tpu.wait_indirect_dma semaphore(%arg28 : memref<!tpu.dma_semaphore, #tpu.memory_space<semaphore_mem>>) src(%dma_wait3A_221 : memref<128xf32, #tpu.memory_space<vmem>>) dst(%dma_wait3A_226 : memref<80000xf32, #tpu.memory_space<vmem_shared>>)
    %barrier3A_227 = arith.constant 0 : index
    tpu.barrier barrier_id(%barrier3A_227)
    %mul3A_228 = arith.constant 10000 : i32
    %mul3A_229 = arith.muli %arg0, %mul3A_228 : i32
    %mul3A_230 = arith.constant 625 : i32
    %mul3A_231 = arith.muli %arg1, %mul3A_230 : i32
    %add3A_232 = arith.addi %mul3A_229, %mul3A_231 : i32
    %mul3A_233 = arith.constant 625 : i32
    %mul3A_234 = arith.muli %arg1, %mul3A_233 : i32
    "tpu.region"() ({
      %run_scoped3A = tpu.sem_alloc : memref<!tpu.dma_semaphore, #tpu.memory_space<semaphore_mem>>
      %dma_start3A_244 = arith.constant 0 : i32
      %dma_start3A_245 = tpu.memref_slice %arg6[%add3A_232, %dma_start3A_244] : memref<20000x64xf32, #tpu.memory_space<hbm>> -> memref<625x64xf32, #tpu.memory_space<hbm>>
      %dma_start3A_246 = arith.constant 0 : i32
      %dma_start3A_247 = tpu.memref_slice %arg21[%mul3A_234, %dma_start3A_246] : memref<10000x64xf32, #tpu.memory_space<vmem_shared>> -> memref<625x64xf32, #tpu.memory_space<vmem_shared>>
      tpu.enqueue_dma source(%dma_start3A_247 : memref<625x64xf32, #tpu.memory_space<vmem_shared>>) target(%dma_start3A_245 : memref<625x64xf32, #tpu.memory_space<hbm>>) target_semaphore(%run_scoped3A : memref<!tpu.dma_semaphore, #tpu.memory_space<semaphore_mem>>)
      %dma_wait3A_248 = arith.constant 0 : i32
      %dma_wait3A_249 = tpu.memref_slice %arg6[%add3A_232, %dma_wait3A_248] : memref<20000x64xf32, #tpu.memory_space<hbm>> -> memref<625x64xf32, #tpu.memory_space<hbm>>
      %dma_wait3A_250 = arith.constant 0 : i32
      %dma_wait3A_251 = tpu.memref_slice %arg21[%mul3A_234, %dma_wait3A_250] : memref<10000x64xf32, #tpu.memory_space<vmem_shared>> -> memref<625x64xf32, #tpu.memory_space<vmem_shared>>
      tpu.wait_dma2 semaphore(%run_scoped3A : memref<!tpu.dma_semaphore, #tpu.memory_space<semaphore_mem>>) src(%dma_wait3A_251 : memref<625x64xf32, #tpu.memory_space<vmem_shared>>) dst(%dma_wait3A_249 : memref<625x64xf32, #tpu.memory_space<hbm>>)
      tpu.yield
    }) : () -> ()
    %mul3A_235 = arith.constant 5000 : i32
    %mul3A_236 = arith.muli %arg1, %mul3A_235 : i32
    %mul3A_237 = arith.constant 10000 : i32
    %mul3A_238 = arith.muli %arg0, %mul3A_237 : i32
    %mul3A_239 = arith.constant 8 : i32
    %mul3A_240 = arith.muli %mul3A_238, %mul3A_239 : i32
    %mul3A_241 = arith.constant 5000 : i32
    %mul3A_242 = arith.muli %arg1, %mul3A_241 : i32
    %add3A_243 = arith.addi %mul3A_240, %mul3A_242 : i32
    "tpu.region"() ({
      %run_scoped3A = tpu.sem_alloc : memref<!tpu.dma_semaphore, #tpu.memory_space<semaphore_mem>>
      %dma_start3A_244 = tpu.memref_slice %arg7[%add3A_243] : memref<160000xf32, #tpu.memory_space<hbm>> -> memref<5000xf32, #tpu.memory_space<hbm>>
      %dma_start3A_245 = tpu.memref_slice %arg22[%mul3A_236] : memref<80000xf32, #tpu.memory_space<vmem_shared>> -> memref<5000xf32, #tpu.memory_space<vmem_shared>>
      tpu.enqueue_dma source(%dma_start3A_245 : memref<5000xf32, #tpu.memory_space<vmem_shared>>) target(%dma_start3A_244 : memref<5000xf32, #tpu.memory_space<hbm>>) target_semaphore(%run_scoped3A : memref<!tpu.dma_semaphore, #tpu.memory_space<semaphore_mem>>)
      %dma_wait3A_246 = tpu.memref_slice %arg7[%add3A_243] : memref<160000xf32, #tpu.memory_space<hbm>> -> memref<5000xf32, #tpu.memory_space<hbm>>
      %dma_wait3A_247 = tpu.memref_slice %arg22[%mul3A_236] : memref<80000xf32, #tpu.memory_space<vmem_shared>> -> memref<5000xf32, #tpu.memory_space<vmem_shared>>
      tpu.wait_dma2 semaphore(%run_scoped3A : memref<!tpu.dma_semaphore, #tpu.memory_space<semaphore_mem>>) src(%dma_wait3A_247 : memref<5000xf32, #tpu.memory_space<vmem_shared>>) dst(%dma_wait3A_246 : memref<5000xf32, #tpu.memory_space<hbm>>)
      tpu.yield
    }) : () -> ()
    return
  }
}

#map = affine_map<(d0, d1) -> (0)>
#map1 = affine_map<(d0, d1) -> (0, 0)>
module attributes {stable_mosaic.version = 14 : i64} {
  func.func @_edge2_body(%arg0: i32, %arg1: i32, %arg2: memref<327680xi32, #tpu.memory_space<hbm>>, %arg3: memref<327680xi32, #tpu.memory_space<hbm>>, %arg4: memref<10000x48xf32, #tpu.memory_space<hbm>>, %arg5: memref<10000xf32, #tpu.memory_space<hbm>>, %arg6: memref<10000xf32, #tpu.memory_space<hbm>>, %arg7: memref<20000x48xf32, #tpu.memory_space<hbm>>, %arg8: memref<10240xi32, #tpu.memory_space<vmem>>, %arg9: memref<10240xi32, #tpu.memory_space<vmem>>, %arg10: memref<128x48xf32, #tpu.memory_space<vmem>>, %arg11: memref<128x48xf32, #tpu.memory_space<vmem>>, %arg12: memref<128x48xf32, #tpu.memory_space<vmem>>, %arg13: memref<128x48xf32, #tpu.memory_space<vmem>>, %arg14: memref<128xf32, #tpu.memory_space<vmem>>, %arg15: memref<10000xf32, #tpu.memory_space<vmem>>, %arg16: memref<10000xf32, #tpu.memory_space<vmem>>, %arg17: memref<10000x48xf32, #tpu.memory_space<vmem_shared>>, %arg18: memref<!tpu.dma_semaphore, #tpu.memory_space<semaphore_mem>>, %arg19: memref<!tpu.dma_semaphore, #tpu.memory_space<semaphore_mem>>, %arg20: memref<!tpu.dma_semaphore, #tpu.memory_space<semaphore_mem>>, %arg21: memref<!tpu.dma_semaphore, #tpu.memory_space<semaphore_mem>>) attributes {dimension_semantics = [#tpu.dimension_semantics<core_parallel>, #tpu.dimension_semantics<subcore_parallel>], iteration_bounds = array<i64: 2, 16>, scalar_prefetch = 0 : i64, scratch_operands = 14 : i64, tpu.core_type = #tpu.core_type<sc_vector_subcore>, window_params = [{transform_indices = #map}, {transform_indices = #map}, {transform_indices = #map1}, {transform_indices = #map}, {transform_indices = #map}, {transform_indices = #map1}]} {
    %mul3A = arith.constant 2 : i32
    %mul3A_0 = arith.muli %arg1, %mul3A : i32
    %add3A = arith.addi %mul3A_0, %arg0 : i32
    %scan3A = arith.constant 0 : i32
    %scan3A_1 = arith.constant 0 : i32
    %scan3A_2 = arith.constant 128 : i32
    %scan3A_3 = arith.addi %scan3A_1, %scan3A_2 : i32
    %scan3A_4 = arith.constant 1 : i32
    %scan3A_5 = scf.for %scan3A_74 = %scan3A_1 to %scan3A_3 step %scan3A_4 iter_args(%scan3A_75 = %scan3A) -> (i32)  : i32 {
      %broadcast_in_dim3A = arith.constant 0.000000e+00 : f32
      %broadcast_in_dim3A_76 = vector.broadcast %broadcast_in_dim3A : f32 to vector<16xf32>
      %swap3A = arith.index_cast %scan3A_74 : i32 to index
      %swap3A_77 = arith.constant 0 : index
      %swap3A_78 = tpu.vector_load %arg12[%swap3A, %swap3A_77] {strides = array<i32>} : memref<128x48xf32, #tpu.memory_space<vmem>>, vector<16xf32>,
      tpu.vector_store %arg12[%swap3A, %swap3A_77], %broadcast_in_dim3A_76 {strides = array<i32>} : memref<128x48xf32, #tpu.memory_space<vmem>>, vector<16xf32>,
      %broadcast_in_dim3A_79 = arith.constant 0.000000e+00 : f32
      %broadcast_in_dim3A_80 = vector.broadcast %broadcast_in_dim3A_79 : f32 to vector<16xf32>
      %swap3A_81 = arith.index_cast %scan3A_74 : i32 to index
      %swap3A_82 = arith.constant 16 : index
      %swap3A_83 = tpu.vector_load %arg12[%swap3A_81, %swap3A_82] {strides = array<i32>} : memref<128x48xf32, #tpu.memory_space<vmem>>, vector<16xf32>,
      tpu.vector_store %arg12[%swap3A_81, %swap3A_82], %broadcast_in_dim3A_80 {strides = array<i32>} : memref<128x48xf32, #tpu.memory_space<vmem>>, vector<16xf32>,
      %broadcast_in_dim3A_84 = arith.constant 0.000000e+00 : f32
      %broadcast_in_dim3A_85 = vector.broadcast %broadcast_in_dim3A_84 : f32 to vector<16xf32>
      %swap3A_86 = arith.index_cast %scan3A_74 : i32 to index
      %swap3A_87 = arith.constant 32 : index
      %swap3A_88 = tpu.vector_load %arg12[%swap3A_86, %swap3A_87] {strides = array<i32>} : memref<128x48xf32, #tpu.memory_space<vmem>>, vector<16xf32>,
      tpu.vector_store %arg12[%swap3A_86, %swap3A_87], %broadcast_in_dim3A_85 {strides = array<i32>} : memref<128x48xf32, #tpu.memory_space<vmem>>, vector<16xf32>,
      %scan3A_89 = arith.constant 0 : i32
      scf.yield %scan3A_89 : i32
    }
    %scan3A_6 = arith.constant 128 : i32
    %mul3A_7 = arith.constant 625 : i32
    %mul3A_8 = arith.muli %arg1, %mul3A_7 : i32
    %add3A_9 = arith.constant 0 : i32
    %add3A_10 = arith.addi %mul3A_8, %add3A_9 : i32
    "tpu.region"() ({
      %run_scoped3A = tpu.sem_alloc : memref<!tpu.dma_semaphore, #tpu.memory_space<semaphore_mem>>
      %dma_start3A = arith.constant 0 : i32
      %dma_start3A_74 = tpu.memref_slice %arg17[%add3A_10, %dma_start3A] : memref<10000x48xf32, #tpu.memory_space<vmem_shared>> -> memref<128x48xf32, #tpu.memory_space<vmem_shared>>
      %dma_start3A_75 = arith.constant 0 : i32
      %dma_start3A_76 = tpu.memref_slice %arg17[%add3A_10, %dma_start3A_75] : memref<10000x48xf32, #tpu.memory_space<vmem_shared>> -> memref<128x48xf32, #tpu.memory_space<vmem_shared>>
      tpu.enqueue_dma source(%arg12 : memref<128x48xf32, #tpu.memory_space<vmem>>) target(%dma_start3A_76 : memref<128x48xf32, #tpu.memory_space<vmem_shared>>) target_semaphore(%run_scoped3A : memref<!tpu.dma_semaphore, #tpu.memory_space<semaphore_mem>>)
      %dma_wait3A = arith.constant 0 : i32
      %dma_wait3A_77 = tpu.memref_slice %arg17[%add3A_10, %dma_wait3A] : memref<10000x48xf32, #tpu.memory_space<vmem_shared>> -> memref<128x48xf32, #tpu.memory_space<vmem_shared>>
      %dma_wait3A_78 = arith.constant 0 : i32
      %dma_wait3A_79 = tpu.memref_slice %arg17[%add3A_10, %dma_wait3A_78] : memref<10000x48xf32, #tpu.memory_space<vmem_shared>> -> memref<128x48xf32, #tpu.memory_space<vmem_shared>>
      tpu.wait_dma2 semaphore(%run_scoped3A : memref<!tpu.dma_semaphore, #tpu.memory_space<semaphore_mem>>) src(%arg12 : memref<128x48xf32, #tpu.memory_space<vmem>>) dst(%dma_wait3A_79 : memref<128x48xf32, #tpu.memory_space<vmem_shared>>)
      tpu.yield
    }) : () -> ()
    %mul3A_11 = arith.constant 625 : i32
    %mul3A_12 = arith.muli %arg1, %mul3A_11 : i32
    %add3A_13 = arith.constant 128 : i32
    %add3A_14 = arith.addi %mul3A_12, %add3A_13 : i32
    "tpu.region"() ({
      %run_scoped3A = tpu.sem_alloc : memref<!tpu.dma_semaphore, #tpu.memory_space<semaphore_mem>>
      %dma_start3A = arith.constant 0 : i32
      %dma_start3A_74 = tpu.memref_slice %arg17[%add3A_14, %dma_start3A] : memref<10000x48xf32, #tpu.memory_space<vmem_shared>> -> memref<128x48xf32, #tpu.memory_space<vmem_shared>>
      %dma_start3A_75 = arith.constant 0 : i32
      %dma_start3A_76 = tpu.memref_slice %arg17[%add3A_14, %dma_start3A_75] : memref<10000x48xf32, #tpu.memory_space<vmem_shared>> -> memref<128x48xf32, #tpu.memory_space<vmem_shared>>
      tpu.enqueue_dma source(%arg12 : memref<128x48xf32, #tpu.memory_space<vmem>>) target(%dma_start3A_76 : memref<128x48xf32, #tpu.memory_space<vmem_shared>>) target_semaphore(%run_scoped3A : memref<!tpu.dma_semaphore, #tpu.memory_space<semaphore_mem>>)
      %dma_wait3A = arith.constant 0 : i32
      %dma_wait3A_77 = tpu.memref_slice %arg17[%add3A_14, %dma_wait3A] : memref<10000x48xf32, #tpu.memory_space<vmem_shared>> -> memref<128x48xf32, #tpu.memory_space<vmem_shared>>
      %dma_wait3A_78 = arith.constant 0 : i32
      %dma_wait3A_79 = tpu.memref_slice %arg17[%add3A_14, %dma_wait3A_78] : memref<10000x48xf32, #tpu.memory_space<vmem_shared>> -> memref<128x48xf32, #tpu.memory_space<vmem_shared>>
      tpu.wait_dma2 semaphore(%run_scoped3A : memref<!tpu.dma_semaphore, #tpu.memory_space<semaphore_mem>>) src(%arg12 : memref<128x48xf32, #tpu.memory_space<vmem>>) dst(%dma_wait3A_79 : memref<128x48xf32, #tpu.memory_space<vmem_shared>>)
      tpu.yield
    }) : () -> ()
    %mul3A_15 = arith.constant 625 : i32
    %mul3A_16 = arith.muli %arg1, %mul3A_15 : i32
    %add3A_17 = arith.constant 256 : i32
    %add3A_18 = arith.addi %mul3A_16, %add3A_17 : i32
    "tpu.region"() ({
      %run_scoped3A = tpu.sem_alloc : memref<!tpu.dma_semaphore, #tpu.memory_space<semaphore_mem>>
      %dma_start3A = arith.constant 0 : i32
      %dma_start3A_74 = tpu.memref_slice %arg17[%add3A_18, %dma_start3A] : memref<10000x48xf32, #tpu.memory_space<vmem_shared>> -> memref<128x48xf32, #tpu.memory_space<vmem_shared>>
      %dma_start3A_75 = arith.constant 0 : i32
      %dma_start3A_76 = tpu.memref_slice %arg17[%add3A_18, %dma_start3A_75] : memref<10000x48xf32, #tpu.memory_space<vmem_shared>> -> memref<128x48xf32, #tpu.memory_space<vmem_shared>>
      tpu.enqueue_dma source(%arg12 : memref<128x48xf32, #tpu.memory_space<vmem>>) target(%dma_start3A_76 : memref<128x48xf32, #tpu.memory_space<vmem_shared>>) target_semaphore(%run_scoped3A : memref<!tpu.dma_semaphore, #tpu.memory_space<semaphore_mem>>)
      %dma_wait3A = arith.constant 0 : i32
      %dma_wait3A_77 = tpu.memref_slice %arg17[%add3A_18, %dma_wait3A] : memref<10000x48xf32, #tpu.memory_space<vmem_shared>> -> memref<128x48xf32, #tpu.memory_space<vmem_shared>>
      %dma_wait3A_78 = arith.constant 0 : i32
      %dma_wait3A_79 = tpu.memref_slice %arg17[%add3A_18, %dma_wait3A_78] : memref<10000x48xf32, #tpu.memory_space<vmem_shared>> -> memref<128x48xf32, #tpu.memory_space<vmem_shared>>
      tpu.wait_dma2 semaphore(%run_scoped3A : memref<!tpu.dma_semaphore, #tpu.memory_space<semaphore_mem>>) src(%arg12 : memref<128x48xf32, #tpu.memory_space<vmem>>) dst(%dma_wait3A_79 : memref<128x48xf32, #tpu.memory_space<vmem_shared>>)
      tpu.yield
    }) : () -> ()
    %mul3A_19 = arith.constant 625 : i32
    %mul3A_20 = arith.muli %arg1, %mul3A_19 : i32
    %add3A_21 = arith.constant 384 : i32
    %add3A_22 = arith.addi %mul3A_20, %add3A_21 : i32
    "tpu.region"() ({
      %run_scoped3A = tpu.sem_alloc : memref<!tpu.dma_semaphore, #tpu.memory_space<semaphore_mem>>
      %dma_start3A = arith.constant 0 : i32
      %dma_start3A_74 = tpu.memref_slice %arg17[%add3A_22, %dma_start3A] : memref<10000x48xf32, #tpu.memory_space<vmem_shared>> -> memref<128x48xf32, #tpu.memory_space<vmem_shared>>
      %dma_start3A_75 = arith.constant 0 : i32
      %dma_start3A_76 = tpu.memref_slice %arg17[%add3A_22, %dma_start3A_75] : memref<10000x48xf32, #tpu.memory_space<vmem_shared>> -> memref<128x48xf32, #tpu.memory_space<vmem_shared>>
      tpu.enqueue_dma source(%arg12 : memref<128x48xf32, #tpu.memory_space<vmem>>) target(%dma_start3A_76 : memref<128x48xf32, #tpu.memory_space<vmem_shared>>) target_semaphore(%run_scoped3A : memref<!tpu.dma_semaphore, #tpu.memory_space<semaphore_mem>>)
      %dma_wait3A = arith.constant 0 : i32
      %dma_wait3A_77 = tpu.memref_slice %arg17[%add3A_22, %dma_wait3A] : memref<10000x48xf32, #tpu.memory_space<vmem_shared>> -> memref<128x48xf32, #tpu.memory_space<vmem_shared>>
      %dma_wait3A_78 = arith.constant 0 : i32
      %dma_wait3A_79 = tpu.memref_slice %arg17[%add3A_22, %dma_wait3A_78] : memref<10000x48xf32, #tpu.memory_space<vmem_shared>> -> memref<128x48xf32, #tpu.memory_space<vmem_shared>>
      tpu.wait_dma2 semaphore(%run_scoped3A : memref<!tpu.dma_semaphore, #tpu.memory_space<semaphore_mem>>) src(%arg12 : memref<128x48xf32, #tpu.memory_space<vmem>>) dst(%dma_wait3A_79 : memref<128x48xf32, #tpu.memory_space<vmem_shared>>)
      tpu.yield
    }) : () -> ()
    %mul3A_23 = arith.constant 625 : i32
    %mul3A_24 = arith.muli %arg1, %mul3A_23 : i32
    %add3A_25 = arith.constant 512 : i32
    %add3A_26 = arith.addi %mul3A_24, %add3A_25 : i32
    "tpu.region"() ({
      %run_scoped3A = tpu.sem_alloc : memref<!tpu.dma_semaphore, #tpu.memory_space<semaphore_mem>>
      %dma_start3A = arith.constant 0 : i32
      %dma_start3A_74 = arith.constant 0 : i32
      %dma_start3A_75 = tpu.memref_slice %arg12[%dma_start3A, %dma_start3A_74] : memref<128x48xf32, #tpu.memory_space<vmem>> -> memref<113x48xf32, #tpu.memory_space<vmem>>
      %dma_start3A_76 = arith.constant 0 : i32
      %dma_start3A_77 = tpu.memref_slice %arg17[%add3A_26, %dma_start3A_76] : memref<10000x48xf32, #tpu.memory_space<vmem_shared>> -> memref<113x48xf32, #tpu.memory_space<vmem_shared>>
      %dma_start3A_78 = arith.constant 0 : i32
      %dma_start3A_79 = tpu.memref_slice %arg17[%add3A_26, %dma_start3A_78] : memref<10000x48xf32, #tpu.memory_space<vmem_shared>> -> memref<113x48xf32, #tpu.memory_space<vmem_shared>>
      %dma_start3A_80 = arith.constant 0 : i32
      %dma_start3A_81 = arith.constant 0 : i32
      %dma_start3A_82 = tpu.memref_slice %arg12[%dma_start3A_80, %dma_start3A_81] : memref<128x48xf32, #tpu.memory_space<vmem>> -> memref<113x48xf32, #tpu.memory_space<vmem>>
      tpu.enqueue_dma source(%dma_start3A_82 : memref<113x48xf32, #tpu.memory_space<vmem>>) target(%dma_start3A_79 : memref<113x48xf32, #tpu.memory_space<vmem_shared>>) target_semaphore(%run_scoped3A : memref<!tpu.dma_semaphore, #tpu.memory_space<semaphore_mem>>)
      %dma_wait3A = arith.constant 0 : i32
      %dma_wait3A_83 = arith.constant 0 : i32
      %dma_wait3A_84 = tpu.memref_slice %arg12[%dma_wait3A, %dma_wait3A_83] : memref<128x48xf32, #tpu.memory_space<vmem>> -> memref<113x48xf32, #tpu.memory_space<vmem>>
      %dma_wait3A_85 = arith.constant 0 : i32
      %dma_wait3A_86 = tpu.memref_slice %arg17[%add3A_26, %dma_wait3A_85] : memref<10000x48xf32, #tpu.memory_space<vmem_shared>> -> memref<113x48xf32, #tpu.memory_space<vmem_shared>>
      %dma_wait3A_87 = arith.constant 0 : i32
      %dma_wait3A_88 = tpu.memref_slice %arg17[%add3A_26, %dma_wait3A_87] : memref<10000x48xf32, #tpu.memory_space<vmem_shared>> -> memref<113x48xf32, #tpu.memory_space<vmem_shared>>
      %dma_wait3A_89 = arith.constant 0 : i32
      %dma_wait3A_90 = arith.constant 0 : i32
      %dma_wait3A_91 = tpu.memref_slice %arg12[%dma_wait3A_89, %dma_wait3A_90] : memref<128x48xf32, #tpu.memory_space<vmem>> -> memref<113x48xf32, #tpu.memory_space<vmem>>
      tpu.wait_dma2 semaphore(%run_scoped3A : memref<!tpu.dma_semaphore, #tpu.memory_space<semaphore_mem>>) src(%dma_wait3A_91 : memref<113x48xf32, #tpu.memory_space<vmem>>) dst(%dma_wait3A_88 : memref<113x48xf32, #tpu.memory_space<vmem_shared>>)
      tpu.yield
    }) : () -> ()
    "tpu.region"() ({
      %run_scoped3A = tpu.sem_alloc : memref<!tpu.dma_semaphore, #tpu.memory_space<semaphore_mem>>
      tpu.enqueue_dma source(%arg5 : memref<10000xf32, #tpu.memory_space<hbm>>) target(%arg15 : memref<10000xf32, #tpu.memory_space<vmem>>) target_semaphore(%run_scoped3A : memref<!tpu.dma_semaphore, #tpu.memory_space<semaphore_mem>>)
      tpu.wait_dma2 semaphore(%run_scoped3A : memref<!tpu.dma_semaphore, #tpu.memory_space<semaphore_mem>>) src(%arg5 : memref<10000xf32, #tpu.memory_space<hbm>>) dst(%arg15 : memref<10000xf32, #tpu.memory_space<vmem>>)
      tpu.yield
    }) : () -> ()
    "tpu.region"() ({
      %run_scoped3A = tpu.sem_alloc : memref<!tpu.dma_semaphore, #tpu.memory_space<semaphore_mem>>
      tpu.enqueue_dma source(%arg6 : memref<10000xf32, #tpu.memory_space<hbm>>) target(%arg16 : memref<10000xf32, #tpu.memory_space<vmem>>) target_semaphore(%run_scoped3A : memref<!tpu.dma_semaphore, #tpu.memory_space<semaphore_mem>>)
      tpu.wait_dma2 semaphore(%run_scoped3A : memref<!tpu.dma_semaphore, #tpu.memory_space<semaphore_mem>>) src(%arg6 : memref<10000xf32, #tpu.memory_space<hbm>>) dst(%arg16 : memref<10000xf32, #tpu.memory_space<vmem>>)
      tpu.yield
    }) : () -> ()
    %barrier3A = arith.constant 0 : index
    tpu.barrier barrier_id(%barrier3A)
    %mul3A_27 = arith.constant 80 : i32
    %mul3A_28 = arith.muli %add3A, %mul3A_27 : i32
    %mul3A_29 = arith.constant 128 : i32
    %mul3A_30 = arith.muli %mul3A_28, %mul3A_29 : i32
    "tpu.region"() ({
      %run_scoped3A = tpu.sem_alloc : memref<!tpu.dma_semaphore, #tpu.memory_space<semaphore_mem>>
      %dma_start3A = tpu.memref_slice %arg2[%mul3A_30] : memref<327680xi32, #tpu.memory_space<hbm>> -> memref<10240xi32, #tpu.memory_space<hbm>>
      %dma_start3A_74 = tpu.memref_slice %arg2[%mul3A_30] : memref<327680xi32, #tpu.memory_space<hbm>> -> memref<10240xi32, #tpu.memory_space<hbm>>
      tpu.enqueue_dma source(%dma_start3A_74 : memref<10240xi32, #tpu.memory_space<hbm>>) target(%arg8 : memref<10240xi32, #tpu.memory_space<vmem>>) target_semaphore(%run_scoped3A : memref<!tpu.dma_semaphore, #tpu.memory_space<semaphore_mem>>)
      %dma_wait3A = tpu.memref_slice %arg2[%mul3A_30] : memref<327680xi32, #tpu.memory_space<hbm>> -> memref<10240xi32, #tpu.memory_space<hbm>>
      %dma_wait3A_75 = tpu.memref_slice %arg2[%mul3A_30] : memref<327680xi32, #tpu.memory_space<hbm>> -> memref<10240xi32, #tpu.memory_space<hbm>>
      tpu.wait_dma2 semaphore(%run_scoped3A : memref<!tpu.dma_semaphore, #tpu.memory_space<semaphore_mem>>) src(%dma_wait3A_75 : memref<10240xi32, #tpu.memory_space<hbm>>) dst(%arg8 : memref<10240xi32, #tpu.memory_space<vmem>>)
      tpu.yield
    }) : () -> ()
    "tpu.region"() ({
      %run_scoped3A = tpu.sem_alloc : memref<!tpu.dma_semaphore, #tpu.memory_space<semaphore_mem>>
      %dma_start3A = tpu.memref_slice %arg3[%mul3A_30] : memref<327680xi32, #tpu.memory_space<hbm>> -> memref<10240xi32, #tpu.memory_space<hbm>>
      %dma_start3A_74 = tpu.memref_slice %arg3[%mul3A_30] : memref<327680xi32, #tpu.memory_space<hbm>> -> memref<10240xi32, #tpu.memory_space<hbm>>
      tpu.enqueue_dma source(%dma_start3A_74 : memref<10240xi32, #tpu.memory_space<hbm>>) target(%arg9 : memref<10240xi32, #tpu.memory_space<vmem>>) target_semaphore(%run_scoped3A : memref<!tpu.dma_semaphore, #tpu.memory_space<semaphore_mem>>)
      %dma_wait3A = tpu.memref_slice %arg3[%mul3A_30] : memref<327680xi32, #tpu.memory_space<hbm>> -> memref<10240xi32, #tpu.memory_space<hbm>>
      %dma_wait3A_75 = tpu.memref_slice %arg3[%mul3A_30] : memref<327680xi32, #tpu.memory_space<hbm>> -> memref<10240xi32, #tpu.memory_space<hbm>>
      tpu.wait_dma2 semaphore(%run_scoped3A : memref<!tpu.dma_semaphore, #tpu.memory_space<semaphore_mem>>) src(%dma_wait3A_75 : memref<10240xi32, #tpu.memory_space<hbm>>) dst(%arg9 : memref<10240xi32, #tpu.memory_space<vmem>>)
      tpu.yield
    }) : () -> ()
    %iota3A = tpu.iota {dimensions = array<i32: 0>} : vector<16xi32>
    %eq3A = arith.constant 8 : i32
    %eq3A_31 = vector.broadcast %eq3A : i32 to vector<16xi32>
    %eq3A_32 = arith.cmpi eq, %iota3A, %eq3A_31 : vector<16xi32>
    %convert_element_type3A = arith.extui %eq3A_32 : vector<16xi1> to vector<16xi32>
    %convert_element_type3A_33 = arith.sitofp %convert_element_type3A : vector<16xi32> to vector<16xf32>
    %eq3A_34 = arith.constant 31 : i32
    %eq3A_35 = arith.cmpi eq, %add3A, %eq3A_34 : i32
    %jit3A = arith.constant 20 : i32
    %jit3A_36 = arith.constant 80 : i32
    %select_n3A = arith.select %eq3A_35, %jit3A, %jit3A_36 : i32
    %jit3A_37 = arith.constant 2 : i32
    %div3A = arith.divsi %select_n3A, %jit3A_37 : i32
    %sign3A = arith.constant 0 : i32
    %sign3A_38 = arith.cmpi sgt, %select_n3A, %sign3A : i32
    %sign3A_39 = arith.extui %sign3A_38 : i1 to i32
    %sign3A_40 = arith.constant 0 : i32
    %sign3A_41 = arith.cmpi slt, %select_n3A, %sign3A_40 : i32
    %sign3A_42 = arith.extui %sign3A_41 : i1 to i32
    %sign3A_43 = arith.subi %sign3A_39, %sign3A_42 : i32
    %sign3A_44 = arith.constant 0 : i32
    %sign3A_45 = arith.cmpi sgt, %jit3A_37, %sign3A_44 : i32
    %sign3A_46 = arith.extui %sign3A_45 : i1 to i32
    %sign3A_47 = arith.constant 0 : i32
    %sign3A_48 = arith.cmpi slt, %jit3A_37, %sign3A_47 : i32
    %sign3A_49 = arith.extui %sign3A_48 : i1 to i32
    %sign3A_50 = arith.subi %sign3A_46, %sign3A_49 : i32
    %ne3A = arith.cmpi ne, %sign3A_43, %sign3A_50 : i32
    %rem3A = arith.remsi %select_n3A, %jit3A_37 : i32
    %ne3A_51 = arith.constant 0 : i32
    %ne3A_52 = arith.cmpi ne, %rem3A, %ne3A_51 : i32
    %and3A = arith.andi %ne3A, %ne3A_52 : i1
    %sub3A = arith.constant 1 : i32
    %sub3A_53 = arith.subi %div3A, %sub3A : i32
    %select_n3A_54 = arith.select %and3A, %sub3A_53, %div3A : i32
    %while3A = arith.constant 0 : i32
    %while3A_55 = arith.constant 0 : i32
    %while3A_56 = arith.subi %select_n3A_54, %while3A : i32
    %while3A_57 = arith.addi %while3A, %while3A_56 : i32
    %while3A_58 = arith.constant 1 : i32
    %while3A_59 = arith.divsi %while3A_56, %while3A_58 : i32
    %while3A_60 = arith.muli %while3A_59, %while3A_58 : i32
    %while3A_61 = arith.addi %while3A, %while3A_60 : i32
    %while3A_62 = arith.constant 1 : i32
    %while3A_63 = scf.for %while3A_74 = %while3A to %while3A_61 step %while3A_62 iter_args(%while3A_75 = %while3A_55) -> (i32)  : i32 {
      %mul3A_76 = arith.constant 2 : i32
      %mul3A_77 = arith.muli %mul3A_76, %while3A_74 : i32
      %add3A_78 = arith.constant 0 : i32
      %add3A_79 = arith.addi %mul3A_77, %add3A_78 : i32
      %mul3A_80 = arith.constant 128 : i32
      %mul3A_81 = arith.muli %add3A_79, %mul3A_80 : i32
      %mul3A_82 = arith.constant 128 : i32
      %mul3A_83 = arith.muli %add3A_79, %mul3A_82 : i32
      %mul3A_84 = arith.constant 128 : i32
      %mul3A_85 = arith.muli %add3A_79, %mul3A_84 : i32
      %dma_start3A = tpu.memref_slice %arg8[%mul3A_85] : memref<10240xi32, #tpu.memory_space<vmem>> -> memref<128xi32, #tpu.memory_space<vmem>>
      %dma_start3A_86 = arith.constant 0 : i32
      %dma_start3A_87 = arith.constant 0 : i32
      %dma_start3A_88 = tpu.memref_slice %arg4[%dma_start3A_86, %dma_start3A_87] : memref<10000x48xf32, #tpu.memory_space<hbm>> -> memref<10000x48xf32, #tpu.memory_space<hbm>>
      tpu.enqueue_indirect_dma source(%dma_start3A_88 : memref<10000x48xf32, #tpu.memory_space<hbm>>) target(%arg10 : memref<128x48xf32, #tpu.memory_space<vmem>>) offsets(%dma_start3A : memref<128xi32, #tpu.memory_space<vmem>>) semaphore(%arg18 : memref<!tpu.dma_semaphore, #tpu.memory_space<semaphore_mem>>)
      %scan3A_89 = arith.constant 0 : i32
      %scan3A_90 = arith.constant 0 : i32
      %scan3A_91 = arith.constant 8 : i32
      %scan3A_92 = arith.addi %scan3A_90, %scan3A_91 : i32
      %scan3A_93 = arith.constant 1 : i32
      %scan3A_94 = scf.for %scan3A_139 = %scan3A_90 to %scan3A_92 step %scan3A_93 iter_args(%scan3A_140 = %scan3A_89) -> (i32)  : i32 {
        %mul3A_141 = arith.constant 128 : i32
        %mul3A_142 = arith.muli %add3A_79, %mul3A_141 : i32
        %mul3A_143 = arith.constant 16 : i32
        %mul3A_144 = arith.muli %mul3A_143, %scan3A_139 : i32
        %add3A_145 = arith.addi %mul3A_142, %mul3A_144 : i32
        %get3A = arith.index_cast %add3A_145 : i32 to index
        %get3A_146 = tpu.vector_load %arg8[%get3A] {strides = array<i32>} : memref<10240xi32, #tpu.memory_space<vmem>>, vector<16xi32>,
        %mul3A_147 = arith.constant 128 : i32
        %mul3A_148 = arith.muli %add3A_79, %mul3A_147 : i32
        %mul3A_149 = arith.constant 16 : i32
        %mul3A_150 = arith.muli %mul3A_149, %scan3A_139 : i32
        %add3A_151 = arith.addi %mul3A_148, %mul3A_150 : i32
        %get3A_152 = arith.index_cast %add3A_151 : i32 to index
        %get3A_153 = tpu.vector_load %arg9[%get3A_152] {strides = array<i32>} : memref<10240xi32, #tpu.memory_space<vmem>>, vector<16xi32>,
        %gather3A = tpu.vector_load_idx %arg15[%get3A_146] : memref<10000xf32, #tpu.memory_space<vmem>>[vector<16xi32>], vector<16xf32>,
        %gather3A_154 = tpu.vector_load_idx %arg16[%get3A_153] : memref<10000xf32, #tpu.memory_space<vmem>>[vector<16xi32>], vector<16xf32>,
        %add3A_155 = arith.addf %gather3A, %gather3A_154 : vector<16xf32>
        %mul3A_156 = arith.constant 2.000000e-01 : f32
        %mul3A_157 = vector.broadcast %mul3A_156 : f32 to vector<16xf32>
        %mul3A_158 = arith.mulf %mul3A_157, %add3A_155 : vector<16xf32>
        %max3A = arith.maximumf %add3A_155, %mul3A_158 : vector<16xf32>
        %exp3A = math.exp %max3A : vector<16xf32>
        %mul3A_159 = arith.constant 16 : i32
        %mul3A_160 = arith.muli %mul3A_159, %scan3A_139 : i32
        %swap3A = arith.index_cast %mul3A_160 : i32 to index
        %swap3A_161 = tpu.vector_load %arg14[%swap3A] {strides = array<i32>} : memref<128xf32, #tpu.memory_space<vmem>>, vector<16xf32>,
        tpu.vector_store %arg14[%swap3A], %exp3A {strides = array<i32>} : memref<128xf32, #tpu.memory_space<vmem>>, vector<16xf32>,
        %scan3A_162 = arith.constant 0 : i32
        scf.yield %scan3A_162 : i32
      }
      %scan3A_95 = arith.constant 8 : i32
      %dma_wait3A = tpu.memref_slice %arg8[%mul3A_81] : memref<10240xi32, #tpu.memory_space<vmem>> -> memref<128xi32, #tpu.memory_space<vmem>>
      %dma_wait3A_96 = arith.constant 0 : i32
      %dma_wait3A_97 = arith.constant 0 : i32
      %dma_wait3A_98 = tpu.memref_slice %arg4[%dma_wait3A_96, %dma_wait3A_97] : memref<10000x48xf32, #tpu.memory_space<hbm>> -> memref<10000x48xf32, #tpu.memory_space<hbm>>
      tpu.wait_indirect_dma semaphore(%arg18 : memref<!tpu.dma_semaphore, #tpu.memory_space<semaphore_mem>>) src(%dma_wait3A_98 : memref<10000x48xf32, #tpu.memory_space<hbm>>) dst(%arg10 : memref<128x48xf32, #tpu.memory_space<vmem>>)
      %scan3A_99 = arith.constant 0 : i32
      %scan3A_100 = arith.constant 0 : i32
      %scan3A_101 = arith.constant 128 : i32
      %scan3A_102 = arith.addi %scan3A_100, %scan3A_101 : i32
      %scan3A_103 = arith.constant 1 : i32
      %scan3A_104 = scf.for %scan3A_139 = %scan3A_100 to %scan3A_102 step %scan3A_103 iter_args(%scan3A_140 = %scan3A_99) -> (i32)  : i32 {
        %broadcast_in_dim3A = vector.broadcast %scan3A_139 : i32 to vector<16xi32>
        %gather3A = tpu.vector_load_idx %arg14[%broadcast_in_dim3A] : memref<128xf32, #tpu.memory_space<vmem>>[vector<16xi32>], vector<16xf32>,
        %get3A = arith.index_cast %scan3A_139 : i32 to index
        %get3A_141 = arith.constant 0 : index
        %get3A_142 = tpu.vector_load %arg10[%get3A, %get3A_141] {strides = array<i32>} : memref<128x48xf32, #tpu.memory_space<vmem>>, vector<16xf32>,
        %mul3A_143 = arith.mulf %get3A_142, %gather3A : vector<16xf32>
        %swap3A = arith.index_cast %scan3A_139 : i32 to index
        %swap3A_144 = arith.constant 0 : index
        %swap3A_145 = tpu.vector_load %arg12[%swap3A, %swap3A_144] {strides = array<i32>} : memref<128x48xf32, #tpu.memory_space<vmem>>, vector<16xf32>,
        tpu.vector_store %arg12[%swap3A, %swap3A_144], %mul3A_143 {strides = array<i32>} : memref<128x48xf32, #tpu.memory_space<vmem>>, vector<16xf32>,
        %get3A_146 = arith.index_cast %scan3A_139 : i32 to index
        %get3A_147 = arith.constant 16 : index
        %get3A_148 = tpu.vector_load %arg10[%get3A_146, %get3A_147] {strides = array<i32>} : memref<128x48xf32, #tpu.memory_space<vmem>>, vector<16xf32>,
        %mul3A_149 = arith.mulf %get3A_148, %gather3A : vector<16xf32>
        %swap3A_150 = arith.index_cast %scan3A_139 : i32 to index
        %swap3A_151 = arith.constant 16 : index
        %swap3A_152 = tpu.vector_load %arg12[%swap3A_150, %swap3A_151] {strides = array<i32>} : memref<128x48xf32, #tpu.memory_space<vmem>>, vector<16xf32>,
        tpu.vector_store %arg12[%swap3A_150, %swap3A_151], %mul3A_149 {strides = array<i32>} : memref<128x48xf32, #tpu.memory_space<vmem>>, vector<16xf32>,
        %get3A_153 = arith.index_cast %scan3A_139 : i32 to index
        %get3A_154 = arith.constant 32 : index
        %get3A_155 = tpu.vector_load %arg10[%get3A_153, %get3A_154] {strides = array<i32>} : memref<128x48xf32, #tpu.memory_space<vmem>>, vector<16xf32>,
        %add3A_156 = arith.addf %get3A_155, %convert_element_type3A_33 : vector<16xf32>
        %mul3A_157 = arith.mulf %add3A_156, %gather3A : vector<16xf32>
        %swap3A_158 = arith.index_cast %scan3A_139 : i32 to index
        %swap3A_159 = arith.constant 32 : index
        %swap3A_160 = tpu.vector_load %arg12[%swap3A_158, %swap3A_159] {strides = array<i32>} : memref<128x48xf32, #tpu.memory_space<vmem>>, vector<16xf32>,
        tpu.vector_store %arg12[%swap3A_158, %swap3A_159], %mul3A_157 {strides = array<i32>} : memref<128x48xf32, #tpu.memory_space<vmem>>, vector<16xf32>,
        %scan3A_161 = arith.constant 0 : i32
        scf.yield %scan3A_161 : i32
      }
      %scan3A_105 = arith.constant 128 : i32
      "tpu.region"() ({
        %run_scoped3A = tpu.sem_alloc : memref<!tpu.dma_semaphore, #tpu.memory_space<semaphore_mem>>
        %dma_start3A_139 = tpu.memref_slice %arg9[%mul3A_83] : memref<10240xi32, #tpu.memory_space<vmem>> -> memref<128xi32, #tpu.memory_space<vmem>>
        %dma_start3A_140 = arith.constant 0 : i32
        %dma_start3A_141 = arith.constant 0 : i32
        %dma_start3A_142 = tpu.memref_slice %arg17[%dma_start3A_140, %dma_start3A_141] : memref<10000x48xf32, #tpu.memory_space<vmem_shared>> -> memref<10000x48xf32, #tpu.memory_space<vmem_shared>>
        tpu.enqueue_indirect_dma source(%arg12 : memref<128x48xf32, #tpu.memory_space<vmem>>) target(%dma_start3A_142 : memref<10000x48xf32, #tpu.memory_space<vmem_shared>>) offsets(%dma_start3A_139 : memref<128xi32, #tpu.memory_space<vmem>>) semaphore(%run_scoped3A : memref<!tpu.dma_semaphore, #tpu.memory_space<semaphore_mem>>) {add = true}
        %dma_wait3A_143 = tpu.memref_slice %arg9[%mul3A_83] : memref<10240xi32, #tpu.memory_space<vmem>> -> memref<128xi32, #tpu.memory_space<vmem>>
        %dma_wait3A_144 = arith.constant 0 : i32
        %dma_wait3A_145 = arith.constant 0 : i32
        %dma_wait3A_146 = tpu.memref_slice %arg17[%dma_wait3A_144, %dma_wait3A_145] : memref<10000x48xf32, #tpu.memory_space<vmem_shared>> -> memref<10000x48xf32, #tpu.memory_space<vmem_shared>>
        tpu.wait_indirect_dma semaphore(%run_scoped3A : memref<!tpu.dma_semaphore, #tpu.memory_space<semaphore_mem>>) src(%arg12 : memref<128x48xf32, #tpu.memory_space<vmem>>) dst(%dma_wait3A_146 : memref<10000x48xf32, #tpu.memory_space<vmem_shared>>)
        tpu.yield
      }) : () -> ()
      %mul3A_106 = arith.constant 2 : i32
      %mul3A_107 = arith.muli %mul3A_106, %while3A_74 : i32
      %add3A_108 = arith.constant 1 : i32
      %add3A_109 = arith.addi %mul3A_107, %add3A_108 : i32
      %mul3A_110 = arith.constant 128 : i32
      %mul3A_111 = arith.muli %add3A_109, %mul3A_110 : i32
      %mul3A_112 = arith.constant 128 : i32
      %mul3A_113 = arith.muli %add3A_109, %mul3A_112 : i32
      %mul3A_114 = arith.constant 128 : i32
      %mul3A_115 = arith.muli %add3A_109, %mul3A_114 : i32
      %dma_start3A_116 = tpu.memref_slice %arg8[%mul3A_115] : memref<10240xi32, #tpu.memory_space<vmem>> -> memref<128xi32, #tpu.memory_space<vmem>>
      %dma_start3A_117 = arith.constant 0 : i32
      %dma_start3A_118 = arith.constant 0 : i32
      %dma_start3A_119 = tpu.memref_slice %arg4[%dma_start3A_117, %dma_start3A_118] : memref<10000x48xf32, #tpu.memory_space<hbm>> -> memref<10000x48xf32, #tpu.memory_space<hbm>>
      tpu.enqueue_indirect_dma source(%dma_start3A_119 : memref<10000x48xf32, #tpu.memory_space<hbm>>) target(%arg11 : memref<128x48xf32, #tpu.memory_space<vmem>>) offsets(%dma_start3A_116 : memref<128xi32, #tpu.memory_space<vmem>>) semaphore(%arg19 : memref<!tpu.dma_semaphore, #tpu.memory_space<semaphore_mem>>)
      %scan3A_120 = arith.constant 0 : i32
      %scan3A_121 = arith.constant 0 : i32
      %scan3A_122 = arith.constant 8 : i32
      %scan3A_123 = arith.addi %scan3A_121, %scan3A_122 : i32
      %scan3A_124 = arith.constant 1 : i32
      %scan3A_125 = scf.for %scan3A_139 = %scan3A_121 to %scan3A_123 step %scan3A_124 iter_args(%scan3A_140 = %scan3A_120) -> (i32)  : i32 {
        %mul3A_141 = arith.constant 128 : i32
        %mul3A_142 = arith.muli %add3A_109, %mul3A_141 : i32
        %mul3A_143 = arith.constant 16 : i32
        %mul3A_144 = arith.muli %mul3A_143, %scan3A_139 : i32
        %add3A_145 = arith.addi %mul3A_142, %mul3A_144 : i32
        %get3A = arith.index_cast %add3A_145 : i32 to index
        %get3A_146 = tpu.vector_load %arg8[%get3A] {strides = array<i32>} : memref<10240xi32, #tpu.memory_space<vmem>>, vector<16xi32>,
        %mul3A_147 = arith.constant 128 : i32
        %mul3A_148 = arith.muli %add3A_109, %mul3A_147 : i32
        %mul3A_149 = arith.constant 16 : i32
        %mul3A_150 = arith.muli %mul3A_149, %scan3A_139 : i32
        %add3A_151 = arith.addi %mul3A_148, %mul3A_150 : i32
        %get3A_152 = arith.index_cast %add3A_151 : i32 to index
        %get3A_153 = tpu.vector_load %arg9[%get3A_152] {strides = array<i32>} : memref<10240xi32, #tpu.memory_space<vmem>>, vector<16xi32>,
        %gather3A = tpu.vector_load_idx %arg15[%get3A_146] : memref<10000xf32, #tpu.memory_space<vmem>>[vector<16xi32>], vector<16xf32>,
        %gather3A_154 = tpu.vector_load_idx %arg16[%get3A_153] : memref<10000xf32, #tpu.memory_space<vmem>>[vector<16xi32>], vector<16xf32>,
        %add3A_155 = arith.addf %gather3A, %gather3A_154 : vector<16xf32>
        %mul3A_156 = arith.constant 2.000000e-01 : f32
        %mul3A_157 = vector.broadcast %mul3A_156 : f32 to vector<16xf32>
        %mul3A_158 = arith.mulf %mul3A_157, %add3A_155 : vector<16xf32>
        %max3A = arith.maximumf %add3A_155, %mul3A_158 : vector<16xf32>
        %exp3A = math.exp %max3A : vector<16xf32>
        %mul3A_159 = arith.constant 16 : i32
        %mul3A_160 = arith.muli %mul3A_159, %scan3A_139 : i32
        %swap3A = arith.index_cast %mul3A_160 : i32 to index
        %swap3A_161 = tpu.vector_load %arg14[%swap3A] {strides = array<i32>} : memref<128xf32, #tpu.memory_space<vmem>>, vector<16xf32>,
        tpu.vector_store %arg14[%swap3A], %exp3A {strides = array<i32>} : memref<128xf32, #tpu.memory_space<vmem>>, vector<16xf32>,
        %scan3A_162 = arith.constant 0 : i32
        scf.yield %scan3A_162 : i32
      }
      %scan3A_126 = arith.constant 8 : i32
      %dma_wait3A_127 = tpu.memref_slice %arg8[%mul3A_111] : memref<10240xi32, #tpu.memory_space<vmem>> -> memref<128xi32, #tpu.memory_space<vmem>>
      %dma_wait3A_128 = arith.constant 0 : i32
      %dma_wait3A_129 = arith.constant 0 : i32
      %dma_wait3A_130 = tpu.memref_slice %arg4[%dma_wait3A_128, %dma_wait3A_129] : memref<10000x48xf32, #tpu.memory_space<hbm>> -> memref<10000x48xf32, #tpu.memory_space<hbm>>
      tpu.wait_indirect_dma semaphore(%arg19 : memref<!tpu.dma_semaphore, #tpu.memory_space<semaphore_mem>>) src(%dma_wait3A_130 : memref<10000x48xf32, #tpu.memory_space<hbm>>) dst(%arg11 : memref<128x48xf32, #tpu.memory_space<vmem>>)
      %scan3A_131 = arith.constant 0 : i32
      %scan3A_132 = arith.constant 0 : i32
      %scan3A_133 = arith.constant 128 : i32
      %scan3A_134 = arith.addi %scan3A_132, %scan3A_133 : i32
      %scan3A_135 = arith.constant 1 : i32
      %scan3A_136 = scf.for %scan3A_139 = %scan3A_132 to %scan3A_134 step %scan3A_135 iter_args(%scan3A_140 = %scan3A_131) -> (i32)  : i32 {
        %broadcast_in_dim3A = vector.broadcast %scan3A_139 : i32 to vector<16xi32>
        %gather3A = tpu.vector_load_idx %arg14[%broadcast_in_dim3A] : memref<128xf32, #tpu.memory_space<vmem>>[vector<16xi32>], vector<16xf32>,
        %get3A = arith.index_cast %scan3A_139 : i32 to index
        %get3A_141 = arith.constant 0 : index
        %get3A_142 = tpu.vector_load %arg11[%get3A, %get3A_141] {strides = array<i32>} : memref<128x48xf32, #tpu.memory_space<vmem>>, vector<16xf32>,
        %mul3A_143 = arith.mulf %get3A_142, %gather3A : vector<16xf32>
        %swap3A = arith.index_cast %scan3A_139 : i32 to index
        %swap3A_144 = arith.constant 0 : index
        %swap3A_145 = tpu.vector_load %arg13[%swap3A, %swap3A_144] {strides = array<i32>} : memref<128x48xf32, #tpu.memory_space<vmem>>, vector<16xf32>,
        tpu.vector_store %arg13[%swap3A, %swap3A_144], %mul3A_143 {strides = array<i32>} : memref<128x48xf32, #tpu.memory_space<vmem>>, vector<16xf32>,
        %get3A_146 = arith.index_cast %scan3A_139 : i32 to index
        %get3A_147 = arith.constant 16 : index
        %get3A_148 = tpu.vector_load %arg11[%get3A_146, %get3A_147] {strides = array<i32>} : memref<128x48xf32, #tpu.memory_space<vmem>>, vector<16xf32>,
        %mul3A_149 = arith.mulf %get3A_148, %gather3A : vector<16xf32>
        %swap3A_150 = arith.index_cast %scan3A_139 : i32 to index
        %swap3A_151 = arith.constant 16 : index
        %swap3A_152 = tpu.vector_load %arg13[%swap3A_150, %swap3A_151] {strides = array<i32>} : memref<128x48xf32, #tpu.memory_space<vmem>>, vector<16xf32>,
        tpu.vector_store %arg13[%swap3A_150, %swap3A_151], %mul3A_149 {strides = array<i32>} : memref<128x48xf32, #tpu.memory_space<vmem>>, vector<16xf32>,
        %get3A_153 = arith.index_cast %scan3A_139 : i32 to index
        %get3A_154 = arith.constant 32 : index
        %get3A_155 = tpu.vector_load %arg11[%get3A_153, %get3A_154] {strides = array<i32>} : memref<128x48xf32, #tpu.memory_space<vmem>>, vector<16xf32>,
        %add3A_156 = arith.addf %get3A_155, %convert_element_type3A_33 : vector<16xf32>
        %mul3A_157 = arith.mulf %add3A_156, %gather3A : vector<16xf32>
        %swap3A_158 = arith.index_cast %scan3A_139 : i32 to index
        %swap3A_159 = arith.constant 32 : index
        %swap3A_160 = tpu.vector_load %arg13[%swap3A_158, %swap3A_159] {strides = array<i32>} : memref<128x48xf32, #tpu.memory_space<vmem>>, vector<16xf32>,
        tpu.vector_store %arg13[%swap3A_158, %swap3A_159], %mul3A_157 {strides = array<i32>} : memref<128x48xf32, #tpu.memory_space<vmem>>, vector<16xf32>,
        %scan3A_161 = arith.constant 0 : i32
        scf.yield %scan3A_161 : i32
      }
      %scan3A_137 = arith.constant 128 : i32
      "tpu.region"() ({
        %run_scoped3A = tpu.sem_alloc : memref<!tpu.dma_semaphore, #tpu.memory_space<semaphore_mem>>
        %dma_start3A_139 = tpu.memref_slice %arg9[%mul3A_113] : memref<10240xi32, #tpu.memory_space<vmem>> -> memref<128xi32, #tpu.memory_space<vmem>>
        %dma_start3A_140 = arith.constant 0 : i32
        %dma_start3A_141 = arith.constant 0 : i32
        %dma_start3A_142 = tpu.memref_slice %arg17[%dma_start3A_140, %dma_start3A_141] : memref<10000x48xf32, #tpu.memory_space<vmem_shared>> -> memref<10000x48xf32, #tpu.memory_space<vmem_shared>>
        tpu.enqueue_indirect_dma source(%arg13 : memref<128x48xf32, #tpu.memory_space<vmem>>) target(%dma_start3A_142 : memref<10000x48xf32, #tpu.memory_space<vmem_shared>>) offsets(%dma_start3A_139 : memref<128xi32, #tpu.memory_space<vmem>>) semaphore(%run_scoped3A : memref<!tpu.dma_semaphore, #tpu.memory_space<semaphore_mem>>) {add = true}
        %dma_wait3A_143 = tpu.memref_slice %arg9[%mul3A_113] : memref<10240xi32, #tpu.memory_space<vmem>> -> memref<128xi32, #tpu.memory_space<vmem>>
        %dma_wait3A_144 = arith.constant 0 : i32
        %dma_wait3A_145 = arith.constant 0 : i32
        %dma_wait3A_146 = tpu.memref_slice %arg17[%dma_wait3A_144, %dma_wait3A_145] : memref<10000x48xf32, #tpu.memory_space<vmem_shared>> -> memref<10000x48xf32, #tpu.memory_space<vmem_shared>>
        tpu.wait_indirect_dma semaphore(%run_scoped3A : memref<!tpu.dma_semaphore, #tpu.memory_space<semaphore_mem>>) src(%arg13 : memref<128x48xf32, #tpu.memory_space<vmem>>) dst(%dma_wait3A_146 : memref<10000x48xf32, #tpu.memory_space<vmem_shared>>)
        tpu.yield
      }) : () -> ()
      %while3A_138 = arith.constant 0 : i32
      scf.yield %while3A_138 : i32
    }
    %while3A_64 = arith.constant 1 : i32
    %while3A_65 = scf.for %while3A_74 = %while3A_61 to %while3A_57 step %while3A_64 iter_args(%while3A_75 = %while3A_63) -> (i32)  : i32 {
      %mul3A_76 = arith.constant 2 : i32
      %mul3A_77 = arith.muli %mul3A_76, %while3A_74 : i32
      %add3A_78 = arith.constant 0 : i32
      %add3A_79 = arith.addi %mul3A_77, %add3A_78 : i32
      %mul3A_80 = arith.constant 128 : i32
      %mul3A_81 = arith.muli %add3A_79, %mul3A_80 : i32
      %mul3A_82 = arith.constant 128 : i32
      %mul3A_83 = arith.muli %add3A_79, %mul3A_82 : i32
      %mul3A_84 = arith.constant 128 : i32
      %mul3A_85 = arith.muli %add3A_79, %mul3A_84 : i32
      %dma_start3A = tpu.memref_slice %arg8[%mul3A_85] : memref<10240xi32, #tpu.memory_space<vmem>> -> memref<128xi32, #tpu.memory_space<vmem>>
      %dma_start3A_86 = arith.constant 0 : i32
      %dma_start3A_87 = arith.constant 0 : i32
      %dma_start3A_88 = tpu.memref_slice %arg4[%dma_start3A_86, %dma_start3A_87] : memref<10000x48xf32, #tpu.memory_space<hbm>> -> memref<10000x48xf32, #tpu.memory_space<hbm>>
      tpu.enqueue_indirect_dma source(%dma_start3A_88 : memref<10000x48xf32, #tpu.memory_space<hbm>>) target(%arg10 : memref<128x48xf32, #tpu.memory_space<vmem>>) offsets(%dma_start3A : memref<128xi32, #tpu.memory_space<vmem>>) semaphore(%arg18 : memref<!tpu.dma_semaphore, #tpu.memory_space<semaphore_mem>>)
      %scan3A_89 = arith.constant 0 : i32
      %scan3A_90 = arith.constant 0 : i32
      %scan3A_91 = arith.constant 8 : i32
      %scan3A_92 = arith.addi %scan3A_90, %scan3A_91 : i32
      %scan3A_93 = arith.constant 1 : i32
      %scan3A_94 = scf.for %scan3A_139 = %scan3A_90 to %scan3A_92 step %scan3A_93 iter_args(%scan3A_140 = %scan3A_89) -> (i32)  : i32 {
        %mul3A_141 = arith.constant 128 : i32
        %mul3A_142 = arith.muli %add3A_79, %mul3A_141 : i32
        %mul3A_143 = arith.constant 16 : i32
        %mul3A_144 = arith.muli %mul3A_143, %scan3A_139 : i32
        %add3A_145 = arith.addi %mul3A_142, %mul3A_144 : i32
        %get3A = arith.index_cast %add3A_145 : i32 to index
        %get3A_146 = tpu.vector_load %arg8[%get3A] {strides = array<i32>} : memref<10240xi32, #tpu.memory_space<vmem>>, vector<16xi32>,
        %mul3A_147 = arith.constant 128 : i32
        %mul3A_148 = arith.muli %add3A_79, %mul3A_147 : i32
        %mul3A_149 = arith.constant 16 : i32
        %mul3A_150 = arith.muli %mul3A_149, %scan3A_139 : i32
        %add3A_151 = arith.addi %mul3A_148, %mul3A_150 : i32
        %get3A_152 = arith.index_cast %add3A_151 : i32 to index
        %get3A_153 = tpu.vector_load %arg9[%get3A_152] {strides = array<i32>} : memref<10240xi32, #tpu.memory_space<vmem>>, vector<16xi32>,
        %gather3A = tpu.vector_load_idx %arg15[%get3A_146] : memref<10000xf32, #tpu.memory_space<vmem>>[vector<16xi32>], vector<16xf32>,
        %gather3A_154 = tpu.vector_load_idx %arg16[%get3A_153] : memref<10000xf32, #tpu.memory_space<vmem>>[vector<16xi32>], vector<16xf32>,
        %add3A_155 = arith.addf %gather3A, %gather3A_154 : vector<16xf32>
        %mul3A_156 = arith.constant 2.000000e-01 : f32
        %mul3A_157 = vector.broadcast %mul3A_156 : f32 to vector<16xf32>
        %mul3A_158 = arith.mulf %mul3A_157, %add3A_155 : vector<16xf32>
        %max3A = arith.maximumf %add3A_155, %mul3A_158 : vector<16xf32>
        %exp3A = math.exp %max3A : vector<16xf32>
        %mul3A_159 = arith.constant 16 : i32
        %mul3A_160 = arith.muli %mul3A_159, %scan3A_139 : i32
        %swap3A = arith.index_cast %mul3A_160 : i32 to index
        %swap3A_161 = tpu.vector_load %arg14[%swap3A] {strides = array<i32>} : memref<128xf32, #tpu.memory_space<vmem>>, vector<16xf32>,
        tpu.vector_store %arg14[%swap3A], %exp3A {strides = array<i32>} : memref<128xf32, #tpu.memory_space<vmem>>, vector<16xf32>,
        %scan3A_162 = arith.constant 0 : i32
        scf.yield %scan3A_162 : i32
      }
      %scan3A_95 = arith.constant 8 : i32
      %dma_wait3A = tpu.memref_slice %arg8[%mul3A_81] : memref<10240xi32, #tpu.memory_space<vmem>> -> memref<128xi32, #tpu.memory_space<vmem>>
      %dma_wait3A_96 = arith.constant 0 : i32
      %dma_wait3A_97 = arith.constant 0 : i32
      %dma_wait3A_98 = tpu.memref_slice %arg4[%dma_wait3A_96, %dma_wait3A_97] : memref<10000x48xf32, #tpu.memory_space<hbm>> -> memref<10000x48xf32, #tpu.memory_space<hbm>>
      tpu.wait_indirect_dma semaphore(%arg18 : memref<!tpu.dma_semaphore, #tpu.memory_space<semaphore_mem>>) src(%dma_wait3A_98 : memref<10000x48xf32, #tpu.memory_space<hbm>>) dst(%arg10 : memref<128x48xf32, #tpu.memory_space<vmem>>)
      %scan3A_99 = arith.constant 0 : i32
      %scan3A_100 = arith.constant 0 : i32
      %scan3A_101 = arith.constant 128 : i32
      %scan3A_102 = arith.addi %scan3A_100, %scan3A_101 : i32
      %scan3A_103 = arith.constant 1 : i32
      %scan3A_104 = scf.for %scan3A_139 = %scan3A_100 to %scan3A_102 step %scan3A_103 iter_args(%scan3A_140 = %scan3A_99) -> (i32)  : i32 {
        %broadcast_in_dim3A = vector.broadcast %scan3A_139 : i32 to vector<16xi32>
        %gather3A = tpu.vector_load_idx %arg14[%broadcast_in_dim3A] : memref<128xf32, #tpu.memory_space<vmem>>[vector<16xi32>], vector<16xf32>,
        %get3A = arith.index_cast %scan3A_139 : i32 to index
        %get3A_141 = arith.constant 0 : index
        %get3A_142 = tpu.vector_load %arg10[%get3A, %get3A_141] {strides = array<i32>} : memref<128x48xf32, #tpu.memory_space<vmem>>, vector<16xf32>,
        %mul3A_143 = arith.mulf %get3A_142, %gather3A : vector<16xf32>
        %swap3A = arith.index_cast %scan3A_139 : i32 to index
        %swap3A_144 = arith.constant 0 : index
        %swap3A_145 = tpu.vector_load %arg12[%swap3A, %swap3A_144] {strides = array<i32>} : memref<128x48xf32, #tpu.memory_space<vmem>>, vector<16xf32>,
        tpu.vector_store %arg12[%swap3A, %swap3A_144], %mul3A_143 {strides = array<i32>} : memref<128x48xf32, #tpu.memory_space<vmem>>, vector<16xf32>,
        %get3A_146 = arith.index_cast %scan3A_139 : i32 to index
        %get3A_147 = arith.constant 16 : index
        %get3A_148 = tpu.vector_load %arg10[%get3A_146, %get3A_147] {strides = array<i32>} : memref<128x48xf32, #tpu.memory_space<vmem>>, vector<16xf32>,
        %mul3A_149 = arith.mulf %get3A_148, %gather3A : vector<16xf32>
        %swap3A_150 = arith.index_cast %scan3A_139 : i32 to index
        %swap3A_151 = arith.constant 16 : index
        %swap3A_152 = tpu.vector_load %arg12[%swap3A_150, %swap3A_151] {strides = array<i32>} : memref<128x48xf32, #tpu.memory_space<vmem>>, vector<16xf32>,
        tpu.vector_store %arg12[%swap3A_150, %swap3A_151], %mul3A_149 {strides = array<i32>} : memref<128x48xf32, #tpu.memory_space<vmem>>, vector<16xf32>,
        %get3A_153 = arith.index_cast %scan3A_139 : i32 to index
        %get3A_154 = arith.constant 32 : index
        %get3A_155 = tpu.vector_load %arg10[%get3A_153, %get3A_154] {strides = array<i32>} : memref<128x48xf32, #tpu.memory_space<vmem>>, vector<16xf32>,
        %add3A_156 = arith.addf %get3A_155, %convert_element_type3A_33 : vector<16xf32>
        %mul3A_157 = arith.mulf %add3A_156, %gather3A : vector<16xf32>
        %swap3A_158 = arith.index_cast %scan3A_139 : i32 to index
        %swap3A_159 = arith.constant 32 : index
        %swap3A_160 = tpu.vector_load %arg12[%swap3A_158, %swap3A_159] {strides = array<i32>} : memref<128x48xf32, #tpu.memory_space<vmem>>, vector<16xf32>,
        tpu.vector_store %arg12[%swap3A_158, %swap3A_159], %mul3A_157 {strides = array<i32>} : memref<128x48xf32, #tpu.memory_space<vmem>>, vector<16xf32>,
        %scan3A_161 = arith.constant 0 : i32
        scf.yield %scan3A_161 : i32
      }
      %scan3A_105 = arith.constant 128 : i32
      "tpu.region"() ({
        %run_scoped3A = tpu.sem_alloc : memref<!tpu.dma_semaphore, #tpu.memory_space<semaphore_mem>>
        %dma_start3A_139 = tpu.memref_slice %arg9[%mul3A_83] : memref<10240xi32, #tpu.memory_space<vmem>> -> memref<128xi32, #tpu.memory_space<vmem>>
        %dma_start3A_140 = arith.constant 0 : i32
        %dma_start3A_141 = arith.constant 0 : i32
        %dma_start3A_142 = tpu.memref_slice %arg17[%dma_start3A_140, %dma_start3A_141] : memref<10000x48xf32, #tpu.memory_space<vmem_shared>> -> memref<10000x48xf32, #tpu.memory_space<vmem_shared>>
        tpu.enqueue_indirect_dma source(%arg12 : memref<128x48xf32, #tpu.memory_space<vmem>>) target(%dma_start3A_142 : memref<10000x48xf32, #tpu.memory_space<vmem_shared>>) offsets(%dma_start3A_139 : memref<128xi32, #tpu.memory_space<vmem>>) semaphore(%run_scoped3A : memref<!tpu.dma_semaphore, #tpu.memory_space<semaphore_mem>>) {add = true}
        %dma_wait3A_143 = tpu.memref_slice %arg9[%mul3A_83] : memref<10240xi32, #tpu.memory_space<vmem>> -> memref<128xi32, #tpu.memory_space<vmem>>
        %dma_wait3A_144 = arith.constant 0 : i32
        %dma_wait3A_145 = arith.constant 0 : i32
        %dma_wait3A_146 = tpu.memref_slice %arg17[%dma_wait3A_144, %dma_wait3A_145] : memref<10000x48xf32, #tpu.memory_space<vmem_shared>> -> memref<10000x48xf32, #tpu.memory_space<vmem_shared>>
        tpu.wait_indirect_dma semaphore(%run_scoped3A : memref<!tpu.dma_semaphore, #tpu.memory_space<semaphore_mem>>) src(%arg12 : memref<128x48xf32, #tpu.memory_space<vmem>>) dst(%dma_wait3A_146 : memref<10000x48xf32, #tpu.memory_space<vmem_shared>>)
        tpu.yield
      }) : () -> ()
      %mul3A_106 = arith.constant 2 : i32
      %mul3A_107 = arith.muli %mul3A_106, %while3A_74 : i32
      %add3A_108 = arith.constant 1 : i32
      %add3A_109 = arith.addi %mul3A_107, %add3A_108 : i32
      %mul3A_110 = arith.constant 128 : i32
      %mul3A_111 = arith.muli %add3A_109, %mul3A_110 : i32
      %mul3A_112 = arith.constant 128 : i32
      %mul3A_113 = arith.muli %add3A_109, %mul3A_112 : i32
      %mul3A_114 = arith.constant 128 : i32
      %mul3A_115 = arith.muli %add3A_109, %mul3A_114 : i32
      %dma_start3A_116 = tpu.memref_slice %arg8[%mul3A_115] : memref<10240xi32, #tpu.memory_space<vmem>> -> memref<128xi32, #tpu.memory_space<vmem>>
      %dma_start3A_117 = arith.constant 0 : i32
      %dma_start3A_118 = arith.constant 0 : i32
      %dma_start3A_119 = tpu.memref_slice %arg4[%dma_start3A_117, %dma_start3A_118] : memref<10000x48xf32, #tpu.memory_space<hbm>> -> memref<10000x48xf32, #tpu.memory_space<hbm>>
      tpu.enqueue_indirect_dma source(%dma_start3A_119 : memref<10000x48xf32, #tpu.memory_space<hbm>>) target(%arg11 : memref<128x48xf32, #tpu.memory_space<vmem>>) offsets(%dma_start3A_116 : memref<128xi32, #tpu.memory_space<vmem>>) semaphore(%arg19 : memref<!tpu.dma_semaphore, #tpu.memory_space<semaphore_mem>>)
      %scan3A_120 = arith.constant 0 : i32
      %scan3A_121 = arith.constant 0 : i32
      %scan3A_122 = arith.constant 8 : i32
      %scan3A_123 = arith.addi %scan3A_121, %scan3A_122 : i32
      %scan3A_124 = arith.constant 1 : i32
      %scan3A_125 = scf.for %scan3A_139 = %scan3A_121 to %scan3A_123 step %scan3A_124 iter_args(%scan3A_140 = %scan3A_120) -> (i32)  : i32 {
        %mul3A_141 = arith.constant 128 : i32
        %mul3A_142 = arith.muli %add3A_109, %mul3A_141 : i32
        %mul3A_143 = arith.constant 16 : i32
        %mul3A_144 = arith.muli %mul3A_143, %scan3A_139 : i32
        %add3A_145 = arith.addi %mul3A_142, %mul3A_144 : i32
        %get3A = arith.index_cast %add3A_145 : i32 to index
        %get3A_146 = tpu.vector_load %arg8[%get3A] {strides = array<i32>} : memref<10240xi32, #tpu.memory_space<vmem>>, vector<16xi32>,
        %mul3A_147 = arith.constant 128 : i32
        %mul3A_148 = arith.muli %add3A_109, %mul3A_147 : i32
        %mul3A_149 = arith.constant 16 : i32
        %mul3A_150 = arith.muli %mul3A_149, %scan3A_139 : i32
        %add3A_151 = arith.addi %mul3A_148, %mul3A_150 : i32
        %get3A_152 = arith.index_cast %add3A_151 : i32 to index
        %get3A_153 = tpu.vector_load %arg9[%get3A_152] {strides = array<i32>} : memref<10240xi32, #tpu.memory_space<vmem>>, vector<16xi32>,
        %gather3A = tpu.vector_load_idx %arg15[%get3A_146] : memref<10000xf32, #tpu.memory_space<vmem>>[vector<16xi32>], vector<16xf32>,
        %gather3A_154 = tpu.vector_load_idx %arg16[%get3A_153] : memref<10000xf32, #tpu.memory_space<vmem>>[vector<16xi32>], vector<16xf32>,
        %add3A_155 = arith.addf %gather3A, %gather3A_154 : vector<16xf32>
        %mul3A_156 = arith.constant 2.000000e-01 : f32
        %mul3A_157 = vector.broadcast %mul3A_156 : f32 to vector<16xf32>
        %mul3A_158 = arith.mulf %mul3A_157, %add3A_155 : vector<16xf32>
        %max3A = arith.maximumf %add3A_155, %mul3A_158 : vector<16xf32>
        %exp3A = math.exp %max3A : vector<16xf32>
        %mul3A_159 = arith.constant 16 : i32
        %mul3A_160 = arith.muli %mul3A_159, %scan3A_139 : i32
        %swap3A = arith.index_cast %mul3A_160 : i32 to index
        %swap3A_161 = tpu.vector_load %arg14[%swap3A] {strides = array<i32>} : memref<128xf32, #tpu.memory_space<vmem>>, vector<16xf32>,
        tpu.vector_store %arg14[%swap3A], %exp3A {strides = array<i32>} : memref<128xf32, #tpu.memory_space<vmem>>, vector<16xf32>,
        %scan3A_162 = arith.constant 0 : i32
        scf.yield %scan3A_162 : i32
      }
      %scan3A_126 = arith.constant 8 : i32
      %dma_wait3A_127 = tpu.memref_slice %arg8[%mul3A_111] : memref<10240xi32, #tpu.memory_space<vmem>> -> memref<128xi32, #tpu.memory_space<vmem>>
      %dma_wait3A_128 = arith.constant 0 : i32
      %dma_wait3A_129 = arith.constant 0 : i32
      %dma_wait3A_130 = tpu.memref_slice %arg4[%dma_wait3A_128, %dma_wait3A_129] : memref<10000x48xf32, #tpu.memory_space<hbm>> -> memref<10000x48xf32, #tpu.memory_space<hbm>>
      tpu.wait_indirect_dma semaphore(%arg19 : memref<!tpu.dma_semaphore, #tpu.memory_space<semaphore_mem>>) src(%dma_wait3A_130 : memref<10000x48xf32, #tpu.memory_space<hbm>>) dst(%arg11 : memref<128x48xf32, #tpu.memory_space<vmem>>)
      %scan3A_131 = arith.constant 0 : i32
      %scan3A_132 = arith.constant 0 : i32
      %scan3A_133 = arith.constant 128 : i32
      %scan3A_134 = arith.addi %scan3A_132, %scan3A_133 : i32
      %scan3A_135 = arith.constant 1 : i32
      %scan3A_136 = scf.for %scan3A_139 = %scan3A_132 to %scan3A_134 step %scan3A_135 iter_args(%scan3A_140 = %scan3A_131) -> (i32)  : i32 {
        %broadcast_in_dim3A = vector.broadcast %scan3A_139 : i32 to vector<16xi32>
        %gather3A = tpu.vector_load_idx %arg14[%broadcast_in_dim3A] : memref<128xf32, #tpu.memory_space<vmem>>[vector<16xi32>], vector<16xf32>,
        %get3A = arith.index_cast %scan3A_139 : i32 to index
        %get3A_141 = arith.constant 0 : index
        %get3A_142 = tpu.vector_load %arg11[%get3A, %get3A_141] {strides = array<i32>} : memref<128x48xf32, #tpu.memory_space<vmem>>, vector<16xf32>,
        %mul3A_143 = arith.mulf %get3A_142, %gather3A : vector<16xf32>
        %swap3A = arith.index_cast %scan3A_139 : i32 to index
        %swap3A_144 = arith.constant 0 : index
        %swap3A_145 = tpu.vector_load %arg13[%swap3A, %swap3A_144] {strides = array<i32>} : memref<128x48xf32, #tpu.memory_space<vmem>>, vector<16xf32>,
        tpu.vector_store %arg13[%swap3A, %swap3A_144], %mul3A_143 {strides = array<i32>} : memref<128x48xf32, #tpu.memory_space<vmem>>, vector<16xf32>,
        %get3A_146 = arith.index_cast %scan3A_139 : i32 to index
        %get3A_147 = arith.constant 16 : index
        %get3A_148 = tpu.vector_load %arg11[%get3A_146, %get3A_147] {strides = array<i32>} : memref<128x48xf32, #tpu.memory_space<vmem>>, vector<16xf32>,
        %mul3A_149 = arith.mulf %get3A_148, %gather3A : vector<16xf32>
        %swap3A_150 = arith.index_cast %scan3A_139 : i32 to index
        %swap3A_151 = arith.constant 16 : index
        %swap3A_152 = tpu.vector_load %arg13[%swap3A_150, %swap3A_151] {strides = array<i32>} : memref<128x48xf32, #tpu.memory_space<vmem>>, vector<16xf32>,
        tpu.vector_store %arg13[%swap3A_150, %swap3A_151], %mul3A_149 {strides = array<i32>} : memref<128x48xf32, #tpu.memory_space<vmem>>, vector<16xf32>,
        %get3A_153 = arith.index_cast %scan3A_139 : i32 to index
        %get3A_154 = arith.constant 32 : index
        %get3A_155 = tpu.vector_load %arg11[%get3A_153, %get3A_154] {strides = array<i32>} : memref<128x48xf32, #tpu.memory_space<vmem>>, vector<16xf32>,
        %add3A_156 = arith.addf %get3A_155, %convert_element_type3A_33 : vector<16xf32>
        %mul3A_157 = arith.mulf %add3A_156, %gather3A : vector<16xf32>
        %swap3A_158 = arith.index_cast %scan3A_139 : i32 to index
        %swap3A_159 = arith.constant 32 : index
        %swap3A_160 = tpu.vector_load %arg13[%swap3A_158, %swap3A_159] {strides = array<i32>} : memref<128x48xf32, #tpu.memory_space<vmem>>, vector<16xf32>,
        tpu.vector_store %arg13[%swap3A_158, %swap3A_159], %mul3A_157 {strides = array<i32>} : memref<128x48xf32, #tpu.memory_space<vmem>>, vector<16xf32>,
        %scan3A_161 = arith.constant 0 : i32
        scf.yield %scan3A_161 : i32
      }
      %scan3A_137 = arith.constant 128 : i32
      "tpu.region"() ({
        %run_scoped3A = tpu.sem_alloc : memref<!tpu.dma_semaphore, #tpu.memory_space<semaphore_mem>>
        %dma_start3A_139 = tpu.memref_slice %arg9[%mul3A_113] : memref<10240xi32, #tpu.memory_space<vmem>> -> memref<128xi32, #tpu.memory_space<vmem>>
        %dma_start3A_140 = arith.constant 0 : i32
        %dma_start3A_141 = arith.constant 0 : i32
        %dma_start3A_142 = tpu.memref_slice %arg17[%dma_start3A_140, %dma_start3A_141] : memref<10000x48xf32, #tpu.memory_space<vmem_shared>> -> memref<10000x48xf32, #tpu.memory_space<vmem_shared>>
        tpu.enqueue_indirect_dma source(%arg13 : memref<128x48xf32, #tpu.memory_space<vmem>>) target(%dma_start3A_142 : memref<10000x48xf32, #tpu.memory_space<vmem_shared>>) offsets(%dma_start3A_139 : memref<128xi32, #tpu.memory_space<vmem>>) semaphore(%run_scoped3A : memref<!tpu.dma_semaphore, #tpu.memory_space<semaphore_mem>>) {add = true}
        %dma_wait3A_143 = tpu.memref_slice %arg9[%mul3A_113] : memref<10240xi32, #tpu.memory_space<vmem>> -> memref<128xi32, #tpu.memory_space<vmem>>
        %dma_wait3A_144 = arith.constant 0 : i32
        %dma_wait3A_145 = arith.constant 0 : i32
        %dma_wait3A_146 = tpu.memref_slice %arg17[%dma_wait3A_144, %dma_wait3A_145] : memref<10000x48xf32, #tpu.memory_space<vmem_shared>> -> memref<10000x48xf32, #tpu.memory_space<vmem_shared>>
        tpu.wait_indirect_dma semaphore(%run_scoped3A : memref<!tpu.dma_semaphore, #tpu.memory_space<semaphore_mem>>) src(%arg13 : memref<128x48xf32, #tpu.memory_space<vmem>>) dst(%dma_wait3A_146 : memref<10000x48xf32, #tpu.memory_space<vmem_shared>>)
        tpu.yield
      }) : () -> ()
      %while3A_138 = arith.constant 0 : i32
      scf.yield %while3A_138 : i32
    }
    %barrier3A_66 = arith.constant 0 : index
    tpu.barrier barrier_id(%barrier3A_66)
    %mul3A_67 = arith.constant 10000 : i32
    %mul3A_68 = arith.muli %arg0, %mul3A_67 : i32
    %mul3A_69 = arith.constant 625 : i32
    %mul3A_70 = arith.muli %arg1, %mul3A_69 : i32
    %add3A_71 = arith.addi %mul3A_68, %mul3A_70 : i32
    %mul3A_72 = arith.constant 625 : i32
    %mul3A_73 = arith.muli %arg1, %mul3A_72 : i32
    "tpu.region"() ({
      %run_scoped3A = tpu.sem_alloc : memref<!tpu.dma_semaphore, #tpu.memory_space<semaphore_mem>>
      %dma_start3A = arith.constant 0 : i32
      %dma_start3A_74 = tpu.memref_slice %arg7[%add3A_71, %dma_start3A] : memref<20000x48xf32, #tpu.memory_space<hbm>> -> memref<625x48xf32, #tpu.memory_space<hbm>>
      %dma_start3A_75 = arith.constant 0 : i32
      %dma_start3A_76 = tpu.memref_slice %arg17[%mul3A_73, %dma_start3A_75] : memref<10000x48xf32, #tpu.memory_space<vmem_shared>> -> memref<625x48xf32, #tpu.memory_space<vmem_shared>>
      tpu.enqueue_dma source(%dma_start3A_76 : memref<625x48xf32, #tpu.memory_space<vmem_shared>>) target(%dma_start3A_74 : memref<625x48xf32, #tpu.memory_space<hbm>>) target_semaphore(%run_scoped3A : memref<!tpu.dma_semaphore, #tpu.memory_space<semaphore_mem>>)
      %dma_wait3A = arith.constant 0 : i32
      %dma_wait3A_77 = tpu.memref_slice %arg7[%add3A_71, %dma_wait3A] : memref<20000x48xf32, #tpu.memory_space<hbm>> -> memref<625x48xf32, #tpu.memory_space<hbm>>
      %dma_wait3A_78 = arith.constant 0 : i32
      %dma_wait3A_79 = tpu.memref_slice %arg17[%mul3A_73, %dma_wait3A_78] : memref<10000x48xf32, #tpu.memory_space<vmem_shared>> -> memref<625x48xf32, #tpu.memory_space<vmem_shared>>
      tpu.wait_dma2 semaphore(%run_scoped3A : memref<!tpu.dma_semaphore, #tpu.memory_space<semaphore_mem>>) src(%dma_wait3A_79 : memref<625x48xf32, #tpu.memory_space<vmem_shared>>) dst(%dma_wait3A_77 : memref<625x48xf32, #tpu.memory_space<hbm>>)
      tpu.yield
    }) : () -> ()
    return
  }
}

module attributes {stable_mosaic.version = 14 : i64} {
  func.func @_prep1_body(%arg0: i32, %arg1: memref<2000x128xf32, #tpu.memory_space<vmem>>, %arg2: memref<128x64xf32, #tpu.memory_space<vmem>>, %arg3: memref<2x64xf32, #tpu.memory_space<vmem>>, %arg4: memref<2000x72xf32, #tpu.memory_space<vmem>>, %arg5: memref<2000x16xf32, #tpu.memory_space<vmem>>) attributes {dimension_semantics = [#tpu.dimension_semantics<arbitrary>], iteration_bounds = array<i64: 5>, scalar_prefetch = 0 : i64, scratch_operands = 0 : i64, tpu.core_type = #tpu.core_type<tc>, window_params = [{transform_indices = @transform_0, window_bounds = array<i64: 2000, 128>}, {pipeline_mode = #tpu.pipeline_mode<synchronous>, transform_indices = @transform_1, window_bounds = array<i64: 128, 64>}, {pipeline_mode = #tpu.pipeline_mode<synchronous>, transform_indices = @transform_2, window_bounds = array<i64: 2, 64>}, {transform_indices = @transform_3, window_bounds = array<i64: 2000, 72>}, {transform_indices = @transform_4, window_bounds = array<i64: 2000, 16>}]} {
    %get3A = arith.constant 0 : index
    %get3A_0 = arith.constant 0 : index
    %get3A_1 = vector.load %arg1[%get3A, %get3A_0] : memref<2000x128xf32, #tpu.memory_space<vmem>>, vector<2000x128xf32>
    %get3A_2 = arith.constant 0 : index
    %get3A_3 = arith.constant 0 : index
    %get3A_4 = vector.load %arg2[%get3A_2, %get3A_3] : memref<128x64xf32, #tpu.memory_space<vmem>>, vector<128x64xf32>
    %dot_general3A = arith.constant dense<0.000000e+00> : vector<2000x64xf32>
    %dot_general3A_5 = tpu.matmul %get3A_1, %get3A_4, %dot_general3A {dimension_numbers = #tpu.dot_dimension_numbers<[1], [0], [0], [1], [0, 0, 1, 1], [], []>, transpose_lhs_hint = false} : vector<2000x128xf32>, vector<128x64xf32>, vector<2000x64xf32> -> vector<2000x64xf32>
    %get3A_6 = arith.constant 0 : index
    %get3A_7 = arith.constant 0 : index
    %get3A_8 = vector.load %arg3[%get3A_6, %get3A_7] : memref<2x64xf32, #tpu.memory_space<vmem>>, vector<2x64xf32>
    %slice3A = vector.extract_strided_slice %get3A_8 {offsets = [0, 0], sizes = [1, 64], strides = [1, 1]} : vector<2x64xf32> to vector<1x64xf32>
    %squeeze3A = vector.shape_cast %slice3A : vector<1x64xf32> to vector<64xf32>
    %broadcast_in_dim3A = vector.shape_cast %squeeze3A : vector<64xf32> to vector<1x64xf32>
    %mul3A = vector.broadcast %broadcast_in_dim3A : vector<1x64xf32> to vector<2000x64xf32>
    %mul3A_9 = arith.mulf %dot_general3A_5, %mul3A : vector<2000x64xf32>
    %reshape3A = vector.shape_cast %mul3A_9 : vector<2000x64xf32> to vector<2000x8x8xf32>
    %reduce_sum3A = arith.constant dense<0.000000e+00> : vector<2000x8xf32>
    %reduce_sum3A_10 = vector.multi_reduction <add>, %reshape3A, %reduce_sum3A [2] : vector<2000x8x8xf32> to vector<2000x8xf32>
    %slice3A_11 = vector.extract_strided_slice %get3A_8 {offsets = [1, 0], sizes = [1, 64], strides = [1, 1]} : vector<2x64xf32> to vector<1x64xf32>
    %squeeze3A_12 = vector.shape_cast %slice3A_11 : vector<1x64xf32> to vector<64xf32>
    %broadcast_in_dim3A_13 = vector.shape_cast %squeeze3A_12 : vector<64xf32> to vector<1x64xf32>
    %mul3A_14 = vector.broadcast %broadcast_in_dim3A_13 : vector<1x64xf32> to vector<2000x64xf32>
    %mul3A_15 = arith.mulf %dot_general3A_5, %mul3A_14 : vector<2000x64xf32>
    %reshape3A_16 = vector.shape_cast %mul3A_15 : vector<2000x64xf32> to vector<2000x8x8xf32>
    %reduce_sum3A_17 = arith.constant dense<0.000000e+00> : vector<2000x8xf32>
    %reduce_sum3A_18 = vector.multi_reduction <add>, %reshape3A_16, %reduce_sum3A_17 [2] : vector<2000x8x8xf32> to vector<2000x8xf32>
    %broadcast_in_dim3A_19 = arith.constant 0.000000e+00 : f32
    %broadcast_in_dim3A_20 = vector.broadcast %broadcast_in_dim3A_19 : f32 to vector<2000x8xf32>
    %concatenate3A = tpu.concatenate %dot_general3A_5, %reduce_sum3A_10 in 1 : vector<2000x64xf32>, vector<2000x8xf32> -> vector<2000x72xf32>
    %swap3A = arith.constant 0 : index
    %swap3A_21 = arith.constant 0 : index
    %swap3A_22 = vector.load %arg4[%swap3A, %swap3A_21] : memref<2000x72xf32, #tpu.memory_space<vmem>>, vector<2000x72xf32>
    tpu.vector_store %arg4[%swap3A, %swap3A_21], %concatenate3A {strides = array<i32>} : memref<2000x72xf32, #tpu.memory_space<vmem>>, vector<2000x72xf32>,
    %concatenate3A_23 = tpu.concatenate %broadcast_in_dim3A_20, %reduce_sum3A_18 in 1 : vector<2000x8xf32>, vector<2000x8xf32> -> vector<2000x16xf32>
    %swap3A_24 = arith.constant 0 : index
    %swap3A_25 = arith.constant 0 : index
    %swap3A_26 = vector.load %arg5[%swap3A_24, %swap3A_25] : memref<2000x16xf32, #tpu.memory_space<vmem>>, vector<2000x16xf32>
    tpu.vector_store %arg5[%swap3A_24, %swap3A_25], %concatenate3A_23 {strides = array<i32>} : memref<2000x16xf32, #tpu.memory_space<vmem>>, vector<2000x16xf32>,
    return
  }
  func.func @transform_0(%arg0: i32) -> (i32, i32) {
    %c0_i32 = arith.constant 0 : i32
    %c0_i32_0 = arith.constant 0 : i32
    return %arg0, %c0_i32 : i32, i32
  }
  func.func @transform_1(%arg0: i32) -> (i32, i32) {
    %c0_i32 = arith.constant 0 : i32
    %c0_i32_0 = arith.constant 0 : i32
    %c0_i32_1 = arith.constant 0 : i32
    return %c0_i32, %c0_i32_0 : i32, i32
  }
  func.func @transform_2(%arg0: i32) -> (i32, i32) {
    %c0_i32 = arith.constant 0 : i32
    %c0_i32_0 = arith.constant 0 : i32
    %c0_i32_1 = arith.constant 0 : i32
    return %c0_i32, %c0_i32_0 : i32, i32
  }
  func.func @transform_3(%arg0: i32) -> (i32, i32) {
    %c0_i32 = arith.constant 0 : i32
    %c0_i32_0 = arith.constant 0 : i32
    return %arg0, %c0_i32 : i32, i32
  }
  func.func @transform_4(%arg0: i32) -> (i32, i32) {
    %c0_i32 = arith.constant 0 : i32
    %c0_i32_0 = arith.constant 0 : i32
    return %arg0, %c0_i32 : i32, i32
  }
}

module attributes {stable_mosaic.version = 14 : i64} {
  func.func @_mid_body(%arg0: i32, %arg1: memref<2x2000x64xf32, #tpu.memory_space<vmem>>, %arg2: memref<2x2000x8xf32, #tpu.memory_space<vmem>>, %arg3: memref<64x40xf32, #tpu.memory_space<vmem>>, %arg4: memref<2x40xf32, #tpu.memory_space<vmem>>, %arg5: memref<2000x48xf32, #tpu.memory_space<vmem>>, %arg6: memref<2000x1xf32, #tpu.memory_space<vmem>>, %arg7: memref<2000x1xf32, #tpu.memory_space<vmem>>) attributes {dimension_semantics = [#tpu.dimension_semantics<arbitrary>], iteration_bounds = array<i64: 5>, scalar_prefetch = 0 : i64, scratch_operands = 0 : i64, tpu.core_type = #tpu.core_type<tc>, window_params = [{transform_indices = @transform_0, window_bounds = array<i64: 2, 2000, 64>}, {transform_indices = @transform_1, window_bounds = array<i64: 2, 2000, 8>}, {pipeline_mode = #tpu.pipeline_mode<synchronous>, transform_indices = @transform_2, window_bounds = array<i64: 64, 40>}, {pipeline_mode = #tpu.pipeline_mode<synchronous>, transform_indices = @transform_3, window_bounds = array<i64: 2, 40>}, {transform_indices = @transform_4, window_bounds = array<i64: 2000, 48>}, {transform_indices = @transform_5, window_bounds = array<i64: 2000, 1>}, {transform_indices = @transform_6, window_bounds = array<i64: 2000, 1>}]} {
    %get3A = arith.constant 0 : index
    %get3A_0 = arith.constant 0 : index
    %get3A_1 = arith.constant 0 : index
    %get3A_2 = vector.load %arg1[%get3A, %get3A_0, %get3A_1] : memref<2x2000x64xf32, #tpu.memory_space<vmem>>, vector<1x2000x64xf32>
    %get3A_3 = vector.shape_cast %get3A_2 : vector<1x2000x64xf32> to vector<2000x64xf32>
    %get3A_4 = arith.constant 1 : index
    %get3A_5 = arith.constant 0 : index
    %get3A_6 = arith.constant 0 : index
    %get3A_7 = vector.load %arg1[%get3A_4, %get3A_5, %get3A_6] : memref<2x2000x64xf32, #tpu.memory_space<vmem>>, vector<1x2000x64xf32>
    %get3A_8 = vector.shape_cast %get3A_7 : vector<1x2000x64xf32> to vector<2000x64xf32>
    %add3A = arith.addf %get3A_3, %get3A_8 : vector<2000x64xf32>
    %reshape3A = vector.shape_cast %add3A : vector<2000x64xf32> to vector<2000x8x8xf32>
    %get3A_9 = arith.constant 0 : index
    %get3A_10 = arith.constant 0 : index
    %get3A_11 = arith.constant 0 : index
    %get3A_12 = vector.load %arg2[%get3A_9, %get3A_10, %get3A_11] : memref<2x2000x8xf32, #tpu.memory_space<vmem>>, vector<1x2000x8xf32>
    %get3A_13 = vector.shape_cast %get3A_12 : vector<1x2000x8xf32> to vector<2000x8xf32>
    %get3A_14 = arith.constant 1 : index
    %get3A_15 = arith.constant 0 : index
    %get3A_16 = arith.constant 0 : index
    %get3A_17 = vector.load %arg2[%get3A_14, %get3A_15, %get3A_16] : memref<2x2000x8xf32, #tpu.memory_space<vmem>>, vector<1x2000x8xf32>
    %get3A_18 = vector.shape_cast %get3A_17 : vector<1x2000x8xf32> to vector<2000x8xf32>
    %add3A_19 = arith.addf %get3A_13, %get3A_18 : vector<2000x8xf32>
    %broadcast_in_dim3A = vector.shape_cast %add3A_19 : vector<2000x8xf32> to vector<2000x8x1xf32>
    %add3A_20 = arith.constant 1.000000e-16 : f32
    %add3A_21 = vector.broadcast %add3A_20 : f32 to vector<2000x8x1xf32>
    %add3A_22 = arith.addf %broadcast_in_dim3A, %add3A_21 : vector<2000x8x1xf32>
    %div3A = vector.broadcast %add3A_22 : vector<2000x8x1xf32> to vector<2000x8x8xf32>
    %div3A_23 = arith.divf %reshape3A, %div3A : vector<2000x8x8xf32>
    %reshape3A_24 = vector.shape_cast %div3A_23 : vector<2000x8x8xf32> to vector<2000x64xf32>
    %gt3A = arith.constant 0.000000e+00 : f32
    %gt3A_25 = vector.broadcast %gt3A : f32 to vector<2000x64xf32>
    %gt3A_26 = arith.cmpf ogt, %reshape3A_24, %gt3A_25 : vector<2000x64xf32>
    %min3A = arith.constant 0.000000e+00 : f32
    %min3A_27 = vector.broadcast %min3A : f32 to vector<2000x64xf32>
    %min3A_28 = arith.minimumf %reshape3A_24, %min3A_27 : vector<2000x64xf32>
    %exp3A = math.exp %min3A_28 : vector<2000x64xf32>
    %sub3A = arith.constant 1.000000e+00 : f32
    %sub3A_29 = vector.broadcast %sub3A : f32 to vector<2000x64xf32>
    %sub3A_30 = arith.subf %exp3A, %sub3A_29 : vector<2000x64xf32>
    %select_n3A = arith.select %gt3A_26, %reshape3A_24, %sub3A_30 : vector<2000x64xi1>, vector<2000x64xf32>
    %get3A_31 = arith.constant 0 : index
    %get3A_32 = arith.constant 0 : index
    %get3A_33 = vector.load %arg3[%get3A_31, %get3A_32] : memref<64x40xf32, #tpu.memory_space<vmem>>, vector<64x40xf32>
    %dot_general3A = arith.constant dense<0.000000e+00> : vector<2000x40xf32>
    %dot_general3A_34 = tpu.matmul %select_n3A, %get3A_33, %dot_general3A {dimension_numbers = #tpu.dot_dimension_numbers<[1], [0], [0], [1], [0, 0, 1, 1], [], []>, transpose_lhs_hint = false} : vector<2000x64xf32>, vector<64x40xf32>, vector<2000x40xf32> -> vector<2000x40xf32>
    %get3A_35 = arith.constant 0 : index
    %get3A_36 = arith.constant 0 : index
    %get3A_37 = vector.load %arg4[%get3A_35, %get3A_36] : memref<2x40xf32, #tpu.memory_space<vmem>>, vector<2x40xf32>
    %slice3A = vector.extract_strided_slice %get3A_37 {offsets = [0, 0], sizes = [1, 40], strides = [1, 1]} : vector<2x40xf32> to vector<1x40xf32>
    %squeeze3A = vector.shape_cast %slice3A : vector<1x40xf32> to vector<40xf32>
    %broadcast_in_dim3A_38 = vector.shape_cast %squeeze3A : vector<40xf32> to vector<1x40xf32>
    %mul3A = vector.broadcast %broadcast_in_dim3A_38 : vector<1x40xf32> to vector<2000x40xf32>
    %mul3A_39 = arith.mulf %dot_general3A_34, %mul3A : vector<2000x40xf32>
    %reduce_sum3A = arith.constant dense<0.000000e+00> : vector<2000xf32>
    %reduce_sum3A_40 = vector.multi_reduction <add>, %mul3A_39, %reduce_sum3A [1] : vector<2000x40xf32> to vector<2000xf32>
    %slice3A_41 = vector.extract_strided_slice %get3A_37 {offsets = [1, 0], sizes = [1, 40], strides = [1, 1]} : vector<2x40xf32> to vector<1x40xf32>
    %squeeze3A_42 = vector.shape_cast %slice3A_41 : vector<1x40xf32> to vector<40xf32>
    %broadcast_in_dim3A_43 = vector.shape_cast %squeeze3A_42 : vector<40xf32> to vector<1x40xf32>
    %mul3A_44 = vector.broadcast %broadcast_in_dim3A_43 : vector<1x40xf32> to vector<2000x40xf32>
    %mul3A_45 = arith.mulf %dot_general3A_34, %mul3A_44 : vector<2000x40xf32>
    %reduce_sum3A_46 = arith.constant dense<0.000000e+00> : vector<2000xf32>
    %reduce_sum3A_47 = vector.multi_reduction <add>, %mul3A_45, %reduce_sum3A_46 [1] : vector<2000x40xf32> to vector<2000xf32>
    %broadcast_in_dim3A_48 = arith.constant 0.000000e+00 : f32
    %broadcast_in_dim3A_49 = vector.broadcast %broadcast_in_dim3A_48 : f32 to vector<2000x8xf32>
    %concatenate3A = tpu.concatenate %dot_general3A_34, %broadcast_in_dim3A_49 in 1 : vector<2000x40xf32>, vector<2000x8xf32> -> vector<2000x48xf32>
    %swap3A = arith.constant 0 : index
    %swap3A_50 = arith.constant 0 : index
    %swap3A_51 = vector.load %arg5[%swap3A, %swap3A_50] : memref<2000x48xf32, #tpu.memory_space<vmem>>, vector<2000x48xf32>
    tpu.vector_store %arg5[%swap3A, %swap3A_50], %concatenate3A {strides = array<i32>} : memref<2000x48xf32, #tpu.memory_space<vmem>>, vector<2000x48xf32>,
    %broadcast_in_dim3A_52 = vector.shape_cast %reduce_sum3A_40 : vector<2000xf32> to vector<2000x1xf32>
    %swap3A_53 = arith.constant 0 : index
    %swap3A_54 = arith.constant 0 : index
    %swap3A_55 = vector.load %arg6[%swap3A_53, %swap3A_54] : memref<2000x1xf32, #tpu.memory_space<vmem>>, vector<2000x1xf32>
    tpu.vector_store %arg6[%swap3A_53, %swap3A_54], %broadcast_in_dim3A_52 {strides = array<i32>} : memref<2000x1xf32, #tpu.memory_space<vmem>>, vector<2000x1xf32>,
    %broadcast_in_dim3A_56 = vector.shape_cast %reduce_sum3A_47 : vector<2000xf32> to vector<2000x1xf32>
    %swap3A_57 = arith.constant 0 : index
    %swap3A_58 = arith.constant 0 : index
    %swap3A_59 = vector.load %arg7[%swap3A_57, %swap3A_58] : memref<2000x1xf32, #tpu.memory_space<vmem>>, vector<2000x1xf32>
    tpu.vector_store %arg7[%swap3A_57, %swap3A_58], %broadcast_in_dim3A_56 {strides = array<i32>} : memref<2000x1xf32, #tpu.memory_space<vmem>>, vector<2000x1xf32>,
    return
  }
  func.func @transform_0(%arg0: i32) -> (i32, i32, i32) {
    %c0_i32 = arith.constant 0 : i32
    %c0_i32_0 = arith.constant 0 : i32
    %c0_i32_1 = arith.constant 0 : i32
    return %c0_i32, %arg0, %c0_i32_0 : i32, i32, i32
  }
  func.func @transform_1(%arg0: i32) -> (i32, i32, i32) {
    %c0_i32 = arith.constant 0 : i32
    %c0_i32_0 = arith.constant 0 : i32
    %c0_i32_1 = arith.constant 0 : i32
    return %c0_i32, %arg0, %c0_i32_0 : i32, i32, i32
  }
  func.func @transform_2(%arg0: i32) -> (i32, i32) {
    %c0_i32 = arith.constant 0 : i32
    %c0_i32_0 = arith.constant 0 : i32
    %c0_i32_1 = arith.constant 0 : i32
    return %c0_i32, %c0_i32_0 : i32, i32
  }
  func.func @transform_3(%arg0: i32) -> (i32, i32) {
    %c0_i32 = arith.constant 0 : i32
    %c0_i32_0 = arith.constant 0 : i32
    %c0_i32_1 = arith.constant 0 : i32
    return %c0_i32, %c0_i32_0 : i32, i32
  }
  func.func @transform_4(%arg0: i32) -> (i32, i32) {
    %c0_i32 = arith.constant 0 : i32
    %c0_i32_0 = arith.constant 0 : i32
    return %arg0, %c0_i32 : i32, i32
  }
  func.func @transform_5(%arg0: i32) -> (i32, i32) {
    %c0_i32 = arith.constant 0 : i32
    %c0_i32_0 = arith.constant 0 : i32
    return %arg0, %c0_i32 : i32, i32
  }
  func.func @transform_6(%arg0: i32) -> (i32, i32) {
    %c0_i32 = arith.constant 0 : i32
    %c0_i32_0 = arith.constant 0 : i32
    return %arg0, %c0_i32 : i32, i32
  }
}

module attributes {stable_mosaic.version = 14 : i64} {
  func.func @_fin_body(%arg0: i32, %arg1: memref<2x2000x48xf32, #tpu.memory_space<vmem>>, %arg2: memref<2000x40xf32, #tpu.memory_space<vmem>>) attributes {dimension_semantics = [#tpu.dimension_semantics<arbitrary>], iteration_bounds = array<i64: 5>, scalar_prefetch = 0 : i64, scratch_operands = 0 : i64, tpu.core_type = #tpu.core_type<tc>, window_params = [{transform_indices = @transform_0, window_bounds = array<i64: 2, 2000, 48>}, {transform_indices = @transform_1, window_bounds = array<i64: 2000, 40>}]} {
    %get3A = arith.constant 0 : index
    %get3A_0 = arith.constant 0 : index
    %get3A_1 = arith.constant 0 : index
    %get3A_2 = vector.load %arg1[%get3A, %get3A_0, %get3A_1] : memref<2x2000x48xf32, #tpu.memory_space<vmem>>, vector<1x2000x48xf32>
    %get3A_3 = vector.shape_cast %get3A_2 : vector<1x2000x48xf32> to vector<2000x48xf32>
    %get3A_4 = arith.constant 1 : index
    %get3A_5 = arith.constant 0 : index
    %get3A_6 = arith.constant 0 : index
    %get3A_7 = vector.load %arg1[%get3A_4, %get3A_5, %get3A_6] : memref<2x2000x48xf32, #tpu.memory_space<vmem>>, vector<1x2000x48xf32>
    %get3A_8 = vector.shape_cast %get3A_7 : vector<1x2000x48xf32> to vector<2000x48xf32>
    %add3A = arith.addf %get3A_3, %get3A_8 : vector<2000x48xf32>
    %slice3A = vector.extract_strided_slice %add3A {offsets = [0, 0], sizes = [2000, 40], strides = [1, 1]} : vector<2000x48xf32> to vector<2000x40xf32>
    %slice3A_9 = vector.extract_strided_slice %add3A {offsets = [0, 40], sizes = [2000, 1], strides = [1, 1]} : vector<2000x48xf32> to vector<2000x1xf32>
    %add3A_10 = arith.constant 1.000000e-16 : f32
    %add3A_11 = vector.broadcast %add3A_10 : f32 to vector<2000x1xf32>
    %add3A_12 = arith.addf %slice3A_9, %add3A_11 : vector<2000x1xf32>
    %div3A = vector.broadcast %add3A_12 : vector<2000x1xf32> to vector<2000x40xf32>
    %div3A_13 = arith.divf %slice3A, %div3A : vector<2000x40xf32>
    %reduce_max3A = arith.constant dense<0xFF800000> : vector<2000xf32>
    %reduce_max3A_14 = vector.multi_reduction <maximumf>, %div3A_13, %reduce_max3A [1] : vector<2000x40xf32> to vector<2000xf32>
    %broadcast_in_dim3A = vector.shape_cast %reduce_max3A_14 : vector<2000xf32> to vector<2000x1xf32>
    %sub3A = vector.broadcast %broadcast_in_dim3A : vector<2000x1xf32> to vector<2000x40xf32>
    %sub3A_15 = arith.subf %div3A_13, %sub3A : vector<2000x40xf32>
    %exp3A = math.exp %sub3A_15 : vector<2000x40xf32>
    %reduce_sum3A = arith.constant dense<0.000000e+00> : vector<2000xf32>
    %reduce_sum3A_16 = vector.multi_reduction <add>, %exp3A, %reduce_sum3A [1] : vector<2000x40xf32> to vector<2000xf32>
    %broadcast_in_dim3A_17 = vector.shape_cast %reduce_sum3A_16 : vector<2000xf32> to vector<2000x1xf32>
    %log3A = math.log %broadcast_in_dim3A_17 : vector<2000x1xf32>
    %sub3A_18 = vector.broadcast %log3A : vector<2000x1xf32> to vector<2000x40xf32>
    %sub3A_19 = arith.subf %sub3A_15, %sub3A_18 : vector<2000x40xf32>
    %swap3A = arith.constant 0 : index
    %swap3A_20 = arith.constant 0 : index
    %swap3A_21 = vector.load %arg2[%swap3A, %swap3A_20] : memref<2000x40xf32, #tpu.memory_space<vmem>>, vector<2000x40xf32>
    tpu.vector_store %arg2[%swap3A, %swap3A_20], %sub3A_19 {strides = array<i32>} : memref<2000x40xf32, #tpu.memory_space<vmem>>, vector<2000x40xf32>,
    return
  }
  func.func @transform_0(%arg0: i32) -> (i32, i32, i32) {
    %c0_i32 = arith.constant 0 : i32
    %c0_i32_0 = arith.constant 0 : i32
    %c0_i32_1 = arith.constant 0 : i32
    return %c0_i32, %arg0, %c0_i32_0 : i32, i32, i32
  }
  func.func @transform_1(%arg0: i32) -> (i32, i32) {
    %c0_i32 = arith.constant 0 : i32
    %c0_i32_0 = arith.constant 0 : i32
    return %arg0, %c0_i32 : i32, i32
  }
}

</mosaic_0001>

<sc_bundles>
// kernel: kernel.10.cloned.1.call-start
scs
__scs_entry_jumppad:
0x0: {  	(pc) =	sbr.rel $0x88, $3  }
0x1: {  	(tag) =	ssettag $0x0;
	lr =	simm.s32 $0x1  }
0x2: {  	[smem:$0x3F99] =	sst lr;
	_ =	strace $0xD0000000  }
0x3: {  	_ = 	snop  }
0x4: {  	_ = 	snop  }
0x5: {  	_ = 	snop  }
0x6: {  	_ = 	snop  }
0x7: {  	_ = 	snop  }
__scs_overlays_trampoline_lowered:
0x8: {  	[smem:$0x3FA8] =	sst s0  }
0x9: {  	[smem:$0x3FA9] =	sst s1  }
0xa: {  	[smem:$0x3FAA] =	sst s2  }
0xb: {  	[smem:$0x3FAB] =	sst s3  }
0xc: {  	[smem:$0x3FAC] =	sst s4  }
0xd: {  	[smem:$0x3FAD] =	sst s5  }
0xe: {  	[smem:$0x3FAE] =	sst s6  }
0xf: {  	[smem:$0x3FAF] =	sst s7  }
0x10: {  	[smem:$0x3FB0] =	sst s8  }
0x11: {  	[smem:$0x3FB1] =	sst s9;
	s0 =	simm.s32 @!p0 $0x0  }
0x12: {  	s1 =	sld [smem:$0x3F97];
	s0 =	simm.s32 @p0 $0x1  }
0x13: {  	[smem:$0x3FB2] =	sst s0;
	s0 =	simm.s32 @!p1 $0x0  }
0x14: {  	s2 =	sld [smem:$0x3F96];
	s0 =	simm.s32 @p1 $0x1  }
0x15: {  	[smem:$0x3FB3] =	sst s0;
	s0 =	simm.s32 @!p2 $0x0  }
0x16: {  	s3 =	sld [smem:$0x3FDB];
	s0 =	simm.s32 @p2 $0x1  }
0x17: {  	s4 =	simm.s32 $0x1BF5;
	[smem:$0x3FB5] =	sst s0  }
0x18: {  	s0 =	sld [smem:$0x3F98];
	_ =	swait.ge [sflag:s4], $0x0  }
0x19: {  	s7 =	sld [smem:$0x3F99]  }
0x1a: {  	s8 =	sadd.s32 $0xFFFFE003, lr  }
0x1b: {  	s9 =	sadd.s32 $0xFFFFFEF7, lr;
	s5 =	simm.s32 $0xFFFFFFFF;
	p2 =	slt.u32 s8, $0xFFFFF086  }
0x1c: {  	p1 =	slt.u32 s9, $0xF7A;
	s5 =	simm.s32 @!p2 $0x0  }
0x1d: {  	s5 =	simm.s32 @p1 $0x1;
	p0 =	seq.s32 s7, s2  }
0x1e: {  	s7 =	smul.u32 @!p0 $0xF7A, s2;
	p2 =	seq.s32 @!p0 s5, $0x0  }
0x1f: {  	s9 =	smul.u32 $0xF7A, s1;
	s8 =	simm.s32 @!p0 $0x1BF5;
	p2 =	por !p2, p0  }
0x20: {  	[sflag:s8] =	ssyncset.s32 @!p0 $0xFFFFF086;
	s6 =	sadd.s32 @!p0 s3, s7;
	s7 =	simm.s32 @!p0 $0x108  }
0x21: {  	s3 =	sadd.s32 s3, s9;
	s6 =	sadd.s32 @!p0 $0x88, s6;
	s7 =	simm.s32 @p2 $0x1082  }
0x22: {  	[simem:s7], [sflag:s8] =	dma.local @!p0 [hbm:s6], $0xF7A  }
0x23: {  	s9 =	sor.u32 $0xD0000000, s2;
	s6 =	simm.s32 $0x108;
	_ =	swait.ge @!p0 [sflag:s8], $0x0  }
0x24: {  	s3 =	sadd.s32 $0x88, s3;
	s6 =	simm.s32 @!p1 $0x1082;
	[sflag:s4] =	ssyncset.s32 $0xFFFFF086  }
0x25: {  	[simem:s6], [sflag:s4] =	dma.local [hbm:s3], $0xF7A  }
0x26: {  	[smem:$0x3F99] =	sst s1;
	(tag) =	ssettag s2;
	_ =	strace s9  }
0x27: {  	s1 =	sld [smem:$0x3FA9]  }
0x28: {  	s2 =	sld [smem:$0x3FAA]  }
0x29: {  	s4 =	sld [smem:$0x3FAC]  }
0x2a: {  	p0 =	seq.s32 s5, $0x0;
	s5 =	sld [smem:$0x3FAD]  }
0x2b: {  	s6 =	sld [smem:$0x3FAE]  }
0x2c: {  	s7 =	sld [smem:$0x3FAF]  }
0x2d: {  	s3 =	simm.s32 $0x108;
	s8 =	sld [smem:$0x3FB0]  }
0x2e: {  	s3 =	simm.s32 @!p0 $0x1082;
	s9 =	sld [smem:$0x3FB1]  }
0x2f: {  	lr =	sadd.s32 s0, s3;
	s0 =	sld [smem:$0x3FA8]  }
0x30: {  	s3 =	sld [smem:$0x3FAB]  }
0x31: {  	[smem:$0x3FB4] =	sst s10  }
0x32: {  	s10 =	sld [smem:$0x3FB2];
	_ =	sdelay $0x3  }
0x33: {  	p0 =	seq.s32 s10, $0x1;
	s10 =	sld [smem:$0x3FB4];
	_ =	sdelay $0x3  }
0x34: {  	[smem:$0x3FB4] =	sst s10  }
0x35: {  	s10 =	sld [smem:$0x3FB3];
	_ =	sdelay $0x3  }
0x36: {  	p1 =	seq.s32 s10, $0x1;
	s10 =	sld [smem:$0x3FB4];
	_ =	sdelay $0x3  }
0x37: {  	[smem:$0x3FB4] =	sst s10  }
0x38: {  	s10 =	sld [smem:$0x3FB5]  }
0x39: {  	_ = 	snop;
	(pc) =	sbr.ind lr, $3  }
0x3a: {  	_ = 	snop  }
0x3b: {  	_ = 	snop  }
0x3c: {  	p2 =	seq.s32 s10, $0x1;
	s10 =	sld [smem:$0x3FB4]  }
0x3d: {  	_ =	shalt  }
0x3e: {  	_ =	shalt  }
0x3f: {  	_ =	shalt  }
0x40: {  	_ =	shalt  }
0x41: {  	_ =	shalt  }
0x42: {  	_ =	shalt  }
0x43: {  	_ =	shalt  }
0x44: {  	_ =	shalt  }
0x45: {  	_ =	shalt  }
0x46: {  	_ =	shalt  }
0x47: {  	_ =	shalt  }
0x48: {  	_ =	shalt  }
0x49: {  	_ =	shalt  }
0x4a: {  	_ =	shalt  }
0x4b: {  	_ =	shalt  }
0x4c: {  	_ =	shalt  }
0x4d: {  	_ =	shalt  }
0x4e: {  	_ =	shalt  }
0x4f: {  	_ =	shalt  }
0x50: {  	_ =	shalt  }
0x51: {  	_ =	shalt  }
0x52: {  	_ =	shalt  }
0x53: {  	_ =	shalt  }
0x54: {  	_ =	shalt  }
0x55: {  	_ =	shalt  }
0x56: {  	_ =	shalt  }
0x57: {  	_ =	shalt  }
0x58: {  	_ =	shalt  }
0x59: {  	_ =	shalt  }
0x5a: {  	_ =	shalt  }
0x5b: {  	_ =	shalt  }
0x5c: {  	_ =	shalt  }
0x5d: {  	_ =	shalt  }
0x5e: {  	_ =	shalt  }
0x5f: {  	_ =	shalt  }
0x60: {  	_ =	shalt  }
0x61: {  	_ =	shalt  }
0x62: {  	_ =	shalt  }
0x63: {  	_ =	shalt  }
0x64: {  	_ =	shalt  }
0x65: {  	_ =	shalt  }
0x66: {  	_ =	shalt  }
0x67: {  	_ =	shalt  }
0x68: {  	_ =	shalt  }
0x69: {  	_ =	shalt  }
0x6a: {  	_ =	shalt  }
0x6b: {  	_ =	shalt  }
0x6c: {  	_ =	shalt  }
0x6d: {  	_ =	shalt  }
0x6e: {  	_ =	shalt  }
0x6f: {  	_ =	shalt  }
0x70: {  	_ =	shalt  }
0x71: {  	_ =	shalt  }
0x72: {  	_ =	shalt  }
0x73: {  	_ =	shalt  }
0x74: {  	_ =	shalt  }
0x75: {  	_ =	shalt  }
0x76: {  	_ =	shalt  }
0x77: {  	_ =	shalt  }
0x78: {  	_ =	shalt  }
0x79: {  	_ =	shalt  }
0x7a: {  	_ =	shalt  }
0x7b: {  	_ =	shalt  }
0x7c: {  	_ =	shalt  }
0x7d: {  	_ =	shalt  }
0x7e: {  	_ =	shalt  }
0x7f: {  	_ =	shalt  }
0x80: {  	_ =	shalt  }
0x81: {  	_ =	shalt  }
0x82: {  	_ =	shalt  }
0x83: {  	_ =	shalt  }
0x84: {  	_ =	shalt  }
0x85: {  	_ =	shalt  }
0x86: {  	_ =	shalt  }
0x87: {  	_ =	shalt  }
.Lfunc_end0:
.L_simem_size_0:
called_computation.1_lowered:
.L_overlay_start_0:
0x88: {  	s2 =	sld [smem:$0x3FD9]  }
0x89: {  	s3 =	sld [smem:$0x3FFE];
	_ =	sdelay $0x1  }
0x8a: {  	s1 =	srdreg.scid  }
0x8b: {  	s0 =	sand.u32 $0x1, s1  }
0x8c: {  	s17 =	sshll.u32 s0, $0xA;
	s2 =	sadd.s32 s3, s2  }
0x8d: {  	s2 =	sadd.s32 s2, s17  }
0x8e: {  	[smem:$0x3FC0] =	sst s2  }
0x8f: {  	_ = 	snop  }
0x90: {  	s2 =	sld [smem:$0x3FD0];
	(tm) =	ssettm $0x1  }
0x91: {  	s18 =	sld [smem:$0x3FFB];
	_ =	sdelay $0x3  }
0x92: {  	_ =	strace s18  }
0x93: {  	s3 =	sld [smem:$0x3FFC];
	_ =	sdelay $0x3  }
0x94: {  	_ =	strace s3  }
0x95: {  	s3 =	sld [smem:$0x3FFD];
	_ =	sdelay $0x3  }
0x96: {  	_ =	strace s3  }
0x97: {  	_ =	strace $0x8FFFFFFF  }
0x98: {  	s19 =	sld [smem:$0x3FDB];
	_ =	sdelay $0x1  }
0x99: {  	s4 =	simm.s32 $_scs_section_size  }
0x9a: {  	s5 =	simm.s32 $_size__tile_overlayer_lowered;
	s6 =	simm.s32 $_tile_overlayer_lowered  }
0x9b: {  	s22 =	simm.s32 $0x1BFF;
	s21 =	sshll.u32 s6, $0x1;
	s3 =	sadd.s32 s4, s19  }
0x9c: {  	s7 =	simm.s32 $0x0;
	s20 =	sshll.u32 s5, $0x1;
	s5 =	sadd.s32 s21, s3  }
0x9d: {  	[timem:s7], [sflag:s22] =	dma.local [hbm:s5], s20  }
0x9e: {  	_ =	swait.ge [sflag:s22], s20  }
0x9f: {  	s4 =	ssub.s32 $0x0, s20;
	[sflag:s22] =	ssyncset.done $0x0  }
0xa0: {  	[sflag:s22] =	ssyncadd.s32 s4;
	_ =	sdelay $0x1  }
0xa1: {  	s23 =	simm.s32 $0x1B8B  }
0xa2: {  	_ =	swait.ge [sflag:s23], $0x1  }
0xa3: {  	[sflag:s23] =	ssyncset.done $0x0  }
0xa4: {  	s25 =	simm.s32 $0x1B8E;
	s24 =	sld [smem:$0x3FFE];
	[sflag:s23] =	ssyncadd.s32 $0xFFFFFFFF  }
0xa5: {  	s26 =	simm.s32 $execute0_lowered;
	[smem:$0x3FD2] =	sst s25  }
0xa6: {  	s5 =	sshll.u32 s26, $0x1;
	_ =	strace $0x80000049;
	[dreg:$0x1] =	wrdreg $0xFFFFFFFF  }
0xa7: {  	s28 =	simm.s32 $_size_execute0_lowered;
	s3 =	sadd.s32 s3, s5;
	[dreg:$0x0] =	wrdreg $0x0  }
0xa8: {  	s5 =	sshll.u32 s28, $0x1;
	[dreg:$0x2] =	wrdreg s3  }
0xa9: {  	[dreg:$0x3] =	wrdreg s5  }
0xaa: {  	[dreg:$0x4] =	wrdreg $0xC0  }
0xab: {  	_ =	task [dreg:s7], $0x5FFFF  }
0xac: {  	[dreg:$0x1] =	wrdreg $0xFFFFFFFF  }
0xad: {  	[dreg:$0x0] =	wrdreg $0x60  }
0xae: {  	[dreg:$0x2] =	wrdreg s2  }
0xaf: {  	[dreg:$0x3] =	wrdreg s24  }
0xb0: {  	[dreg:$0x4] =	wrdreg $0xFEA00  }
0xb1: {  	[dreg:$0x5] =	wrdreg $0x9  }
0xb2: {  	_ =	task.clear_ibuf [dreg:s7], $0x6FFFF;
	_ =	strace $0x90000049  }
0xb3: {  	s29 =	simm.s32 $0x9;
	_ =	strace $0x8000004B  }
0xb4: {  	_ =	swait.ge [sflag:s29], $0x1  }
0xb5: {  	[sflag:s29] =	ssyncadd.s32 $0xFFFFFFFF  }
0xb6: {  	_ =	strace $0x9000004B  }
0xb7: {  	_ =	sfence  }
0xb8: {  	s30 =	sld [smem:$0x0];
	_ =	sdelay $0x2  }
0xb9: {  	s31 =	sshll.u32 s1, $0xD;
	s1 =	sshrl.u32 s1, $0x2  }
0xba: {  	s3 =	sand.u32 $0x4000, s31;
	s1 =	sadd.s32 s1, s30  }
0xbb: {  	s0 =	sor.u32 s3, s0;
	s1 =	sshll.u32 s1, $0x11  }
0xbc: {  	s0 =	sor.u32 s1, s0  }
0xbd: {  	s0 =	sadd.s32 $0x8F2B, s0  }
0xbe: {  	[sflag:s0] =	ssyncadd.remote.s32 $0x1  }
0xbf: {  	_ =	sfence.sel $0xFFFF  }
0xc0: {  	[dreg:$0x0] =	wrdreg $0xFFFFFFFF;
	(pc) =	sbr.abs _section_cstart, $3  }
0xc1: {  	[dreg:$0x1] =	wrdreg $0xFFFFFFFF  }
0xc2: {  	_ =	task.clear_ibuf [dreg:s7], $0x2FFFF;
	_ =	strace $0x9FFFFFFF  }
0xc3: {  	(tm) =	ssettm $0x7FFFFFFF  }
tec
execute0_lowered:
.L_overlay_start_1:
0x0: {  	(tag) =	ssettag $0x1  }
0x1: {  	s0 =	srdreg.scid  }
0x2: {  	s4 =	stileid.u32;
	s1 =	rddreg [dreg:$0x0]  }
0x3: {  	s5 =	rddreg [dreg:$0x1];
	s3 =	simm.s32 $0x0;
	s14 =	simm.s32 $0xA  }
0x4: {  	s17 =	simm.s32 $0x8000;
	s18 =	simm.s32 $0x3;
	s19 =	simm.s32 $0xB080  }
0x5: {  	s20 =	simm.s32 $0xD790;
	s22 =	simm.s32 $0x80;
	s23 =	simm.s32 $0x5000  }
0x6: {  	s24 =	simm.s32 $0x1;
	s28 =	simm.s32 $0x2;
	s29 =	simm.s32 $0x9800  }
0x7: {  	s30 =	simm.s32 $0x0;
	s0 =	sand.u32 $0x1, s0;
	s7 =	smul.u32 $0xEA6, s4  }
0x8: {  	s2 =	sshll.u32 s4, $0x1;
	[smem:$0x7FF] =	sst s3;
	s9 =	smul.u32 $0x1D4C0, s4  }
0x9: {  	s10 =	sadd.s32 $0x19800, s5;
	s6 =	sor.u32 s0, s2;
	s2 =	rddreg [dreg:$0x2]  }
0xa: {  	s25 =	sadd.s32 $0x19E00, s5;
	_ =	strace $0x8000004A;
	[dreg:$0x4] =	wrdreg s10  }
0xb: {  	s4 =	sadd.s32 $0xAC00, s5;
	s8 =	smul.u32 $0xEA60, s0;
	[dreg:$0x5] =	wrdreg s25  }
0xc: {  	s0 =	ssub.s32 $0x2, s0;
	s25 =	simm.s32 $0xB000;
	s12 =	smul.u32 $0x500, s6  }
0xd: {  	s26 =	sshrl.u32 s9, $0x2;
	s31 =	sshrl.u32 s0, $0x1;
	p0 =	seq.s32 s6, $0x1F  }
0xe: {  	s7 =	sadd.s32 s7, s8;
	s0 =	ssub.s32 s0, s31;
	s14 =	simm.s32 @!p0 $0x28  }
0xf: {  	s13 =	sadd.s32 s12, s5;
	s5 =	sadd.s32 s7, s5;
	s7 =	sadd.s32 s26, s2  }
0x10: {  	s12 =	sadd.s32 s1, s12;
	s16 =	smax.u32 s0, $0x1;
	s26 =	simm.s32 $0x6800  }
0x11: {  	v0 =	vimm.f32 $0.0e+00;
	vm0 =	vcmask $0x2320;
	s8 =	sadd.s32 $0x1800, s7;
	s9 =	sadd.s32 $0x3000, s7;
	s10 =	sadd.s32 $0x4800, s7  }
0x12: {  	v1 =	vsel vm0, $0x3F800000, v0;
	s11 =	sadd.s32 $0x6000, s7;
	s13 =	sadd.s32 $0xC00, s13;
	s15 =	sadd.s32 $0x1A400, s5  }
.LBB2_1:
0x13: {  	s0 =	simm.s32 $0xC0;
	s1 =	simm.s32 $0x0  }
.LBB2_2:
0x14: {  	p0 =	sne.s32 s0, $0x5F40;
	[tilespmem:s1+$0x8020] =	vst v0;
	s5 =	smov.u32 s0;
	s0 =	sadd.s32 $0xC0, s0  }
.Ltmp0:
0x15: {  	[tilespmem:s1+$0x8000] =	vst v0;
	(pc) =	sbr.rel @p0 .LBB2_2-.Ltmp0, $2  }
0x16: {  	[tilespmem:s1+$0x8010] =	vst v0;
	_ =	sdelay $0x2  }
0x17: {  	s1 =	sshra.s32 s5, $0x2  }
0x18: {  	[tilespmem:s1+$0x8020] =	vst v0  }
0x19: {  	[tilespmem:s1+$0x8000] =	vst v0  }
0x1a: {  	[tilespmem:s1+$0x8010] =	vst v0  }
0x1b: {  	[spmem:s7] =	stream.linear.scatter [tilespmem:s17], [sflag:$0x3], $0x1800, $0x38;
	[tilespmem:$0x173D0] =	vst v63  }
0x1c: {  	_ =	swait.ge [sflag:s18], $0x1800  }
0x1d: {  	[sflag:s18] =	ssyncset.done $0x0  }
0x1e: {  	[sflag:s18] =	ssyncadd.s32 $0xFFFFE800  }
0x1f: {  	[spmem:s8] =	stream.linear.scatter [tilespmem:s17], [sflag:$0x3], $0x1800, $0x38;
	[tilespmem:$0x173D0] =	vst v63  }
0x20: {  	_ =	swait.ge [sflag:s18], $0x1800  }
0x21: {  	[sflag:s18] =	ssyncset.done $0x0  }
0x22: {  	[sflag:s18] =	ssyncadd.s32 $0xFFFFE800  }
0x23: {  	[spmem:s9] =	stream.linear.scatter [tilespmem:s17], [sflag:$0x3], $0x1800, $0x38;
	[tilespmem:$0x173D0] =	vst v63  }
0x24: {  	_ =	swait.ge [sflag:s18], $0x1800  }
0x25: {  	[sflag:s18] =	ssyncset.done $0x0  }
0x26: {  	[sflag:s18] =	ssyncadd.s32 $0xFFFFE800  }
0x27: {  	[spmem:s10] =	stream.linear.scatter [tilespmem:s17], [sflag:$0x3], $0x1800, $0x38;
	[tilespmem:$0x173D0] =	vst v63  }
0x28: {  	_ =	swait.ge [sflag:s18], $0x1800  }
0x29: {  	[sflag:s18] =	ssyncset.done $0x0  }
0x2a: {  	[sflag:s18] =	ssyncadd.s32 $0xFFFFE800  }
0x2b: {  	[spmem:s11] =	stream.linear.scatter [tilespmem:s17], [sflag:$0x3], $0x1530, $0x38;
	[tilespmem:$0x173D0] =	vst v63  }
0x2c: {  	_ =	swait.ge [sflag:s18], $0x1530  }
0x2d: {  	[sflag:s18] =	ssyncset.done $0x0  }
0x2e: {  	s0 =	rddreg [dreg:$0x4];
	[sflag:s18] =	ssyncadd.s32 $0xFFFFEAD0  }
0x2f: {  	[tilespmem:s19], [sflag:$0x3] =	stream.linear.gather [hbm4b:s0+s30], $0x2710, $0x38;
	[tilespmem:$0x173D0] =	vst v63  }
0x30: {  	_ =	swait.ge [sflag:s18], $0x2710  }
0x31: {  	[sflag:s18] =	ssyncset.done $0x0  }
0x32: {  	s6 =	rddreg [dreg:$0x5];
	[sflag:s18] =	ssyncadd.s32 $0xFFFFD8F0  }
0x33: {  	[tilespmem:s20], [sflag:$0x3] =	stream.linear.gather [hbm4b:s6+s30], $0x2710, $0x38;
	[tilespmem:$0x173D0] =	vst v63  }
0x34: {  	_ =	swait.ge [sflag:s18], $0x2710  }
0x35: {  	[sflag:s18] =	ssyncset.done $0x0  }
0x36: {  	[sflag:s18] =	ssyncadd.s32 $0xFFFFD8F0  }
0x37: {  	[bflag:$0x0] =	sbarrier.arrive $0xFFFF  }
0x38: {  	[tilespmem:s30], [sflag:$0x3] =	stream.linear.gather [hbm4b:s12+s30], $0x2800, $0x38;
	[tilespmem:$0x173D0] =	vst v63  }
0x39: {  	_ =	swait.ge [sflag:s18], $0x2800  }
0x3a: {  	[sflag:s18] =	ssyncset.done $0x0  }
0x3b: {  	s21 =	simm.s32 $0x2800;
	[sflag:s18] =	ssyncadd.s32 $0xFFFFD800  }
0x3c: {  	[tilespmem:s21], [sflag:$0x3] =	stream.linear.gather [hbm4b:s13+s30], $0x2800, $0x38;
	[tilespmem:$0x173D0] =	vst v63  }
0x3d: {  	_ =	swait.ge [sflag:s18], $0x2800  }
0x3e: {  	[sflag:s18] =	ssyncset.done $0x0  }
0x3f: {  	s31 =	simm.s32 $0x0;
	[sflag:s18] =	ssyncadd.s32 $0xFFFFD800  }
.LBB2_4:
0x40: {  	s1 =	sshll.u32 s31, $0x8  }
0x41: {  	[tilespmem:s23], [sflag:$0x1] =	stream.indirect.gather [hbm4b:s4+s22], $0x30, s1, s22, $0xb8;
	[tilespmem:$0x173D0] =	vst v63  }
0x42: {  	v2 =	vld [tilespmem:s1+$0x0]  }
0x43: {  	v3 =	vld [tilespmem:s1+$0x2800];
	_ =	sdelay $0x6  }
0x44: {  	v2 =	vld.idx.msk [tilespmem:v2+s19+$0x0], $0xffff  }
0x45: {  	v3 =	vld.idx.msk [tilespmem:v3+s20+$0x0], $0xffff;
	_ =	sdelay $0x4  }
0x46: {  	v2 =	vadd.f32 v3, v2;
	_ =	sdelay $0x1  }
0x47: {  	v3 =	vmul.f32 $2.000000030e-01, v2;
	_ =	sdelay $0x1  }
0x48: {  	v2 =	vmax.f32 v2, v3  }
0x49: {  	v2 =	vmul.f32 $1.442695020e+00, v2;
	_ =	sdelay $0x1  }
0x4a: {  	(erf) = vpow2.f32 v2;
	_ =	sdelay $0x8  }
0x4b: {  	v2 =	vpop (erf)  }
0x4c: {  	[tilespmem:$0xB000] =	vst v2  }
0x4d: {  	v2 =	vld [tilespmem:s1+$0x10]  }
0x4e: {  	v3 =	vld [tilespmem:s1+$0x2810];
	_ =	sdelay $0x6  }
0x4f: {  	v2 =	vld.idx.msk [tilespmem:v2+s19+$0x0], $0xffff  }
0x50: {  	v3 =	vld.idx.msk [tilespmem:v3+s20+$0x0], $0xffff;
	_ =	sdelay $0x4  }
0x51: {  	v2 =	vadd.f32 v3, v2;
	_ =	sdelay $0x1  }
0x52: {  	v3 =	vmul.f32 $2.000000030e-01, v2;
	_ =	sdelay $0x1  }
0x53: {  	v2 =	vmax.f32 v2, v3  }
0x54: {  	v2 =	vmul.f32 $1.442695020e+00, v2;
	_ =	sdelay $0x1  }
0x55: {  	(erf) = vpow2.f32 v2;
	_ =	sdelay $0x8  }
0x56: {  	v2 =	vpop (erf)  }
0x57: {  	[tilespmem:$0xB010] =	vst v2  }
0x58: {  	v2 =	vld [tilespmem:s1+$0x20]  }
0x59: {  	v3 =	vld [tilespmem:s1+$0x2820];
	_ =	sdelay $0x6  }
0x5a: {  	v2 =	vld.idx.msk [tilespmem:v2+s19+$0x0], $0xffff  }
0x5b: {  	v3 =	vld.idx.msk [tilespmem:v3+s20+$0x0], $0xffff;
	_ =	sdelay $0x4  }
0x5c: {  	v2 =	vadd.f32 v3, v2;
	_ =	sdelay $0x1  }
0x5d: {  	v3 =	vmul.f32 $2.000000030e-01, v2;
	_ =	sdelay $0x1  }
0x5e: {  	v2 =	vmax.f32 v2, v3  }
0x5f: {  	v2 =	vmul.f32 $1.442695020e+00, v2;
	_ =	sdelay $0x1  }
0x60: {  	(erf) = vpow2.f32 v2;
	_ =	sdelay $0x8  }
0x61: {  	v2 =	vpop (erf)  }
0x62: {  	[tilespmem:$0xB020] =	vst v2  }
0x63: {  	v2 =	vld [tilespmem:s1+$0x30]  }
0x64: {  	v3 =	vld [tilespmem:s1+$0x2830];
	_ =	sdelay $0x6  }
0x65: {  	v2 =	vld.idx.msk [tilespmem:v2+s19+$0x0], $0xffff  }
0x66: {  	v3 =	vld.idx.msk [tilespmem:v3+s20+$0x0], $0xffff;
	_ =	sdelay $0x4  }
0x67: {  	v2 =	vadd.f32 v3, v2;
	_ =	sdelay $0x1  }
0x68: {  	v3 =	vmul.f32 $2.000000030e-01, v2;
	_ =	sdelay $0x1  }
0x69: {  	v2 =	vmax.f32 v2, v3  }
0x6a: {  	v2 =	vmul.f32 $1.442695020e+00, v2;
	_ =	sdelay $0x1  }
0x6b: {  	(erf) = vpow2.f32 v2;
	_ =	sdelay $0x8  }
0x6c: {  	v2 =	vpop (erf)  }
0x6d: {  	[tilespmem:$0xB030] =	vst v2  }
0x6e: {  	v2 =	vld [tilespmem:s1+$0x40]  }
0x6f: {  	v3 =	vld [tilespmem:s1+$0x2840];
	_ =	sdelay $0x6  }
0x70: {  	v2 =	vld.idx.msk [tilespmem:v2+s19+$0x0], $0xffff  }
0x71: {  	v3 =	vld.idx.msk [tilespmem:v3+s20+$0x0], $0xffff;
	_ =	sdelay $0x4  }
0x72: {  	v2 =	vadd.f32 v3, v2;
	_ =	sdelay $0x1  }
0x73: {  	v3 =	vmul.f32 $2.000000030e-01, v2;
	_ =	sdelay $0x1  }
0x74: {  	v2 =	vmax.f32 v2, v3  }
0x75: {  	v2 =	vmul.f32 $1.442695020e+00, v2;
	_ =	sdelay $0x1  }
0x76: {  	(erf) = vpow2.f32 v2;
	_ =	sdelay $0x8  }
0x77: {  	v2 =	vpop (erf)  }
0x78: {  	[tilespmem:$0xB040] =	vst v2  }
0x79: {  	v2 =	vld [tilespmem:s1+$0x50]  }
0x7a: {  	v3 =	vld [tilespmem:s1+$0x2850];
	_ =	sdelay $0x6  }
0x7b: {  	v2 =	vld.idx.msk [tilespmem:v2+s19+$0x0], $0xffff  }
0x7c: {  	v3 =	vld.idx.msk [tilespmem:v3+s20+$0x0], $0xffff;
	_ =	sdelay $0x4  }
0x7d: {  	v2 =	vadd.f32 v3, v2;
	_ =	sdelay $0x1  }
0x7e: {  	v3 =	vmul.f32 $2.000000030e-01, v2;
	_ =	sdelay $0x1  }
0x7f: {  	v2 =	vmax.f32 v2, v3  }
0x80: {  	v2 =	vmul.f32 $1.442695020e+00, v2;
	_ =	sdelay $0x1  }
0x81: {  	(erf) = vpow2.f32 v2;
	_ =	sdelay $0x8  }
0x82: {  	v2 =	vpop (erf)  }
0x83: {  	[tilespmem:$0xB050] =	vst v2  }
0x84: {  	v2 =	vld [tilespmem:s1+$0x60]  }
0x85: {  	v3 =	vld [tilespmem:s1+$0x2860];
	_ =	sdelay $0x6  }
0x86: {  	v2 =	vld.idx.msk [tilespmem:v2+s19+$0x0], $0xffff  }
0x87: {  	v3 =	vld.idx.msk [tilespmem:v3+s20+$0x0], $0xffff;
	_ =	sdelay $0x4  }
0x88: {  	v2 =	vadd.f32 v3, v2;
	_ =	sdelay $0x1  }
0x89: {  	v3 =	vmul.f32 $2.000000030e-01, v2;
	_ =	sdelay $0x1  }
0x8a: {  	v2 =	vmax.f32 v2, v3  }
0x8b: {  	v2 =	vmul.f32 $1.442695020e+00, v2;
	_ =	sdelay $0x1  }
0x8c: {  	(erf) = vpow2.f32 v2;
	_ =	sdelay $0x8  }
0x8d: {  	v2 =	vpop (erf)  }
0x8e: {  	[tilespmem:$0xB060] =	vst v2  }
0x8f: {  	v2 =	vld [tilespmem:s1+$0x70]  }
0x90: {  	v3 =	vld [tilespmem:s1+$0x2870];
	_ =	sdelay $0x6  }
0x91: {  	v2 =	vld.idx.msk [tilespmem:v2+s19+$0x0], $0xffff  }
0x92: {  	v3 =	vld.idx.msk [tilespmem:v3+s20+$0x0], $0xffff;
	_ =	sdelay $0x4  }
0x93: {  	v2 =	vadd.f32 v3, v2;
	_ =	sdelay $0x1  }
0x94: {  	v3 =	vmul.f32 $2.000000030e-01, v2;
	_ =	sdelay $0x1  }
0x95: {  	v2 =	vmax.f32 v2, v3  }
0x96: {  	v2 =	vmul.f32 $1.442695020e+00, v2;
	_ =	sdelay $0x1  }
0x97: {  	(erf) = vpow2.f32 v2;
	_ =	sdelay $0x8  }
0x98: {  	v3 =	vmov s30;
	v2 =	vpop (erf)  }
0x99: {  	[tilespmem:$0xB070] =	vst v2  }
0x9a: {  	_ =	swait.ge [sflag:s24], $0x1800  }
0x9b: {  	[sflag:s24] =	ssyncset.done $0x0  }
0x9c: {  	[sflag:s24] =	ssyncadd.s32 $0xFFFFE800  }
0x9d: {  	s0 =	simm.s32 $0x5010;
	v2 =	vld.idx.msk [tilespmem:v3+s25+$0x0], $0xffff  }
0x9e: {  	v3 =	vld [tilespmem:s0+$0xFFFFFFF0];
	_ =	sdelay $0x4  }
0x9f: {  	v3 =	vmul.f32 v3, v2  }
0xa0: {  	s5 =	simm.s32 $0x8010  }
0xa1: {  	[tilespmem:s5+$0xFFFFFFF0] =	vst v3  }
0xa2: {  	v3 =	vld [tilespmem:s0+$0x0];
	_ =	sdelay $0x4  }
0xa3: {  	v3 =	vmul.f32 v3, v2;
	_ =	sdelay $0x1  }
0xa4: {  	[tilespmem:s5+$0x0] =	vst v3  }
0xa5: {  	v4 =	vld [tilespmem:s0+$0x10];
	_ =	sdelay $0x3  }
0xa6: {  	s6 =	simm.s32 $0x1  }
0xa7: {  	s21 =	sadd.s32 $0x2800, s1;
	v3 =	vmov s6;
	s6 =	simm.s32 $0x2;
	v4 =	vadd.f32 v1, v4  }
.LBB2_5:
0xa8: {  	p0 =	sne.s32 s6, $0x7F  }
0xa9: {  	v2 =	vmul.f32 v4, v2;
	_ =	sdelay $0x1  }
0xaa: {  	[tilespmem:s5+$0x10] =	vst v2  }
0xab: {  	s0 =	sadd.s32 $0x30, s0;
	v2 =	vld.idx.msk [tilespmem:v3+s25+$0x0], $0xffff  }
0xac: {  	v3 =	vld [tilespmem:s0+$0xFFFFFFF0];
	_ =	sdelay $0x4  }
0xad: {  	v3 =	vmul.f32 v3, v2  }
0xae: {  	s5 =	sadd.s32 $0x30, s5  }
0xaf: {  	[tilespmem:s5+$0xFFFFFFF0] =	vst v3  }
0xb0: {  	v3 =	vld [tilespmem:s0+$0x0];
	_ =	sdelay $0x4  }
0xb1: {  	v3 =	vmul.f32 v3, v2;
	_ =	sdelay $0x1  }
0xb2: {  	[tilespmem:s5+$0x0] =	vst v3  }
0xb3: {  	v4 =	vld [tilespmem:s0+$0x10]  }
.Ltmp1:
0xb4: {  	(pc) =	sbr.rel @p0 .LBB2_5-.Ltmp1, $2  }
0xb5: {  	_ =	sdelay $0x2  }
0xb6: {  	v3 =	vmov s6;
	s6 =	sadd.s32 $0x1, s6;
	v4 =	vadd.f32 v1, v4  }
0xb7: {  	_ = 	snop  }
0xb8: {  	v2 =	vmul.f32 v4, v2;
	_ =	sdelay $0x1  }
0xb9: {  	[tilespmem:s5+$0x10] =	vst v2  }
0xba: {  	s0 =	sadd.s32 $0x30, s0;
	v2 =	vld.idx.msk [tilespmem:v3+s25+$0x0], $0xffff  }
0xbb: {  	v3 =	vld [tilespmem:s0+$0xFFFFFFF0];
	_ =	sdelay $0x4  }
0xbc: {  	v3 =	vmul.f32 v3, v2  }
0xbd: {  	s6 =	sadd.s32 $0x30, s5  }
0xbe: {  	[tilespmem:s6+$0xFFFFFFF0] =	vst v3  }
0xbf: {  	v3 =	vld [tilespmem:s0+$0x0];
	_ =	sdelay $0x4  }
0xc0: {  	v3 =	vmul.f32 v3, v2;
	_ =	sdelay $0x1  }
0xc1: {  	[tilespmem:s6+$0x0] =	vst v3  }
0xc2: {  	v3 =	vld [tilespmem:s0+$0x10];
	_ =	sdelay $0x4  }
0xc3: {  	v3 =	vadd.f32 v1, v3;
	_ =	sdelay $0x1  }
0xc4: {  	v2 =	vmul.f32 v3, v2;
	_ =	sdelay $0x1  }
0xc5: {  	[tilespmem:s6+$0x10] =	vst v2  }
0xc6: {  	[spmem:s2] =	stream.indirect.scatter.add.f32 [tilespmem:s17], [sflag:$0x3], $0x30, s21, s22, $0xb8;
	[tilespmem:$0x173D0] =	vst v63  }
0xc7: {  	_ =	swait.ge [sflag:s18], $0x1800  }
0xc8: {  	[sflag:s18] =	ssyncset.done $0x0  }
0xc9: {  	s5 =	sor.u32 $0x80, s1;
	[sflag:s18] =	ssyncadd.s32 $0xFFFFE800  }
0xca: {  	[tilespmem:s26], [sflag:$0x2] =	stream.indirect.gather [hbm4b:s4+s22], $0x30, s5, s22, $0xb8;
	[tilespmem:$0x173D0] =	vst v63  }
0xcb: {  	v2 =	vld [tilespmem:s5+$0x0]  }
0xcc: {  	v3 =	vld [tilespmem:s1+$0x2880];
	_ =	sdelay $0x6  }
0xcd: {  	v2 =	vld.idx.msk [tilespmem:v2+s19+$0x0], $0xffff  }
0xce: {  	v3 =	vld.idx.msk [tilespmem:v3+s20+$0x0], $0xffff;
	_ =	sdelay $0x4  }
0xcf: {  	v2 =	vadd.f32 v3, v2;
	_ =	sdelay $0x1  }
0xd0: {  	v3 =	vmul.f32 $2.000000030e-01, v2;
	_ =	sdelay $0x1  }
0xd1: {  	v2 =	vmax.f32 v2, v3  }
0xd2: {  	v2 =	vmul.f32 $1.442695020e+00, v2;
	_ =	sdelay $0x1  }
0xd3: {  	(erf) = vpow2.f32 v2;
	_ =	sdelay $0x8  }
0xd4: {  	v2 =	vpop (erf)  }
0xd5: {  	s6 =	sor.u32 $0x90, s1;
	[tilespmem:$0xB000] =	vst v2  }
0xd6: {  	v2 =	vld [tilespmem:s6+$0x0]  }
0xd7: {  	v3 =	vld [tilespmem:s1+$0x2890];
	_ =	sdelay $0x6  }
0xd8: {  	v2 =	vld.idx.msk [tilespmem:v2+s19+$0x0], $0xffff  }
0xd9: {  	v3 =	vld.idx.msk [tilespmem:v3+s20+$0x0], $0xffff;
	_ =	sdelay $0x4  }
0xda: {  	v2 =	vadd.f32 v3, v2;
	_ =	sdelay $0x1  }
0xdb: {  	v3 =	vmul.f32 $2.000000030e-01, v2;
	_ =	sdelay $0x1  }
0xdc: {  	v2 =	vmax.f32 v2, v3  }
0xdd: {  	v2 =	vmul.f32 $1.442695020e+00, v2;
	_ =	sdelay $0x1  }
0xde: {  	(erf) = vpow2.f32 v2;
	_ =	sdelay $0x8  }
0xdf: {  	v2 =	vpop (erf)  }
0xe0: {  	s21 =	sor.u32 $0xA0, s1;
	[tilespmem:$0xB010] =	vst v2  }
0xe1: {  	v2 =	vld [tilespmem:s21+$0x0]  }
0xe2: {  	v3 =	vld [tilespmem:s1+$0x28A0];
	_ =	sdelay $0x6  }
0xe3: {  	v2 =	vld.idx.msk [tilespmem:v2+s19+$0x0], $0xffff  }
0xe4: {  	v3 =	vld.idx.msk [tilespmem:v3+s20+$0x0], $0xffff;
	_ =	sdelay $0x4  }
0xe5: {  	v2 =	vadd.f32 v3, v2;
	_ =	sdelay $0x1  }
0xe6: {  	v3 =	vmul.f32 $2.000000030e-01, v2;
	_ =	sdelay $0x1  }
0xe7: {  	v2 =	vmax.f32 v2, v3  }
0xe8: {  	v2 =	vmul.f32 $1.442695020e+00, v2;
	_ =	sdelay $0x1  }
0xe9: {  	(erf) = vpow2.f32 v2;
	_ =	sdelay $0x8  }
0xea: {  	v2 =	vpop (erf)  }
0xeb: {  	s5 =	sor.u32 $0xB0, s1;
	[tilespmem:$0xB020] =	vst v2  }
0xec: {  	v2 =	vld [tilespmem:s5+$0x0]  }
0xed: {  	v3 =	vld [tilespmem:s1+$0x28B0];
	_ =	sdelay $0x6  }
0xee: {  	v2 =	vld.idx.msk [tilespmem:v2+s19+$0x0], $0xffff  }
0xef: {  	v3 =	vld.idx.msk [tilespmem:v3+s20+$0x0], $0xffff;
	_ =	sdelay $0x4  }
0xf0: {  	v2 =	vadd.f32 v3, v2;
	_ =	sdelay $0x1  }
0xf1: {  	v3 =	vmul.f32 $2.000000030e-01, v2;
	_ =	sdelay $0x1  }
0xf2: {  	v2 =	vmax.f32 v2, v3  }
0xf3: {  	v2 =	vmul.f32 $1.442695020e+00, v2;
	_ =	sdelay $0x1  }
0xf4: {  	(erf) = vpow2.f32 v2;
	_ =	sdelay $0x8  }
0xf5: {  	v2 =	vpop (erf)  }
0xf6: {  	s6 =	sor.u32 $0xC0, s1;
	[tilespmem:$0xB030] =	vst v2  }
0xf7: {  	v2 =	vld [tilespmem:s6+$0x0]  }
0xf8: {  	v3 =	vld [tilespmem:s1+$0x28C0];
	_ =	sdelay $0x6  }
0xf9: {  	v2 =	vld.idx.msk [tilespmem:v2+s19+$0x0], $0xffff  }
0xfa: {  	v3 =	vld.idx.msk [tilespmem:v3+s20+$0x0], $0xffff;
	_ =	sdelay $0x4  }
0xfb: {  	v2 =	vadd.f32 v3, v2;
	_ =	sdelay $0x1  }
0xfc: {  	v3 =	vmul.f32 $2.000000030e-01, v2;
	_ =	sdelay $0x1  }
0xfd: {  	v2 =	vmax.f32 v2, v3  }
0xfe: {  	v2 =	vmul.f32 $1.442695020e+00, v2;
	_ =	sdelay $0x1  }
0xff: {  	(erf) = vpow2.f32 v2;
	_ =	sdelay $0x8  }
0x100: {  	v2 =	vpop (erf)  }
0x101: {  	s21 =	sor.u32 $0xD0, s1;
	[tilespmem:$0xB040] =	vst v2  }
0x102: {  	v2 =	vld [tilespmem:s21+$0x0]  }
0x103: {  	v3 =	vld [tilespmem:s1+$0x28D0];
	_ =	sdelay $0x6  }
0x104: {  	v2 =	vld.idx.msk [tilespmem:v2+s19+$0x0], $0xffff  }
0x105: {  	v3 =	vld.idx.msk [tilespmem:v3+s20+$0x0], $0xffff;
	_ =	sdelay $0x4  }
0x106: {  	v2 =	vadd.f32 v3, v2;
	_ =	sdelay $0x1  }
0x107: {  	v3 =	vmul.f32 $2.000000030e-01, v2;
	_ =	sdelay $0x1  }
0x108: {  	v2 =	vmax.f32 v2, v3  }
0x109: {  	v2 =	vmul.f32 $1.442695020e+00, v2;
	_ =	sdelay $0x1  }
0x10a: {  	(erf) = vpow2.f32 v2;
	_ =	sdelay $0x8  }
0x10b: {  	v2 =	vpop (erf)  }
0x10c: {  	s5 =	sor.u32 $0xE0, s1;
	[tilespmem:$0xB050] =	vst v2  }
0x10d: {  	v2 =	vld [tilespmem:s5+$0x0]  }
0x10e: {  	v3 =	vld [tilespmem:s1+$0x28E0];
	_ =	sdelay $0x6  }
0x10f: {  	v2 =	vld.idx.msk [tilespmem:v2+s19+$0x0], $0xffff  }
0x110: {  	v3 =	vld.idx.msk [tilespmem:v3+s20+$0x0], $0xffff;
	_ =	sdelay $0x4  }
0x111: {  	v2 =	vadd.f32 v3, v2;
	_ =	sdelay $0x1  }
0x112: {  	v3 =	vmul.f32 $2.000000030e-01, v2;
	_ =	sdelay $0x1  }
0x113: {  	v2 =	vmax.f32 v2, v3  }
0x114: {  	v2 =	vmul.f32 $1.442695020e+00, v2;
	_ =	sdelay $0x1  }
0x115: {  	(erf) = vpow2.f32 v2;
	_ =	sdelay $0x8  }
0x116: {  	v2 =	vpop (erf)  }
0x117: {  	s6 =	sor.u32 $0xF0, s1;
	[tilespmem:$0xB060] =	vst v2  }
0x118: {  	v2 =	vld [tilespmem:s6+$0x0]  }
0x119: {  	v3 =	vld [tilespmem:s1+$0x28F0];
	_ =	sdelay $0x6  }
0x11a: {  	v2 =	vld.idx.msk [tilespmem:v2+s19+$0x0], $0xffff  }
0x11b: {  	v3 =	vld.idx.msk [tilespmem:v3+s20+$0x0], $0xffff;
	_ =	sdelay $0x4  }
0x11c: {  	v2 =	vadd.f32 v3, v2;
	_ =	sdelay $0x1  }
0x11d: {  	v3 =	vmul.f32 $2.000000030e-01, v2;
	_ =	sdelay $0x1  }
0x11e: {  	v2 =	vmax.f32 v2, v3  }
0x11f: {  	v2 =	vmul.f32 $1.442695020e+00, v2;
	_ =	sdelay $0x1  }
0x120: {  	(erf) = vpow2.f32 v2;
	_ =	sdelay $0x7  }
0x121: {  	s21 =	simm.s32 $0x0  }
0x122: {  	v3 =	vmov s21;
	v2 =	vpop (erf)  }
0x123: {  	[tilespmem:$0xB070] =	vst v2  }
0x124: {  	_ =	swait.ge [sflag:s28], $0x1800  }
0x125: {  	[sflag:s28] =	ssyncset.done $0x0  }
0x126: {  	[sflag:s28] =	ssyncadd.s32 $0xFFFFE800  }
0x127: {  	s0 =	simm.s32 $0x6810;
	v2 =	vld.idx.msk [tilespmem:v3+s25+$0x0], $0xffff  }
0x128: {  	v3 =	vld [tilespmem:s0+$0xFFFFFFF0];
	_ =	sdelay $0x4  }
0x129: {  	v3 =	vmul.f32 v3, v2  }
0x12a: {  	s5 =	simm.s32 $0x9810  }
0x12b: {  	[tilespmem:s5+$0xFFFFFFF0] =	vst v3  }
0x12c: {  	v3 =	vld [tilespmem:s0+$0x0];
	_ =	sdelay $0x4  }
0x12d: {  	v3 =	vmul.f32 v3, v2;
	_ =	sdelay $0x1  }
0x12e: {  	[tilespmem:s5+$0x0] =	vst v3  }
0x12f: {  	v4 =	vld [tilespmem:s0+$0x10];
	_ =	sdelay $0x3  }
0x130: {  	s6 =	simm.s32 $0x1  }
0x131: {  	s1 =	sadd.s32 $0x2880, s1;
	v3 =	vmov s6;
	s6 =	simm.s32 $0x2;
	v4 =	vadd.f32 v1, v4  }
.LBB2_7:
0x132: {  	p0 =	sne.s32 s6, $0x7F  }
0x133: {  	v2 =	vmul.f32 v4, v2;
	_ =	sdelay $0x1  }
0x134: {  	[tilespmem:s5+$0x10] =	vst v2  }
0x135: {  	s0 =	sadd.s32 $0x30, s0;
	v2 =	vld.idx.msk [tilespmem:v3+s25+$0x0], $0xffff  }
0x136: {  	v3 =	vld [tilespmem:s0+$0xFFFFFFF0];
	_ =	sdelay $0x4  }
0x137: {  	v3 =	vmul.f32 v3, v2  }
0x138: {  	s5 =	sadd.s32 $0x30, s5  }
0x139: {  	[tilespmem:s5+$0xFFFFFFF0] =	vst v3  }
0x13a: {  	v3 =	vld [tilespmem:s0+$0x0];
	_ =	sdelay $0x4  }
0x13b: {  	v3 =	vmul.f32 v3, v2;
	_ =	sdelay $0x1  }
0x13c: {  	[tilespmem:s5+$0x0] =	vst v3  }
0x13d: {  	v4 =	vld [tilespmem:s0+$0x10]  }
.Ltmp2:
0x13e: {  	(pc) =	sbr.rel @p0 .LBB2_7-.Ltmp2, $2  }
0x13f: {  	_ =	sdelay $0x2  }
0x140: {  	v3 =	vmov s6;
	s6 =	sadd.s32 $0x1, s6;
	v4 =	vadd.f32 v1, v4  }
0x141: {  	_ = 	snop  }
0x142: {  	v2 =	vmul.f32 v4, v2;
	_ =	sdelay $0x1  }
0x143: {  	[tilespmem:s5+$0x10] =	vst v2  }
0x144: {  	s0 =	sadd.s32 $0x30, s0;
	v2 =	vld.idx.msk [tilespmem:v3+s25+$0x0], $0xffff  }
0x145: {  	v3 =	vld [tilespmem:s0+$0xFFFFFFF0];
	_ =	sdelay $0x4  }
0x146: {  	v3 =	vmul.f32 v3, v2  }
0x147: {  	s21 =	sadd.s32 $0x30, s5  }
0x148: {  	[tilespmem:s21+$0xFFFFFFF0] =	vst v3  }
0x149: {  	v3 =	vld [tilespmem:s0+$0x0];
	_ =	sdelay $0x4  }
0x14a: {  	v3 =	vmul.f32 v3, v2;
	_ =	sdelay $0x1  }
0x14b: {  	[tilespmem:s21+$0x0] =	vst v3  }
0x14c: {  	v3 =	vld [tilespmem:s0+$0x10];
	_ =	sdelay $0x4  }
0x14d: {  	v3 =	vadd.f32 v1, v3;
	_ =	sdelay $0x1  }
0x14e: {  	s31 =	sadd.s32 $0x1, s31;
	v2 =	vmul.f32 v3, v2  }
0x14f: {  	p0 =	sne.s32 s31, s14  }
.Ltmp3:
0x150: {  	[tilespmem:s21+$0x10] =	vst v2;
	(pc) =	sbr.rel @p0 .LBB2_4-.Ltmp3, $4  }
0x151: {  	[spmem:s2] =	stream.indirect.scatter.add.f32 [tilespmem:s29], [sflag:$0x3], $0x30, s1, s22, $0xb8;
	[tilespmem:$0x173D0] =	vst v63  }
0x152: {  	_ =	swait.ge [sflag:s18], $0x1800  }
0x153: {  	[sflag:s18] =	ssyncset.done $0x0  }
0x154: {  	[sflag:s18] =	ssyncadd.s32 $0xFFFFE800  }
0x155: {  	s0 =	stileid.u32;
	s3 =	sadd.s32 $0x1, s3  }
0x156: {  	[bflag:$0x0] =	sbarrier.arrive $0xFFFF;
	s0 =	sshll.u32 s0, $0x6;
	p0 =	sne.s32 s3, s16  }
.Ltmp4:
0x157: {  	s1 =	sshrl.u32 s7, $0x3;
	s0 =	sor.u32 $0x1C03, s0;
	(pc) =	sbr.rel @p0 .LBB2_1-.Ltmp4, $4  }
0x158: {  	[hbm:s15], [sflag:s0] =	dma.local [spmem:s1], $0xEA6  }
0x159: {  	_ =	swait.ge [sflag:s18], $0xEA6  }
0x15a: {  	[sflag:s18] =	ssyncset.done $0x0  }
0x15b: {  	[sflag:s18] =	ssyncadd.s32 $0xFFFFF15A  }
0x15c: {  	_ =	sfence.sel $0x180000  }
0x15d: {  	[bflag:$0x0] =	sbarrier.arrive $0xFFFF  }
0x15e: {  	_ =	strace $0x9000004A  }
0x15f: {  	s0 =	stileid.u32;
	[bflag:$0x2] =	sbarrier.arrive $0xFFFF  }
0x160: {  	p0 =	sne.s32 s0, $0x0;
	s0 =	rddreg [dreg:$0x3]  }
0x161: {  	s0 =	sadd.s32 @!p0 $0x100000, s0  }
0x162: {  	[sflag:s0] =	ssyncadd.tile.s32 @!p0 $0x1;
	_ =	shalt  }
.Lfunc_end2:
_tile_overlayer_lowered:
.L_overlay_start_2:
0x163: {  	(tag) =	ssettag $0x2  }
0x164: {  	s0 =	rddreg [dreg:$0x0];
	s2 =	stileid.u32  }
0x165: {  	s1 =	rddreg [dreg:$0x1];
	p0 =	sne.s32 s2, $0x0  }
0x166: {  	s3 =	rddreg [dreg:$0x2];
	[bflag:$0x3] =	sbarrier.arrive $0xFFFF;
	s2 =	simm.s32 @!p0 $0x1C03  }
0x167: {  	[timem:s3], [sflag:s2] =	dma.local @!p0 [hbm:s0], s1  }
0x168: {  	s0 =	simm.s32 @!p0 $0x3  }
0x169: {  	_ =	swait.ge @!p0 [sflag:s0], s1  }
0x16a: {  	s1 =	ssub.s32 @!p0 $0x0, s1;
	[sflag:s0] =	ssyncset.done @!p0 $0x0  }
0x16b: {  	[sflag:s0] =	ssyncadd.s32 @!p0 s1  }
0x16c: {  	[bflag:$0x3] =	sbarrier.arrive $0xFFFF  }
0x16d: {  	_ =	shalt  }

// kernel: kernel.7.cloned.1.call-start
scs
__scs_entry_jumppad:
0x0: {  	(pc) =	sbr.rel $0x88, $3  }
0x1: {  	(tag) =	ssettag $0x0;
	lr =	simm.s32 $0x1  }
0x2: {  	[smem:$0x3F99] =	sst lr;
	_ =	strace $0xD0000000  }
0x3: {  	_ = 	snop  }
0x4: {  	_ = 	snop  }
0x5: {  	_ = 	snop  }
0x6: {  	_ = 	snop  }
0x7: {  	_ = 	snop  }
__scs_overlays_trampoline_lowered:
0x8: {  	[smem:$0x3FA8] =	sst s0  }
0x9: {  	[smem:$0x3FA9] =	sst s1  }
0xa: {  	[smem:$0x3FAA] =	sst s2  }
0xb: {  	[smem:$0x3FAB] =	sst s3  }
0xc: {  	[smem:$0x3FAC] =	sst s4  }
0xd: {  	[smem:$0x3FAD] =	sst s5  }
0xe: {  	[smem:$0x3FAE] =	sst s6  }
0xf: {  	[smem:$0x3FAF] =	sst s7  }
0x10: {  	[smem:$0x3FB0] =	sst s8  }
0x11: {  	[smem:$0x3FB1] =	sst s9;
	s0 =	simm.s32 @!p0 $0x0  }
0x12: {  	s1 =	sld [smem:$0x3F97];
	s0 =	simm.s32 @p0 $0x1  }
0x13: {  	[smem:$0x3FB2] =	sst s0;
	s0 =	simm.s32 @!p1 $0x0  }
0x14: {  	s2 =	sld [smem:$0x3F96];
	s0 =	simm.s32 @p1 $0x1  }
0x15: {  	[smem:$0x3FB3] =	sst s0;
	s0 =	simm.s32 @!p2 $0x0  }
0x16: {  	s3 =	sld [smem:$0x3FDB];
	s0 =	simm.s32 @p2 $0x1  }
0x17: {  	s4 =	simm.s32 $0x1BF5;
	[smem:$0x3FB5] =	sst s0  }
0x18: {  	s0 =	sld [smem:$0x3F98];
	_ =	swait.ge [sflag:s4], $0x0  }
0x19: {  	s7 =	sld [smem:$0x3F99]  }
0x1a: {  	s8 =	sadd.s32 $0xFFFFE003, lr  }
0x1b: {  	s9 =	sadd.s32 $0xFFFFFEF7, lr;
	s5 =	simm.s32 $0xFFFFFFFF;
	p2 =	slt.u32 s8, $0xFFFFF086  }
0x1c: {  	p1 =	slt.u32 s9, $0xF7A;
	s5 =	simm.s32 @!p2 $0x0  }
0x1d: {  	s5 =	simm.s32 @p1 $0x1;
	p0 =	seq.s32 s7, s2  }
0x1e: {  	s7 =	smul.u32 @!p0 $0xF7A, s2;
	p2 =	seq.s32 @!p0 s5, $0x0  }
0x1f: {  	s9 =	smul.u32 $0xF7A, s1;
	s8 =	simm.s32 @!p0 $0x1BF5;
	p2 =	por !p2, p0  }
0x20: {  	[sflag:s8] =	ssyncset.s32 @!p0 $0xFFFFF086;
	s6 =	sadd.s32 @!p0 s3, s7;
	s7 =	simm.s32 @!p0 $0x108  }
0x21: {  	s3 =	sadd.s32 s3, s9;
	s6 =	sadd.s32 @!p0 $0x88, s6;
	s7 =	simm.s32 @p2 $0x1082  }
0x22: {  	[simem:s7], [sflag:s8] =	dma.local @!p0 [hbm:s6], $0xF7A  }
0x23: {  	s9 =	sor.u32 $0xD0000000, s2;
	s6 =	simm.s32 $0x108;
	_ =	swait.ge @!p0 [sflag:s8], $0x0  }
0x24: {  	s3 =	sadd.s32 $0x88, s3;
	s6 =	simm.s32 @!p1 $0x1082;
	[sflag:s4] =	ssyncset.s32 $0xFFFFF086  }
0x25: {  	[simem:s6], [sflag:s4] =	dma.local [hbm:s3], $0xF7A  }
0x26: {  	[smem:$0x3F99] =	sst s1;
	(tag) =	ssettag s2;
	_ =	strace s9  }
0x27: {  	s1 =	sld [smem:$0x3FA9]  }
0x28: {  	s2 =	sld [smem:$0x3FAA]  }
0x29: {  	s4 =	sld [smem:$0x3FAC]  }
0x2a: {  	p0 =	seq.s32 s5, $0x0;
	s5 =	sld [smem:$0x3FAD]  }
0x2b: {  	s6 =	sld [smem:$0x3FAE]  }
0x2c: {  	s7 =	sld [smem:$0x3FAF]  }
0x2d: {  	s3 =	simm.s32 $0x108;
	s8 =	sld [smem:$0x3FB0]  }
0x2e: {  	s3 =	simm.s32 @!p0 $0x1082;
	s9 =	sld [smem:$0x3FB1]  }
0x2f: {  	lr =	sadd.s32 s0, s3;
	s0 =	sld [smem:$0x3FA8]  }
0x30: {  	s3 =	sld [smem:$0x3FAB]  }
0x31: {  	[smem:$0x3FB4] =	sst s10  }
0x32: {  	s10 =	sld [smem:$0x3FB2];
	_ =	sdelay $0x3  }
0x33: {  	p0 =	seq.s32 s10, $0x1;
	s10 =	sld [smem:$0x3FB4];
	_ =	sdelay $0x3  }
0x34: {  	[smem:$0x3FB4] =	sst s10  }
0x35: {  	s10 =	sld [smem:$0x3FB3];
	_ =	sdelay $0x3  }
0x36: {  	p1 =	seq.s32 s10, $0x1;
	s10 =	sld [smem:$0x3FB4];
	_ =	sdelay $0x3  }
0x37: {  	[smem:$0x3FB4] =	sst s10  }
0x38: {  	s10 =	sld [smem:$0x3FB5]  }
0x39: {  	_ = 	snop;
	(pc) =	sbr.ind lr, $3  }
0x3a: {  	_ = 	snop  }
0x3b: {  	_ = 	snop  }
0x3c: {  	p2 =	seq.s32 s10, $0x1;
	s10 =	sld [smem:$0x3FB4]  }
0x3d: {  	_ =	shalt  }
0x3e: {  	_ =	shalt  }
0x3f: {  	_ =	shalt  }
0x40: {  	_ =	shalt  }
0x41: {  	_ =	shalt  }
0x42: {  	_ =	shalt  }
0x43: {  	_ =	shalt  }
0x44: {  	_ =	shalt  }
0x45: {  	_ =	shalt  }
0x46: {  	_ =	shalt  }
0x47: {  	_ =	shalt  }
0x48: {  	_ =	shalt  }
0x49: {  	_ =	shalt  }
0x4a: {  	_ =	shalt  }
0x4b: {  	_ =	shalt  }
0x4c: {  	_ =	shalt  }
0x4d: {  	_ =	shalt  }
0x4e: {  	_ =	shalt  }
0x4f: {  	_ =	shalt  }
0x50: {  	_ =	shalt  }
0x51: {  	_ =	shalt  }
0x52: {  	_ =	shalt  }
0x53: {  	_ =	shalt  }
0x54: {  	_ =	shalt  }
0x55: {  	_ =	shalt  }
0x56: {  	_ =	shalt  }
0x57: {  	_ =	shalt  }
0x58: {  	_ =	shalt  }
0x59: {  	_ =	shalt  }
0x5a: {  	_ =	shalt  }
0x5b: {  	_ =	shalt  }
0x5c: {  	_ =	shalt  }
0x5d: {  	_ =	shalt  }
0x5e: {  	_ =	shalt  }
0x5f: {  	_ =	shalt  }
0x60: {  	_ =	shalt  }
0x61: {  	_ =	shalt  }
0x62: {  	_ =	shalt  }
0x63: {  	_ =	shalt  }
0x64: {  	_ =	shalt  }
0x65: {  	_ =	shalt  }
0x66: {  	_ =	shalt  }
0x67: {  	_ =	shalt  }
0x68: {  	_ =	shalt  }
0x69: {  	_ =	shalt  }
0x6a: {  	_ =	shalt  }
0x6b: {  	_ =	shalt  }
0x6c: {  	_ =	shalt  }
0x6d: {  	_ =	shalt  }
0x6e: {  	_ =	shalt  }
0x6f: {  	_ =	shalt  }
0x70: {  	_ =	shalt  }
0x71: {  	_ =	shalt  }
0x72: {  	_ =	shalt  }
0x73: {  	_ =	shalt  }
0x74: {  	_ =	shalt  }
0x75: {  	_ =	shalt  }
0x76: {  	_ =	shalt  }
0x77: {  	_ =	shalt  }
0x78: {  	_ =	shalt  }
0x79: {  	_ =	shalt  }
0x7a: {  	_ =	shalt  }
0x7b: {  	_ =	shalt  }
0x7c: {  	_ =	shalt  }
0x7d: {  	_ =	shalt  }
0x7e: {  	_ =	shalt  }
0x7f: {  	_ =	shalt  }
0x80: {  	_ =	shalt  }
0x81: {  	_ =	shalt  }
0x82: {  	_ =	shalt  }
0x83: {  	_ =	shalt  }
0x84: {  	_ =	shalt  }
0x85: {  	_ =	shalt  }
0x86: {  	_ =	shalt  }
0x87: {  	_ =	shalt  }
.Lfunc_end0:
.L_simem_size_0:
called_computation_lowered:
.L_overlay_start_0:
0x88: {  	s2 =	sld [smem:$0x3FD9]  }
0x89: {  	s3 =	sld [smem:$0x3FFE];
	_ =	sdelay $0x1  }
0x8a: {  	s1 =	srdreg.scid  }
0x8b: {  	s0 =	sand.u32 $0x1, s1  }
0x8c: {  	s17 =	sshll.u32 s0, $0xA;
	s2 =	sadd.s32 s3, s2  }
0x8d: {  	s2 =	sadd.s32 s2, s17  }
0x8e: {  	[smem:$0x3FC0] =	sst s2  }
0x8f: {  	_ = 	snop  }
0x90: {  	s2 =	sld [smem:$0x3FD0];
	(tm) =	ssettm $0x1  }
0x91: {  	s18 =	sld [smem:$0x3FFB];
	_ =	sdelay $0x3  }
0x92: {  	_ =	strace s18  }
0x93: {  	s3 =	sld [smem:$0x3FFC];
	_ =	sdelay $0x3  }
0x94: {  	_ =	strace s3  }
0x95: {  	s3 =	sld [smem:$0x3FFD];
	_ =	sdelay $0x3  }
0x96: {  	_ =	strace s3  }
0x97: {  	_ =	strace $0x8FFFFFFF  }
0x98: {  	s19 =	sld [smem:$0x3FDB];
	_ =	sdelay $0x1  }
0x99: {  	s4 =	simm.s32 $_scs_section_size  }
0x9a: {  	s5 =	simm.s32 $_size__tile_overlayer_lowered;
	s6 =	simm.s32 $_tile_overlayer_lowered  }
0x9b: {  	s22 =	simm.s32 $0x1BFF;
	s21 =	sshll.u32 s6, $0x1;
	s3 =	sadd.s32 s4, s19  }
0x9c: {  	s7 =	simm.s32 $0x0;
	s20 =	sshll.u32 s5, $0x1;
	s5 =	sadd.s32 s21, s3  }
0x9d: {  	[timem:s7], [sflag:s22] =	dma.local [hbm:s5], s20  }
0x9e: {  	_ =	swait.ge [sflag:s22], s20  }
0x9f: {  	s4 =	ssub.s32 $0x0, s20;
	[sflag:s22] =	ssyncset.done $0x0  }
0xa0: {  	[sflag:s22] =	ssyncadd.s32 s4;
	_ =	sdelay $0x1  }
0xa1: {  	s23 =	simm.s32 $0x1B8B  }
0xa2: {  	_ =	swait.ge [sflag:s23], $0x1  }
0xa3: {  	[sflag:s23] =	ssyncset.done $0x0  }
0xa4: {  	s25 =	simm.s32 $0x1B8E;
	s24 =	sld [smem:$0x3FFE];
	[sflag:s23] =	ssyncadd.s32 $0xFFFFFFFF  }
0xa5: {  	s26 =	simm.s32 $execute0_lowered;
	[smem:$0x3FD2] =	sst s25  }
0xa6: {  	s5 =	sshll.u32 s26, $0x1;
	_ =	strace $0x80000046;
	[dreg:$0x1] =	wrdreg $0xFFFFFFFF  }
0xa7: {  	s28 =	simm.s32 $_size_execute0_lowered;
	s3 =	sadd.s32 s3, s5;
	[dreg:$0x0] =	wrdreg $0x0  }
0xa8: {  	s5 =	sshll.u32 s28, $0x1;
	[dreg:$0x2] =	wrdreg s3  }
0xa9: {  	[dreg:$0x3] =	wrdreg s5  }
0xaa: {  	[dreg:$0x4] =	wrdreg $0xC0  }
0xab: {  	_ =	task [dreg:s7], $0x5FFFF  }
0xac: {  	[dreg:$0x1] =	wrdreg $0xFFFFFFFF  }
0xad: {  	[dreg:$0x0] =	wrdreg $0x60  }
0xae: {  	[dreg:$0x2] =	wrdreg s2  }
0xaf: {  	[dreg:$0x3] =	wrdreg s24  }
0xb0: {  	[dreg:$0x4] =	wrdreg $0x10B980  }
0xb1: {  	[dreg:$0x5] =	wrdreg $0x1A7D80  }
0xb2: {  	[dreg:$0x6] =	wrdreg $0x9  }
0xb3: {  	_ =	task.clear_ibuf [dreg:s7], $0x7FFFF;
	_ =	strace $0x90000046  }
0xb4: {  	s29 =	simm.s32 $0x9;
	_ =	strace $0x80000048  }
0xb5: {  	_ =	swait.ge [sflag:s29], $0x1  }
0xb6: {  	[sflag:s29] =	ssyncadd.s32 $0xFFFFFFFF  }
0xb7: {  	_ =	strace $0x90000048  }
0xb8: {  	_ =	sfence  }
0xb9: {  	s30 =	sld [smem:$0x0];
	_ =	sdelay $0x2  }
0xba: {  	s31 =	sshll.u32 s1, $0xD;
	s1 =	sshrl.u32 s1, $0x2  }
0xbb: {  	s3 =	sand.u32 $0x4000, s31;
	s1 =	sadd.s32 s1, s30  }
0xbc: {  	s0 =	sor.u32 s3, s0;
	s1 =	sshll.u32 s1, $0x11  }
0xbd: {  	s0 =	sor.u32 s1, s0  }
0xbe: {  	s0 =	sadd.s32 $0x8F2B, s0  }
0xbf: {  	[sflag:s0] =	ssyncadd.remote.s32 $0x1  }
0xc0: {  	_ =	sfence.sel $0xFFFF  }
0xc1: {  	[dreg:$0x0] =	wrdreg $0xFFFFFFFF;
	(pc) =	sbr.abs _section_cstart, $3  }
0xc2: {  	[dreg:$0x1] =	wrdreg $0xFFFFFFFF  }
0xc3: {  	_ =	task.clear_ibuf [dreg:s7], $0x2FFFF;
	_ =	strace $0x9FFFFFFF  }
0xc4: {  	(tm) =	ssettm $0x7FFFFFFF  }
0xc5: {  	_ =	shalt  }
tec
execute0_lowered:
.L_overlay_start_1:
0x0: {  	(tag) =	ssettag $0x1  }
0x1: {  	s0 =	rddreg [dreg:$0x0];
	s1 =	srdreg.scid  }
0x2: {  	s5 =	stileid.u32;
	s4 =	rddreg [dreg:$0x1]  }
0x3: {  	s2 =	rddreg [dreg:$0x2];
	s15 =	simm.s32 $0x0;
	s28 =	simm.s32 $0xA000  }
0x4: {  	s29 =	simm.s32 $0x1;
	s30 =	simm.s32 $0x2;
	s31 =	simm.s32 $0xE800  }
0x5: {  	s1 =	sand.u32 $0x1, s1;
	s3 =	sshll.u32 s5, $0x1;
	s9 =	smul.u32 $0x1388, s5  }
0x6: {  	[smem:$0x7FF] =	sst s15;
	s12 =	smul.u32 $0x27100, s5;
	s5 =	sadd.s32 $0xAC00, s4  }
0x7: {  	s6 =	sadd.s32 $0x20C00, s4;
	s7 =	sor.u32 s1, s3;
	s3 =	rddreg [dreg:$0x3]  }
0x8: {  	s10 =	smul.u32 $0x13880, s1;
	_ =	strace $0x80000047;
	s1 =	ssub.s32 $0x2, s1  }
0x9: {  	s8 =	smul.u32 $0x500, s7;
	s12 =	sshrl.u32 s12, $0x2;
	s13 =	sshrl.u32 s1, $0x1  }
0xa: {  	p0 =	seq.s32 s7, $0x1F;
	s10 =	sadd.s32 s9, s10;
	s12 =	sadd.s32 s12, s2  }
0xb: {  	s1 =	ssub.s32 s1, s13;
	s9 =	sadd.s32 s9, s3;
	s13 =	simm.s32 $0x14  }
0xc: {  	s11 =	sadd.s32 s8, s4;
	s14 =	sadd.s32 s10, s4;
	[dreg:$0x6] =	wrdreg s12  }
0xd: {  	s10 =	sshrl.u32 s10, $0x3;
	s19 =	sadd.s32 $0x2000, s12;
	[dreg:$0xb] =	wrdreg s9  }
0xe: {  	s20 =	sadd.s32 $0x4000, s12;
	s21 =	sadd.s32 $0x6000, s12;
	[dreg:$0x7] =	wrdreg s19  }
0xf: {  	s22 =	sadd.s32 $0x8000, s12;
	s0 =	sadd.s32 s0, s8;
	[dreg:$0x8] =	wrdreg s20  }
0x10: {  	s13 =	simm.s32 @!p0 $0x50;
	s26 =	smax.u32 s1, $0x1;
	[dreg:$0x9] =	wrdreg s21  }
0x11: {  	s8 =	simm.s32 $0x7;
	s1 =	simm.s32 $0x4;
	[dreg:$0xa] =	wrdreg s22  }
0x12: {  	s4 =	sadd.s32 s10, s4;
	[dreg:$0xc] =	wrdreg s0;
	s23 =	sadd.s32 $0xC00, s11  }
0x13: {  	v0 =	vlaneseq.u32;
	s16 =	sshrl.u32 s13, $0x1;
	s24 =	sadd.s32 $0x25C00, s14;
	[dreg:$0x10] =	wrdreg s26  }
0x14: {  	v1 =	vshrl.u32 v0, $0x3;
	s20 =	simm.s32 $0xA800;
	s26 =	simm.s32 $0x7400;
	s21 =	simm.s32 $0x3  }
0x15: {  	v1 =	vmul.u32 $0x80, v1;
	s22 =	simm.s32 $0xEC00;
	s10 =	simm.s32 $0x0;
	[dreg:$0xd] =	wrdreg s23  }
0x16: {  	v2 =	vimm.f32 $0.0e+00;
	[dreg:$0xe] =	wrdreg s24;
	s25 =	sadd.s32 $0x4CE00, s4;
	s23 =	simm.s32 $0x80  }
0x17: {  	v3 =	vor.u32 $0x100, v1;
	v4 =	vor.u32 $0x200, v1;
	v5 =	vor.u32 $0x300, v1;
	s24 =	simm.s32 $0x5000;
	[dreg:$0xf] =	wrdreg s25;
	s25 =	simm.s32 $0x9800  }
.LBB2_1:
0x18: {  	s0 =	simm.s32 $0x0  }
.LBB2_2:
0x19: {  	p0 =	sne.s32 s0, $0x7F00  }
.Ltmp0:
0x1a: {  	s4 =	sshra.s32 s0, $0x2;
	(pc) =	sbr.rel @p0 .LBB2_2-.Ltmp0, $4  }
0x1b: {  	[tilespmem:s4+$0xA800] =	vst v2  }
0x1c: {  	[tilespmem:s4+$0xA810] =	vst v2  }
0x1d: {  	[tilespmem:s4+$0xA820] =	vst v2  }
0x1e: {  	s0 =	sadd.s32 $0x100, s0;
	[tilespmem:s4+$0xA830] =	vst v2  }
0x1f: {  	[dreg:$0x5] =	wrdreg s15;
	s0 =	simm.s32 $0x40;
	s4 =	simm.s32 $0x0  }
.LBB2_4:
0x20: {  	p0 =	sne.s32 s0, $0x4E00;
	[tilespmem:s4+$0xF800] =	vst v2;
	s4 =	smov.u32 s0;
	s0 =	sadd.s32 $0x40, s0  }
.Ltmp1:
0x21: {  	(pc) =	sbr.rel @p0 .LBB2_4-.Ltmp1, $2  }
0x22: {  	_ =	sdelay $0x2  }
0x23: {  	s4 =	sshra.s32 s4, $0x2  }
0x24: {  	[tilespmem:s4+$0xF800] =	vst v2  }
0x25: {  	[spmem:s12] =	stream.linear.scatter [tilespmem:s20], [sflag:$0x7], $0x2000, $0x38;
	[tilespmem:$0x1BB60] =	vst v63  }
0x26: {  	_ =	swait.ge [sflag:s8], $0x2000  }
0x27: {  	[sflag:s8] =	ssyncset.done $0x0  }
0x28: {  	s0 =	rddreg [dreg:$0x7];
	[sflag:s8] =	ssyncadd.s32 $0xFFFFE000  }
0x29: {  	[spmem:s0] =	stream.linear.scatter [tilespmem:s20], [sflag:$0x7], $0x2000, $0x38;
	[tilespmem:$0x1BB60] =	vst v63  }
0x2a: {  	_ =	swait.ge [sflag:s8], $0x2000  }
0x2b: {  	[sflag:s8] =	ssyncset.done $0x0  }
0x2c: {  	s12 =	rddreg [dreg:$0x8];
	[sflag:s8] =	ssyncadd.s32 $0xFFFFE000  }
0x2d: {  	[spmem:s12] =	stream.linear.scatter [tilespmem:s20], [sflag:$0x7], $0x2000, $0x38;
	[tilespmem:$0x1BB60] =	vst v63  }
0x2e: {  	_ =	swait.ge [sflag:s8], $0x2000  }
0x2f: {  	[sflag:s8] =	ssyncset.done $0x0  }
0x30: {  	s14 =	rddreg [dreg:$0x9];
	[sflag:s8] =	ssyncadd.s32 $0xFFFFE000  }
0x31: {  	[spmem:s14] =	stream.linear.scatter [tilespmem:s20], [sflag:$0x7], $0x2000, $0x38;
	[tilespmem:$0x1BB60] =	vst v63  }
0x32: {  	_ =	swait.ge [sflag:s8], $0x2000  }
0x33: {  	[sflag:s8] =	ssyncset.done $0x0  }
0x34: {  	s15 =	rddreg [dreg:$0xa];
	[sflag:s8] =	ssyncadd.s32 $0xFFFFE000  }
0x35: {  	[spmem:s15] =	stream.linear.scatter [tilespmem:s20], [sflag:$0x7], $0x1C40, $0x38;
	[tilespmem:$0x1BB60] =	vst v63  }
0x36: {  	_ =	swait.ge [sflag:s8], $0x1C40  }
0x37: {  	[sflag:s8] =	ssyncset.done $0x0  }
0x38: {  	s17 =	simm.s32 $0xF800;
	[sflag:s8] =	ssyncadd.s32 $0xFFFFE3C0  }
0x39: {  	[spmem:s9] =	stream.linear.scatter [tilespmem:s17], [sflag:$0x7], $0x1388, $0x38;
	[tilespmem:$0x1BB60] =	vst v63  }
0x3a: {  	_ =	swait.ge [sflag:s8], $0x1388  }
0x3b: {  	[sflag:s8] =	ssyncset.done $0x0  }
0x3c: {  	[sflag:s8] =	ssyncadd.s32 $0xFFFFEC78  }
0x3d: {  	[bflag:$0x0] =	sbarrier.arrive $0xFFFF  }
0x3e: {  	s18 =	rddreg [dreg:$0xc]  }
0x3f: {  	[tilespmem:s10], [sflag:$0x7] =	stream.linear.gather [hbm4b:s18+s10], $0x2800, $0x38;
	[tilespmem:$0x1BB60] =	vst v63  }
0x40: {  	_ =	swait.ge [sflag:s8], $0x2800  }
0x41: {  	[sflag:s8] =	ssyncset.done $0x0  }
0x42: {  	s9 =	simm.s32 $0x2800;
	s19 =	rddreg [dreg:$0xd];
	[sflag:s8] =	ssyncadd.s32 $0xFFFFD800  }
0x43: {  	[tilespmem:s9], [sflag:$0x7] =	stream.linear.gather [hbm4b:s19+s10], $0x2800, $0x38;
	[tilespmem:$0x1BB60] =	vst v63  }
0x44: {  	_ =	swait.ge [sflag:s8], $0x2800  }
0x45: {  	[sflag:s8] =	ssyncset.done $0x0  }
0x46: {  	[sflag:s8] =	ssyncadd.s32 $0xFFFFD800  }
0x47: {  	[tilespmem:s24], [sflag:$0x1] =	stream.indirect.gather [hbm4b:s5+s23], $0x48, s10, s23, $0xb8;
	[tilespmem:$0x1BB60] =	vst v63  }
0x48: {  	_ = 	snop  }
0x49: {  	[tilespmem:s25], [sflag:$0x2] =	stream.indirect.gather [hbm4b:s6+s23], $0x10, s9, s23, $0xb8;
	[tilespmem:$0x1BB60] =	vst v63  }
0x4a: {  	_ = 	snop  }
0x4b: {  	[tilespmem:s26], [sflag:$0x3] =	stream.indirect.gather [hbm4b:s5+s23], $0x48, s23, s23, $0xb8;
	[tilespmem:$0x1BB60] =	vst v63  }
0x4c: {  	s14 =	simm.s32 $0x2880;
	s15 =	simm.s32 $0x0  }
0x4d: {  	[tilespmem:s28], [sflag:$0x4] =	stream.indirect.gather [hbm4b:s6+s23], $0x10, s14, s23, $0xb8;
	[tilespmem:$0x1BB60] =	vst v63  }
.LBB2_6:
0x4e: {  	p0 =	seq.s32 s15, $0x0  }
0x4f: {  	s0 =	simm.s32 @!p0 $0x5  }
0x50: {  	_ =	swait.ge @!p0 [sflag:s0], $0x2000  }
0x51: {  	[sflag:s0] =	ssyncset.done @!p0 $0x0  }
0x52: {  	[sflag:s0] =	ssyncadd.s32 @!p0 $0xFFFFE000  }
0x53: {  	_ =	swait.ge @!p0 [sflag:s0], $0x80  }
0x54: {  	[sflag:s0] =	ssyncset.done @!p0 $0x0  }
0x55: {  	[sflag:s0] =	ssyncadd.s32 @!p0 $0xFFFFFF80  }
0x56: {  	_ =	swait.ge @!p0 [sflag:s0], $0x80  }
0x57: {  	[sflag:s0] =	ssyncset.done @!p0 $0x0  }
0x58: {  	[sflag:s0] =	ssyncadd.s32 @!p0 $0xFFFFFF80  }
0x59: {  	_ =	swait.ge @!p0 [sflag:s0], $0x80  }
0x5a: {  	[sflag:s0] =	ssyncset.done @!p0 $0x0  }
0x5b: {  	[sflag:s0] =	ssyncadd.s32 @!p0 $0xFFFFFF80  }
0x5c: {  	_ =	swait.ge @!p0 [sflag:s0], $0x80  }
0x5d: {  	[sflag:s0] =	ssyncset.done @!p0 $0x0  }
0x5e: {  	[sflag:s0] =	ssyncadd.s32 @!p0 $0xFFFFFF80  }
0x5f: {  	_ =	swait.ge @!p0 [sflag:s0], $0x80  }
0x60: {  	[sflag:s0] =	ssyncset.done @!p0 $0x0  }
0x61: {  	[sflag:s0] =	ssyncadd.s32 @!p0 $0xFFFFFF80  }
0x62: {  	_ =	swait.ge @!p0 [sflag:s0], $0x80  }
0x63: {  	[sflag:s0] =	ssyncset.done @!p0 $0x0  }
0x64: {  	[sflag:s0] =	ssyncadd.s32 @!p0 $0xFFFFFF80  }
0x65: {  	_ =	swait.ge @!p0 [sflag:s0], $0x80  }
0x66: {  	[sflag:s0] =	ssyncset.done @!p0 $0x0  }
0x67: {  	[sflag:s0] =	ssyncadd.s32 @!p0 $0xFFFFFF80  }
0x68: {  	_ =	swait.ge @!p0 [sflag:s0], $0x80  }
0x69: {  	[sflag:s0] =	ssyncset.done @!p0 $0x0  }
0x6a: {  	v6 =	vor.u32 s10, v0;
	[sflag:s0] =	ssyncadd.s32 @!p0 $0xFFFFFF80  }
0x6b: {  	v7 =	vmul.u32 $0x48, v6;
	v6 =	vshll.u32 v6, $0x4;
	_ =	swait.ge [sflag:s29], $0x2400  }
0x6c: {  	v8 =	vor.u32 $0x8, v6;
	[sflag:s29] =	ssyncset.done $0x0  }
0x6d: {  	v9 =	vadd.s32 $0x40, v7;
	[sflag:s29] =	ssyncadd.s32 $0xFFFFDC00  }
0x6e: {  	_ =	swait.ge [sflag:s30], $0x800  }
0x6f: {  	[sflag:s30] =	ssyncset.done $0x0  }
0x70: {  	[sflag:s30] =	ssyncadd.s32 $0xFFFFF800  }
0x71: {  	v8 =	vld.idx.msk [tilespmem:v8+s25+$0x0], $0xffff  }
0x72: {  	v9 =	vld.idx.msk [tilespmem:v9+s24+$0x0], $0xffff;
	_ =	sdelay $0x4  }
0x73: {  	v8 =	vadd.f32 v8, v9;
	_ =	sdelay $0x1  }
0x74: {  	v9 =	vmul.f32 $2.000000030e-01, v8;
	_ =	sdelay $0x1  }
0x75: {  	v8 =	vmax.f32 v8, v9  }
0x76: {  	v8 =	vmul.f32 $1.442695020e+00, v8;
	_ =	sdelay $0x1  }
0x77: {  	(erf) = vpow2.f32 v8;
	_ =	sdelay $0x4  }
0x78: {  	v8 =	vld [tilespmem:s9+$0x0];
	_ =	sdelay $0x1  }
0x79: {  	v9 =	vadd.s32 $0x41, v7  }
0x7a: {  	v10 =	vor.u32 $0x9, v6  }
0x7b: {  	s12 =	simm.s32 $0xEA00;
	v11 =	vpop (erf)  }
0x7c: {  	s7 =	simm.s32 $0xF200;
	v8 =	vshll.u32 v8, $0x3;
	[tilespmem:s12+$0xFFFFFE00] =	vst v11  }
0x7d: {  	[tilespmem:s7+$0xFFFFFE00] =	vst v8  }
0x7e: {  	v9 =	vld.idx.msk [tilespmem:v9+s24+$0x0], $0xffff  }
0x7f: {  	v10 =	vld.idx.msk [tilespmem:v10+s25+$0x0], $0xffff;
	_ =	sdelay $0x4  }
0x80: {  	v9 =	vadd.f32 v10, v9;
	_ =	sdelay $0x1  }
0x81: {  	v10 =	vmul.f32 $2.000000030e-01, v9;
	_ =	sdelay $0x1  }
0x82: {  	v9 =	vmax.f32 v9, v10  }
0x83: {  	v9 =	vmul.f32 $1.442695020e+00, v9;
	_ =	sdelay $0x1  }
0x84: {  	(erf) = vpow2.f32 v9;
	_ =	sdelay $0x6  }
0x85: {  	v9 =	vadd.s32 $0x42, v7  }
0x86: {  	v10 =	vor.u32 $0xA, v6  }
0x87: {  	v11 =	vpop (erf)  }
0x88: {  	v12 =	vor.u32 $0x1, v8;
	[tilespmem:s12+$0xFFFFFE80] =	vst v11  }
0x89: {  	[tilespmem:s7+$0xFFFFFE80] =	vst v12  }
0x8a: {  	v9 =	vld.idx.msk [tilespmem:v9+s24+$0x0], $0xffff  }
0x8b: {  	v10 =	vld.idx.msk [tilespmem:v10+s25+$0x0], $0xffff;
	_ =	sdelay $0x4  }
0x8c: {  	v9 =	vadd.f32 v10, v9;
	_ =	sdelay $0x1  }
0x8d: {  	v10 =	vmul.f32 $2.000000030e-01, v9;
	_ =	sdelay $0x1  }
0x8e: {  	v9 =	vmax.f32 v9, v10  }
0x8f: {  	v9 =	vmul.f32 $1.442695020e+00, v9;
	_ =	sdelay $0x1  }
0x90: {  	(erf) = vpow2.f32 v9;
	_ =	sdelay $0x6  }
0x91: {  	v9 =	vadd.s32 $0x43, v7  }
0x92: {  	v10 =	vor.u32 $0xB, v6  }
0x93: {  	v11 =	vpop (erf)  }
0x94: {  	v60 =	vor.u32 $0x2, v8;
	[tilespmem:s12+$0xFFFFFF00] =	vst v11  }
0x95: {  	[tilespmem:s7+$0xFFFFFF00] =	vst v60  }
0x96: {  	v9 =	vld.idx.msk [tilespmem:v9+s24+$0x0], $0xffff  }
0x97: {  	v10 =	vld.idx.msk [tilespmem:v10+s25+$0x0], $0xffff;
	_ =	sdelay $0x4  }
0x98: {  	v9 =	vadd.f32 v10, v9;
	_ =	sdelay $0x1  }
0x99: {  	v10 =	vmul.f32 $2.000000030e-01, v9;
	_ =	sdelay $0x1  }
0x9a: {  	v9 =	vmax.f32 v9, v10  }
0x9b: {  	v9 =	vmul.f32 $1.442695020e+00, v9;
	_ =	sdelay $0x1  }
0x9c: {  	(erf) = vpow2.f32 v9;
	_ =	sdelay $0x6  }
0x9d: {  	v9 =	vadd.s32 $0x44, v7  }
0x9e: {  	v10 =	vor.u32 $0xC, v6  }
0x9f: {  	v11 =	vpop (erf)  }
0xa0: {  	v61 =	vor.u32 $0x3, v8;
	[tilespmem:s12+$0xFFFFFF80] =	vst v11  }
0xa1: {  	[tilespmem:s7+$0xFFFFFF80] =	vst v61  }
0xa2: {  	v9 =	vld.idx.msk [tilespmem:v9+s24+$0x0], $0xffff  }
0xa3: {  	v10 =	vld.idx.msk [tilespmem:v10+s25+$0x0], $0xffff;
	_ =	sdelay $0x4  }
0xa4: {  	v9 =	vadd.f32 v10, v9;
	_ =	sdelay $0x1  }
0xa5: {  	v10 =	vmul.f32 $2.000000030e-01, v9;
	_ =	sdelay $0x1  }
0xa6: {  	v9 =	vmax.f32 v9, v10  }
0xa7: {  	v9 =	vmul.f32 $1.442695020e+00, v9;
	_ =	sdelay $0x1  }
0xa8: {  	(erf) = vpow2.f32 v9;
	_ =	sdelay $0x6  }
0xa9: {  	v9 =	vadd.s32 $0x45, v7  }
0xaa: {  	v10 =	vor.u32 $0xD, v6  }
0xab: {  	v11 =	vpop (erf)  }
0xac: {  	v62 =	vor.u32 $0x4, v8;
	[tilespmem:s12+$0x0] =	vst v11  }
0xad: {  	[tilespmem:s7+$0x0] =	vst v62  }
0xae: {  	v9 =	vld.idx.msk [tilespmem:v9+s24+$0x0], $0xffff  }
0xaf: {  	v10 =	vld.idx.msk [tilespmem:v10+s25+$0x0], $0xffff;
	_ =	sdelay $0x4  }
0xb0: {  	v9 =	vadd.f32 v10, v9;
	_ =	sdelay $0x1  }
0xb1: {  	v10 =	vmul.f32 $2.000000030e-01, v9;
	_ =	sdelay $0x1  }
0xb2: {  	v9 =	vmax.f32 v9, v10  }
0xb3: {  	v9 =	vmul.f32 $1.442695020e+00, v9;
	_ =	sdelay $0x1  }
0xb4: {  	(erf) = vpow2.f32 v9;
	_ =	sdelay $0x6  }
0xb5: {  	v9 =	vadd.s32 $0x46, v7  }
0xb6: {  	v10 =	vor.u32 $0xE, v6  }
0xb7: {  	v11 =	vpop (erf)  }
0xb8: {  	v63 =	vor.u32 $0x5, v8;
	[tilespmem:s12+$0x80] =	vst v11  }
0xb9: {  	[tilespmem:s7+$0x80] =	vst v63  }
0xba: {  	v9 =	vld.idx.msk [tilespmem:v9+s24+$0x0], $0xffff  }
0xbb: {  	v10 =	vld.idx.msk [tilespmem:v10+s25+$0x0], $0xffff;
	_ =	sdelay $0x4  }
0xbc: {  	v9 =	vadd.f32 v10, v9;
	_ =	sdelay $0x1  }
0xbd: {  	v10 =	vmul.f32 $2.000000030e-01, v9;
	_ =	sdelay $0x1  }
0xbe: {  	v9 =	vmax.f32 v9, v10  }
0xbf: {  	v9 =	vmul.f32 $1.442695020e+00, v9;
	_ =	sdelay $0x1  }
0xc0: {  	(erf) = vpow2.f32 v9;
	_ =	sdelay $0x6  }
0xc1: {  	v7 =	vadd.s32 $0x47, v7  }
0xc2: {  	v6 =	vor.u32 $0xF, v6  }
0xc3: {  	v9 =	vpop (erf)  }
0xc4: {  	v10 =	vor.u32 $0x6, v8;
	[tilespmem:s12+$0x100] =	vst v9  }
0xc5: {  	[tilespmem:s7+$0x100] =	vst v10  }
0xc6: {  	v7 =	vld.idx.msk [tilespmem:v7+s24+$0x0], $0xffff  }
0xc7: {  	v6 =	vld.idx.msk [tilespmem:v6+s25+$0x0], $0xffff;
	_ =	sdelay $0x4  }
0xc8: {  	v6 =	vadd.f32 v6, v7;
	_ =	sdelay $0x1  }
0xc9: {  	v7 =	vmul.f32 $2.000000030e-01, v6;
	_ =	sdelay $0x1  }
0xca: {  	v6 =	vmax.f32 v6, v7  }
0xcb: {  	v6 =	vmul.f32 $1.442695020e+00, v6;
	_ =	sdelay $0x1  }
0xcc: {  	(erf) = vpow2.f32 v6  }
0xcd: {  	s19 =	sshll.u32 s15, $0xA;
	s17 =	sshll.u32 s15, $0x1  }
0xce: {  	s4 =	simm.s32 $0x10;
	s11 =	smov.u32 s9;
	s18 =	sshra.s32 s19, $0x2  }
0xcf: {  	s8 =	simm.s32 $0xF200;
	s19 =	sadd.s32 $0x2800, s18;
	s0 =	simm.s32 $0xEA00;
	v8 =	vor.u32 $0x7, v8  }
.LBB2_7:
0xd0: {  	s11 =	sadd.s32 $0x10, s11;
	s7 =	sadd.s32 $0x10, s7;
	s12 =	sadd.s32 $0x10, s12  }
0xd1: {  	v7 =	vor.u32 s4, v0;
	p1 =	sne.s32 s4, $0x70;
	s4 =	sadd.s32 $0x10, s4  }
0xd2: {  	v6 =	vmul.u32 $0x48, v7;
	v7 =	vshll.u32 v7, $0x4  }
0xd3: {  	v9 =	vor.u32 $0x8, v7  }
0xd4: {  	v10 =	vadd.s32 $0x40, v6  }
0xd5: {  	v11 =	vpop (erf)  }
0xd6: {  	[tilespmem:s0+$0x180] =	vst v11;
	s0 =	smov.u32 s12  }
0xd7: {  	[tilespmem:s8+$0x180] =	vst v8;
	s8 =	smov.u32 s7  }
0xd8: {  	v8 =	vld.idx.msk [tilespmem:v9+s25+$0x0], $0xffff  }
0xd9: {  	v9 =	vld.idx.msk [tilespmem:v10+s24+$0x0], $0xffff;
	_ =	sdelay $0x5  }
0xda: {  	v8 =	vadd.f32 v8, v9;
	_ =	sdelay $0x1  }
0xdb: {  	v9 =	vmul.f32 $2.000000030e-01, v8;
	_ =	sdelay $0x1  }
0xdc: {  	v8 =	vmax.f32 v8, v9  }
0xdd: {  	v8 =	vmul.f32 $1.442695020e+00, v8;
	_ =	sdelay $0x1  }
0xde: {  	(erf) = vpow2.f32 v8;
	_ =	sdelay $0x4  }
0xdf: {  	v8 =	vld [tilespmem:s11+$0x0];
	_ =	sdelay $0x1  }
0xe0: {  	v10 =	vor.u32 $0x9, v7;
	v9 =	vadd.s32 $0x41, v6;
	_ =	sdelay $0x1  }
0xe1: {  	v11 =	vpop (erf)  }
0xe2: {  	[tilespmem:s12+$0xFFFFFE00] =	vst v11;
	v8 =	vshll.u32 v8, $0x3  }
0xe3: {  	[tilespmem:s7+$0xFFFFFE00] =	vst v8  }
0xe4: {  	v9 =	vld.idx.msk [tilespmem:v9+s24+$0x0], $0xffff  }
0xe5: {  	v10 =	vld.idx.msk [tilespmem:v10+s25+$0x0], $0xffff;
	_ =	sdelay $0x5  }
0xe6: {  	v9 =	vadd.f32 v10, v9;
	_ =	sdelay $0x1  }
0xe7: {  	v10 =	vmul.f32 $2.000000030e-01, v9;
	_ =	sdelay $0x1  }
0xe8: {  	v9 =	vmax.f32 v9, v10  }
0xe9: {  	v9 =	vmul.f32 $1.442695020e+00, v9;
	_ =	sdelay $0x1  }
0xea: {  	(erf) = vpow2.f32 v9;
	_ =	sdelay $0x6  }
0xeb: {  	v10 =	vor.u32 $0xA, v7;
	v9 =	vadd.s32 $0x42, v6;
	_ =	sdelay $0x1  }
0xec: {  	v11 =	vor.u32 $0x1, v8;
	v12 =	vpop (erf)  }
0xed: {  	[tilespmem:s12+$0xFFFFFE80] =	vst v12  }
0xee: {  	[tilespmem:s7+$0xFFFFFE80] =	vst v11  }
0xef: {  	v9 =	vld.idx.msk [tilespmem:v9+s24+$0x0], $0xffff  }
0xf0: {  	v10 =	vld.idx.msk [tilespmem:v10+s25+$0x0], $0xffff;
	_ =	sdelay $0x5  }
0xf1: {  	v9 =	vadd.f32 v10, v9;
	_ =	sdelay $0x1  }
0xf2: {  	v10 =	vmul.f32 $2.000000030e-01, v9;
	_ =	sdelay $0x1  }
0xf3: {  	v9 =	vmax.f32 v9, v10  }
0xf4: {  	v9 =	vmul.f32 $1.442695020e+00, v9;
	_ =	sdelay $0x1  }
0xf5: {  	(erf) = vpow2.f32 v9;
	_ =	sdelay $0x6  }
0xf6: {  	v10 =	vor.u32 $0xB, v7;
	v9 =	vadd.s32 $0x43, v6  }
0xf7: {  	v11 =	vor.u32 $0x2, v8  }
0xf8: {  	v12 =	vpop (erf)  }
0xf9: {  	[tilespmem:s12+$0xFFFFFF00] =	vst v12  }
0xfa: {  	[tilespmem:s7+$0xFFFFFF00] =	vst v11  }
0xfb: {  	v9 =	vld.idx.msk [tilespmem:v9+s24+$0x0], $0xffff  }
0xfc: {  	v10 =	vld.idx.msk [tilespmem:v10+s25+$0x0], $0xffff;
	_ =	sdelay $0x5  }
0xfd: {  	v9 =	vadd.f32 v10, v9;
	_ =	sdelay $0x1  }
0xfe: {  	v10 =	vmul.f32 $2.000000030e-01, v9;
	_ =	sdelay $0x1  }
0xff: {  	v9 =	vmax.f32 v9, v10  }
0x100: {  	v9 =	vmul.f32 $1.442695020e+00, v9;
	_ =	sdelay $0x1  }
0x101: {  	(erf) = vpow2.f32 v9;
	_ =	sdelay $0x6  }
0x102: {  	v11 =	vor.u32 $0xC, v7;
	v10 =	vadd.s32 $0x44, v6;
	v9 =	vor.u32 $0x3, v8;
	_ =	sdelay $0x1  }
0x103: {  	v12 =	vpop (erf)  }
0x104: {  	[tilespmem:s12+$0xFFFFFF80] =	vst v12  }
0x105: {  	[tilespmem:s7+$0xFFFFFF80] =	vst v9  }
0x106: {  	v9 =	vld.idx.msk [tilespmem:v10+s24+$0x0], $0xffff  }
0x107: {  	v10 =	vld.idx.msk [tilespmem:v11+s25+$0x0], $0xffff;
	_ =	sdelay $0x5  }
0x108: {  	v9 =	vadd.f32 v10, v9;
	_ =	sdelay $0x1  }
0x109: {  	v10 =	vmul.f32 $2.000000030e-01, v9;
	_ =	sdelay $0x1  }
0x10a: {  	v9 =	vmax.f32 v9, v10  }
0x10b: {  	v9 =	vmul.f32 $1.442695020e+00, v9;
	_ =	sdelay $0x1  }
0x10c: {  	(erf) = vpow2.f32 v9;
	_ =	sdelay $0x5  }
0x10d: {  	v9 =	vor.u32 $0x4, v8  }
0x10e: {  	v11 =	vor.u32 $0xD, v7;
	v10 =	vadd.s32 $0x45, v6;
	_ =	sdelay $0x1  }
0x10f: {  	v12 =	vpop (erf)  }
0x110: {  	[tilespmem:s12+$0x0] =	vst v12  }
0x111: {  	[tilespmem:s7+$0x0] =	vst v9  }
0x112: {  	v9 =	vld.idx.msk [tilespmem:v10+s24+$0x0], $0xffff  }
0x113: {  	v10 =	vld.idx.msk [tilespmem:v11+s25+$0x0], $0xffff;
	_ =	sdelay $0x5  }
0x114: {  	v9 =	vadd.f32 v10, v9;
	_ =	sdelay $0x1  }
0x115: {  	v10 =	vmul.f32 $2.000000030e-01, v9;
	_ =	sdelay $0x1  }
0x116: {  	v9 =	vmax.f32 v9, v10  }
0x117: {  	v9 =	vmul.f32 $1.442695020e+00, v9;
	_ =	sdelay $0x1  }
0x118: {  	(erf) = vpow2.f32 v9;
	_ =	sdelay $0x4  }
0x119: {  	v9 =	vor.u32 $0x5, v8;
	_ =	sdelay $0x1  }
0x11a: {  	v11 =	vor.u32 $0xE, v7;
	v10 =	vadd.s32 $0x46, v6;
	_ =	sdelay $0x1  }
0x11b: {  	v12 =	vpop (erf)  }
0x11c: {  	[tilespmem:s12+$0x80] =	vst v12  }
0x11d: {  	[tilespmem:s7+$0x80] =	vst v9  }
0x11e: {  	v9 =	vld.idx.msk [tilespmem:v10+s24+$0x0], $0xffff  }
0x11f: {  	v10 =	vld.idx.msk [tilespmem:v11+s25+$0x0], $0xffff;
	_ =	sdelay $0x5  }
0x120: {  	v9 =	vadd.f32 v10, v9;
	_ =	sdelay $0x1  }
0x121: {  	v10 =	vmul.f32 $2.000000030e-01, v9;
	_ =	sdelay $0x1  }
0x122: {  	v9 =	vmax.f32 v9, v10  }
0x123: {  	v9 =	vmul.f32 $1.442695020e+00, v9;
	_ =	sdelay $0x1  }
0x124: {  	(erf) = vpow2.f32 v9;
	_ =	sdelay $0x3  }
0x125: {  	v9 =	vor.u32 $0x6, v8;
	_ =	sdelay $0x2  }
0x126: {  	v7 =	vor.u32 $0xF, v7;
	v6 =	vadd.s32 $0x47, v6;
	_ =	sdelay $0x1  }
0x127: {  	v10 =	vpop (erf)  }
0x128: {  	[tilespmem:s12+$0x100] =	vst v10  }
0x129: {  	[tilespmem:s7+$0x100] =	vst v9  }
0x12a: {  	v6 =	vld.idx.msk [tilespmem:v6+s24+$0x0], $0xffff  }
0x12b: {  	v7 =	vld.idx.msk [tilespmem:v7+s25+$0x0], $0xffff;
	_ =	sdelay $0x5  }
0x12c: {  	v6 =	vadd.f32 v7, v6;
	_ =	sdelay $0x1  }
0x12d: {  	v7 =	vmul.f32 $2.000000030e-01, v6;
	_ =	sdelay $0x1  }
0x12e: {  	v6 =	vmax.f32 v6, v7  }
0x12f: {  	v6 =	vmul.f32 $1.442695020e+00, v6  }
.Ltmp2:
0x130: {  	(pc) =	sbr.rel @p1 .LBB2_7-.Ltmp2, $2  }
0x131: {  	(erf) = vpow2.f32 v6;
	_ =	sdelay $0x2  }
0x132: {  	v8 =	vor.u32 $0x7, v8  }
0x133: {  	_ =	sdelay $0x1  }
0x134: {  	s7 =	simm.s32 $0x0  }
0x135: {  	v6 =	vor.u32 s7, v1;
	_ =	sdelay $0x1  }
0x136: {  	v7 =	vpop (erf)  }
0x137: {  	[tilespmem:s0+$0x180] =	vst v7  }
0x138: {  	[tilespmem:s8+$0x180] =	vst v8  }
0x139: {  	s4 =	simm.s32 $0x5020;
	v6 =	vld.idx.msk [tilespmem:v6+s31+$0x0], $0xffff  }
0x13a: {  	v7 =	vld [tilespmem:s4+$0xFFFFFFE0];
	_ =	sdelay $0x2  }
0x13b: {  	v8 =	vor.u32 s7, v3;
	_ =	sdelay $0x1  }
0x13c: {  	v6 =	vmul.f32 v6, v7  }
0x13d: {  	s0 =	simm.s32 $0xA820  }
0x13e: {  	[tilespmem:s0+$0xFFFFFFE0] =	vst v6  }
0x13f: {  	v6 =	vld.idx.msk [tilespmem:v8+s31+$0x0], $0xffff  }
0x140: {  	v7 =	vld [tilespmem:s4+$0xFFFFFFF0];
	_ =	sdelay $0x2  }
0x141: {  	v8 =	vor.u32 s7, v4;
	_ =	sdelay $0x1  }
0x142: {  	v6 =	vmul.f32 v6, v7;
	_ =	sdelay $0x1  }
0x143: {  	[tilespmem:s0+$0xFFFFFFF0] =	vst v6  }
0x144: {  	v6 =	vld.idx.msk [tilespmem:v8+s31+$0x0], $0xffff  }
0x145: {  	v7 =	vld [tilespmem:s4+$0x0];
	_ =	sdelay $0x2  }
0x146: {  	v8 =	vor.u32 s7, v5;
	_ =	sdelay $0x1  }
0x147: {  	v6 =	vmul.f32 v6, v7;
	_ =	sdelay $0x1  }
0x148: {  	[tilespmem:s0+$0x0] =	vst v6  }
0x149: {  	v7 =	vld.idx.msk [tilespmem:v8+s31+$0x0], $0xffff  }
0x14a: {  	v8 =	vld [tilespmem:s4+$0x10];
	_ =	sdelay $0x1  }
0x14b: {  	s7 =	simm.s32 $0x1  }
0x14c: {  	v6 =	vor.u32 s7, v1;
	_ =	sdelay $0x1  }
0x14d: {  	s8 =	simm.s32 $0x2;
	v7 =	vmul.f32 v7, v8  }
.LBB2_9:
0x14e: {  	s4 =	sadd.s32 $0x48, s4  }
0x14f: {  	s11 =	smov.u32 s8;
	s12 =	sadd.s32 $0x1, s8;
	[tilespmem:s0+$0x10] =	vst v7;
	s0 =	sadd.s32 $0x40, s0  }
0x150: {  	p1 =	sne.s32 s8, $0x7F;
	v6 =	vld.idx.msk [tilespmem:v6+s31+$0x0], $0xffff  }
0x151: {  	v7 =	vld [tilespmem:s4+$0xFFFFFFE0];
	_ =	sdelay $0x2  }
0x152: {  	v8 =	vor.u32 s7, v3;
	_ =	sdelay $0x1  }
0x153: {  	v6 =	vmul.f32 v6, v7;
	_ =	sdelay $0x1  }
0x154: {  	[tilespmem:s0+$0xFFFFFFE0] =	vst v6  }
0x155: {  	v6 =	vld.idx.msk [tilespmem:v8+s31+$0x0], $0xffff  }
0x156: {  	v7 =	vld [tilespmem:s4+$0xFFFFFFF0];
	_ =	sdelay $0x2  }
0x157: {  	v8 =	vor.u32 s7, v4;
	_ =	sdelay $0x1  }
0x158: {  	v6 =	vmul.f32 v6, v7;
	_ =	sdelay $0x1  }
0x159: {  	[tilespmem:s0+$0xFFFFFFF0] =	vst v6  }
0x15a: {  	v6 =	vld.idx.msk [tilespmem:v8+s31+$0x0], $0xffff  }
0x15b: {  	v7 =	vld [tilespmem:s4+$0x0];
	_ =	sdelay $0x2  }
0x15c: {  	v8 =	vor.u32 s7, v5;
	s7 =	smov.u32 s11;
	_ =	sdelay $0x1  }
0x15d: {  	v6 =	vmul.f32 v6, v7;
	_ =	sdelay $0x1  }
0x15e: {  	[tilespmem:s0+$0x0] =	vst v6  }
0x15f: {  	v7 =	vld.idx.msk [tilespmem:v8+s31+$0x0], $0xffff  }
0x160: {  	v8 =	vld [tilespmem:s4+$0x10]  }
.Ltmp3:
0x161: {  	(pc) =	sbr.rel @p1 .LBB2_9-.Ltmp3, $3  }
0x162: {  	_ = 	snop  }
0x163: {  	v6 =	vor.u32 s7, v1;
	_ =	sdelay $0x1  }
0x164: {  	s8 =	smov.u32 s12;
	v7 =	vmul.f32 v7, v8  }
0x165: {  	_ =	sdelay $0x2  }
0x166: {  	[tilespmem:s0+$0x10] =	vst v7  }
0x167: {  	s4 =	sadd.s32 $0x48, s4;
	v6 =	vld.idx.msk [tilespmem:v6+s31+$0x0], $0xffff  }
0x168: {  	v7 =	vld [tilespmem:s4+$0xFFFFFFE0];
	_ =	sdelay $0x2  }
0x169: {  	v8 =	vor.u32 s7, v3;
	_ =	sdelay $0x1  }
0x16a: {  	v6 =	vmul.f32 v6, v7  }
0x16b: {  	s8 =	sadd.s32 $0x40, s0  }
0x16c: {  	[tilespmem:s8+$0xFFFFFFE0] =	vst v6  }
0x16d: {  	v6 =	vld.idx.msk [tilespmem:v8+s31+$0x0], $0xffff  }
0x16e: {  	v7 =	vld [tilespmem:s4+$0xFFFFFFF0];
	_ =	sdelay $0x2  }
0x16f: {  	v8 =	vor.u32 s7, v4;
	_ =	sdelay $0x1  }
0x170: {  	v6 =	vmul.f32 v6, v7;
	_ =	sdelay $0x1  }
0x171: {  	[tilespmem:s8+$0xFFFFFFF0] =	vst v6  }
0x172: {  	v6 =	vld.idx.msk [tilespmem:v8+s31+$0x0], $0xffff  }
0x173: {  	v7 =	vld [tilespmem:s4+$0x0];
	_ =	sdelay $0x2  }
0x174: {  	v8 =	vor.u32 s7, v5;
	_ =	sdelay $0x1  }
0x175: {  	v6 =	vmul.f32 v6, v7;
	_ =	sdelay $0x1  }
0x176: {  	[tilespmem:s8+$0x0] =	vst v6  }
0x177: {  	v6 =	vld.idx.msk [tilespmem:v8+s31+$0x0], $0xffff  }
0x178: {  	v7 =	vld [tilespmem:s4+$0x10];
	_ =	sdelay $0x4  }
0x179: {  	v6 =	vmul.f32 v6, v7;
	_ =	sdelay $0x1  }
0x17a: {  	[tilespmem:s8+$0x10] =	vst v6  }
0x17b: {  	[spmem:s2] =	stream.indirect.scatter.add.f32 [tilespmem:s20], [sflag:$0x5], $0x40, s19, s23, $0xb8;
	[tilespmem:$0x1BB60] =	vst v63  }
0x17c: {  	s11 =	simm.s32 $0xF000  }
0x17d: {  	[spmem:s3] =	stream.indirect.scatter.add.f32 [tilespmem:s31], [sflag:$0x5], $0x1, s11, s23, $0xb8;
	[tilespmem:$0x1BB60] =	vst v63  }
0x17e: {  	s12 =	simm.s32 $0xF080;
	s19 =	simm.s32 $0xE880  }
0x17f: {  	[spmem:s3] =	stream.indirect.scatter.add.f32 [tilespmem:s19], [sflag:$0x5], $0x1, s12, s23, $0xb8;
	[tilespmem:$0x1BB60] =	vst v63  }
0x180: {  	s7 =	simm.s32 $0xE900;
	s4 =	simm.s32 $0xF100  }
0x181: {  	[spmem:s3] =	stream.indirect.scatter.add.f32 [tilespmem:s7], [sflag:$0x5], $0x1, s4, s23, $0xb8;
	[tilespmem:$0x1BB60] =	vst v63  }
0x182: {  	s8 =	simm.s32 $0xF180;
	s11 =	simm.s32 $0xE980  }
0x183: {  	[spmem:s3] =	stream.indirect.scatter.add.f32 [tilespmem:s11], [sflag:$0x5], $0x1, s8, s23, $0xb8;
	[tilespmem:$0x1BB60] =	vst v63  }
0x184: {  	s12 =	simm.s32 $0xF200;
	s19 =	simm.s32 $0xEA00  }
0x185: {  	[spmem:s3] =	stream.indirect.scatter.add.f32 [tilespmem:s19], [sflag:$0x5], $0x1, s12, s23, $0xb8;
	[tilespmem:$0x1BB60] =	vst v63  }
0x186: {  	s4 =	simm.s32 $0xF280;
	s7 =	simm.s32 $0xEA80  }
0x187: {  	[spmem:s3] =	stream.indirect.scatter.add.f32 [tilespmem:s7], [sflag:$0x5], $0x1, s4, s23, $0xb8;
	[tilespmem:$0x1BB60] =	vst v63  }
0x188: {  	s0 =	sadd.s32 $0x2, s17;
	s8 =	simm.s32 $0xF300;
	s11 =	simm.s32 $0xEB00  }
0x189: {  	[spmem:s3] =	stream.indirect.scatter.add.f32 [tilespmem:s11], [sflag:$0x5], $0x1, s8, s23, $0xb8;
	[tilespmem:$0x1BB60] =	vst v63  }
0x18a: {  	p1 =	sge.u32 s0, s13;
	s12 =	simm.s32 $0xF380;
	s19 =	simm.s32 $0xEB80  }
0x18b: {  	[spmem:s3] =	stream.indirect.scatter.add.f32 [tilespmem:s19], [sflag:$0x5], $0x1, s12, s23, $0xb8;
	[tilespmem:$0x1BB60] =	vst v63  }
0x18c: {  	s0 =	sshll.u32 @!p1 s0, $0x7;
	s4 =	simm.s32 @!p1 $0x80;
	s7 =	simm.s32 @!p1 $0x5000  }
0x18d: {  	[tilespmem:s7], [sflag:$0x1] =	stream.indirect.gather @!p1 [hbm4b:s5+s4], $0x48, s0, s4, $0xb8;
	[tilespmem:$0x1BB60] =	vst v63  }
0x18e: {  	s0 =	sadd.s32 @!p1 $0x2800, s0;
	s7 =	simm.s32 @!p1 $0x9800  }
0x18f: {  	[tilespmem:s7], [sflag:$0x2] =	stream.indirect.gather @!p1 [hbm4b:s6+s4], $0x10, s0, s4, $0xb8;
	[tilespmem:$0x1BB60] =	vst v63  }
0x190: {  	s0 =	simm.s32 @!p0 $0x6  }
0x191: {  	_ =	swait.ge @!p0 [sflag:s0], $0x2000  }
0x192: {  	[sflag:s0] =	ssyncset.done @!p0 $0x0  }
0x193: {  	[sflag:s0] =	ssyncadd.s32 @!p0 $0xFFFFE000  }
0x194: {  	_ =	swait.ge @!p0 [sflag:s0], $0x80  }
0x195: {  	[sflag:s0] =	ssyncset.done @!p0 $0x0  }
0x196: {  	[sflag:s0] =	ssyncadd.s32 @!p0 $0xFFFFFF80  }
0x197: {  	_ =	swait.ge @!p0 [sflag:s0], $0x80  }
0x198: {  	[sflag:s0] =	ssyncset.done @!p0 $0x0  }
0x199: {  	[sflag:s0] =	ssyncadd.s32 @!p0 $0xFFFFFF80  }
0x19a: {  	_ =	swait.ge @!p0 [sflag:s0], $0x80  }
0x19b: {  	[sflag:s0] =	ssyncset.done @!p0 $0x0  }
0x19c: {  	[sflag:s0] =	ssyncadd.s32 @!p0 $0xFFFFFF80  }
0x19d: {  	_ =	swait.ge @!p0 [sflag:s0], $0x80  }
0x19e: {  	[sflag:s0] =	ssyncset.done @!p0 $0x0  }
0x19f: {  	[sflag:s0] =	ssyncadd.s32 @!p0 $0xFFFFFF80  }
0x1a0: {  	_ =	swait.ge @!p0 [sflag:s0], $0x80  }
0x1a1: {  	[sflag:s0] =	ssyncset.done @!p0 $0x0  }
0x1a2: {  	[sflag:s0] =	ssyncadd.s32 @!p0 $0xFFFFFF80  }
0x1a3: {  	_ =	swait.ge @!p0 [sflag:s0], $0x80  }
0x1a4: {  	[sflag:s0] =	ssyncset.done @!p0 $0x0  }
0x1a5: {  	[sflag:s0] =	ssyncadd.s32 @!p0 $0xFFFFFF80  }
0x1a6: {  	_ =	swait.ge @!p0 [sflag:s0], $0x80  }
0x1a7: {  	[sflag:s0] =	ssyncset.done @!p0 $0x0  }
0x1a8: {  	[sflag:s0] =	ssyncadd.s32 @!p0 $0xFFFFFF80  }
0x1a9: {  	_ =	swait.ge @!p0 [sflag:s0], $0x80  }
0x1aa: {  	s19 =	simm.s32 $0x0;
	[sflag:s0] =	ssyncset.done @!p0 $0x0  }
0x1ab: {  	v6 =	vor.u32 s19, v0;
	[sflag:s0] =	ssyncadd.s32 @!p0 $0xFFFFFF80  }
0x1ac: {  	v7 =	vmul.u32 $0x48, v6;
	v6 =	vshll.u32 v6, $0x4;
	_ =	swait.ge [sflag:s21], $0x2400  }
0x1ad: {  	v8 =	vor.u32 $0x8, v6;
	[sflag:s21] =	ssyncset.done $0x0  }
0x1ae: {  	v9 =	vadd.s32 $0x40, v7;
	[sflag:s21] =	ssyncadd.s32 $0xFFFFDC00  }
0x1af: {  	_ =	swait.ge [sflag:s1], $0x800  }
0x1b0: {  	[sflag:s1] =	ssyncset.done $0x0  }
0x1b1: {  	[sflag:s1] =	ssyncadd.s32 $0xFFFFF800  }
0x1b2: {  	v8 =	vld.idx.msk [tilespmem:v8+s28+$0x0], $0xffff  }
0x1b3: {  	v9 =	vld.idx.msk [tilespmem:v9+s26+$0x0], $0xffff;
	_ =	sdelay $0x4  }
0x1b4: {  	v8 =	vadd.f32 v8, v9;
	_ =	sdelay $0x1  }
0x1b5: {  	v9 =	vmul.f32 $2.000000030e-01, v8;
	_ =	sdelay $0x1  }
0x1b6: {  	v8 =	vmax.f32 v8, v9  }
0x1b7: {  	v8 =	vmul.f32 $1.442695020e+00, v8;
	_ =	sdelay $0x1  }
0x1b8: {  	(erf) = vpow2.f32 v8;
	_ =	sdelay $0x4  }
0x1b9: {  	v8 =	vld [tilespmem:s14+$0x0];
	_ =	sdelay $0x1  }
0x1ba: {  	v9 =	vadd.s32 $0x41, v7  }
0x1bb: {  	v10 =	vor.u32 $0x9, v6  }
0x1bc: {  	s7 =	simm.s32 $0xEE00;
	v11 =	vpop (erf)  }
0x1bd: {  	s12 =	simm.s32 $0xF600;
	v8 =	vshll.u32 v8, $0x3;
	[tilespmem:s7+$0xFFFFFE00] =	vst v11  }
0x1be: {  	[tilespmem:s12+$0xFFFFFE00] =	vst v8  }
0x1bf: {  	v9 =	vld.idx.msk [tilespmem:v9+s26+$0x0], $0xffff  }
0x1c0: {  	v10 =	vld.idx.msk [tilespmem:v10+s28+$0x0], $0xffff;
	_ =	sdelay $0x4  }
0x1c1: {  	v9 =	vadd.f32 v10, v9;
	_ =	sdelay $0x1  }
0x1c2: {  	v10 =	vmul.f32 $2.000000030e-01, v9;
	_ =	sdelay $0x1  }
0x1c3: {  	v9 =	vmax.f32 v9, v10  }
0x1c4: {  	v9 =	vmul.f32 $1.442695020e+00, v9;
	_ =	sdelay $0x1  }
0x1c5: {  	(erf) = vpow2.f32 v9;
	_ =	sdelay $0x6  }
0x1c6: {  	v9 =	vadd.s32 $0x42, v7  }
0x1c7: {  	v10 =	vor.u32 $0xA, v6  }
0x1c8: {  	v11 =	vpop (erf)  }
0x1c9: {  	v12 =	vor.u32 $0x1, v8;
	[tilespmem:s7+$0xFFFFFE80] =	vst v11  }
0x1ca: {  	[tilespmem:s12+$0xFFFFFE80] =	vst v12  }
0x1cb: {  	v9 =	vld.idx.msk [tilespmem:v9+s26+$0x0], $0xffff  }
0x1cc: {  	v10 =	vld.idx.msk [tilespmem:v10+s28+$0x0], $0xffff;
	_ =	sdelay $0x4  }
0x1cd: {  	v9 =	vadd.f32 v10, v9;
	_ =	sdelay $0x1  }
0x1ce: {  	v10 =	vmul.f32 $2.000000030e-01, v9;
	_ =	sdelay $0x1  }
0x1cf: {  	v9 =	vmax.f32 v9, v10  }
0x1d0: {  	v9 =	vmul.f32 $1.442695020e+00, v9;
	_ =	sdelay $0x1  }
0x1d1: {  	(erf) = vpow2.f32 v9;
	_ =	sdelay $0x6  }
0x1d2: {  	v9 =	vadd.s32 $0x43, v7  }
0x1d3: {  	v10 =	vor.u32 $0xB, v6  }
0x1d4: {  	v11 =	vpop (erf)  }
0x1d5: {  	v60 =	vor.u32 $0x2, v8;
	[tilespmem:s7+$0xFFFFFF00] =	vst v11  }
0x1d6: {  	[tilespmem:s12+$0xFFFFFF00] =	vst v60  }
0x1d7: {  	v9 =	vld.idx.msk [tilespmem:v9+s26+$0x0], $0xffff  }
0x1d8: {  	v10 =	vld.idx.msk [tilespmem:v10+s28+$0x0], $0xffff;
	_ =	sdelay $0x4  }
0x1d9: {  	v9 =	vadd.f32 v10, v9;
	_ =	sdelay $0x1  }
0x1da: {  	v10 =	vmul.f32 $2.000000030e-01, v9;
	_ =	sdelay $0x1  }
0x1db: {  	v9 =	vmax.f32 v9, v10  }
0x1dc: {  	v9 =	vmul.f32 $1.442695020e+00, v9;
	_ =	sdelay $0x1  }
0x1dd: {  	(erf) = vpow2.f32 v9;
	_ =	sdelay $0x6  }
0x1de: {  	v9 =	vadd.s32 $0x44, v7  }
0x1df: {  	v10 =	vor.u32 $0xC, v6  }
0x1e0: {  	v11 =	vpop (erf)  }
0x1e1: {  	v61 =	vor.u32 $0x3, v8;
	[tilespmem:s7+$0xFFFFFF80] =	vst v11  }
0x1e2: {  	[tilespmem:s12+$0xFFFFFF80] =	vst v61  }
0x1e3: {  	v9 =	vld.idx.msk [tilespmem:v9+s26+$0x0], $0xffff  }
0x1e4: {  	v10 =	vld.idx.msk [tilespmem:v10+s28+$0x0], $0xffff;
	_ =	sdelay $0x4  }
0x1e5: {  	v9 =	vadd.f32 v10, v9;
	_ =	sdelay $0x1  }
0x1e6: {  	v10 =	vmul.f32 $2.000000030e-01, v9;
	_ =	sdelay $0x1  }
0x1e7: {  	v9 =	vmax.f32 v9, v10  }
0x1e8: {  	v9 =	vmul.f32 $1.442695020e+00, v9;
	_ =	sdelay $0x1  }
0x1e9: {  	(erf) = vpow2.f32 v9;
	_ =	sdelay $0x6  }
0x1ea: {  	v9 =	vadd.s32 $0x45, v7  }
0x1eb: {  	v10 =	vor.u32 $0xD, v6  }
0x1ec: {  	v11 =	vpop (erf)  }
0x1ed: {  	v62 =	vor.u32 $0x4, v8;
	[tilespmem:s7+$0x0] =	vst v11  }
0x1ee: {  	[tilespmem:s12+$0x0] =	vst v62  }
0x1ef: {  	v9 =	vld.idx.msk [tilespmem:v9+s26+$0x0], $0xffff  }
0x1f0: {  	v10 =	vld.idx.msk [tilespmem:v10+s28+$0x0], $0xffff;
	_ =	sdelay $0x4  }
0x1f1: {  	v9 =	vadd.f32 v10, v9;
	_ =	sdelay $0x1  }
0x1f2: {  	v10 =	vmul.f32 $2.000000030e-01, v9;
	_ =	sdelay $0x1  }
0x1f3: {  	v9 =	vmax.f32 v9, v10  }
0x1f4: {  	v9 =	vmul.f32 $1.442695020e+00, v9;
	_ =	sdelay $0x1  }
0x1f5: {  	(erf) = vpow2.f32 v9;
	_ =	sdelay $0x6  }
0x1f6: {  	v9 =	vadd.s32 $0x46, v7  }
0x1f7: {  	v10 =	vor.u32 $0xE, v6  }
0x1f8: {  	v11 =	vpop (erf)  }
0x1f9: {  	v63 =	vor.u32 $0x5, v8;
	[tilespmem:s7+$0x80] =	vst v11  }
0x1fa: {  	[tilespmem:s12+$0x80] =	vst v63  }
0x1fb: {  	v9 =	vld.idx.msk [tilespmem:v9+s26+$0x0], $0xffff  }
0x1fc: {  	v10 =	vld.idx.msk [tilespmem:v10+s28+$0x0], $0xffff;
	_ =	sdelay $0x4  }
0x1fd: {  	v9 =	vadd.f32 v10, v9;
	_ =	sdelay $0x1  }
0x1fe: {  	v10 =	vmul.f32 $2.000000030e-01, v9;
	_ =	sdelay $0x1  }
0x1ff: {  	v9 =	vmax.f32 v9, v10  }
0x200: {  	v9 =	vmul.f32 $1.442695020e+00, v9;
	_ =	sdelay $0x1  }
0x201: {  	(erf) = vpow2.f32 v9;
	_ =	sdelay $0x6  }
0x202: {  	v7 =	vadd.s32 $0x47, v7  }
0x203: {  	v6 =	vor.u32 $0xF, v6  }
0x204: {  	v9 =	vpop (erf)  }
0x205: {  	v10 =	vor.u32 $0x6, v8;
	[tilespmem:s7+$0x100] =	vst v9  }
0x206: {  	[tilespmem:s12+$0x100] =	vst v10  }
0x207: {  	v7 =	vld.idx.msk [tilespmem:v7+s26+$0x0], $0xffff  }
0x208: {  	v6 =	vld.idx.msk [tilespmem:v6+s28+$0x0], $0xffff;
	_ =	sdelay $0x4  }
0x209: {  	v6 =	vadd.f32 v6, v7;
	_ =	sdelay $0x1  }
0x20a: {  	v7 =	vmul.f32 $2.000000030e-01, v6;
	_ =	sdelay $0x1  }
0x20b: {  	v6 =	vmax.f32 v6, v7  }
0x20c: {  	v6 =	vmul.f32 $1.442695020e+00, v6;
	_ =	sdelay $0x1  }
0x20d: {  	(erf) = vpow2.f32 v6;
	_ =	sdelay $0x1  }
0x20e: {  	s18 =	sadd.s32 $0x2880, s18;
	s11 =	smov.u32 s14  }
0x20f: {  	s8 =	simm.s32 $0xF600;
	s4 =	simm.s32 $0x10;
	s0 =	simm.s32 $0xEE00;
	v8 =	vor.u32 $0x7, v8  }
.LBB2_11:
0x210: {  	s11 =	sadd.s32 $0x10, s11;
	s12 =	sadd.s32 $0x10, s12;
	s7 =	sadd.s32 $0x10, s7  }
0x211: {  	v7 =	vor.u32 s4, v0;
	p0 =	sne.s32 s4, $0x70;
	s4 =	sadd.s32 $0x10, s4  }
0x212: {  	v6 =	vmul.u32 $0x48, v7;
	v7 =	vshll.u32 v7, $0x4  }
0x213: {  	v9 =	vor.u32 $0x8, v7  }
0x214: {  	v10 =	vadd.s32 $0x40, v6  }
0x215: {  	v11 =	vpop (erf)  }
0x216: {  	[tilespmem:s0+$0x180] =	vst v11;
	s0 =	smov.u32 s7  }
0x217: {  	[tilespmem:s8+$0x180] =	vst v8;
	s8 =	smov.u32 s12  }
0x218: {  	v8 =	vld.idx.msk [tilespmem:v9+s28+$0x0], $0xffff  }
0x219: {  	v9 =	vld.idx.msk [tilespmem:v10+s26+$0x0], $0xffff;
	_ =	sdelay $0x5  }
0x21a: {  	v8 =	vadd.f32 v8, v9;
	_ =	sdelay $0x1  }
0x21b: {  	v9 =	vmul.f32 $2.000000030e-01, v8;
	_ =	sdelay $0x1  }
0x21c: {  	v8 =	vmax.f32 v8, v9  }
0x21d: {  	v8 =	vmul.f32 $1.442695020e+00, v8;
	_ =	sdelay $0x1  }
0x21e: {  	(erf) = vpow2.f32 v8;
	_ =	sdelay $0x4  }
0x21f: {  	v8 =	vld [tilespmem:s11+$0x0];
	_ =	sdelay $0x1  }
0x220: {  	v10 =	vor.u32 $0x9, v7;
	v9 =	vadd.s32 $0x41, v6;
	_ =	sdelay $0x1  }
0x221: {  	v11 =	vpop (erf)  }
0x222: {  	[tilespmem:s7+$0xFFFFFE00] =	vst v11;
	v8 =	vshll.u32 v8, $0x3  }
0x223: {  	[tilespmem:s12+$0xFFFFFE00] =	vst v8  }
0x224: {  	v9 =	vld.idx.msk [tilespmem:v9+s26+$0x0], $0xffff  }
0x225: {  	v10 =	vld.idx.msk [tilespmem:v10+s28+$0x0], $0xffff;
	_ =	sdelay $0x5  }
0x226: {  	v9 =	vadd.f32 v10, v9;
	_ =	sdelay $0x1  }
0x227: {  	v10 =	vmul.f32 $2.000000030e-01, v9;
	_ =	sdelay $0x1  }
0x228: {  	v9 =	vmax.f32 v9, v10  }
0x229: {  	v9 =	vmul.f32 $1.442695020e+00, v9;
	_ =	sdelay $0x1  }
0x22a: {  	(erf) = vpow2.f32 v9;
	_ =	sdelay $0x6  }
0x22b: {  	v10 =	vor.u32 $0xA, v7;
	v9 =	vadd.s32 $0x42, v6;
	_ =	sdelay $0x1  }
0x22c: {  	v11 =	vor.u32 $0x1, v8;
	v12 =	vpop (erf)  }
0x22d: {  	[tilespmem:s7+$0xFFFFFE80] =	vst v12  }
0x22e: {  	[tilespmem:s12+$0xFFFFFE80] =	vst v11  }
0x22f: {  	v9 =	vld.idx.msk [tilespmem:v9+s26+$0x0], $0xffff  }
0x230: {  	v10 =	vld.idx.msk [tilespmem:v10+s28+$0x0], $0xffff;
	_ =	sdelay $0x5  }
0x231: {  	v9 =	vadd.f32 v10, v9;
	_ =	sdelay $0x1  }
0x232: {  	v10 =	vmul.f32 $2.000000030e-01, v9;
	_ =	sdelay $0x1  }
0x233: {  	v9 =	vmax.f32 v9, v10  }
0x234: {  	v9 =	vmul.f32 $1.442695020e+00, v9;
	_ =	sdelay $0x1  }
0x235: {  	(erf) = vpow2.f32 v9;
	_ =	sdelay $0x6  }
0x236: {  	v10 =	vor.u32 $0xB, v7;
	v9 =	vadd.s32 $0x43, v6  }
0x237: {  	v11 =	vor.u32 $0x2, v8  }
0x238: {  	v12 =	vpop (erf)  }
0x239: {  	[tilespmem:s7+$0xFFFFFF00] =	vst v12  }
0x23a: {  	[tilespmem:s12+$0xFFFFFF00] =	vst v11  }
0x23b: {  	v9 =	vld.idx.msk [tilespmem:v9+s26+$0x0], $0xffff  }
0x23c: {  	v10 =	vld.idx.msk [tilespmem:v10+s28+$0x0], $0xffff;
	_ =	sdelay $0x5  }
0x23d: {  	v9 =	vadd.f32 v10, v9;
	_ =	sdelay $0x1  }
0x23e: {  	v10 =	vmul.f32 $2.000000030e-01, v9;
	_ =	sdelay $0x1  }
0x23f: {  	v9 =	vmax.f32 v9, v10  }
0x240: {  	v9 =	vmul.f32 $1.442695020e+00, v9;
	_ =	sdelay $0x1  }
0x241: {  	(erf) = vpow2.f32 v9;
	_ =	sdelay $0x6  }
0x242: {  	v11 =	vor.u32 $0xC, v7;
	v10 =	vadd.s32 $0x44, v6;
	v9 =	vor.u32 $0x3, v8;
	_ =	sdelay $0x1  }
0x243: {  	v12 =	vpop (erf)  }
0x244: {  	[tilespmem:s7+$0xFFFFFF80] =	vst v12  }
0x245: {  	[tilespmem:s12+$0xFFFFFF80] =	vst v9  }
0x246: {  	v9 =	vld.idx.msk [tilespmem:v10+s26+$0x0], $0xffff  }
0x247: {  	v10 =	vld.idx.msk [tilespmem:v11+s28+$0x0], $0xffff;
	_ =	sdelay $0x5  }
0x248: {  	v9 =	vadd.f32 v10, v9;
	_ =	sdelay $0x1  }
0x249: {  	v10 =	vmul.f32 $2.000000030e-01, v9;
	_ =	sdelay $0x1  }
0x24a: {  	v9 =	vmax.f32 v9, v10  }
0x24b: {  	v9 =	vmul.f32 $1.442695020e+00, v9;
	_ =	sdelay $0x1  }
0x24c: {  	(erf) = vpow2.f32 v9;
	_ =	sdelay $0x5  }
0x24d: {  	v9 =	vor.u32 $0x4, v8  }
0x24e: {  	v11 =	vor.u32 $0xD, v7;
	v10 =	vadd.s32 $0x45, v6;
	_ =	sdelay $0x1  }
0x24f: {  	v12 =	vpop (erf)  }
0x250: {  	[tilespmem:s7+$0x0] =	vst v12  }
0x251: {  	[tilespmem:s12+$0x0] =	vst v9  }
0x252: {  	v9 =	vld.idx.msk [tilespmem:v10+s26+$0x0], $0xffff  }
0x253: {  	v10 =	vld.idx.msk [tilespmem:v11+s28+$0x0], $0xffff;
	_ =	sdelay $0x5  }
0x254: {  	v9 =	vadd.f32 v10, v9;
	_ =	sdelay $0x1  }
0x255: {  	v10 =	vmul.f32 $2.000000030e-01, v9;
	_ =	sdelay $0x1  }
0x256: {  	v9 =	vmax.f32 v9, v10  }
0x257: {  	v9 =	vmul.f32 $1.442695020e+00, v9;
	_ =	sdelay $0x1  }
0x258: {  	(erf) = vpow2.f32 v9;
	_ =	sdelay $0x4  }
0x259: {  	v9 =	vor.u32 $0x5, v8;
	_ =	sdelay $0x1  }
0x25a: {  	v11 =	vor.u32 $0xE, v7;
	v10 =	vadd.s32 $0x46, v6;
	_ =	sdelay $0x1  }
0x25b: {  	v12 =	vpop (erf)  }
0x25c: {  	[tilespmem:s7+$0x80] =	vst v12  }
0x25d: {  	[tilespmem:s12+$0x80] =	vst v9  }
0x25e: {  	v9 =	vld.idx.msk [tilespmem:v10+s26+$0x0], $0xffff  }
0x25f: {  	v10 =	vld.idx.msk [tilespmem:v11+s28+$0x0], $0xffff;
	_ =	sdelay $0x5  }
0x260: {  	v9 =	vadd.f32 v10, v9;
	_ =	sdelay $0x1  }
0x261: {  	v10 =	vmul.f32 $2.000000030e-01, v9;
	_ =	sdelay $0x1  }
0x262: {  	v9 =	vmax.f32 v9, v10  }
0x263: {  	v9 =	vmul.f32 $1.442695020e+00, v9;
	_ =	sdelay $0x1  }
0x264: {  	(erf) = vpow2.f32 v9;
	_ =	sdelay $0x3  }
0x265: {  	v9 =	vor.u32 $0x6, v8;
	_ =	sdelay $0x2  }
0x266: {  	v7 =	vor.u32 $0xF, v7;
	v6 =	vadd.s32 $0x47, v6;
	_ =	sdelay $0x1  }
0x267: {  	v10 =	vpop (erf)  }
0x268: {  	[tilespmem:s7+$0x100] =	vst v10  }
0x269: {  	[tilespmem:s12+$0x100] =	vst v9  }
0x26a: {  	v6 =	vld.idx.msk [tilespmem:v6+s26+$0x0], $0xffff  }
0x26b: {  	v7 =	vld.idx.msk [tilespmem:v7+s28+$0x0], $0xffff;
	_ =	sdelay $0x5  }
0x26c: {  	v6 =	vadd.f32 v7, v6;
	_ =	sdelay $0x1  }
0x26d: {  	v7 =	vmul.f32 $2.000000030e-01, v6;
	_ =	sdelay $0x1  }
0x26e: {  	v6 =	vmax.f32 v6, v7  }
0x26f: {  	v6 =	vmul.f32 $1.442695020e+00, v6  }
.Ltmp4:
0x270: {  	(pc) =	sbr.rel @p0 .LBB2_11-.Ltmp4, $2  }
0x271: {  	(erf) = vpow2.f32 v6;
	_ =	sdelay $0x2  }
0x272: {  	v8 =	vor.u32 $0x7, v8  }
0x273: {  	_ =	sdelay $0x2  }
0x274: {  	v6 =	vor.u32 s19, v1;
	_ =	sdelay $0x1  }
0x275: {  	v7 =	vpop (erf)  }
0x276: {  	[tilespmem:s0+$0x180] =	vst v7  }
0x277: {  	[tilespmem:s8+$0x180] =	vst v8  }
0x278: {  	s4 =	simm.s32 $0x7420;
	v6 =	vld.idx.msk [tilespmem:v6+s22+$0x0], $0xffff  }
0x279: {  	v7 =	vld [tilespmem:s4+$0xFFFFFFE0];
	_ =	sdelay $0x2  }
0x27a: {  	v8 =	vor.u32 s19, v3;
	_ =	sdelay $0x1  }
0x27b: {  	v6 =	vmul.f32 v6, v7  }
0x27c: {  	s0 =	simm.s32 $0xC820  }
0x27d: {  	[tilespmem:s0+$0xFFFFFFE0] =	vst v6  }
0x27e: {  	v6 =	vld.idx.msk [tilespmem:v8+s22+$0x0], $0xffff  }
0x27f: {  	v7 =	vld [tilespmem:s4+$0xFFFFFFF0];
	_ =	sdelay $0x2  }
0x280: {  	v8 =	vor.u32 s19, v4;
	_ =	sdelay $0x1  }
0x281: {  	v6 =	vmul.f32 v6, v7;
	_ =	sdelay $0x1  }
0x282: {  	[tilespmem:s0+$0xFFFFFFF0] =	vst v6  }
0x283: {  	v6 =	vld.idx.msk [tilespmem:v8+s22+$0x0], $0xffff  }
0x284: {  	v7 =	vld [tilespmem:s4+$0x0];
	_ =	sdelay $0x2  }
0x285: {  	v8 =	vor.u32 s19, v5;
	_ =	sdelay $0x1  }
0x286: {  	v6 =	vmul.f32 v6, v7;
	_ =	sdelay $0x1  }
0x287: {  	[tilespmem:s0+$0x0] =	vst v6  }
0x288: {  	v7 =	vld.idx.msk [tilespmem:v8+s22+$0x0], $0xffff  }
0x289: {  	v8 =	vld [tilespmem:s4+$0x10];
	_ =	sdelay $0x1  }
0x28a: {  	s7 =	simm.s32 $0x1  }
0x28b: {  	v6 =	vor.u32 s7, v1;
	_ =	sdelay $0x1  }
0x28c: {  	s8 =	simm.s32 $0x2;
	v7 =	vmul.f32 v7, v8  }
.LBB2_13:
0x28d: {  	s4 =	sadd.s32 $0x48, s4  }
0x28e: {  	s11 =	smov.u32 s8;
	s12 =	sadd.s32 $0x1, s8;
	[tilespmem:s0+$0x10] =	vst v7;
	s0 =	sadd.s32 $0x40, s0  }
0x28f: {  	p0 =	sne.s32 s8, $0x7F;
	v6 =	vld.idx.msk [tilespmem:v6+s22+$0x0], $0xffff  }
0x290: {  	v7 =	vld [tilespmem:s4+$0xFFFFFFE0];
	_ =	sdelay $0x2  }
0x291: {  	v8 =	vor.u32 s7, v3;
	_ =	sdelay $0x1  }
0x292: {  	v6 =	vmul.f32 v6, v7;
	_ =	sdelay $0x1  }
0x293: {  	[tilespmem:s0+$0xFFFFFFE0] =	vst v6  }
0x294: {  	v6 =	vld.idx.msk [tilespmem:v8+s22+$0x0], $0xffff  }
0x295: {  	v7 =	vld [tilespmem:s4+$0xFFFFFFF0];
	_ =	sdelay $0x2  }
0x296: {  	v8 =	vor.u32 s7, v4;
	_ =	sdelay $0x1  }
0x297: {  	v6 =	vmul.f32 v6, v7;
	_ =	sdelay $0x1  }
0x298: {  	[tilespmem:s0+$0xFFFFFFF0] =	vst v6  }
0x299: {  	v6 =	vld.idx.msk [tilespmem:v8+s22+$0x0], $0xffff  }
0x29a: {  	v7 =	vld [tilespmem:s4+$0x0];
	_ =	sdelay $0x2  }
0x29b: {  	v8 =	vor.u32 s7, v5;
	s7 =	smov.u32 s11;
	_ =	sdelay $0x1  }
0x29c: {  	v6 =	vmul.f32 v6, v7;
	_ =	sdelay $0x1  }
0x29d: {  	[tilespmem:s0+$0x0] =	vst v6  }
0x29e: {  	v7 =	vld.idx.msk [tilespmem:v8+s22+$0x0], $0xffff  }
0x29f: {  	v8 =	vld [tilespmem:s4+$0x10]  }
.Ltmp5:
0x2a0: {  	(pc) =	sbr.rel @p0 .LBB2_13-.Ltmp5, $3  }
0x2a1: {  	_ = 	snop  }
0x2a2: {  	v6 =	vor.u32 s7, v1;
	_ =	sdelay $0x1  }
0x2a3: {  	s8 =	smov.u32 s12;
	v7 =	vmul.f32 v7, v8  }
0x2a4: {  	_ =	sdelay $0x2  }
0x2a5: {  	[tilespmem:s0+$0x10] =	vst v7  }
0x2a6: {  	s4 =	sadd.s32 $0x48, s4;
	v6 =	vld.idx.msk [tilespmem:v6+s22+$0x0], $0xffff  }
0x2a7: {  	v7 =	vld [tilespmem:s4+$0xFFFFFFE0];
	_ =	sdelay $0x2  }
0x2a8: {  	v8 =	vor.u32 s7, v3;
	_ =	sdelay $0x1  }
0x2a9: {  	v6 =	vmul.f32 v6, v7  }
0x2aa: {  	s8 =	sadd.s32 $0x40, s0  }
0x2ab: {  	[tilespmem:s8+$0xFFFFFFE0] =	vst v6  }
0x2ac: {  	v6 =	vld.idx.msk [tilespmem:v8+s22+$0x0], $0xffff  }
0x2ad: {  	v7 =	vld [tilespmem:s4+$0xFFFFFFF0];
	_ =	sdelay $0x2  }
0x2ae: {  	v62 =	vor.u32 s7, v4;
	_ =	sdelay $0x1  }
0x2af: {  	v6 =	vmul.f32 v6, v7;
	_ =	sdelay $0x1  }
0x2b0: {  	[tilespmem:s8+$0xFFFFFFF0] =	vst v6  }
0x2b1: {  	v6 =	vld.idx.msk [tilespmem:v62+s22+$0x0], $0xffff  }
0x2b2: {  	v7 =	vld [tilespmem:s4+$0x0];
	_ =	sdelay $0x3  }
0x2b3: {  	v63 =	vor.u32 s7, v5  }
0x2b4: {  	v6 =	vmul.f32 v6, v7;
	_ =	sdelay $0x1  }
0x2b5: {  	[tilespmem:s8+$0x0] =	vst v6  }
0x2b6: {  	v6 =	vld [tilespmem:s4+$0x10]  }
0x2b7: {  	v7 =	vld.idx.msk [tilespmem:v63+s22+$0x0], $0xffff;
	_ =	sdelay $0x4  }
0x2b8: {  	v6 =	vmul.f32 v7, v6;
	_ =	sdelay $0x1  }
0x2b9: {  	s11 =	simm.s32 $0xC800;
	[tilespmem:s8+$0x10] =	vst v6  }
0x2ba: {  	[spmem:s2] =	stream.indirect.scatter.add.f32 [tilespmem:s11], [sflag:$0x6], $0x40, s18, s23, $0xb8;
	[tilespmem:$0x1BB60] =	vst v63  }
0x2bb: {  	s12 =	simm.s32 $0xF400  }
0x2bc: {  	[spmem:s3] =	stream.indirect.scatter.add.f32 [tilespmem:s22], [sflag:$0x6], $0x1, s12, s23, $0xb8;
	[tilespmem:$0x1BB60] =	vst v63  }
0x2bd: {  	s19 =	simm.s32 $0xEC80;
	s18 =	simm.s32 $0xF480  }
0x2be: {  	[spmem:s3] =	stream.indirect.scatter.add.f32 [tilespmem:s19], [sflag:$0x6], $0x1, s18, s23, $0xb8;
	[tilespmem:$0x1BB60] =	vst v63  }
0x2bf: {  	s7 =	simm.s32 $0xF500;
	s8 =	simm.s32 $0xED00  }
0x2c0: {  	[spmem:s3] =	stream.indirect.scatter.add.f32 [tilespmem:s8], [sflag:$0x6], $0x1, s7, s23, $0xb8;
	[tilespmem:$0x1BB60] =	vst v63  }
0x2c1: {  	s11 =	simm.s32 $0xF580;
	s12 =	simm.s32 $0xED80  }
0x2c2: {  	[spmem:s3] =	stream.indirect.scatter.add.f32 [tilespmem:s12], [sflag:$0x6], $0x1, s11, s23, $0xb8;
	[tilespmem:$0x1BB60] =	vst v63  }
0x2c3: {  	s18 =	simm.s32 $0xF600;
	s19 =	simm.s32 $0xEE00  }
0x2c4: {  	[spmem:s3] =	stream.indirect.scatter.add.f32 [tilespmem:s19], [sflag:$0x6], $0x1, s18, s23, $0xb8;
	[tilespmem:$0x1BB60] =	vst v63  }
0x2c5: {  	s7 =	simm.s32 $0xF680;
	s8 =	simm.s32 $0xEE80  }
0x2c6: {  	[spmem:s3] =	stream.indirect.scatter.add.f32 [tilespmem:s8], [sflag:$0x6], $0x1, s7, s23, $0xb8;
	[tilespmem:$0x1BB60] =	vst v63  }
0x2c7: {  	s0 =	sadd.s32 $0x3, s17;
	s11 =	simm.s32 $0xF700;
	s12 =	simm.s32 $0xEF00  }
0x2c8: {  	[spmem:s3] =	stream.indirect.scatter.add.f32 [tilespmem:s12], [sflag:$0x6], $0x1, s11, s23, $0xb8;
	[tilespmem:$0x1BB60] =	vst v63  }
0x2c9: {  	p0 =	sge.u32 s0, s13;
	s18 =	simm.s32 $0xF780;
	s19 =	simm.s32 $0xEF80  }
0x2ca: {  	[spmem:s3] =	stream.indirect.scatter.add.f32 [tilespmem:s19], [sflag:$0x6], $0x1, s18, s23, $0xb8;
	[tilespmem:$0x1BB60] =	vst v63  }
0x2cb: {  	s0 =	sshll.u32 @!p0 s0, $0x7;
	s4 =	simm.s32 @!p0 $0x80;
	s7 =	simm.s32 @!p0 $0x7400  }
0x2cc: {  	[tilespmem:s7], [sflag:$0x3] =	stream.indirect.gather @!p0 [hbm4b:s5+s4], $0x48, s0, s4, $0xb8;
	[tilespmem:$0x1BB60] =	vst v63  }
0x2cd: {  	s15 =	sadd.s32 $0x1, s15;
	s0 =	sadd.s32 @!p0 $0x2800, s0;
	s7 =	simm.s32 @!p0 $0xA000  }
0x2ce: {  	[tilespmem:s7], [sflag:$0x4] =	stream.indirect.gather @!p0 [hbm4b:s6+s4], $0x10, s0, s4, $0xb8;
	[tilespmem:$0x1BB60] =	vst v63  }
0x2cf: {  	p0 =	sne.s32 s15, s16  }
.Ltmp6:
0x2d0: {  	_ = 	snop;
	(pc) =	sbr.rel @p0 .LBB2_6-.Ltmp6, $2  }
0x2d1: {  	_ =	sdelay $0x2  }
0x2d2: {  	s9 =	sadd.s32 $0x100, s9;
	s14 =	sadd.s32 $0x100, s14  }
0x2d3: {  	s0 =	simm.s32 $0x5  }
0x2d4: {  	_ =	swait.ge [sflag:s0], $0x2000  }
0x2d5: {  	[sflag:s0] =	ssyncset.done $0x0  }
0x2d6: {  	[sflag:s0] =	ssyncadd.s32 $0xFFFFE000  }
0x2d7: {  	_ =	swait.ge [sflag:s0], $0x80  }
0x2d8: {  	[sflag:s0] =	ssyncset.done $0x0  }
0x2d9: {  	[sflag:s0] =	ssyncadd.s32 $0xFFFFFF80  }
0x2da: {  	_ =	swait.ge [sflag:s0], $0x80  }
0x2db: {  	[sflag:s0] =	ssyncset.done $0x0  }
0x2dc: {  	[sflag:s0] =	ssyncadd.s32 $0xFFFFFF80  }
0x2dd: {  	_ =	swait.ge [sflag:s0], $0x80  }
0x2de: {  	[sflag:s0] =	ssyncset.done $0x0  }
0x2df: {  	[sflag:s0] =	ssyncadd.s32 $0xFFFFFF80  }
0x2e0: {  	_ =	swait.ge [sflag:s0], $0x80  }
0x2e1: {  	[sflag:s0] =	ssyncset.done $0x0  }
0x2e2: {  	[sflag:s0] =	ssyncadd.s32 $0xFFFFFF80  }
0x2e3: {  	_ =	swait.ge [sflag:s0], $0x80  }
0x2e4: {  	[sflag:s0] =	ssyncset.done $0x0  }
0x2e5: {  	[sflag:s0] =	ssyncadd.s32 $0xFFFFFF80  }
0x2e6: {  	_ =	swait.ge [sflag:s0], $0x80  }
0x2e7: {  	[sflag:s0] =	ssyncset.done $0x0  }
0x2e8: {  	[sflag:s0] =	ssyncadd.s32 $0xFFFFFF80  }
0x2e9: {  	_ =	swait.ge [sflag:s0], $0x80  }
0x2ea: {  	[sflag:s0] =	ssyncset.done $0x0  }
0x2eb: {  	[sflag:s0] =	ssyncadd.s32 $0xFFFFFF80  }
0x2ec: {  	_ =	swait.ge [sflag:s0], $0x80  }
0x2ed: {  	[sflag:s0] =	ssyncset.done $0x0  }
0x2ee: {  	s14 =	simm.s32 $0x6;
	[sflag:s0] =	ssyncadd.s32 $0xFFFFFF80  }
0x2ef: {  	_ =	swait.ge [sflag:s14], $0x2000  }
0x2f0: {  	[sflag:s14] =	ssyncset.done $0x0  }
0x2f1: {  	[sflag:s14] =	ssyncadd.s32 $0xFFFFE000  }
0x2f2: {  	_ =	swait.ge [sflag:s14], $0x80  }
0x2f3: {  	[sflag:s14] =	ssyncset.done $0x0  }
0x2f4: {  	[sflag:s14] =	ssyncadd.s32 $0xFFFFFF80  }
0x2f5: {  	_ =	swait.ge [sflag:s14], $0x80  }
0x2f6: {  	[sflag:s14] =	ssyncset.done $0x0  }
0x2f7: {  	[sflag:s14] =	ssyncadd.s32 $0xFFFFFF80  }
0x2f8: {  	_ =	swait.ge [sflag:s14], $0x80  }
0x2f9: {  	[sflag:s14] =	ssyncset.done $0x0  }
0x2fa: {  	[sflag:s14] =	ssyncadd.s32 $0xFFFFFF80  }
0x2fb: {  	_ =	swait.ge [sflag:s14], $0x80  }
0x2fc: {  	[sflag:s14] =	ssyncset.done $0x0  }
0x2fd: {  	[sflag:s14] =	ssyncadd.s32 $0xFFFFFF80  }
0x2fe: {  	_ =	swait.ge [sflag:s14], $0x80  }
0x2ff: {  	[sflag:s14] =	ssyncset.done $0x0  }
0x300: {  	[sflag:s14] =	ssyncadd.s32 $0xFFFFFF80  }
0x301: {  	_ =	swait.ge [sflag:s14], $0x80  }
0x302: {  	[sflag:s14] =	ssyncset.done $0x0  }
0x303: {  	[sflag:s14] =	ssyncadd.s32 $0xFFFFFF80  }
0x304: {  	_ =	swait.ge [sflag:s14], $0x80  }
0x305: {  	[sflag:s14] =	ssyncset.done $0x0  }
0x306: {  	[sflag:s14] =	ssyncadd.s32 $0xFFFFFF80  }
0x307: {  	_ =	swait.ge [sflag:s14], $0x80  }
0x308: {  	[sflag:s14] =	ssyncset.done $0x0  }
0x309: {  	[sflag:s14] =	ssyncadd.s32 $0xFFFFFF80  }
0x30a: {  	s15 =	stileid.u32;
	[bflag:$0x0] =	sbarrier.arrive $0xFFFF  }
0x30b: {  	s8 =	simm.s32 $0x7;
	s0 =	sshll.u32 s15, $0x6;
	s12 =	rddreg [dreg:$0x6]  }
0x30c: {  	s0 =	sor.u32 $0x1C07, s0;
	s7 =	rddreg [dreg:$0xe];
	s4 =	sshrl.u32 s12, $0x3  }
0x30d: {  	[hbm:s7], [sflag:s0] =	dma.local [spmem:s4], $0x1388  }
0x30e: {  	_ =	swait.ge [sflag:s8], $0x1388  }
0x30f: {  	[sflag:s8] =	ssyncset.done $0x0;
	s9 =	rddreg [dreg:$0xb]  }
0x310: {  	s18 =	rddreg [dreg:$0xf];
	[sflag:s8] =	ssyncadd.s32 $0xFFFFEC78;
	s17 =	sshrl.u32 s9, $0x3  }
0x311: {  	[hbm:s18], [sflag:s0] =	dma.local [spmem:s17], $0x271  }
0x312: {  	_ =	swait.ge [sflag:s8], $0x271  }
0x313: {  	s15 =	rddreg [dreg:$0x5]  }
0x314: {  	s19 =	rddreg [dreg:$0x10];
	s15 =	sadd.s32 $0x1, s15  }
0x315: {  	p0 =	sne.s32 s15, s19  }
.Ltmp7:
0x316: {  	_ = 	snop;
	(pc) =	sbr.rel @p0 .LBB2_1-.Ltmp7, $3  }
0x317: {  	_ =	sdelay $0x1  }
0x318: {  	[sflag:s8] =	ssyncset.done $0x0  }
0x319: {  	[sflag:s8] =	ssyncadd.s32 $0xFFFFFD8F  }
0x31a: {  	_ =	sfence.sel $0x180000  }
0x31b: {  	[bflag:$0x0] =	sbarrier.arrive $0xFFFF  }
0x31c: {  	_ =	strace $0x90000047  }
0x31d: {  	s0 =	stileid.u32;
	[bflag:$0x2] =	sbarrier.arrive $0xFFFF  }
0x31e: {  	p0 =	sne.s32 s0, $0x0;
	s0 =	rddreg [dreg:$0x4]  }
0x31f: {  	s0 =	sadd.s32 @!p0 $0x100000, s0  }
0x320: {  	[sflag:s0] =	ssyncadd.tile.s32 @!p0 $0x1;
	_ =	shalt  }
.Lfunc_end2:
_tile_overlayer_lowered:
.L_overlay_start_2:
0x321: {  	(tag) =	ssettag $0x2  }
0x322: {  	s0 =	rddreg [dreg:$0x0];
	s2 =	stileid.u32  }
0x323: {  	s1 =	rddreg [dreg:$0x1];
	p0 =	sne.s32 s2, $0x0  }
0x324: {  	s3 =	rddreg [dreg:$0x2];
	[bflag:$0x3] =	sbarrier.arrive $0xFFFF;
	s2 =	simm.s32 @!p0 $0x1C07  }
0x325: {  	[timem:s3], [sflag:s2] =	dma.local @!p0 [hbm:s0], s1  }
0x326: {  	s0 =	simm.s32 @!p0 $0x7  }
0x327: {  	_ =	swait.ge @!p0 [sflag:s0], s1  }
0x328: {  	s1 =	ssub.s32 @!p0 $0x0, s1;
	[sflag:s0] =	ssyncset.done @!p0 $0x0  }
0x329: {  	[sflag:s0] =	ssyncadd.s32 @!p0 s1  }
0x32a: {  	[bflag:$0x3] =	sbarrier.arrive $0xFFFF  }
0x32b: {  	_ =	shalt  }

</sc_bundles>
